<compile_context>
chip_gen: v7x
topology: tpu7x:2x2x1
jax: 0.10.2.dev20260603
libtpu: 0.0.44.dev20260713+nightly
codegen_flags: <defaults>
</compile_context>

<pallas_src>
import functools

import jax
import jax.numpy as jnp
from jax import lax
from jax.experimental import pallas as pl
from jax.experimental.pallas import tpu as pltpu
from jax.experimental.pallas import tpu_sc as plsc

_NC = 2
_NS = 16
_NW = _NC * _NS
_D = 32
_NROWS = 1000000
_LAST = 999936
_RING = 8


def _gmf_t(user_idx, item_idx, utab_t, itab_t):
    batch = user_idx.shape[0]
    bpw = batch // _NW
    ngrp = bpw // 16
    mesh = plsc.VectorSubcoreMesh(core_axis_name="c", subcore_axis_name="s")

    import dataclasses
    cp = pltpu.CompilerParams()
    if "needs_layout_passes" in pltpu.CompilerParams.__dataclass_fields__:
        cp = dataclasses.replace(cp, needs_layout_passes=False)

    @functools.partial(
        pl.kernel,
        mesh=mesh,
        compiler_params=cp,
        out_type=jax.ShapeDtypeStruct((_D, batch), jnp.float32),
        scratch_types=(
            [pltpu.VMEM((bpw + 16,), jnp.int32),
             pltpu.VMEM((bpw + 16,), jnp.int32)]
            + [pltpu.VMEM((_D, 128), jnp.float32) for _ in range(2 * _RING)]
            + [pltpu.VMEM((_D, 64), jnp.float32),
               pltpu.VMEM((_D, 64), jnp.float32),
               pltpu.VMEM((_D, bpw), jnp.float32)]
            + [pltpu.SemaphoreType.DMA for _ in range(2 * _RING + 1)]
        ),
    )
    def k(uidx_hbm, iidx_hbm, utab_hbm, itab_hbm, out_hbm, uv, iv, *rest):
        bufs_u = rest[0:_RING]
        bufs_i = rest[_RING:2 * _RING]
        tail_u, tail_i, stage = rest[2 * _RING:2 * _RING + 3]
        sems_u = rest[2 * _RING + 3:3 * _RING + 3]
        sems_i = rest[3 * _RING + 3:4 * _RING + 3]
        sem = rest[4 * _RING + 3]

        wid = lax.axis_index("s") * _NC + lax.axis_index("c")
        base = wid * bpw
        cp0 = pltpu.async_copy(uidx_hbm.at[pl.ds(base, bpw)],
                               uv.at[pl.ds(0, bpw)], sem)
        cp1 = pltpu.async_copy(iidx_hbm.at[pl.ds(base, bpw)],
                               iv.at[pl.ds(0, bpw)], sem)
        cp2 = pltpu.async_copy(utab_hbm.at[:, pl.ds(_LAST, 64)], tail_u, sem)
        cp3 = pltpu.async_copy(itab_hbm.at[:, pl.ds(_LAST, 64)], tail_i, sem)
        for c in (cp0, cp1, cp2, cp3):
            c.wait()

        jvec = lax.iota(jnp.int32, 16)

        def fire(u, i, slot):
            tcu = jnp.minimum(u >> 7, 7811) << 7
            tci = jnp.minimum(i >> 7, 7811) << 7
            pltpu.async_copy(
                utab_hbm.at[:, pl.ds(pl.multiple_of(tcu, 128), 128)],
                bufs_u[slot], sems_u[slot])
            pltpu.async_copy(
                itab_hbm.at[:, pl.ds(pl.multiple_of(tci, 128), 128)],
                bufs_i[slot], sems_i[slot])

        def wait_slot(slot):
            pltpu.make_async_copy(utab_hbm.at[:, pl.ds(0, 128)],
                                  bufs_u[slot], sems_u[slot]).wait()
            pltpu.make_async_copy(itab_hbm.at[:, pl.ds(0, 128)],
                                  bufs_i[slot], sems_i[slot]).wait()

        def column(u, buf, tail):
            lane = u & 127
            is_tail = u >= _LAST
            tlane = jnp.where(is_tail, u - _LAST, 0)
            halves = []
            for h in range(2):
                rows = jvec + h * 16
                vmain = plsc.load_gather(buf, [rows, lane + jvec * 0])
                vtail = plsc.load_gather(tail, [rows, tlane + jvec * 0])
                halves.append(jnp.where(is_tail, vtail, vmain))
            return halves

        vec0_u = uv[pl.ds(0, 16)]
        vec0_i = iv[pl.ds(0, 16)]
        for p in range(_RING):
            fire(vec0_u[p], vec0_i[p], p)

        @pl.loop(0, ngrp)
        def _(g):
            cur_u = uv[pl.ds(g * 16, 16)]
            cur_i = iv[pl.ds(g * 16, 16)]
            nxt_u = uv[pl.ds(g * 16 + 16, 16)]
            nxt_i = iv[pl.ds(g * 16 + 16, 16)]
            for kk in range(16):
                b = g * 16 + kk
                slot = kk % _RING
                wait_slot(slot)
                hu = column(cur_u[kk], bufs_u[slot], tail_u)
                hi = column(cur_i[kk], bufs_i[slot], tail_i)
                for h in range(2):
                    plsc.store_scatter(stage, [jvec + h * 16, b + jvec * 0],
                                       hu[h] * hi[h])
                if kk + _RING < 16:
                    un, vn = cur_u[kk + _RING], cur_i[kk + _RING]
                else:
                    un, vn = nxt_u[kk + _RING - 16], nxt_i[kk + _RING - 16]

                @pl.when(jnp.logical_and(b + _RING < bpw, True))
                def _():
                    fire(un, vn, slot)

        pltpu.sync_copy(stage, out_hbm.at[:, pl.ds(base, bpw)])

    return k(user_idx, item_idx, utab_t, itab_t)


def kernel(user_input, item_input, user_table, item_table):
    out_t = _gmf_t(user_input.astype(jnp.int32), item_input.astype(jnp.int32),
                   user_table.T, item_table.T)
    return out_t.T

# --- scband reference (transcript-rebuilt; emitter-appended) ---
"""Pipeline reference for scband-gmf-60773787238821 (READ-ONLY COPY).

The authoritative reference and input builder live on the scoring server;
editing this copy changes nothing except your own understanding.
"""

import jax, jax.numpy as jnp
import numpy as np

NUM_USERS = 1000000
NUM_ITEMS = 1000000
LATENT_DIM = 32
BATCH = 16384

def setup_inputs(seed: int = 0) -> dict:
    key = jax.random.key(seed)
    k1, k2, k3, k4 = jax.random.split(key, 4)
    user_input = jax.random.randint(k1, (BATCH,), 0, NUM_USERS, dtype=jnp.int64 if jax.config.jax_enable_x64 else jnp.int32)
    item_input = jax.random.randint(k2, (BATCH,), 0, NUM_ITEMS, dtype=jnp.int64 if jax.config.jax_enable_x64 else jnp.int32)
    user_table = jax.random.normal(k3, (NUM_USERS, LATENT_DIM), dtype=jnp.float32) * 0.01
    item_table = jax.random.normal(k4, (NUM_ITEMS, LATENT_DIM), dtype=jnp.float32) * 0.01
    return {"user_input": user_input, "item_input": item_input, "user_table": user_table, "item_table": item_table}

def reference(user_input, item_input, user_table, item_table):
    # embedding lookups (gather)
    user_embedding = jnp.take(user_table, user_input, axis=0)  # [B, D]
    item_embedding = jnp.take(item_table, item_input, axis=0)  # [B, D]
    # Flatten is identity for [B, D]
    user_latent = user_embedding.reshape(user_embedding.shape[0], -1)
    item_latent = item_embedding.reshape(item_embedding.shape[0], -1)
    # elementwise multiply (GMF)
    output = user_latent * item_latent
    return output

if __name__ == "__main__":
    import jax
    _d = setup_inputs()
    print(jax.jit(kernel)(*tuple(_d.values())))

</pallas_src>

<mosaic_0001>
#map = affine_map<(d0, d1) -> (0)>
#map1 = affine_map<(d0, d1) -> (0, 0)>
module attributes {stable_mosaic.version = 14 : i64} {
  func.func @k(%arg0: i32, %arg1: i32, %arg2: memref<16384xi32, #tpu.memory_space<hbm>>, %arg3: memref<16384xi32, #tpu.memory_space<hbm>>, %arg4: memref<32x1000000xf32, #tpu.memory_space<hbm>>, %arg5: memref<32x1000000xf32, #tpu.memory_space<hbm>>, %arg6: memref<32x16384xf32, #tpu.memory_space<hbm>>, %arg7: memref<528xi32, #tpu.memory_space<vmem>>, %arg8: memref<528xi32, #tpu.memory_space<vmem>>, %arg9: memref<32x128xf32, #tpu.memory_space<vmem>>, %arg10: memref<32x128xf32, #tpu.memory_space<vmem>>, %arg11: memref<32x128xf32, #tpu.memory_space<vmem>>, %arg12: memref<32x128xf32, #tpu.memory_space<vmem>>, %arg13: memref<32x128xf32, #tpu.memory_space<vmem>>, %arg14: memref<32x128xf32, #tpu.memory_space<vmem>>, %arg15: memref<32x128xf32, #tpu.memory_space<vmem>>, %arg16: memref<32x128xf32, #tpu.memory_space<vmem>>, %arg17: memref<32x128xf32, #tpu.memory_space<vmem>>, %arg18: memref<32x128xf32, #tpu.memory_space<vmem>>, %arg19: memref<32x128xf32, #tpu.memory_space<vmem>>, %arg20: memref<32x128xf32, #tpu.memory_space<vmem>>, %arg21: memref<32x128xf32, #tpu.memory_space<vmem>>, %arg22: memref<32x128xf32, #tpu.memory_space<vmem>>, %arg23: memref<32x128xf32, #tpu.memory_space<vmem>>, %arg24: memref<32x128xf32, #tpu.memory_space<vmem>>, %arg25: memref<32x64xf32, #tpu.memory_space<vmem>>, %arg26: memref<32x64xf32, #tpu.memory_space<vmem>>, %arg27: memref<32x512xf32, #tpu.memory_space<vmem>>, %arg28: memref<!tpu.dma_semaphore, #tpu.memory_space<semaphore_mem>>, %arg29: memref<!tpu.dma_semaphore, #tpu.memory_space<semaphore_mem>>, %arg30: memref<!tpu.dma_semaphore, #tpu.memory_space<semaphore_mem>>, %arg31: memref<!tpu.dma_semaphore, #tpu.memory_space<semaphore_mem>>, %arg32: memref<!tpu.dma_semaphore, #tpu.memory_space<semaphore_mem>>, %arg33: memref<!tpu.dma_semaphore, #tpu.memory_space<semaphore_mem>>, %arg34: memref<!tpu.dma_semaphore, #tpu.memory_space<semaphore_mem>>, %arg35: memref<!tpu.dma_semaphore, #tpu.memory_space<semaphore_mem>>, %arg36: memref<!tpu.dma_semaphore, #tpu.memory_space<semaphore_mem>>, %arg37: memref<!tpu.dma_semaphore, #tpu.memory_space<semaphore_mem>>, %arg38: memref<!tpu.dma_semaphore, #tpu.memory_space<semaphore_mem>>, %arg39: memref<!tpu.dma_semaphore, #tpu.memory_space<semaphore_mem>>, %arg40: memref<!tpu.dma_semaphore, #tpu.memory_space<semaphore_mem>>, %arg41: memref<!tpu.dma_semaphore, #tpu.memory_space<semaphore_mem>>, %arg42: memref<!tpu.dma_semaphore, #tpu.memory_space<semaphore_mem>>, %arg43: memref<!tpu.dma_semaphore, #tpu.memory_space<semaphore_mem>>, %arg44: memref<!tpu.dma_semaphore, #tpu.memory_space<semaphore_mem>>) attributes {dimension_semantics = [#tpu.dimension_semantics<core_parallel>, #tpu.dimension_semantics<subcore_parallel>], iteration_bounds = array<i64: 2, 16>, scalar_prefetch = 0 : i64, scratch_operands = 38 : i64, tpu.core_type = #tpu.core_type<sc_vector_subcore>, window_params = [{transform_indices = #map}, {transform_indices = #map}, {transform_indices = #map1}, {transform_indices = #map1}, {transform_indices = #map1}]} {
    %mul3A = arith.constant 2 : i32
    %mul3A_0 = arith.muli %arg1, %mul3A : i32
    %add3A = arith.addi %mul3A_0, %arg0 : i32
    %mul3A_1 = arith.constant 512 : i32
    %mul3A_2 = arith.muli %add3A, %mul3A_1 : i32
    %dma_start3A = arith.constant 0 : i32
    %dma_start3A_3 = tpu.memref_slice %arg7[%dma_start3A] : memref<528xi32, #tpu.memory_space<vmem>> -> memref<512xi32, #tpu.memory_space<vmem>>
    %dma_start3A_4 = tpu.memref_slice %arg2[%mul3A_2] : memref<16384xi32, #tpu.memory_space<hbm>> -> memref<512xi32, #tpu.memory_space<hbm>>
    %dma_start3A_5 = arith.constant 0 : i32
    %dma_start3A_6 = tpu.memref_slice %arg7[%dma_start3A_5] : memref<528xi32, #tpu.memory_space<vmem>> -> memref<512xi32, #tpu.memory_space<vmem>>
    %dma_start3A_7 = tpu.memref_slice %arg2[%mul3A_2] : memref<16384xi32, #tpu.memory_space<hbm>> -> memref<512xi32, #tpu.memory_space<hbm>>
    tpu.enqueue_dma source(%dma_start3A_7 : memref<512xi32, #tpu.memory_space<hbm>>) target(%dma_start3A_6 : memref<512xi32, #tpu.memory_space<vmem>>) target_semaphore(%arg44 : memref<!tpu.dma_semaphore, #tpu.memory_space<semaphore_mem>>)
    %dma_start3A_8 = arith.constant 0 : i32
    %dma_start3A_9 = tpu.memref_slice %arg8[%dma_start3A_8] : memref<528xi32, #tpu.memory_space<vmem>> -> memref<512xi32, #tpu.memory_space<vmem>>
    %dma_start3A_10 = tpu.memref_slice %arg3[%mul3A_2] : memref<16384xi32, #tpu.memory_space<hbm>> -> memref<512xi32, #tpu.memory_space<hbm>>
    %dma_start3A_11 = arith.constant 0 : i32
    %dma_start3A_12 = tpu.memref_slice %arg8[%dma_start3A_11] : memref<528xi32, #tpu.memory_space<vmem>> -> memref<512xi32, #tpu.memory_space<vmem>>
    %dma_start3A_13 = tpu.memref_slice %arg3[%mul3A_2] : memref<16384xi32, #tpu.memory_space<hbm>> -> memref<512xi32, #tpu.memory_space<hbm>>
    tpu.enqueue_dma source(%dma_start3A_13 : memref<512xi32, #tpu.memory_space<hbm>>) target(%dma_start3A_12 : memref<512xi32, #tpu.memory_space<vmem>>) target_semaphore(%arg44 : memref<!tpu.dma_semaphore, #tpu.memory_space<semaphore_mem>>)
    %dma_start3A_14 = arith.constant 0 : i32
    %dma_start3A_15 = arith.constant 999936 : i32
    %dma_start3A_16 = tpu.memref_slice %arg4[%dma_start3A_14, %dma_start3A_15] : memref<32x1000000xf32, #tpu.memory_space<hbm>> -> memref<32x64xf32, #tpu.memory_space<hbm>>
    %dma_start3A_17 = arith.constant 0 : i32
    %dma_start3A_18 = arith.constant 999936 : i32
    %dma_start3A_19 = tpu.memref_slice %arg4[%dma_start3A_17, %dma_start3A_18] : memref<32x1000000xf32, #tpu.memory_space<hbm>> -> memref<32x64xf32, #tpu.memory_space<hbm>>
    tpu.enqueue_dma source(%dma_start3A_19 : memref<32x64xf32, #tpu.memory_space<hbm>>) target(%arg25 : memref<32x64xf32, #tpu.memory_space<vmem>>) target_semaphore(%arg44 : memref<!tpu.dma_semaphore, #tpu.memory_space<semaphore_mem>>)
    %dma_start3A_20 = arith.constant 0 : i32
    %dma_start3A_21 = arith.constant 999936 : i32
    %dma_start3A_22 = tpu.memref_slice %arg5[%dma_start3A_20, %dma_start3A_21] : memref<32x1000000xf32, #tpu.memory_space<hbm>> -> memref<32x64xf32, #tpu.memory_space<hbm>>
    %dma_start3A_23 = arith.constant 0 : i32
    %dma_start3A_24 = arith.constant 999936 : i32
    %dma_start3A_25 = tpu.memref_slice %arg5[%dma_start3A_23, %dma_start3A_24] : memref<32x1000000xf32, #tpu.memory_space<hbm>> -> memref<32x64xf32, #tpu.memory_space<hbm>>
    tpu.enqueue_dma source(%dma_start3A_25 : memref<32x64xf32, #tpu.memory_space<hbm>>) target(%arg26 : memref<32x64xf32, #tpu.memory_space<vmem>>) target_semaphore(%arg44 : memref<!tpu.dma_semaphore, #tpu.memory_space<semaphore_mem>>)
    %dma_wait3A = arith.constant 0 : i32
    %dma_wait3A_26 = tpu.memref_slice %arg7[%dma_wait3A] : memref<528xi32, #tpu.memory_space<vmem>> -> memref<512xi32, #tpu.memory_space<vmem>>
    %dma_wait3A_27 = tpu.memref_slice %arg2[%mul3A_2] : memref<16384xi32, #tpu.memory_space<hbm>> -> memref<512xi32, #tpu.memory_space<hbm>>
    %dma_wait3A_28 = arith.constant 0 : i32
    %dma_wait3A_29 = tpu.memref_slice %arg7[%dma_wait3A_28] : memref<528xi32, #tpu.memory_space<vmem>> -> memref<512xi32, #tpu.memory_space<vmem>>
    %dma_wait3A_30 = tpu.memref_slice %arg2[%mul3A_2] : memref<16384xi32, #tpu.memory_space<hbm>> -> memref<512xi32, #tpu.memory_space<hbm>>
    tpu.wait_dma2 semaphore(%arg44 : memref<!tpu.dma_semaphore, #tpu.memory_space<semaphore_mem>>) src(%dma_wait3A_30 : memref<512xi32, #tpu.memory_space<hbm>>) dst(%dma_wait3A_29 : memref<512xi32, #tpu.memory_space<vmem>>)
    %dma_wait3A_31 = arith.constant 0 : i32
    %dma_wait3A_32 = tpu.memref_slice %arg8[%dma_wait3A_31] : memref<528xi32, #tpu.memory_space<vmem>> -> memref<512xi32, #tpu.memory_space<vmem>>
    %dma_wait3A_33 = tpu.memref_slice %arg3[%mul3A_2] : memref<16384xi32, #tpu.memory_space<hbm>> -> memref<512xi32, #tpu.memory_space<hbm>>
    %dma_wait3A_34 = arith.constant 0 : i32
    %dma_wait3A_35 = tpu.memref_slice %arg8[%dma_wait3A_34] : memref<528xi32, #tpu.memory_space<vmem>> -> memref<512xi32, #tpu.memory_space<vmem>>
    %dma_wait3A_36 = tpu.memref_slice %arg3[%mul3A_2] : memref<16384xi32, #tpu.memory_space<hbm>> -> memref<512xi32, #tpu.memory_space<hbm>>
    tpu.wait_dma2 semaphore(%arg44 : memref<!tpu.dma_semaphore, #tpu.memory_space<semaphore_mem>>) src(%dma_wait3A_36 : memref<512xi32, #tpu.memory_space<hbm>>) dst(%dma_wait3A_35 : memref<512xi32, #tpu.memory_space<vmem>>)
    %dma_wait3A_37 = arith.constant 0 : i32
    %dma_wait3A_38 = arith.constant 999936 : i32
    %dma_wait3A_39 = tpu.memref_slice %arg4[%dma_wait3A_37, %dma_wait3A_38] : memref<32x1000000xf32, #tpu.memory_space<hbm>> -> memref<32x64xf32, #tpu.memory_space<hbm>>
    %dma_wait3A_40 = arith.constant 0 : i32
    %dma_wait3A_41 = arith.constant 999936 : i32
    %dma_wait3A_42 = tpu.memref_slice %arg4[%dma_wait3A_40, %dma_wait3A_41] : memref<32x1000000xf32, #tpu.memory_space<hbm>> -> memref<32x64xf32, #tpu.memory_space<hbm>>
    tpu.wait_dma2 semaphore(%arg44 : memref<!tpu.dma_semaphore, #tpu.memory_space<semaphore_mem>>) src(%dma_wait3A_42 : memref<32x64xf32, #tpu.memory_space<hbm>>) dst(%arg25 : memref<32x64xf32, #tpu.memory_space<vmem>>)
    %dma_wait3A_43 = arith.constant 0 : i32
    %dma_wait3A_44 = arith.constant 999936 : i32
    %dma_wait3A_45 = tpu.memref_slice %arg5[%dma_wait3A_43, %dma_wait3A_44] : memref<32x1000000xf32, #tpu.memory_space<hbm>> -> memref<32x64xf32, #tpu.memory_space<hbm>>
    %dma_wait3A_46 = arith.constant 0 : i32
    %dma_wait3A_47 = arith.constant 999936 : i32
    %dma_wait3A_48 = tpu.memref_slice %arg5[%dma_wait3A_46, %dma_wait3A_47] : memref<32x1000000xf32, #tpu.memory_space<hbm>> -> memref<32x64xf32, #tpu.memory_space<hbm>>
    tpu.wait_dma2 semaphore(%arg44 : memref<!tpu.dma_semaphore, #tpu.memory_space<semaphore_mem>>) src(%dma_wait3A_48 : memref<32x64xf32, #tpu.memory_space<hbm>>) dst(%arg26 : memref<32x64xf32, #tpu.memory_space<vmem>>)
    %iota3A = tpu.iota {dimensions = array<i32: 0>} : vector<16xi32>
    %get3A = arith.constant 0 : index
    %get3A_49 = tpu.vector_load %arg7[%get3A] {strides = array<i32>} : memref<528xi32, #tpu.memory_space<vmem>>, vector<16xi32>,
    %get3A_50 = arith.constant 0 : index
    %get3A_51 = tpu.vector_load %arg8[%get3A_50] {strides = array<i32>} : memref<528xi32, #tpu.memory_space<vmem>>, vector<16xi32>,
    %slice3A = vector.extract_strided_slice %get3A_49 {offsets = [0], sizes = [1], strides = [1]} : vector<16xi32> to vector<1xi32>
    %squeeze3A = vector.extract %slice3A[0] : i32 from vector<1xi32>
    %slice3A_52 = vector.extract_strided_slice %get3A_51 {offsets = [0], sizes = [1], strides = [1]} : vector<16xi32> to vector<1xi32>
    %squeeze3A_53 = vector.extract %slice3A_52[0] : i32 from vector<1xi32>
    %shift_right_arithmetic3A = arith.constant 7 : i32
    %shift_right_arithmetic3A_54 = arith.shrsi %squeeze3A, %shift_right_arithmetic3A : i32
    %min3A = arith.constant 7811 : i32
    %min3A_55 = arith.minsi %shift_right_arithmetic3A_54, %min3A : i32
    %shift_left3A = arith.constant 7 : i32
    %shift_left3A_56 = arith.shli %min3A_55, %shift_left3A : i32
    %shift_right_arithmetic3A_57 = arith.constant 7 : i32
    %shift_right_arithmetic3A_58 = arith.shrsi %squeeze3A_53, %shift_right_arithmetic3A_57 : i32
    %min3A_59 = arith.constant 7811 : i32
    %min3A_60 = arith.minsi %shift_right_arithmetic3A_58, %min3A_59 : i32
    %shift_left3A_61 = arith.constant 7 : i32
    %shift_left3A_62 = arith.shli %min3A_60, %shift_left3A_61 : i32
    %multiple_of3A = tpu.assume_multiple %shift_left3A_56, 128 : i32
    %dma_start3A_63 = arith.constant 0 : i32
    %dma_start3A_64 = tpu.memref_slice %arg4[%dma_start3A_63, %multiple_of3A] : memref<32x1000000xf32, #tpu.memory_space<hbm>> -> memref<32x128xf32, #tpu.memory_space<hbm>>
    %dma_start3A_65 = arith.constant 0 : i32
    %dma_start3A_66 = tpu.memref_slice %arg4[%dma_start3A_65, %multiple_of3A] : memref<32x1000000xf32, #tpu.memory_space<hbm>> -> memref<32x128xf32, #tpu.memory_space<hbm>>
    tpu.enqueue_dma source(%dma_start3A_66 : memref<32x128xf32, #tpu.memory_space<hbm>>) target(%arg9 : memref<32x128xf32, #tpu.memory_space<vmem>>) target_semaphore(%arg28 : memref<!tpu.dma_semaphore, #tpu.memory_space<semaphore_mem>>)
    %multiple_of3A_67 = tpu.assume_multiple %shift_left3A_62, 128 : i32
    %dma_start3A_68 = arith.constant 0 : i32
    %dma_start3A_69 = tpu.memref_slice %arg5[%dma_start3A_68, %multiple_of3A_67] : memref<32x1000000xf32, #tpu.memory_space<hbm>> -> memref<32x128xf32, #tpu.memory_space<hbm>>
    %dma_start3A_70 = arith.constant 0 : i32
    %dma_start3A_71 = tpu.memref_slice %arg5[%dma_start3A_70, %multiple_of3A_67] : memref<32x1000000xf32, #tpu.memory_space<hbm>> -> memref<32x128xf32, #tpu.memory_space<hbm>>
    tpu.enqueue_dma source(%dma_start3A_71 : memref<32x128xf32, #tpu.memory_space<hbm>>) target(%arg17 : memref<32x128xf32, #tpu.memory_space<vmem>>) target_semaphore(%arg36 : memref<!tpu.dma_semaphore, #tpu.memory_space<semaphore_mem>>)
    %slice3A_72 = vector.extract_strided_slice %get3A_49 {offsets = [1], sizes = [1], strides = [1]} : vector<16xi32> to vector<1xi32>
    %squeeze3A_73 = vector.extract %slice3A_72[0] : i32 from vector<1xi32>
    %slice3A_74 = vector.extract_strided_slice %get3A_51 {offsets = [1], sizes = [1], strides = [1]} : vector<16xi32> to vector<1xi32>
    %squeeze3A_75 = vector.extract %slice3A_74[0] : i32 from vector<1xi32>
    %shift_right_arithmetic3A_76 = arith.constant 7 : i32
    %shift_right_arithmetic3A_77 = arith.shrsi %squeeze3A_73, %shift_right_arithmetic3A_76 : i32
    %min3A_78 = arith.constant 7811 : i32
    %min3A_79 = arith.minsi %shift_right_arithmetic3A_77, %min3A_78 : i32
    %shift_left3A_80 = arith.constant 7 : i32
    %shift_left3A_81 = arith.shli %min3A_79, %shift_left3A_80 : i32
    %shift_right_arithmetic3A_82 = arith.constant 7 : i32
    %shift_right_arithmetic3A_83 = arith.shrsi %squeeze3A_75, %shift_right_arithmetic3A_82 : i32
    %min3A_84 = arith.constant 7811 : i32
    %min3A_85 = arith.minsi %shift_right_arithmetic3A_83, %min3A_84 : i32
    %shift_left3A_86 = arith.constant 7 : i32
    %shift_left3A_87 = arith.shli %min3A_85, %shift_left3A_86 : i32
    %multiple_of3A_88 = tpu.assume_multiple %shift_left3A_81, 128 : i32
    %dma_start3A_89 = arith.constant 0 : i32
    %dma_start3A_90 = tpu.memref_slice %arg4[%dma_start3A_89, %multiple_of3A_88] : memref<32x1000000xf32, #tpu.memory_space<hbm>> -> memref<32x128xf32, #tpu.memory_space<hbm>>
    %dma_start3A_91 = arith.constant 0 : i32
    %dma_start3A_92 = tpu.memref_slice %arg4[%dma_start3A_91, %multiple_of3A_88] : memref<32x1000000xf32, #tpu.memory_space<hbm>> -> memref<32x128xf32, #tpu.memory_space<hbm>>
    tpu.enqueue_dma source(%dma_start3A_92 : memref<32x128xf32, #tpu.memory_space<hbm>>) target(%arg10 : memref<32x128xf32, #tpu.memory_space<vmem>>) target_semaphore(%arg29 : memref<!tpu.dma_semaphore, #tpu.memory_space<semaphore_mem>>)
    %multiple_of3A_93 = tpu.assume_multiple %shift_left3A_87, 128 : i32
    %dma_start3A_94 = arith.constant 0 : i32
    %dma_start3A_95 = tpu.memref_slice %arg5[%dma_start3A_94, %multiple_of3A_93] : memref<32x1000000xf32, #tpu.memory_space<hbm>> -> memref<32x128xf32, #tpu.memory_space<hbm>>
    %dma_start3A_96 = arith.constant 0 : i32
    %dma_start3A_97 = tpu.memref_slice %arg5[%dma_start3A_96, %multiple_of3A_93] : memref<32x1000000xf32, #tpu.memory_space<hbm>> -> memref<32x128xf32, #tpu.memory_space<hbm>>
    tpu.enqueue_dma source(%dma_start3A_97 : memref<32x128xf32, #tpu.memory_space<hbm>>) target(%arg18 : memref<32x128xf32, #tpu.memory_space<vmem>>) target_semaphore(%arg37 : memref<!tpu.dma_semaphore, #tpu.memory_space<semaphore_mem>>)
    %slice3A_98 = vector.extract_strided_slice %get3A_49 {offsets = [2], sizes = [1], strides = [1]} : vector<16xi32> to vector<1xi32>
    %squeeze3A_99 = vector.extract %slice3A_98[0] : i32 from vector<1xi32>
    %slice3A_100 = vector.extract_strided_slice %get3A_51 {offsets = [2], sizes = [1], strides = [1]} : vector<16xi32> to vector<1xi32>
    %squeeze3A_101 = vector.extract %slice3A_100[0] : i32 from vector<1xi32>
    %shift_right_arithmetic3A_102 = arith.constant 7 : i32
    %shift_right_arithmetic3A_103 = arith.shrsi %squeeze3A_99, %shift_right_arithmetic3A_102 : i32
    %min3A_104 = arith.constant 7811 : i32
    %min3A_105 = arith.minsi %shift_right_arithmetic3A_103, %min3A_104 : i32
    %shift_left3A_106 = arith.constant 7 : i32
    %shift_left3A_107 = arith.shli %min3A_105, %shift_left3A_106 : i32
    %shift_right_arithmetic3A_108 = arith.constant 7 : i32
    %shift_right_arithmetic3A_109 = arith.shrsi %squeeze3A_101, %shift_right_arithmetic3A_108 : i32
    %min3A_110 = arith.constant 7811 : i32
    %min3A_111 = arith.minsi %shift_right_arithmetic3A_109, %min3A_110 : i32
    %shift_left3A_112 = arith.constant 7 : i32
    %shift_left3A_113 = arith.shli %min3A_111, %shift_left3A_112 : i32
    %multiple_of3A_114 = tpu.assume_multiple %shift_left3A_107, 128 : i32
    %dma_start3A_115 = arith.constant 0 : i32
    %dma_start3A_116 = tpu.memref_slice %arg4[%dma_start3A_115, %multiple_of3A_114] : memref<32x1000000xf32, #tpu.memory_space<hbm>> -> memref<32x128xf32, #tpu.memory_space<hbm>>
    %dma_start3A_117 = arith.constant 0 : i32
    %dma_start3A_118 = tpu.memref_slice %arg4[%dma_start3A_117, %multiple_of3A_114] : memref<32x1000000xf32, #tpu.memory_space<hbm>> -> memref<32x128xf32, #tpu.memory_space<hbm>>
    tpu.enqueue_dma source(%dma_start3A_118 : memref<32x128xf32, #tpu.memory_space<hbm>>) target(%arg11 : memref<32x128xf32, #tpu.memory_space<vmem>>) target_semaphore(%arg30 : memref<!tpu.dma_semaphore, #tpu.memory_space<semaphore_mem>>)
    %multiple_of3A_119 = tpu.assume_multiple %shift_left3A_113, 128 : i32
    %dma_start3A_120 = arith.constant 0 : i32
    %dma_start3A_121 = tpu.memref_slice %arg5[%dma_start3A_120, %multiple_of3A_119] : memref<32x1000000xf32, #tpu.memory_space<hbm>> -> memref<32x128xf32, #tpu.memory_space<hbm>>
    %dma_start3A_122 = arith.constant 0 : i32
    %dma_start3A_123 = tpu.memref_slice %arg5[%dma_start3A_122, %multiple_of3A_119] : memref<32x1000000xf32, #tpu.memory_space<hbm>> -> memref<32x128xf32, #tpu.memory_space<hbm>>
    tpu.enqueue_dma source(%dma_start3A_123 : memref<32x128xf32, #tpu.memory_space<hbm>>) target(%arg19 : memref<32x128xf32, #tpu.memory_space<vmem>>) target_semaphore(%arg38 : memref<!tpu.dma_semaphore, #tpu.memory_space<semaphore_mem>>)
    %slice3A_124 = vector.extract_strided_slice %get3A_49 {offsets = [3], sizes = [1], strides = [1]} : vector<16xi32> to vector<1xi32>
    %squeeze3A_125 = vector.extract %slice3A_124[0] : i32 from vector<1xi32>
    %slice3A_126 = vector.extract_strided_slice %get3A_51 {offsets = [3], sizes = [1], strides = [1]} : vector<16xi32> to vector<1xi32>
    %squeeze3A_127 = vector.extract %slice3A_126[0] : i32 from vector<1xi32>
    %shift_right_arithmetic3A_128 = arith.constant 7 : i32
    %shift_right_arithmetic3A_129 = arith.shrsi %squeeze3A_125, %shift_right_arithmetic3A_128 : i32
    %min3A_130 = arith.constant 7811 : i32
    %min3A_131 = arith.minsi %shift_right_arithmetic3A_129, %min3A_130 : i32
    %shift_left3A_132 = arith.constant 7 : i32
    %shift_left3A_133 = arith.shli %min3A_131, %shift_left3A_132 : i32
    %shift_right_arithmetic3A_134 = arith.constant 7 : i32
    %shift_right_arithmetic3A_135 = arith.shrsi %squeeze3A_127, %shift_right_arithmetic3A_134 : i32
    %min3A_136 = arith.constant 7811 : i32
    %min3A_137 = arith.minsi %shift_right_arithmetic3A_135, %min3A_136 : i32
    %shift_left3A_138 = arith.constant 7 : i32
    %shift_left3A_139 = arith.shli %min3A_137, %shift_left3A_138 : i32
    %multiple_of3A_140 = tpu.assume_multiple %shift_left3A_133, 128 : i32
    %dma_start3A_141 = arith.constant 0 : i32
    %dma_start3A_142 = tpu.memref_slice %arg4[%dma_start3A_141, %multiple_of3A_140] : memref<32x1000000xf32, #tpu.memory_space<hbm>> -> memref<32x128xf32, #tpu.memory_space<hbm>>
    %dma_start3A_143 = arith.constant 0 : i32
    %dma_start3A_144 = tpu.memref_slice %arg4[%dma_start3A_143, %multiple_of3A_140] : memref<32x1000000xf32, #tpu.memory_space<hbm>> -> memref<32x128xf32, #tpu.memory_space<hbm>>
    tpu.enqueue_dma source(%dma_start3A_144 : memref<32x128xf32, #tpu.memory_space<hbm>>) target(%arg12 : memref<32x128xf32, #tpu.memory_space<vmem>>) target_semaphore(%arg31 : memref<!tpu.dma_semaphore, #tpu.memory_space<semaphore_mem>>)
    %multiple_of3A_145 = tpu.assume_multiple %shift_left3A_139, 128 : i32
    %dma_start3A_146 = arith.constant 0 : i32
    %dma_start3A_147 = tpu.memref_slice %arg5[%dma_start3A_146, %multiple_of3A_145] : memref<32x1000000xf32, #tpu.memory_space<hbm>> -> memref<32x128xf32, #tpu.memory_space<hbm>>
    %dma_start3A_148 = arith.constant 0 : i32
    %dma_start3A_149 = tpu.memref_slice %arg5[%dma_start3A_148, %multiple_of3A_145] : memref<32x1000000xf32, #tpu.memory_space<hbm>> -> memref<32x128xf32, #tpu.memory_space<hbm>>
    tpu.enqueue_dma source(%dma_start3A_149 : memref<32x128xf32, #tpu.memory_space<hbm>>) target(%arg20 : memref<32x128xf32, #tpu.memory_space<vmem>>) target_semaphore(%arg39 : memref<!tpu.dma_semaphore, #tpu.memory_space<semaphore_mem>>)
    %slice3A_150 = vector.extract_strided_slice %get3A_49 {offsets = [4], sizes = [1], strides = [1]} : vector<16xi32> to vector<1xi32>
    %squeeze3A_151 = vector.extract %slice3A_150[0] : i32 from vector<1xi32>
    %slice3A_152 = vector.extract_strided_slice %get3A_51 {offsets = [4], sizes = [1], strides = [1]} : vector<16xi32> to vector<1xi32>
    %squeeze3A_153 = vector.extract %slice3A_152[0] : i32 from vector<1xi32>
    %shift_right_arithmetic3A_154 = arith.constant 7 : i32
    %shift_right_arithmetic3A_155 = arith.shrsi %squeeze3A_151, %shift_right_arithmetic3A_154 : i32
    %min3A_156 = arith.constant 7811 : i32
    %min3A_157 = arith.minsi %shift_right_arithmetic3A_155, %min3A_156 : i32
    %shift_left3A_158 = arith.constant 7 : i32
    %shift_left3A_159 = arith.shli %min3A_157, %shift_left3A_158 : i32
    %shift_right_arithmetic3A_160 = arith.constant 7 : i32
    %shift_right_arithmetic3A_161 = arith.shrsi %squeeze3A_153, %shift_right_arithmetic3A_160 : i32
    %min3A_162 = arith.constant 7811 : i32
    %min3A_163 = arith.minsi %shift_right_arithmetic3A_161, %min3A_162 : i32
    %shift_left3A_164 = arith.constant 7 : i32
    %shift_left3A_165 = arith.shli %min3A_163, %shift_left3A_164 : i32
    %multiple_of3A_166 = tpu.assume_multiple %shift_left3A_159, 128 : i32
    %dma_start3A_167 = arith.constant 0 : i32
    %dma_start3A_168 = tpu.memref_slice %arg4[%dma_start3A_167, %multiple_of3A_166] : memref<32x1000000xf32, #tpu.memory_space<hbm>> -> memref<32x128xf32, #tpu.memory_space<hbm>>
    %dma_start3A_169 = arith.constant 0 : i32
    %dma_start3A_170 = tpu.memref_slice %arg4[%dma_start3A_169, %multiple_of3A_166] : memref<32x1000000xf32, #tpu.memory_space<hbm>> -> memref<32x128xf32, #tpu.memory_space<hbm>>
    tpu.enqueue_dma source(%dma_start3A_170 : memref<32x128xf32, #tpu.memory_space<hbm>>) target(%arg13 : memref<32x128xf32, #tpu.memory_space<vmem>>) target_semaphore(%arg32 : memref<!tpu.dma_semaphore, #tpu.memory_space<semaphore_mem>>)
    %multiple_of3A_171 = tpu.assume_multiple %shift_left3A_165, 128 : i32
    %dma_start3A_172 = arith.constant 0 : i32
    %dma_start3A_173 = tpu.memref_slice %arg5[%dma_start3A_172, %multiple_of3A_171] : memref<32x1000000xf32, #tpu.memory_space<hbm>> -> memref<32x128xf32, #tpu.memory_space<hbm>>
    %dma_start3A_174 = arith.constant 0 : i32
    %dma_start3A_175 = tpu.memref_slice %arg5[%dma_start3A_174, %multiple_of3A_171] : memref<32x1000000xf32, #tpu.memory_space<hbm>> -> memref<32x128xf32, #tpu.memory_space<hbm>>
    tpu.enqueue_dma source(%dma_start3A_175 : memref<32x128xf32, #tpu.memory_space<hbm>>) target(%arg21 : memref<32x128xf32, #tpu.memory_space<vmem>>) target_semaphore(%arg40 : memref<!tpu.dma_semaphore, #tpu.memory_space<semaphore_mem>>)
    %slice3A_176 = vector.extract_strided_slice %get3A_49 {offsets = [5], sizes = [1], strides = [1]} : vector<16xi32> to vector<1xi32>
    %squeeze3A_177 = vector.extract %slice3A_176[0] : i32 from vector<1xi32>
    %slice3A_178 = vector.extract_strided_slice %get3A_51 {offsets = [5], sizes = [1], strides = [1]} : vector<16xi32> to vector<1xi32>
    %squeeze3A_179 = vector.extract %slice3A_178[0] : i32 from vector<1xi32>
    %shift_right_arithmetic3A_180 = arith.constant 7 : i32
    %shift_right_arithmetic3A_181 = arith.shrsi %squeeze3A_177, %shift_right_arithmetic3A_180 : i32
    %min3A_182 = arith.constant 7811 : i32
    %min3A_183 = arith.minsi %shift_right_arithmetic3A_181, %min3A_182 : i32
    %shift_left3A_184 = arith.constant 7 : i32
    %shift_left3A_185 = arith.shli %min3A_183, %shift_left3A_184 : i32
    %shift_right_arithmetic3A_186 = arith.constant 7 : i32
    %shift_right_arithmetic3A_187 = arith.shrsi %squeeze3A_179, %shift_right_arithmetic3A_186 : i32
    %min3A_188 = arith.constant 7811 : i32
    %min3A_189 = arith.minsi %shift_right_arithmetic3A_187, %min3A_188 : i32
    %shift_left3A_190 = arith.constant 7 : i32
    %shift_left3A_191 = arith.shli %min3A_189, %shift_left3A_190 : i32
    %multiple_of3A_192 = tpu.assume_multiple %shift_left3A_185, 128 : i32
    %dma_start3A_193 = arith.constant 0 : i32
    %dma_start3A_194 = tpu.memref_slice %arg4[%dma_start3A_193, %multiple_of3A_192] : memref<32x1000000xf32, #tpu.memory_space<hbm>> -> memref<32x128xf32, #tpu.memory_space<hbm>>
    %dma_start3A_195 = arith.constant 0 : i32
    %dma_start3A_196 = tpu.memref_slice %arg4[%dma_start3A_195, %multiple_of3A_192] : memref<32x1000000xf32, #tpu.memory_space<hbm>> -> memref<32x128xf32, #tpu.memory_space<hbm>>
    tpu.enqueue_dma source(%dma_start3A_196 : memref<32x128xf32, #tpu.memory_space<hbm>>) target(%arg14 : memref<32x128xf32, #tpu.memory_space<vmem>>) target_semaphore(%arg33 : memref<!tpu.dma_semaphore, #tpu.memory_space<semaphore_mem>>)
    %multiple_of3A_197 = tpu.assume_multiple %shift_left3A_191, 128 : i32
    %dma_start3A_198 = arith.constant 0 : i32
    %dma_start3A_199 = tpu.memref_slice %arg5[%dma_start3A_198, %multiple_of3A_197] : memref<32x1000000xf32, #tpu.memory_space<hbm>> -> memref<32x128xf32, #tpu.memory_space<hbm>>
    %dma_start3A_200 = arith.constant 0 : i32
    %dma_start3A_201 = tpu.memref_slice %arg5[%dma_start3A_200, %multiple_of3A_197] : memref<32x1000000xf32, #tpu.memory_space<hbm>> -> memref<32x128xf32, #tpu.memory_space<hbm>>
    tpu.enqueue_dma source(%dma_start3A_201 : memref<32x128xf32, #tpu.memory_space<hbm>>) target(%arg22 : memref<32x128xf32, #tpu.memory_space<vmem>>) target_semaphore(%arg41 : memref<!tpu.dma_semaphore, #tpu.memory_space<semaphore_mem>>)
    %slice3A_202 = vector.extract_strided_slice %get3A_49 {offsets = [6], sizes = [1], strides = [1]} : vector<16xi32> to vector<1xi32>
    %squeeze3A_203 = vector.extract %slice3A_202[0] : i32 from vector<1xi32>
    %slice3A_204 = vector.extract_strided_slice %get3A_51 {offsets = [6], sizes = [1], strides = [1]} : vector<16xi32> to vector<1xi32>
    %squeeze3A_205 = vector.extract %slice3A_204[0] : i32 from vector<1xi32>
    %shift_right_arithmetic3A_206 = arith.constant 7 : i32
    %shift_right_arithmetic3A_207 = arith.shrsi %squeeze3A_203, %shift_right_arithmetic3A_206 : i32
    %min3A_208 = arith.constant 7811 : i32
    %min3A_209 = arith.minsi %shift_right_arithmetic3A_207, %min3A_208 : i32
    %shift_left3A_210 = arith.constant 7 : i32
    %shift_left3A_211 = arith.shli %min3A_209, %shift_left3A_210 : i32
    %shift_right_arithmetic3A_212 = arith.constant 7 : i32
    %shift_right_arithmetic3A_213 = arith.shrsi %squeeze3A_205, %shift_right_arithmetic3A_212 : i32
    %min3A_214 = arith.constant 7811 : i32
    %min3A_215 = arith.minsi %shift_right_arithmetic3A_213, %min3A_214 : i32
    %shift_left3A_216 = arith.constant 7 : i32
    %shift_left3A_217 = arith.shli %min3A_215, %shift_left3A_216 : i32
    %multiple_of3A_218 = tpu.assume_multiple %shift_left3A_211, 128 : i32
    %dma_start3A_219 = arith.constant 0 : i32
    %dma_start3A_220 = tpu.memref_slice %arg4[%dma_start3A_219, %multiple_of3A_218] : memref<32x1000000xf32, #tpu.memory_space<hbm>> -> memref<32x128xf32, #tpu.memory_space<hbm>>
    %dma_start3A_221 = arith.constant 0 : i32
    %dma_start3A_222 = tpu.memref_slice %arg4[%dma_start3A_221, %multiple_of3A_218] : memref<32x1000000xf32, #tpu.memory_space<hbm>> -> memref<32x128xf32, #tpu.memory_space<hbm>>
    tpu.enqueue_dma source(%dma_start3A_222 : memref<32x128xf32, #tpu.memory_space<hbm>>) target(%arg15 : memref<32x128xf32, #tpu.memory_space<vmem>>) target_semaphore(%arg34 : memref<!tpu.dma_semaphore, #tpu.memory_space<semaphore_mem>>)
    %multiple_of3A_223 = tpu.assume_multiple %shift_left3A_217, 128 : i32
    %dma_start3A_224 = arith.constant 0 : i32
    %dma_start3A_225 = tpu.memref_slice %arg5[%dma_start3A_224, %multiple_of3A_223] : memref<32x1000000xf32, #tpu.memory_space<hbm>> -> memref<32x128xf32, #tpu.memory_space<hbm>>
    %dma_start3A_226 = arith.constant 0 : i32
    %dma_start3A_227 = tpu.memref_slice %arg5[%dma_start3A_226, %multiple_of3A_223] : memref<32x1000000xf32, #tpu.memory_space<hbm>> -> memref<32x128xf32, #tpu.memory_space<hbm>>
    tpu.enqueue_dma source(%dma_start3A_227 : memref<32x128xf32, #tpu.memory_space<hbm>>) target(%arg23 : memref<32x128xf32, #tpu.memory_space<vmem>>) target_semaphore(%arg42 : memref<!tpu.dma_semaphore, #tpu.memory_space<semaphore_mem>>)
    %slice3A_228 = vector.extract_strided_slice %get3A_49 {offsets = [7], sizes = [1], strides = [1]} : vector<16xi32> to vector<1xi32>
    %squeeze3A_229 = vector.extract %slice3A_228[0] : i32 from vector<1xi32>
    %slice3A_230 = vector.extract_strided_slice %get3A_51 {offsets = [7], sizes = [1], strides = [1]} : vector<16xi32> to vector<1xi32>
    %squeeze3A_231 = vector.extract %slice3A_230[0] : i32 from vector<1xi32>
    %shift_right_arithmetic3A_232 = arith.constant 7 : i32
    %shift_right_arithmetic3A_233 = arith.shrsi %squeeze3A_229, %shift_right_arithmetic3A_232 : i32
    %min3A_234 = arith.constant 7811 : i32
    %min3A_235 = arith.minsi %shift_right_arithmetic3A_233, %min3A_234 : i32
    %shift_left3A_236 = arith.constant 7 : i32
    %shift_left3A_237 = arith.shli %min3A_235, %shift_left3A_236 : i32
    %shift_right_arithmetic3A_238 = arith.constant 7 : i32
    %shift_right_arithmetic3A_239 = arith.shrsi %squeeze3A_231, %shift_right_arithmetic3A_238 : i32
    %min3A_240 = arith.constant 7811 : i32
    %min3A_241 = arith.minsi %shift_right_arithmetic3A_239, %min3A_240 : i32
    %shift_left3A_242 = arith.constant 7 : i32
    %shift_left3A_243 = arith.shli %min3A_241, %shift_left3A_242 : i32
    %multiple_of3A_244 = tpu.assume_multiple %shift_left3A_237, 128 : i32
    %dma_start3A_245 = arith.constant 0 : i32
    %dma_start3A_246 = tpu.memref_slice %arg4[%dma_start3A_245, %multiple_of3A_244] : memref<32x1000000xf32, #tpu.memory_space<hbm>> -> memref<32x128xf32, #tpu.memory_space<hbm>>
    %dma_start3A_247 = arith.constant 0 : i32
    %dma_start3A_248 = tpu.memref_slice %arg4[%dma_start3A_247, %multiple_of3A_244] : memref<32x1000000xf32, #tpu.memory_space<hbm>> -> memref<32x128xf32, #tpu.memory_space<hbm>>
    tpu.enqueue_dma source(%dma_start3A_248 : memref<32x128xf32, #tpu.memory_space<hbm>>) target(%arg16 : memref<32x128xf32, #tpu.memory_space<vmem>>) target_semaphore(%arg35 : memref<!tpu.dma_semaphore, #tpu.memory_space<semaphore_mem>>)
    %multiple_of3A_249 = tpu.assume_multiple %shift_left3A_243, 128 : i32
    %dma_start3A_250 = arith.constant 0 : i32
    %dma_start3A_251 = tpu.memref_slice %arg5[%dma_start3A_250, %multiple_of3A_249] : memref<32x1000000xf32, #tpu.memory_space<hbm>> -> memref<32x128xf32, #tpu.memory_space<hbm>>
    %dma_start3A_252 = arith.constant 0 : i32
    %dma_start3A_253 = tpu.memref_slice %arg5[%dma_start3A_252, %multiple_of3A_249] : memref<32x1000000xf32, #tpu.memory_space<hbm>> -> memref<32x128xf32, #tpu.memory_space<hbm>>
    tpu.enqueue_dma source(%dma_start3A_253 : memref<32x128xf32, #tpu.memory_space<hbm>>) target(%arg24 : memref<32x128xf32, #tpu.memory_space<vmem>>) target_semaphore(%arg43 : memref<!tpu.dma_semaphore, #tpu.memory_space<semaphore_mem>>)
    %scan3A = arith.constant 0 : i32
    %scan3A_254 = arith.constant 32 : i32
    %scan3A_255 = arith.addi %scan3A, %scan3A_254 : i32
    %scan3A_256 = arith.constant 1 : i32
    scf.for %scan3A_258 = %scan3A to %scan3A_255 step %scan3A_256  : i32 {
      %mul3A_259 = arith.constant 1 : i32
      %mul3A_260 = arith.muli %scan3A_258, %mul3A_259 : i32
      %add3A_261 = arith.constant 0 : i32
      %add3A_262 = arith.addi %add3A_261, %mul3A_260 : i32
      %mul3A_263 = arith.constant 16 : i32
      %mul3A_264 = arith.muli %add3A_262, %mul3A_263 : i32
      %get3A_265 = arith.index_cast %mul3A_264 : i32 to index
      %get3A_266 = tpu.vector_load %arg7[%get3A_265] {strides = array<i32>} : memref<528xi32, #tpu.memory_space<vmem>>, vector<16xi32>,
      %mul3A_267 = arith.constant 16 : i32
      %mul3A_268 = arith.muli %add3A_262, %mul3A_267 : i32
      %get3A_269 = arith.index_cast %mul3A_268 : i32 to index
      %get3A_270 = tpu.vector_load %arg8[%get3A_269] {strides = array<i32>} : memref<528xi32, #tpu.memory_space<vmem>>, vector<16xi32>,
      %mul3A_271 = arith.constant 16 : i32
      %mul3A_272 = arith.muli %add3A_262, %mul3A_271 : i32
      %add3A_273 = arith.constant 16 : i32
      %add3A_274 = arith.addi %mul3A_272, %add3A_273 : i32
      %get3A_275 = arith.index_cast %add3A_274 : i32 to index
      %get3A_276 = tpu.vector_load %arg7[%get3A_275] {strides = array<i32>} : memref<528xi32, #tpu.memory_space<vmem>>, vector<16xi32>,
      %mul3A_277 = arith.constant 16 : i32
      %mul3A_278 = arith.muli %add3A_262, %mul3A_277 : i32
      %add3A_279 = arith.constant 16 : i32
      %add3A_280 = arith.addi %mul3A_278, %add3A_279 : i32
      %get3A_281 = arith.index_cast %add3A_280 : i32 to index
      %get3A_282 = tpu.vector_load %arg8[%get3A_281] {strides = array<i32>} : memref<528xi32, #tpu.memory_space<vmem>>, vector<16xi32>,
      %mul3A_283 = arith.constant 16 : i32
      %mul3A_284 = arith.muli %add3A_262, %mul3A_283 : i32
      %add3A_285 = arith.constant 0 : i32
      %add3A_286 = arith.addi %mul3A_284, %add3A_285 : i32
      %dma_wait3A_287 = arith.constant 0 : i32
      %dma_wait3A_288 = arith.constant 0 : i32
      %dma_wait3A_289 = tpu.memref_slice %arg4[%dma_wait3A_287, %dma_wait3A_288] : memref<32x1000000xf32, #tpu.memory_space<hbm>> -> memref<32x128xf32, #tpu.memory_space<hbm>>
      %dma_wait3A_290 = arith.constant 0 : i32
      %dma_wait3A_291 = arith.constant 0 : i32
      %dma_wait3A_292 = tpu.memref_slice %arg4[%dma_wait3A_290, %dma_wait3A_291] : memref<32x1000000xf32, #tpu.memory_space<hbm>> -> memref<32x128xf32, #tpu.memory_space<hbm>>
      tpu.wait_dma2 semaphore(%arg28 : memref<!tpu.dma_semaphore, #tpu.memory_space<semaphore_mem>>) src(%dma_wait3A_292 : memref<32x128xf32, #tpu.memory_space<hbm>>) dst(%arg9 : memref<32x128xf32, #tpu.memory_space<vmem>>)
      %dma_wait3A_293 = arith.constant 0 : i32
      %dma_wait3A_294 = arith.constant 0 : i32
      %dma_wait3A_295 = tpu.memref_slice %arg5[%dma_wait3A_293, %dma_wait3A_294] : memref<32x1000000xf32, #tpu.memory_space<hbm>> -> memref<32x128xf32, #tpu.memory_space<hbm>>
      %dma_wait3A_296 = arith.constant 0 : i32
      %dma_wait3A_297 = arith.constant 0 : i32
      %dma_wait3A_298 = tpu.memref_slice %arg5[%dma_wait3A_296, %dma_wait3A_297] : memref<32x1000000xf32, #tpu.memory_space<hbm>> -> memref<32x128xf32, #tpu.memory_space<hbm>>
      tpu.wait_dma2 semaphore(%arg36 : memref<!tpu.dma_semaphore, #tpu.memory_space<semaphore_mem>>) src(%dma_wait3A_298 : memref<32x128xf32, #tpu.memory_space<hbm>>) dst(%arg17 : memref<32x128xf32, #tpu.memory_space<vmem>>)
      %slice3A_299 = vector.extract_strided_slice %get3A_266 {offsets = [0], sizes = [1], strides = [1]} : vector<16xi32> to vector<1xi32>
      %squeeze3A_300 = vector.extract %slice3A_299[0] : i32 from vector<1xi32>
      %and3A = arith.constant 127 : i32
      %and3A_301 = arith.andi %squeeze3A_300, %and3A : i32
      %ge3A = arith.constant 999936 : i32
      %ge3A_302 = arith.cmpi sge, %squeeze3A_300, %ge3A : i32
      %sub3A = arith.constant 999936 : i32
      %sub3A_303 = arith.subi %squeeze3A_300, %sub3A : i32
      %jit3A = arith.constant 0 : i32
      %select_n3A = arith.select %ge3A_302, %sub3A_303, %jit3A : i32
      %add3A_304 = arith.constant 0 : i32
      %add3A_305 = vector.broadcast %add3A_304 : i32 to vector<16xi32>
      %add3A_306 = arith.addi %iota3A, %add3A_305 : vector<16xi32>
      %mul3A_307 = arith.constant 0 : i32
      %mul3A_308 = vector.broadcast %mul3A_307 : i32 to vector<16xi32>
      %mul3A_309 = arith.muli %iota3A, %mul3A_308 : vector<16xi32>
      %add3A_310 = vector.broadcast %and3A_301 : i32 to vector<16xi32>
      %add3A_311 = arith.addi %add3A_310, %mul3A_309 : vector<16xi32>
      %gather3A = tpu.vector_load_idx %arg9[%add3A_306, %add3A_311] : memref<32x128xf32, #tpu.memory_space<vmem>>[vector<16xi32>, vector<16xi32>], vector<16xf32>,
      %mul3A_312 = arith.constant 0 : i32
      %mul3A_313 = vector.broadcast %mul3A_312 : i32 to vector<16xi32>
      %mul3A_314 = arith.muli %iota3A, %mul3A_313 : vector<16xi32>
      %add3A_315 = vector.broadcast %select_n3A : i32 to vector<16xi32>
      %add3A_316 = arith.addi %add3A_315, %mul3A_314 : vector<16xi32>
      %gather3A_317 = tpu.vector_load_idx %arg25[%add3A_306, %add3A_316] : memref<32x64xf32, #tpu.memory_space<vmem>>[vector<16xi32>, vector<16xi32>], vector<16xf32>,
      %select_n3A_318 = arith.select %ge3A_302, %gather3A_317, %gather3A : vector<16xf32>
      %add3A_319 = arith.constant 16 : i32
      %add3A_320 = vector.broadcast %add3A_319 : i32 to vector<16xi32>
      %add3A_321 = arith.addi %iota3A, %add3A_320 : vector<16xi32>
      %mul3A_322 = arith.constant 0 : i32
      %mul3A_323 = vector.broadcast %mul3A_322 : i32 to vector<16xi32>
      %mul3A_324 = arith.muli %iota3A, %mul3A_323 : vector<16xi32>
      %add3A_325 = vector.broadcast %and3A_301 : i32 to vector<16xi32>
      %add3A_326 = arith.addi %add3A_325, %mul3A_324 : vector<16xi32>
      %gather3A_327 = tpu.vector_load_idx %arg9[%add3A_321, %add3A_326] : memref<32x128xf32, #tpu.memory_space<vmem>>[vector<16xi32>, vector<16xi32>], vector<16xf32>,
      %mul3A_328 = arith.constant 0 : i32
      %mul3A_329 = vector.broadcast %mul3A_328 : i32 to vector<16xi32>
      %mul3A_330 = arith.muli %iota3A, %mul3A_329 : vector<16xi32>
      %add3A_331 = vector.broadcast %select_n3A : i32 to vector<16xi32>
      %add3A_332 = arith.addi %add3A_331, %mul3A_330 : vector<16xi32>
      %gather3A_333 = tpu.vector_load_idx %arg25[%add3A_321, %add3A_332] : memref<32x64xf32, #tpu.memory_space<vmem>>[vector<16xi32>, vector<16xi32>], vector<16xf32>,
      %select_n3A_334 = arith.select %ge3A_302, %gather3A_333, %gather3A_327 : vector<16xf32>
      %slice3A_335 = vector.extract_strided_slice %get3A_270 {offsets = [0], sizes = [1], strides = [1]} : vector<16xi32> to vector<1xi32>
      %squeeze3A_336 = vector.extract %slice3A_335[0] : i32 from vector<1xi32>
      %and3A_337 = arith.constant 127 : i32
      %and3A_338 = arith.andi %squeeze3A_336, %and3A_337 : i32
      %ge3A_339 = arith.constant 999936 : i32
      %ge3A_340 = arith.cmpi sge, %squeeze3A_336, %ge3A_339 : i32
      %sub3A_341 = arith.constant 999936 : i32
      %sub3A_342 = arith.subi %squeeze3A_336, %sub3A_341 : i32
      %jit3A_343 = arith.constant 0 : i32
      %select_n3A_344 = arith.select %ge3A_340, %sub3A_342, %jit3A_343 : i32
      %add3A_345 = arith.constant 0 : i32
      %add3A_346 = vector.broadcast %add3A_345 : i32 to vector<16xi32>
      %add3A_347 = arith.addi %iota3A, %add3A_346 : vector<16xi32>
      %mul3A_348 = arith.constant 0 : i32
      %mul3A_349 = vector.broadcast %mul3A_348 : i32 to vector<16xi32>
      %mul3A_350 = arith.muli %iota3A, %mul3A_349 : vector<16xi32>
      %add3A_351 = vector.broadcast %and3A_338 : i32 to vector<16xi32>
      %add3A_352 = arith.addi %add3A_351, %mul3A_350 : vector<16xi32>
      %gather3A_353 = tpu.vector_load_idx %arg17[%add3A_347, %add3A_352] : memref<32x128xf32, #tpu.memory_space<vmem>>[vector<16xi32>, vector<16xi32>], vector<16xf32>,
      %mul3A_354 = arith.constant 0 : i32
      %mul3A_355 = vector.broadcast %mul3A_354 : i32 to vector<16xi32>
      %mul3A_356 = arith.muli %iota3A, %mul3A_355 : vector<16xi32>
      %add3A_357 = vector.broadcast %select_n3A_344 : i32 to vector<16xi32>
      %add3A_358 = arith.addi %add3A_357, %mul3A_356 : vector<16xi32>
      %gather3A_359 = tpu.vector_load_idx %arg26[%add3A_347, %add3A_358] : memref<32x64xf32, #tpu.memory_space<vmem>>[vector<16xi32>, vector<16xi32>], vector<16xf32>,
      %select_n3A_360 = arith.select %ge3A_340, %gather3A_359, %gather3A_353 : vector<16xf32>
      %add3A_361 = arith.constant 16 : i32
      %add3A_362 = vector.broadcast %add3A_361 : i32 to vector<16xi32>
      %add3A_363 = arith.addi %iota3A, %add3A_362 : vector<16xi32>
      %mul3A_364 = arith.constant 0 : i32
      %mul3A_365 = vector.broadcast %mul3A_364 : i32 to vector<16xi32>
      %mul3A_366 = arith.muli %iota3A, %mul3A_365 : vector<16xi32>
      %add3A_367 = vector.broadcast %and3A_338 : i32 to vector<16xi32>
      %add3A_368 = arith.addi %add3A_367, %mul3A_366 : vector<16xi32>
      %gather3A_369 = tpu.vector_load_idx %arg17[%add3A_363, %add3A_368] : memref<32x128xf32, #tpu.memory_space<vmem>>[vector<16xi32>, vector<16xi32>], vector<16xf32>,
      %mul3A_370 = arith.constant 0 : i32
      %mul3A_371 = vector.broadcast %mul3A_370 : i32 to vector<16xi32>
      %mul3A_372 = arith.muli %iota3A, %mul3A_371 : vector<16xi32>
      %add3A_373 = vector.broadcast %select_n3A_344 : i32 to vector<16xi32>
      %add3A_374 = arith.addi %add3A_373, %mul3A_372 : vector<16xi32>
      %gather3A_375 = tpu.vector_load_idx %arg26[%add3A_363, %add3A_374] : memref<32x64xf32, #tpu.memory_space<vmem>>[vector<16xi32>, vector<16xi32>], vector<16xf32>,
      %select_n3A_376 = arith.select %ge3A_340, %gather3A_375, %gather3A_369 : vector<16xf32>
      %add3A_377 = arith.constant 0 : i32
      %add3A_378 = vector.broadcast %add3A_377 : i32 to vector<16xi32>
      %add3A_379 = arith.addi %iota3A, %add3A_378 : vector<16xi32>
      %mul3A_380 = arith.constant 0 : i32
      %mul3A_381 = vector.broadcast %mul3A_380 : i32 to vector<16xi32>
      %mul3A_382 = arith.muli %iota3A, %mul3A_381 : vector<16xi32>
      %add3A_383 = vector.broadcast %add3A_286 : i32 to vector<16xi32>
      %add3A_384 = arith.addi %add3A_383, %mul3A_382 : vector<16xi32>
      %mul3A_385 = arith.mulf %select_n3A_318, %select_n3A_360 : vector<16xf32>
      tpu.vector_store_idx %arg27[%add3A_379, %add3A_384], %mul3A_385 : memref<32x512xf32, #tpu.memory_space<vmem>>[vector<16xi32>, vector<16xi32>], vector<16xf32>,
      %add3A_386 = arith.constant 16 : i32
      %add3A_387 = vector.broadcast %add3A_386 : i32 to vector<16xi32>
      %add3A_388 = arith.addi %iota3A, %add3A_387 : vector<16xi32>
      %mul3A_389 = arith.constant 0 : i32
      %mul3A_390 = vector.broadcast %mul3A_389 : i32 to vector<16xi32>
      %mul3A_391 = arith.muli %iota3A, %mul3A_390 : vector<16xi32>
      %add3A_392 = vector.broadcast %add3A_286 : i32 to vector<16xi32>
      %add3A_393 = arith.addi %add3A_392, %mul3A_391 : vector<16xi32>
      %mul3A_394 = arith.mulf %select_n3A_334, %select_n3A_376 : vector<16xf32>
      tpu.vector_store_idx %arg27[%add3A_388, %add3A_393], %mul3A_394 : memref<32x512xf32, #tpu.memory_space<vmem>>[vector<16xi32>, vector<16xi32>], vector<16xf32>,
      %slice3A_395 = vector.extract_strided_slice %get3A_266 {offsets = [8], sizes = [1], strides = [1]} : vector<16xi32> to vector<1xi32>
      %squeeze3A_396 = vector.extract %slice3A_395[0] : i32 from vector<1xi32>
      %slice3A_397 = vector.extract_strided_slice %get3A_270 {offsets = [8], sizes = [1], strides = [1]} : vector<16xi32> to vector<1xi32>
      %squeeze3A_398 = vector.extract %slice3A_397[0] : i32 from vector<1xi32>
      %add3A_399 = arith.constant 8 : i32
      %add3A_400 = arith.addi %add3A_286, %add3A_399 : i32
      %lt3A = arith.constant 512 : i32
      %lt3A_401 = arith.cmpi slt, %add3A_400, %lt3A : i32
      %and3A_402 = arith.constant true
      %and3A_403 = arith.andi %lt3A_401, %and3A_402 : i1
      %convert_element_type3A = arith.extui %and3A_403 : i1 to i32
      %cond3A = arith.constant 0 : i32
      %cond3A_404 = arith.cmpi ne, %convert_element_type3A, %cond3A : i32
      scf.if %cond3A_404 {
        %shift_right_arithmetic3A_2370 = arith.constant 7 : i32
        %shift_right_arithmetic3A_2371 = arith.shrsi %squeeze3A_396, %shift_right_arithmetic3A_2370 : i32
        %min3A_2372 = arith.constant 7811 : i32
        %min3A_2373 = arith.minsi %shift_right_arithmetic3A_2371, %min3A_2372 : i32
        %shift_left3A_2374 = arith.constant 7 : i32
        %shift_left3A_2375 = arith.shli %min3A_2373, %shift_left3A_2374 : i32
        %shift_right_arithmetic3A_2376 = arith.constant 7 : i32
        %shift_right_arithmetic3A_2377 = arith.shrsi %squeeze3A_398, %shift_right_arithmetic3A_2376 : i32
        %min3A_2378 = arith.constant 7811 : i32
        %min3A_2379 = arith.minsi %shift_right_arithmetic3A_2377, %min3A_2378 : i32
        %shift_left3A_2380 = arith.constant 7 : i32
        %shift_left3A_2381 = arith.shli %min3A_2379, %shift_left3A_2380 : i32
        %multiple_of3A_2382 = tpu.assume_multiple %shift_left3A_2375, 128 : i32
        %dma_start3A_2383 = arith.constant 0 : i32
        %dma_start3A_2384 = tpu.memref_slice %arg4[%dma_start3A_2383, %multiple_of3A_2382] : memref<32x1000000xf32, #tpu.memory_space<hbm>> -> memref<32x128xf32, #tpu.memory_space<hbm>>
        %dma_start3A_2385 = arith.constant 0 : i32
        %dma_start3A_2386 = tpu.memref_slice %arg4[%dma_start3A_2385, %multiple_of3A_2382] : memref<32x1000000xf32, #tpu.memory_space<hbm>> -> memref<32x128xf32, #tpu.memory_space<hbm>>
        tpu.enqueue_dma source(%dma_start3A_2386 : memref<32x128xf32, #tpu.memory_space<hbm>>) target(%arg9 : memref<32x128xf32, #tpu.memory_space<vmem>>) target_semaphore(%arg28 : memref<!tpu.dma_semaphore, #tpu.memory_space<semaphore_mem>>)
        %multiple_of3A_2387 = tpu.assume_multiple %shift_left3A_2381, 128 : i32
        %dma_start3A_2388 = arith.constant 0 : i32
        %dma_start3A_2389 = tpu.memref_slice %arg5[%dma_start3A_2388, %multiple_of3A_2387] : memref<32x1000000xf32, #tpu.memory_space<hbm>> -> memref<32x128xf32, #tpu.memory_space<hbm>>
        %dma_start3A_2390 = arith.constant 0 : i32
        %dma_start3A_2391 = tpu.memref_slice %arg5[%dma_start3A_2390, %multiple_of3A_2387] : memref<32x1000000xf32, #tpu.memory_space<hbm>> -> memref<32x128xf32, #tpu.memory_space<hbm>>
        tpu.enqueue_dma source(%dma_start3A_2391 : memref<32x128xf32, #tpu.memory_space<hbm>>) target(%arg17 : memref<32x128xf32, #tpu.memory_space<vmem>>) target_semaphore(%arg36 : memref<!tpu.dma_semaphore, #tpu.memory_space<semaphore_mem>>)
      } else {
      }
      %mul3A_405 = arith.constant 16 : i32
      %mul3A_406 = arith.muli %add3A_262, %mul3A_405 : i32
      %add3A_407 = arith.constant 1 : i32
      %add3A_408 = arith.addi %mul3A_406, %add3A_407 : i32
      %dma_wait3A_409 = arith.constant 0 : i32
      %dma_wait3A_410 = arith.constant 0 : i32
      %dma_wait3A_411 = tpu.memref_slice %arg4[%dma_wait3A_409, %dma_wait3A_410] : memref<32x1000000xf32, #tpu.memory_space<hbm>> -> memref<32x128xf32, #tpu.memory_space<hbm>>
      %dma_wait3A_412 = arith.constant 0 : i32
      %dma_wait3A_413 = arith.constant 0 : i32
      %dma_wait3A_414 = tpu.memref_slice %arg4[%dma_wait3A_412, %dma_wait3A_413] : memref<32x1000000xf32, #tpu.memory_space<hbm>> -> memref<32x128xf32, #tpu.memory_space<hbm>>
      tpu.wait_dma2 semaphore(%arg29 : memref<!tpu.dma_semaphore, #tpu.memory_space<semaphore_mem>>) src(%dma_wait3A_414 : memref<32x128xf32, #tpu.memory_space<hbm>>) dst(%arg10 : memref<32x128xf32, #tpu.memory_space<vmem>>)
      %dma_wait3A_415 = arith.constant 0 : i32
      %dma_wait3A_416 = arith.constant 0 : i32
      %dma_wait3A_417 = tpu.memref_slice %arg5[%dma_wait3A_415, %dma_wait3A_416] : memref<32x1000000xf32, #tpu.memory_space<hbm>> -> memref<32x128xf32, #tpu.memory_space<hbm>>
      %dma_wait3A_418 = arith.constant 0 : i32
      %dma_wait3A_419 = arith.constant 0 : i32
      %dma_wait3A_420 = tpu.memref_slice %arg5[%dma_wait3A_418, %dma_wait3A_419] : memref<32x1000000xf32, #tpu.memory_space<hbm>> -> memref<32x128xf32, #tpu.memory_space<hbm>>
      tpu.wait_dma2 semaphore(%arg37 : memref<!tpu.dma_semaphore, #tpu.memory_space<semaphore_mem>>) src(%dma_wait3A_420 : memref<32x128xf32, #tpu.memory_space<hbm>>) dst(%arg18 : memref<32x128xf32, #tpu.memory_space<vmem>>)
      %slice3A_421 = vector.extract_strided_slice %get3A_266 {offsets = [1], sizes = [1], strides = [1]} : vector<16xi32> to vector<1xi32>
      %squeeze3A_422 = vector.extract %slice3A_421[0] : i32 from vector<1xi32>
      %and3A_423 = arith.constant 127 : i32
      %and3A_424 = arith.andi %squeeze3A_422, %and3A_423 : i32
      %ge3A_425 = arith.constant 999936 : i32
      %ge3A_426 = arith.cmpi sge, %squeeze3A_422, %ge3A_425 : i32
      %sub3A_427 = arith.constant 999936 : i32
      %sub3A_428 = arith.subi %squeeze3A_422, %sub3A_427 : i32
      %jit3A_429 = arith.constant 0 : i32
      %select_n3A_430 = arith.select %ge3A_426, %sub3A_428, %jit3A_429 : i32
      %add3A_431 = arith.constant 0 : i32
      %add3A_432 = vector.broadcast %add3A_431 : i32 to vector<16xi32>
      %add3A_433 = arith.addi %iota3A, %add3A_432 : vector<16xi32>
      %mul3A_434 = arith.constant 0 : i32
      %mul3A_435 = vector.broadcast %mul3A_434 : i32 to vector<16xi32>
      %mul3A_436 = arith.muli %iota3A, %mul3A_435 : vector<16xi32>
      %add3A_437 = vector.broadcast %and3A_424 : i32 to vector<16xi32>
      %add3A_438 = arith.addi %add3A_437, %mul3A_436 : vector<16xi32>
      %gather3A_439 = tpu.vector_load_idx %arg10[%add3A_433, %add3A_438] : memref<32x128xf32, #tpu.memory_space<vmem>>[vector<16xi32>, vector<16xi32>], vector<16xf32>,
      %mul3A_440 = arith.constant 0 : i32
      %mul3A_441 = vector.broadcast %mul3A_440 : i32 to vector<16xi32>
      %mul3A_442 = arith.muli %iota3A, %mul3A_441 : vector<16xi32>
      %add3A_443 = vector.broadcast %select_n3A_430 : i32 to vector<16xi32>
      %add3A_444 = arith.addi %add3A_443, %mul3A_442 : vector<16xi32>
      %gather3A_445 = tpu.vector_load_idx %arg25[%add3A_433, %add3A_444] : memref<32x64xf32, #tpu.memory_space<vmem>>[vector<16xi32>, vector<16xi32>], vector<16xf32>,
      %select_n3A_446 = arith.select %ge3A_426, %gather3A_445, %gather3A_439 : vector<16xf32>
      %add3A_447 = arith.constant 16 : i32
      %add3A_448 = vector.broadcast %add3A_447 : i32 to vector<16xi32>
      %add3A_449 = arith.addi %iota3A, %add3A_448 : vector<16xi32>
      %mul3A_450 = arith.constant 0 : i32
      %mul3A_451 = vector.broadcast %mul3A_450 : i32 to vector<16xi32>
      %mul3A_452 = arith.muli %iota3A, %mul3A_451 : vector<16xi32>
      %add3A_453 = vector.broadcast %and3A_424 : i32 to vector<16xi32>
      %add3A_454 = arith.addi %add3A_453, %mul3A_452 : vector<16xi32>
      %gather3A_455 = tpu.vector_load_idx %arg10[%add3A_449, %add3A_454] : memref<32x128xf32, #tpu.memory_space<vmem>>[vector<16xi32>, vector<16xi32>], vector<16xf32>,
      %mul3A_456 = arith.constant 0 : i32
      %mul3A_457 = vector.broadcast %mul3A_456 : i32 to vector<16xi32>
      %mul3A_458 = arith.muli %iota3A, %mul3A_457 : vector<16xi32>
      %add3A_459 = vector.broadcast %select_n3A_430 : i32 to vector<16xi32>
      %add3A_460 = arith.addi %add3A_459, %mul3A_458 : vector<16xi32>
      %gather3A_461 = tpu.vector_load_idx %arg25[%add3A_449, %add3A_460] : memref<32x64xf32, #tpu.memory_space<vmem>>[vector<16xi32>, vector<16xi32>], vector<16xf32>,
      %select_n3A_462 = arith.select %ge3A_426, %gather3A_461, %gather3A_455 : vector<16xf32>
      %slice3A_463 = vector.extract_strided_slice %get3A_270 {offsets = [1], sizes = [1], strides = [1]} : vector<16xi32> to vector<1xi32>
      %squeeze3A_464 = vector.extract %slice3A_463[0] : i32 from vector<1xi32>
      %and3A_465 = arith.constant 127 : i32
      %and3A_466 = arith.andi %squeeze3A_464, %and3A_465 : i32
      %ge3A_467 = arith.constant 999936 : i32
      %ge3A_468 = arith.cmpi sge, %squeeze3A_464, %ge3A_467 : i32
      %sub3A_469 = arith.constant 999936 : i32
      %sub3A_470 = arith.subi %squeeze3A_464, %sub3A_469 : i32
      %jit3A_471 = arith.constant 0 : i32
      %select_n3A_472 = arith.select %ge3A_468, %sub3A_470, %jit3A_471 : i32
      %add3A_473 = arith.constant 0 : i32
      %add3A_474 = vector.broadcast %add3A_473 : i32 to vector<16xi32>
      %add3A_475 = arith.addi %iota3A, %add3A_474 : vector<16xi32>
      %mul3A_476 = arith.constant 0 : i32
      %mul3A_477 = vector.broadcast %mul3A_476 : i32 to vector<16xi32>
      %mul3A_478 = arith.muli %iota3A, %mul3A_477 : vector<16xi32>
      %add3A_479 = vector.broadcast %and3A_466 : i32 to vector<16xi32>
      %add3A_480 = arith.addi %add3A_479, %mul3A_478 : vector<16xi32>
      %gather3A_481 = tpu.vector_load_idx %arg18[%add3A_475, %add3A_480] : memref<32x128xf32, #tpu.memory_space<vmem>>[vector<16xi32>, vector<16xi32>], vector<16xf32>,
      %mul3A_482 = arith.constant 0 : i32
      %mul3A_483 = vector.broadcast %mul3A_482 : i32 to vector<16xi32>
      %mul3A_484 = arith.muli %iota3A, %mul3A_483 : vector<16xi32>
      %add3A_485 = vector.broadcast %select_n3A_472 : i32 to vector<16xi32>
      %add3A_486 = arith.addi %add3A_485, %mul3A_484 : vector<16xi32>
      %gather3A_487 = tpu.vector_load_idx %arg26[%add3A_475, %add3A_486] : memref<32x64xf32, #tpu.memory_space<vmem>>[vector<16xi32>, vector<16xi32>], vector<16xf32>,
      %select_n3A_488 = arith.select %ge3A_468, %gather3A_487, %gather3A_481 : vector<16xf32>
      %add3A_489 = arith.constant 16 : i32
      %add3A_490 = vector.broadcast %add3A_489 : i32 to vector<16xi32>
      %add3A_491 = arith.addi %iota3A, %add3A_490 : vector<16xi32>
      %mul3A_492 = arith.constant 0 : i32
      %mul3A_493 = vector.broadcast %mul3A_492 : i32 to vector<16xi32>
      %mul3A_494 = arith.muli %iota3A, %mul3A_493 : vector<16xi32>
      %add3A_495 = vector.broadcast %and3A_466 : i32 to vector<16xi32>
      %add3A_496 = arith.addi %add3A_495, %mul3A_494 : vector<16xi32>
      %gather3A_497 = tpu.vector_load_idx %arg18[%add3A_491, %add3A_496] : memref<32x128xf32, #tpu.memory_space<vmem>>[vector<16xi32>, vector<16xi32>], vector<16xf32>,
      %mul3A_498 = arith.constant 0 : i32
      %mul3A_499 = vector.broadcast %mul3A_498 : i32 to vector<16xi32>
      %mul3A_500 = arith.muli %iota3A, %mul3A_499 : vector<16xi32>
      %add3A_501 = vector.broadcast %select_n3A_472 : i32 to vector<16xi32>
      %add3A_502 = arith.addi %add3A_501, %mul3A_500 : vector<16xi32>
      %gather3A_503 = tpu.vector_load_idx %arg26[%add3A_491, %add3A_502] : memref<32x64xf32, #tpu.memory_space<vmem>>[vector<16xi32>, vector<16xi32>], vector<16xf32>,
      %select_n3A_504 = arith.select %ge3A_468, %gather3A_503, %gather3A_497 : vector<16xf32>
      %add3A_505 = arith.constant 0 : i32
      %add3A_506 = vector.broadcast %add3A_505 : i32 to vector<16xi32>
      %add3A_507 = arith.addi %iota3A, %add3A_506 : vector<16xi32>
      %mul3A_508 = arith.constant 0 : i32
      %mul3A_509 = vector.broadcast %mul3A_508 : i32 to vector<16xi32>
      %mul3A_510 = arith.muli %iota3A, %mul3A_509 : vector<16xi32>
      %add3A_511 = vector.broadcast %add3A_408 : i32 to vector<16xi32>
      %add3A_512 = arith.addi %add3A_511, %mul3A_510 : vector<16xi32>
      %mul3A_513 = arith.mulf %select_n3A_446, %select_n3A_488 : vector<16xf32>
      tpu.vector_store_idx %arg27[%add3A_507, %add3A_512], %mul3A_513 : memref<32x512xf32, #tpu.memory_space<vmem>>[vector<16xi32>, vector<16xi32>], vector<16xf32>,
      %add3A_514 = arith.constant 16 : i32
      %add3A_515 = vector.broadcast %add3A_514 : i32 to vector<16xi32>
      %add3A_516 = arith.addi %iota3A, %add3A_515 : vector<16xi32>
      %mul3A_517 = arith.constant 0 : i32
      %mul3A_518 = vector.broadcast %mul3A_517 : i32 to vector<16xi32>
      %mul3A_519 = arith.muli %iota3A, %mul3A_518 : vector<16xi32>
      %add3A_520 = vector.broadcast %add3A_408 : i32 to vector<16xi32>
      %add3A_521 = arith.addi %add3A_520, %mul3A_519 : vector<16xi32>
      %mul3A_522 = arith.mulf %select_n3A_462, %select_n3A_504 : vector<16xf32>
      tpu.vector_store_idx %arg27[%add3A_516, %add3A_521], %mul3A_522 : memref<32x512xf32, #tpu.memory_space<vmem>>[vector<16xi32>, vector<16xi32>], vector<16xf32>,
      %slice3A_523 = vector.extract_strided_slice %get3A_266 {offsets = [9], sizes = [1], strides = [1]} : vector<16xi32> to vector<1xi32>
      %squeeze3A_524 = vector.extract %slice3A_523[0] : i32 from vector<1xi32>
      %slice3A_525 = vector.extract_strided_slice %get3A_270 {offsets = [9], sizes = [1], strides = [1]} : vector<16xi32> to vector<1xi32>
      %squeeze3A_526 = vector.extract %slice3A_525[0] : i32 from vector<1xi32>
      %add3A_527 = arith.constant 8 : i32
      %add3A_528 = arith.addi %add3A_408, %add3A_527 : i32
      %lt3A_529 = arith.constant 512 : i32
      %lt3A_530 = arith.cmpi slt, %add3A_528, %lt3A_529 : i32
      %and3A_531 = arith.constant true
      %and3A_532 = arith.andi %lt3A_530, %and3A_531 : i1
      %convert_element_type3A_533 = arith.extui %and3A_532 : i1 to i32
      %cond3A_534 = arith.constant 0 : i32
      %cond3A_535 = arith.cmpi ne, %convert_element_type3A_533, %cond3A_534 : i32
      scf.if %cond3A_535 {
        %shift_right_arithmetic3A_2370 = arith.constant 7 : i32
        %shift_right_arithmetic3A_2371 = arith.shrsi %squeeze3A_524, %shift_right_arithmetic3A_2370 : i32
        %min3A_2372 = arith.constant 7811 : i32
        %min3A_2373 = arith.minsi %shift_right_arithmetic3A_2371, %min3A_2372 : i32
        %shift_left3A_2374 = arith.constant 7 : i32
        %shift_left3A_2375 = arith.shli %min3A_2373, %shift_left3A_2374 : i32
        %shift_right_arithmetic3A_2376 = arith.constant 7 : i32
        %shift_right_arithmetic3A_2377 = arith.shrsi %squeeze3A_526, %shift_right_arithmetic3A_2376 : i32
        %min3A_2378 = arith.constant 7811 : i32
        %min3A_2379 = arith.minsi %shift_right_arithmetic3A_2377, %min3A_2378 : i32
        %shift_left3A_2380 = arith.constant 7 : i32
        %shift_left3A_2381 = arith.shli %min3A_2379, %shift_left3A_2380 : i32
        %multiple_of3A_2382 = tpu.assume_multiple %shift_left3A_2375, 128 : i32
        %dma_start3A_2383 = arith.constant 0 : i32
        %dma_start3A_2384 = tpu.memref_slice %arg4[%dma_start3A_2383, %multiple_of3A_2382] : memref<32x1000000xf32, #tpu.memory_space<hbm>> -> memref<32x128xf32, #tpu.memory_space<hbm>>
        %dma_start3A_2385 = arith.constant 0 : i32
        %dma_start3A_2386 = tpu.memref_slice %arg4[%dma_start3A_2385, %multiple_of3A_2382] : memref<32x1000000xf32, #tpu.memory_space<hbm>> -> memref<32x128xf32, #tpu.memory_space<hbm>>
        tpu.enqueue_dma source(%dma_start3A_2386 : memref<32x128xf32, #tpu.memory_space<hbm>>) target(%arg10 : memref<32x128xf32, #tpu.memory_space<vmem>>) target_semaphore(%arg29 : memref<!tpu.dma_semaphore, #tpu.memory_space<semaphore_mem>>)
        %multiple_of3A_2387 = tpu.assume_multiple %shift_left3A_2381, 128 : i32
        %dma_start3A_2388 = arith.constant 0 : i32
        %dma_start3A_2389 = tpu.memref_slice %arg5[%dma_start3A_2388, %multiple_of3A_2387] : memref<32x1000000xf32, #tpu.memory_space<hbm>> -> memref<32x128xf32, #tpu.memory_space<hbm>>
        %dma_start3A_2390 = arith.constant 0 : i32
        %dma_start3A_2391 = tpu.memref_slice %arg5[%dma_start3A_2390, %multiple_of3A_2387] : memref<32x1000000xf32, #tpu.memory_space<hbm>> -> memref<32x128xf32, #tpu.memory_space<hbm>>
        tpu.enqueue_dma source(%dma_start3A_2391 : memref<32x128xf32, #tpu.memory_space<hbm>>) target(%arg18 : memref<32x128xf32, #tpu.memory_space<vmem>>) target_semaphore(%arg37 : memref<!tpu.dma_semaphore, #tpu.memory_space<semaphore_mem>>)
      } else {
      }
      %mul3A_536 = arith.constant 16 : i32
      %mul3A_537 = arith.muli %add3A_262, %mul3A_536 : i32
      %add3A_538 = arith.constant 2 : i32
      %add3A_539 = arith.addi %mul3A_537, %add3A_538 : i32
      %dma_wait3A_540 = arith.constant 0 : i32
      %dma_wait3A_541 = arith.constant 0 : i32
      %dma_wait3A_542 = tpu.memref_slice %arg4[%dma_wait3A_540, %dma_wait3A_541] : memref<32x1000000xf32, #tpu.memory_space<hbm>> -> memref<32x128xf32, #tpu.memory_space<hbm>>
      %dma_wait3A_543 = arith.constant 0 : i32
      %dma_wait3A_544 = arith.constant 0 : i32
      %dma_wait3A_545 = tpu.memref_slice %arg4[%dma_wait3A_543, %dma_wait3A_544] : memref<32x1000000xf32, #tpu.memory_space<hbm>> -> memref<32x128xf32, #tpu.memory_space<hbm>>
      tpu.wait_dma2 semaphore(%arg30 : memref<!tpu.dma_semaphore, #tpu.memory_space<semaphore_mem>>) src(%dma_wait3A_545 : memref<32x128xf32, #tpu.memory_space<hbm>>) dst(%arg11 : memref<32x128xf32, #tpu.memory_space<vmem>>)
      %dma_wait3A_546 = arith.constant 0 : i32
      %dma_wait3A_547 = arith.constant 0 : i32
      %dma_wait3A_548 = tpu.memref_slice %arg5[%dma_wait3A_546, %dma_wait3A_547] : memref<32x1000000xf32, #tpu.memory_space<hbm>> -> memref<32x128xf32, #tpu.memory_space<hbm>>
      %dma_wait3A_549 = arith.constant 0 : i32
      %dma_wait3A_550 = arith.constant 0 : i32
      %dma_wait3A_551 = tpu.memref_slice %arg5[%dma_wait3A_549, %dma_wait3A_550] : memref<32x1000000xf32, #tpu.memory_space<hbm>> -> memref<32x128xf32, #tpu.memory_space<hbm>>
      tpu.wait_dma2 semaphore(%arg38 : memref<!tpu.dma_semaphore, #tpu.memory_space<semaphore_mem>>) src(%dma_wait3A_551 : memref<32x128xf32, #tpu.memory_space<hbm>>) dst(%arg19 : memref<32x128xf32, #tpu.memory_space<vmem>>)
      %slice3A_552 = vector.extract_strided_slice %get3A_266 {offsets = [2], sizes = [1], strides = [1]} : vector<16xi32> to vector<1xi32>
      %squeeze3A_553 = vector.extract %slice3A_552[0] : i32 from vector<1xi32>
      %and3A_554 = arith.constant 127 : i32
      %and3A_555 = arith.andi %squeeze3A_553, %and3A_554 : i32
      %ge3A_556 = arith.constant 999936 : i32
      %ge3A_557 = arith.cmpi sge, %squeeze3A_553, %ge3A_556 : i32
      %sub3A_558 = arith.constant 999936 : i32
      %sub3A_559 = arith.subi %squeeze3A_553, %sub3A_558 : i32
      %jit3A_560 = arith.constant 0 : i32
      %select_n3A_561 = arith.select %ge3A_557, %sub3A_559, %jit3A_560 : i32
      %add3A_562 = arith.constant 0 : i32
      %add3A_563 = vector.broadcast %add3A_562 : i32 to vector<16xi32>
      %add3A_564 = arith.addi %iota3A, %add3A_563 : vector<16xi32>
      %mul3A_565 = arith.constant 0 : i32
      %mul3A_566 = vector.broadcast %mul3A_565 : i32 to vector<16xi32>
      %mul3A_567 = arith.muli %iota3A, %mul3A_566 : vector<16xi32>
      %add3A_568 = vector.broadcast %and3A_555 : i32 to vector<16xi32>
      %add3A_569 = arith.addi %add3A_568, %mul3A_567 : vector<16xi32>
      %gather3A_570 = tpu.vector_load_idx %arg11[%add3A_564, %add3A_569] : memref<32x128xf32, #tpu.memory_space<vmem>>[vector<16xi32>, vector<16xi32>], vector<16xf32>,
      %mul3A_571 = arith.constant 0 : i32
      %mul3A_572 = vector.broadcast %mul3A_571 : i32 to vector<16xi32>
      %mul3A_573 = arith.muli %iota3A, %mul3A_572 : vector<16xi32>
      %add3A_574 = vector.broadcast %select_n3A_561 : i32 to vector<16xi32>
      %add3A_575 = arith.addi %add3A_574, %mul3A_573 : vector<16xi32>
      %gather3A_576 = tpu.vector_load_idx %arg25[%add3A_564, %add3A_575] : memref<32x64xf32, #tpu.memory_space<vmem>>[vector<16xi32>, vector<16xi32>], vector<16xf32>,
      %select_n3A_577 = arith.select %ge3A_557, %gather3A_576, %gather3A_570 : vector<16xf32>
      %add3A_578 = arith.constant 16 : i32
      %add3A_579 = vector.broadcast %add3A_578 : i32 to vector<16xi32>
      %add3A_580 = arith.addi %iota3A, %add3A_579 : vector<16xi32>
      %mul3A_581 = arith.constant 0 : i32
      %mul3A_582 = vector.broadcast %mul3A_581 : i32 to vector<16xi32>
      %mul3A_583 = arith.muli %iota3A, %mul3A_582 : vector<16xi32>
      %add3A_584 = vector.broadcast %and3A_555 : i32 to vector<16xi32>
      %add3A_585 = arith.addi %add3A_584, %mul3A_583 : vector<16xi32>
      %gather3A_586 = tpu.vector_load_idx %arg11[%add3A_580, %add3A_585] : memref<32x128xf32, #tpu.memory_space<vmem>>[vector<16xi32>, vector<16xi32>], vector<16xf32>,
      %mul3A_587 = arith.constant 0 : i32
      %mul3A_588 = vector.broadcast %mul3A_587 : i32 to vector<16xi32>
      %mul3A_589 = arith.muli %iota3A, %mul3A_588 : vector<16xi32>
      %add3A_590 = vector.broadcast %select_n3A_561 : i32 to vector<16xi32>
      %add3A_591 = arith.addi %add3A_590, %mul3A_589 : vector<16xi32>
      %gather3A_592 = tpu.vector_load_idx %arg25[%add3A_580, %add3A_591] : memref<32x64xf32, #tpu.memory_space<vmem>>[vector<16xi32>, vector<16xi32>], vector<16xf32>,
      %select_n3A_593 = arith.select %ge3A_557, %gather3A_592, %gather3A_586 : vector<16xf32>
      %slice3A_594 = vector.extract_strided_slice %get3A_270 {offsets = [2], sizes = [1], strides = [1]} : vector<16xi32> to vector<1xi32>
      %squeeze3A_595 = vector.extract %slice3A_594[0] : i32 from vector<1xi32>
      %and3A_596 = arith.constant 127 : i32
      %and3A_597 = arith.andi %squeeze3A_595, %and3A_596 : i32
      %ge3A_598 = arith.constant 999936 : i32
      %ge3A_599 = arith.cmpi sge, %squeeze3A_595, %ge3A_598 : i32
      %sub3A_600 = arith.constant 999936 : i32
      %sub3A_601 = arith.subi %squeeze3A_595, %sub3A_600 : i32
      %jit3A_602 = arith.constant 0 : i32
      %select_n3A_603 = arith.select %ge3A_599, %sub3A_601, %jit3A_602 : i32
      %add3A_604 = arith.constant 0 : i32
      %add3A_605 = vector.broadcast %add3A_604 : i32 to vector<16xi32>
      %add3A_606 = arith.addi %iota3A, %add3A_605 : vector<16xi32>
      %mul3A_607 = arith.constant 0 : i32
      %mul3A_608 = vector.broadcast %mul3A_607 : i32 to vector<16xi32>
      %mul3A_609 = arith.muli %iota3A, %mul3A_608 : vector<16xi32>
      %add3A_610 = vector.broadcast %and3A_597 : i32 to vector<16xi32>
      %add3A_611 = arith.addi %add3A_610, %mul3A_609 : vector<16xi32>
      %gather3A_612 = tpu.vector_load_idx %arg19[%add3A_606, %add3A_611] : memref<32x128xf32, #tpu.memory_space<vmem>>[vector<16xi32>, vector<16xi32>], vector<16xf32>,
      %mul3A_613 = arith.constant 0 : i32
      %mul3A_614 = vector.broadcast %mul3A_613 : i32 to vector<16xi32>
      %mul3A_615 = arith.muli %iota3A, %mul3A_614 : vector<16xi32>
      %add3A_616 = vector.broadcast %select_n3A_603 : i32 to vector<16xi32>
      %add3A_617 = arith.addi %add3A_616, %mul3A_615 : vector<16xi32>
      %gather3A_618 = tpu.vector_load_idx %arg26[%add3A_606, %add3A_617] : memref<32x64xf32, #tpu.memory_space<vmem>>[vector<16xi32>, vector<16xi32>], vector<16xf32>,
      %select_n3A_619 = arith.select %ge3A_599, %gather3A_618, %gather3A_612 : vector<16xf32>
      %add3A_620 = arith.constant 16 : i32
      %add3A_621 = vector.broadcast %add3A_620 : i32 to vector<16xi32>
      %add3A_622 = arith.addi %iota3A, %add3A_621 : vector<16xi32>
      %mul3A_623 = arith.constant 0 : i32
      %mul3A_624 = vector.broadcast %mul3A_623 : i32 to vector<16xi32>
      %mul3A_625 = arith.muli %iota3A, %mul3A_624 : vector<16xi32>
      %add3A_626 = vector.broadcast %and3A_597 : i32 to vector<16xi32>
      %add3A_627 = arith.addi %add3A_626, %mul3A_625 : vector<16xi32>
      %gather3A_628 = tpu.vector_load_idx %arg19[%add3A_622, %add3A_627] : memref<32x128xf32, #tpu.memory_space<vmem>>[vector<16xi32>, vector<16xi32>], vector<16xf32>,
      %mul3A_629 = arith.constant 0 : i32
      %mul3A_630 = vector.broadcast %mul3A_629 : i32 to vector<16xi32>
      %mul3A_631 = arith.muli %iota3A, %mul3A_630 : vector<16xi32>
      %add3A_632 = vector.broadcast %select_n3A_603 : i32 to vector<16xi32>
      %add3A_633 = arith.addi %add3A_632, %mul3A_631 : vector<16xi32>
      %gather3A_634 = tpu.vector_load_idx %arg26[%add3A_622, %add3A_633] : memref<32x64xf32, #tpu.memory_space<vmem>>[vector<16xi32>, vector<16xi32>], vector<16xf32>,
      %select_n3A_635 = arith.select %ge3A_599, %gather3A_634, %gather3A_628 : vector<16xf32>
      %add3A_636 = arith.constant 0 : i32
      %add3A_637 = vector.broadcast %add3A_636 : i32 to vector<16xi32>
      %add3A_638 = arith.addi %iota3A, %add3A_637 : vector<16xi32>
      %mul3A_639 = arith.constant 0 : i32
      %mul3A_640 = vector.broadcast %mul3A_639 : i32 to vector<16xi32>
      %mul3A_641 = arith.muli %iota3A, %mul3A_640 : vector<16xi32>
      %add3A_642 = vector.broadcast %add3A_539 : i32 to vector<16xi32>
      %add3A_643 = arith.addi %add3A_642, %mul3A_641 : vector<16xi32>
      %mul3A_644 = arith.mulf %select_n3A_577, %select_n3A_619 : vector<16xf32>
      tpu.vector_store_idx %arg27[%add3A_638, %add3A_643], %mul3A_644 : memref<32x512xf32, #tpu.memory_space<vmem>>[vector<16xi32>, vector<16xi32>], vector<16xf32>,
      %add3A_645 = arith.constant 16 : i32
      %add3A_646 = vector.broadcast %add3A_645 : i32 to vector<16xi32>
      %add3A_647 = arith.addi %iota3A, %add3A_646 : vector<16xi32>
      %mul3A_648 = arith.constant 0 : i32
      %mul3A_649 = vector.broadcast %mul3A_648 : i32 to vector<16xi32>
      %mul3A_650 = arith.muli %iota3A, %mul3A_649 : vector<16xi32>
      %add3A_651 = vector.broadcast %add3A_539 : i32 to vector<16xi32>
      %add3A_652 = arith.addi %add3A_651, %mul3A_650 : vector<16xi32>
      %mul3A_653 = arith.mulf %select_n3A_593, %select_n3A_635 : vector<16xf32>
      tpu.vector_store_idx %arg27[%add3A_647, %add3A_652], %mul3A_653 : memref<32x512xf32, #tpu.memory_space<vmem>>[vector<16xi32>, vector<16xi32>], vector<16xf32>,
      %slice3A_654 = vector.extract_strided_slice %get3A_266 {offsets = [10], sizes = [1], strides = [1]} : vector<16xi32> to vector<1xi32>
      %squeeze3A_655 = vector.extract %slice3A_654[0] : i32 from vector<1xi32>
      %slice3A_656 = vector.extract_strided_slice %get3A_270 {offsets = [10], sizes = [1], strides = [1]} : vector<16xi32> to vector<1xi32>
      %squeeze3A_657 = vector.extract %slice3A_656[0] : i32 from vector<1xi32>
      %add3A_658 = arith.constant 8 : i32
      %add3A_659 = arith.addi %add3A_539, %add3A_658 : i32
      %lt3A_660 = arith.constant 512 : i32
      %lt3A_661 = arith.cmpi slt, %add3A_659, %lt3A_660 : i32
      %and3A_662 = arith.constant true
      %and3A_663 = arith.andi %lt3A_661, %and3A_662 : i1
      %convert_element_type3A_664 = arith.extui %and3A_663 : i1 to i32
      %cond3A_665 = arith.constant 0 : i32
      %cond3A_666 = arith.cmpi ne, %convert_element_type3A_664, %cond3A_665 : i32
      scf.if %cond3A_666 {
        %shift_right_arithmetic3A_2370 = arith.constant 7 : i32
        %shift_right_arithmetic3A_2371 = arith.shrsi %squeeze3A_655, %shift_right_arithmetic3A_2370 : i32
        %min3A_2372 = arith.constant 7811 : i32
        %min3A_2373 = arith.minsi %shift_right_arithmetic3A_2371, %min3A_2372 : i32
        %shift_left3A_2374 = arith.constant 7 : i32
        %shift_left3A_2375 = arith.shli %min3A_2373, %shift_left3A_2374 : i32
        %shift_right_arithmetic3A_2376 = arith.constant 7 : i32
        %shift_right_arithmetic3A_2377 = arith.shrsi %squeeze3A_657, %shift_right_arithmetic3A_2376 : i32
        %min3A_2378 = arith.constant 7811 : i32
        %min3A_2379 = arith.minsi %shift_right_arithmetic3A_2377, %min3A_2378 : i32
        %shift_left3A_2380 = arith.constant 7 : i32
        %shift_left3A_2381 = arith.shli %min3A_2379, %shift_left3A_2380 : i32
        %multiple_of3A_2382 = tpu.assume_multiple %shift_left3A_2375, 128 : i32
        %dma_start3A_2383 = arith.constant 0 : i32
        %dma_start3A_2384 = tpu.memref_slice %arg4[%dma_start3A_2383, %multiple_of3A_2382] : memref<32x1000000xf32, #tpu.memory_space<hbm>> -> memref<32x128xf32, #tpu.memory_space<hbm>>
        %dma_start3A_2385 = arith.constant 0 : i32
        %dma_start3A_2386 = tpu.memref_slice %arg4[%dma_start3A_2385, %multiple_of3A_2382] : memref<32x1000000xf32, #tpu.memory_space<hbm>> -> memref<32x128xf32, #tpu.memory_space<hbm>>
        tpu.enqueue_dma source(%dma_start3A_2386 : memref<32x128xf32, #tpu.memory_space<hbm>>) target(%arg11 : memref<32x128xf32, #tpu.memory_space<vmem>>) target_semaphore(%arg30 : memref<!tpu.dma_semaphore, #tpu.memory_space<semaphore_mem>>)
        %multiple_of3A_2387 = tpu.assume_multiple %shift_left3A_2381, 128 : i32
        %dma_start3A_2388 = arith.constant 0 : i32
        %dma_start3A_2389 = tpu.memref_slice %arg5[%dma_start3A_2388, %multiple_of3A_2387] : memref<32x1000000xf32, #tpu.memory_space<hbm>> -> memref<32x128xf32, #tpu.memory_space<hbm>>
        %dma_start3A_2390 = arith.constant 0 : i32
        %dma_start3A_2391 = tpu.memref_slice %arg5[%dma_start3A_2390, %multiple_of3A_2387] : memref<32x1000000xf32, #tpu.memory_space<hbm>> -> memref<32x128xf32, #tpu.memory_space<hbm>>
        tpu.enqueue_dma source(%dma_start3A_2391 : memref<32x128xf32, #tpu.memory_space<hbm>>) target(%arg19 : memref<32x128xf32, #tpu.memory_space<vmem>>) target_semaphore(%arg38 : memref<!tpu.dma_semaphore, #tpu.memory_space<semaphore_mem>>)
      } else {
      }
      %mul3A_667 = arith.constant 16 : i32
      %mul3A_668 = arith.muli %add3A_262, %mul3A_667 : i32
      %add3A_669 = arith.constant 3 : i32
      %add3A_670 = arith.addi %mul3A_668, %add3A_669 : i32
      %dma_wait3A_671 = arith.constant 0 : i32
      %dma_wait3A_672 = arith.constant 0 : i32
      %dma_wait3A_673 = tpu.memref_slice %arg4[%dma_wait3A_671, %dma_wait3A_672] : memref<32x1000000xf32, #tpu.memory_space<hbm>> -> memref<32x128xf32, #tpu.memory_space<hbm>>
      %dma_wait3A_674 = arith.constant 0 : i32
      %dma_wait3A_675 = arith.constant 0 : i32
      %dma_wait3A_676 = tpu.memref_slice %arg4[%dma_wait3A_674, %dma_wait3A_675] : memref<32x1000000xf32, #tpu.memory_space<hbm>> -> memref<32x128xf32, #tpu.memory_space<hbm>>
      tpu.wait_dma2 semaphore(%arg31 : memref<!tpu.dma_semaphore, #tpu.memory_space<semaphore_mem>>) src(%dma_wait3A_676 : memref<32x128xf32, #tpu.memory_space<hbm>>) dst(%arg12 : memref<32x128xf32, #tpu.memory_space<vmem>>)
      %dma_wait3A_677 = arith.constant 0 : i32
      %dma_wait3A_678 = arith.constant 0 : i32
      %dma_wait3A_679 = tpu.memref_slice %arg5[%dma_wait3A_677, %dma_wait3A_678] : memref<32x1000000xf32, #tpu.memory_space<hbm>> -> memref<32x128xf32, #tpu.memory_space<hbm>>
      %dma_wait3A_680 = arith.constant 0 : i32
      %dma_wait3A_681 = arith.constant 0 : i32
      %dma_wait3A_682 = tpu.memref_slice %arg5[%dma_wait3A_680, %dma_wait3A_681] : memref<32x1000000xf32, #tpu.memory_space<hbm>> -> memref<32x128xf32, #tpu.memory_space<hbm>>
      tpu.wait_dma2 semaphore(%arg39 : memref<!tpu.dma_semaphore, #tpu.memory_space<semaphore_mem>>) src(%dma_wait3A_682 : memref<32x128xf32, #tpu.memory_space<hbm>>) dst(%arg20 : memref<32x128xf32, #tpu.memory_space<vmem>>)
      %slice3A_683 = vector.extract_strided_slice %get3A_266 {offsets = [3], sizes = [1], strides = [1]} : vector<16xi32> to vector<1xi32>
      %squeeze3A_684 = vector.extract %slice3A_683[0] : i32 from vector<1xi32>
      %and3A_685 = arith.constant 127 : i32
      %and3A_686 = arith.andi %squeeze3A_684, %and3A_685 : i32
      %ge3A_687 = arith.constant 999936 : i32
      %ge3A_688 = arith.cmpi sge, %squeeze3A_684, %ge3A_687 : i32
      %sub3A_689 = arith.constant 999936 : i32
      %sub3A_690 = arith.subi %squeeze3A_684, %sub3A_689 : i32
      %jit3A_691 = arith.constant 0 : i32
      %select_n3A_692 = arith.select %ge3A_688, %sub3A_690, %jit3A_691 : i32
      %add3A_693 = arith.constant 0 : i32
      %add3A_694 = vector.broadcast %add3A_693 : i32 to vector<16xi32>
      %add3A_695 = arith.addi %iota3A, %add3A_694 : vector<16xi32>
      %mul3A_696 = arith.constant 0 : i32
      %mul3A_697 = vector.broadcast %mul3A_696 : i32 to vector<16xi32>
      %mul3A_698 = arith.muli %iota3A, %mul3A_697 : vector<16xi32>
      %add3A_699 = vector.broadcast %and3A_686 : i32 to vector<16xi32>
      %add3A_700 = arith.addi %add3A_699, %mul3A_698 : vector<16xi32>
      %gather3A_701 = tpu.vector_load_idx %arg12[%add3A_695, %add3A_700] : memref<32x128xf32, #tpu.memory_space<vmem>>[vector<16xi32>, vector<16xi32>], vector<16xf32>,
      %mul3A_702 = arith.constant 0 : i32
      %mul3A_703 = vector.broadcast %mul3A_702 : i32 to vector<16xi32>
      %mul3A_704 = arith.muli %iota3A, %mul3A_703 : vector<16xi32>
      %add3A_705 = vector.broadcast %select_n3A_692 : i32 to vector<16xi32>
      %add3A_706 = arith.addi %add3A_705, %mul3A_704 : vector<16xi32>
      %gather3A_707 = tpu.vector_load_idx %arg25[%add3A_695, %add3A_706] : memref<32x64xf32, #tpu.memory_space<vmem>>[vector<16xi32>, vector<16xi32>], vector<16xf32>,
      %select_n3A_708 = arith.select %ge3A_688, %gather3A_707, %gather3A_701 : vector<16xf32>
      %add3A_709 = arith.constant 16 : i32
      %add3A_710 = vector.broadcast %add3A_709 : i32 to vector<16xi32>
      %add3A_711 = arith.addi %iota3A, %add3A_710 : vector<16xi32>
      %mul3A_712 = arith.constant 0 : i32
      %mul3A_713 = vector.broadcast %mul3A_712 : i32 to vector<16xi32>
      %mul3A_714 = arith.muli %iota3A, %mul3A_713 : vector<16xi32>
      %add3A_715 = vector.broadcast %and3A_686 : i32 to vector<16xi32>
      %add3A_716 = arith.addi %add3A_715, %mul3A_714 : vector<16xi32>
      %gather3A_717 = tpu.vector_load_idx %arg12[%add3A_711, %add3A_716] : memref<32x128xf32, #tpu.memory_space<vmem>>[vector<16xi32>, vector<16xi32>], vector<16xf32>,
      %mul3A_718 = arith.constant 0 : i32
      %mul3A_719 = vector.broadcast %mul3A_718 : i32 to vector<16xi32>
      %mul3A_720 = arith.muli %iota3A, %mul3A_719 : vector<16xi32>
      %add3A_721 = vector.broadcast %select_n3A_692 : i32 to vector<16xi32>
      %add3A_722 = arith.addi %add3A_721, %mul3A_720 : vector<16xi32>
      %gather3A_723 = tpu.vector_load_idx %arg25[%add3A_711, %add3A_722] : memref<32x64xf32, #tpu.memory_space<vmem>>[vector<16xi32>, vector<16xi32>], vector<16xf32>,
      %select_n3A_724 = arith.select %ge3A_688, %gather3A_723, %gather3A_717 : vector<16xf32>
      %slice3A_725 = vector.extract_strided_slice %get3A_270 {offsets = [3], sizes = [1], strides = [1]} : vector<16xi32> to vector<1xi32>
      %squeeze3A_726 = vector.extract %slice3A_725[0] : i32 from vector<1xi32>
      %and3A_727 = arith.constant 127 : i32
      %and3A_728 = arith.andi %squeeze3A_726, %and3A_727 : i32
      %ge3A_729 = arith.constant 999936 : i32
      %ge3A_730 = arith.cmpi sge, %squeeze3A_726, %ge3A_729 : i32
      %sub3A_731 = arith.constant 999936 : i32
      %sub3A_732 = arith.subi %squeeze3A_726, %sub3A_731 : i32
      %jit3A_733 = arith.constant 0 : i32
      %select_n3A_734 = arith.select %ge3A_730, %sub3A_732, %jit3A_733 : i32
      %add3A_735 = arith.constant 0 : i32
      %add3A_736 = vector.broadcast %add3A_735 : i32 to vector<16xi32>
      %add3A_737 = arith.addi %iota3A, %add3A_736 : vector<16xi32>
      %mul3A_738 = arith.constant 0 : i32
      %mul3A_739 = vector.broadcast %mul3A_738 : i32 to vector<16xi32>
      %mul3A_740 = arith.muli %iota3A, %mul3A_739 : vector<16xi32>
      %add3A_741 = vector.broadcast %and3A_728 : i32 to vector<16xi32>
      %add3A_742 = arith.addi %add3A_741, %mul3A_740 : vector<16xi32>
      %gather3A_743 = tpu.vector_load_idx %arg20[%add3A_737, %add3A_742] : memref<32x128xf32, #tpu.memory_space<vmem>>[vector<16xi32>, vector<16xi32>], vector<16xf32>,
      %mul3A_744 = arith.constant 0 : i32
      %mul3A_745 = vector.broadcast %mul3A_744 : i32 to vector<16xi32>
      %mul3A_746 = arith.muli %iota3A, %mul3A_745 : vector<16xi32>
      %add3A_747 = vector.broadcast %select_n3A_734 : i32 to vector<16xi32>
      %add3A_748 = arith.addi %add3A_747, %mul3A_746 : vector<16xi32>
      %gather3A_749 = tpu.vector_load_idx %arg26[%add3A_737, %add3A_748] : memref<32x64xf32, #tpu.memory_space<vmem>>[vector<16xi32>, vector<16xi32>], vector<16xf32>,
      %select_n3A_750 = arith.select %ge3A_730, %gather3A_749, %gather3A_743 : vector<16xf32>
      %add3A_751 = arith.constant 16 : i32
      %add3A_752 = vector.broadcast %add3A_751 : i32 to vector<16xi32>
      %add3A_753 = arith.addi %iota3A, %add3A_752 : vector<16xi32>
      %mul3A_754 = arith.constant 0 : i32
      %mul3A_755 = vector.broadcast %mul3A_754 : i32 to vector<16xi32>
      %mul3A_756 = arith.muli %iota3A, %mul3A_755 : vector<16xi32>
      %add3A_757 = vector.broadcast %and3A_728 : i32 to vector<16xi32>
      %add3A_758 = arith.addi %add3A_757, %mul3A_756 : vector<16xi32>
      %gather3A_759 = tpu.vector_load_idx %arg20[%add3A_753, %add3A_758] : memref<32x128xf32, #tpu.memory_space<vmem>>[vector<16xi32>, vector<16xi32>], vector<16xf32>,
      %mul3A_760 = arith.constant 0 : i32
      %mul3A_761 = vector.broadcast %mul3A_760 : i32 to vector<16xi32>
      %mul3A_762 = arith.muli %iota3A, %mul3A_761 : vector<16xi32>
      %add3A_763 = vector.broadcast %select_n3A_734 : i32 to vector<16xi32>
      %add3A_764 = arith.addi %add3A_763, %mul3A_762 : vector<16xi32>
      %gather3A_765 = tpu.vector_load_idx %arg26[%add3A_753, %add3A_764] : memref<32x64xf32, #tpu.memory_space<vmem>>[vector<16xi32>, vector<16xi32>], vector<16xf32>,
      %select_n3A_766 = arith.select %ge3A_730, %gather3A_765, %gather3A_759 : vector<16xf32>
      %add3A_767 = arith.constant 0 : i32
      %add3A_768 = vector.broadcast %add3A_767 : i32 to vector<16xi32>
      %add3A_769 = arith.addi %iota3A, %add3A_768 : vector<16xi32>
      %mul3A_770 = arith.constant 0 : i32
      %mul3A_771 = vector.broadcast %mul3A_770 : i32 to vector<16xi32>
      %mul3A_772 = arith.muli %iota3A, %mul3A_771 : vector<16xi32>
      %add3A_773 = vector.broadcast %add3A_670 : i32 to vector<16xi32>
      %add3A_774 = arith.addi %add3A_773, %mul3A_772 : vector<16xi32>
      %mul3A_775 = arith.mulf %select_n3A_708, %select_n3A_750 : vector<16xf32>
      tpu.vector_store_idx %arg27[%add3A_769, %add3A_774], %mul3A_775 : memref<32x512xf32, #tpu.memory_space<vmem>>[vector<16xi32>, vector<16xi32>], vector<16xf32>,
      %add3A_776 = arith.constant 16 : i32
      %add3A_777 = vector.broadcast %add3A_776 : i32 to vector<16xi32>
      %add3A_778 = arith.addi %iota3A, %add3A_777 : vector<16xi32>
      %mul3A_779 = arith.constant 0 : i32
      %mul3A_780 = vector.broadcast %mul3A_779 : i32 to vector<16xi32>
      %mul3A_781 = arith.muli %iota3A, %mul3A_780 : vector<16xi32>
      %add3A_782 = vector.broadcast %add3A_670 : i32 to vector<16xi32>
      %add3A_783 = arith.addi %add3A_782, %mul3A_781 : vector<16xi32>
      %mul3A_784 = arith.mulf %select_n3A_724, %select_n3A_766 : vector<16xf32>
      tpu.vector_store_idx %arg27[%add3A_778, %add3A_783], %mul3A_784 : memref<32x512xf32, #tpu.memory_space<vmem>>[vector<16xi32>, vector<16xi32>], vector<16xf32>,
      %slice3A_785 = vector.extract_strided_slice %get3A_266 {offsets = [11], sizes = [1], strides = [1]} : vector<16xi32> to vector<1xi32>
      %squeeze3A_786 = vector.extract %slice3A_785[0] : i32 from vector<1xi32>
      %slice3A_787 = vector.extract_strided_slice %get3A_270 {offsets = [11], sizes = [1], strides = [1]} : vector<16xi32> to vector<1xi32>
      %squeeze3A_788 = vector.extract %slice3A_787[0] : i32 from vector<1xi32>
      %add3A_789 = arith.constant 8 : i32
      %add3A_790 = arith.addi %add3A_670, %add3A_789 : i32
      %lt3A_791 = arith.constant 512 : i32
      %lt3A_792 = arith.cmpi slt, %add3A_790, %lt3A_791 : i32
      %and3A_793 = arith.constant true
      %and3A_794 = arith.andi %lt3A_792, %and3A_793 : i1
      %convert_element_type3A_795 = arith.extui %and3A_794 : i1 to i32
      %cond3A_796 = arith.constant 0 : i32
      %cond3A_797 = arith.cmpi ne, %convert_element_type3A_795, %cond3A_796 : i32
      scf.if %cond3A_797 {
        %shift_right_arithmetic3A_2370 = arith.constant 7 : i32
        %shift_right_arithmetic3A_2371 = arith.shrsi %squeeze3A_786, %shift_right_arithmetic3A_2370 : i32
        %min3A_2372 = arith.constant 7811 : i32
        %min3A_2373 = arith.minsi %shift_right_arithmetic3A_2371, %min3A_2372 : i32
        %shift_left3A_2374 = arith.constant 7 : i32
        %shift_left3A_2375 = arith.shli %min3A_2373, %shift_left3A_2374 : i32
        %shift_right_arithmetic3A_2376 = arith.constant 7 : i32
        %shift_right_arithmetic3A_2377 = arith.shrsi %squeeze3A_788, %shift_right_arithmetic3A_2376 : i32
        %min3A_2378 = arith.constant 7811 : i32
        %min3A_2379 = arith.minsi %shift_right_arithmetic3A_2377, %min3A_2378 : i32
        %shift_left3A_2380 = arith.constant 7 : i32
        %shift_left3A_2381 = arith.shli %min3A_2379, %shift_left3A_2380 : i32
        %multiple_of3A_2382 = tpu.assume_multiple %shift_left3A_2375, 128 : i32
        %dma_start3A_2383 = arith.constant 0 : i32
        %dma_start3A_2384 = tpu.memref_slice %arg4[%dma_start3A_2383, %multiple_of3A_2382] : memref<32x1000000xf32, #tpu.memory_space<hbm>> -> memref<32x128xf32, #tpu.memory_space<hbm>>
        %dma_start3A_2385 = arith.constant 0 : i32
        %dma_start3A_2386 = tpu.memref_slice %arg4[%dma_start3A_2385, %multiple_of3A_2382] : memref<32x1000000xf32, #tpu.memory_space<hbm>> -> memref<32x128xf32, #tpu.memory_space<hbm>>
        tpu.enqueue_dma source(%dma_start3A_2386 : memref<32x128xf32, #tpu.memory_space<hbm>>) target(%arg12 : memref<32x128xf32, #tpu.memory_space<vmem>>) target_semaphore(%arg31 : memref<!tpu.dma_semaphore, #tpu.memory_space<semaphore_mem>>)
        %multiple_of3A_2387 = tpu.assume_multiple %shift_left3A_2381, 128 : i32
        %dma_start3A_2388 = arith.constant 0 : i32
        %dma_start3A_2389 = tpu.memref_slice %arg5[%dma_start3A_2388, %multiple_of3A_2387] : memref<32x1000000xf32, #tpu.memory_space<hbm>> -> memref<32x128xf32, #tpu.memory_space<hbm>>
        %dma_start3A_2390 = arith.constant 0 : i32
        %dma_start3A_2391 = tpu.memref_slice %arg5[%dma_start3A_2390, %multiple_of3A_2387] : memref<32x1000000xf32, #tpu.memory_space<hbm>> -> memref<32x128xf32, #tpu.memory_space<hbm>>
        tpu.enqueue_dma source(%dma_start3A_2391 : memref<32x128xf32, #tpu.memory_space<hbm>>) target(%arg20 : memref<32x128xf32, #tpu.memory_space<vmem>>) target_semaphore(%arg39 : memref<!tpu.dma_semaphore, #tpu.memory_space<semaphore_mem>>)
      } else {
      }
      %mul3A_798 = arith.constant 16 : i32
      %mul3A_799 = arith.muli %add3A_262, %mul3A_798 : i32
      %add3A_800 = arith.constant 4 : i32
      %add3A_801 = arith.addi %mul3A_799, %add3A_800 : i32
      %dma_wait3A_802 = arith.constant 0 : i32
      %dma_wait3A_803 = arith.constant 0 : i32
      %dma_wait3A_804 = tpu.memref_slice %arg4[%dma_wait3A_802, %dma_wait3A_803] : memref<32x1000000xf32, #tpu.memory_space<hbm>> -> memref<32x128xf32, #tpu.memory_space<hbm>>
      %dma_wait3A_805 = arith.constant 0 : i32
      %dma_wait3A_806 = arith.constant 0 : i32
      %dma_wait3A_807 = tpu.memref_slice %arg4[%dma_wait3A_805, %dma_wait3A_806] : memref<32x1000000xf32, #tpu.memory_space<hbm>> -> memref<32x128xf32, #tpu.memory_space<hbm>>
      tpu.wait_dma2 semaphore(%arg32 : memref<!tpu.dma_semaphore, #tpu.memory_space<semaphore_mem>>) src(%dma_wait3A_807 : memref<32x128xf32, #tpu.memory_space<hbm>>) dst(%arg13 : memref<32x128xf32, #tpu.memory_space<vmem>>)
      %dma_wait3A_808 = arith.constant 0 : i32
      %dma_wait3A_809 = arith.constant 0 : i32
      %dma_wait3A_810 = tpu.memref_slice %arg5[%dma_wait3A_808, %dma_wait3A_809] : memref<32x1000000xf32, #tpu.memory_space<hbm>> -> memref<32x128xf32, #tpu.memory_space<hbm>>
      %dma_wait3A_811 = arith.constant 0 : i32
      %dma_wait3A_812 = arith.constant 0 : i32
      %dma_wait3A_813 = tpu.memref_slice %arg5[%dma_wait3A_811, %dma_wait3A_812] : memref<32x1000000xf32, #tpu.memory_space<hbm>> -> memref<32x128xf32, #tpu.memory_space<hbm>>
      tpu.wait_dma2 semaphore(%arg40 : memref<!tpu.dma_semaphore, #tpu.memory_space<semaphore_mem>>) src(%dma_wait3A_813 : memref<32x128xf32, #tpu.memory_space<hbm>>) dst(%arg21 : memref<32x128xf32, #tpu.memory_space<vmem>>)
      %slice3A_814 = vector.extract_strided_slice %get3A_266 {offsets = [4], sizes = [1], strides = [1]} : vector<16xi32> to vector<1xi32>
      %squeeze3A_815 = vector.extract %slice3A_814[0] : i32 from vector<1xi32>
      %and3A_816 = arith.constant 127 : i32
      %and3A_817 = arith.andi %squeeze3A_815, %and3A_816 : i32
      %ge3A_818 = arith.constant 999936 : i32
      %ge3A_819 = arith.cmpi sge, %squeeze3A_815, %ge3A_818 : i32
      %sub3A_820 = arith.constant 999936 : i32
      %sub3A_821 = arith.subi %squeeze3A_815, %sub3A_820 : i32
      %jit3A_822 = arith.constant 0 : i32
      %select_n3A_823 = arith.select %ge3A_819, %sub3A_821, %jit3A_822 : i32
      %add3A_824 = arith.constant 0 : i32
      %add3A_825 = vector.broadcast %add3A_824 : i32 to vector<16xi32>
      %add3A_826 = arith.addi %iota3A, %add3A_825 : vector<16xi32>
      %mul3A_827 = arith.constant 0 : i32
      %mul3A_828 = vector.broadcast %mul3A_827 : i32 to vector<16xi32>
      %mul3A_829 = arith.muli %iota3A, %mul3A_828 : vector<16xi32>
      %add3A_830 = vector.broadcast %and3A_817 : i32 to vector<16xi32>
      %add3A_831 = arith.addi %add3A_830, %mul3A_829 : vector<16xi32>
      %gather3A_832 = tpu.vector_load_idx %arg13[%add3A_826, %add3A_831] : memref<32x128xf32, #tpu.memory_space<vmem>>[vector<16xi32>, vector<16xi32>], vector<16xf32>,
      %mul3A_833 = arith.constant 0 : i32
      %mul3A_834 = vector.broadcast %mul3A_833 : i32 to vector<16xi32>
      %mul3A_835 = arith.muli %iota3A, %mul3A_834 : vector<16xi32>
      %add3A_836 = vector.broadcast %select_n3A_823 : i32 to vector<16xi32>
      %add3A_837 = arith.addi %add3A_836, %mul3A_835 : vector<16xi32>
      %gather3A_838 = tpu.vector_load_idx %arg25[%add3A_826, %add3A_837] : memref<32x64xf32, #tpu.memory_space<vmem>>[vector<16xi32>, vector<16xi32>], vector<16xf32>,
      %select_n3A_839 = arith.select %ge3A_819, %gather3A_838, %gather3A_832 : vector<16xf32>
      %add3A_840 = arith.constant 16 : i32
      %add3A_841 = vector.broadcast %add3A_840 : i32 to vector<16xi32>
      %add3A_842 = arith.addi %iota3A, %add3A_841 : vector<16xi32>
      %mul3A_843 = arith.constant 0 : i32
      %mul3A_844 = vector.broadcast %mul3A_843 : i32 to vector<16xi32>
      %mul3A_845 = arith.muli %iota3A, %mul3A_844 : vector<16xi32>
      %add3A_846 = vector.broadcast %and3A_817 : i32 to vector<16xi32>
      %add3A_847 = arith.addi %add3A_846, %mul3A_845 : vector<16xi32>
      %gather3A_848 = tpu.vector_load_idx %arg13[%add3A_842, %add3A_847] : memref<32x128xf32, #tpu.memory_space<vmem>>[vector<16xi32>, vector<16xi32>], vector<16xf32>,
      %mul3A_849 = arith.constant 0 : i32
      %mul3A_850 = vector.broadcast %mul3A_849 : i32 to vector<16xi32>
      %mul3A_851 = arith.muli %iota3A, %mul3A_850 : vector<16xi32>
      %add3A_852 = vector.broadcast %select_n3A_823 : i32 to vector<16xi32>
      %add3A_853 = arith.addi %add3A_852, %mul3A_851 : vector<16xi32>
      %gather3A_854 = tpu.vector_load_idx %arg25[%add3A_842, %add3A_853] : memref<32x64xf32, #tpu.memory_space<vmem>>[vector<16xi32>, vector<16xi32>], vector<16xf32>,
      %select_n3A_855 = arith.select %ge3A_819, %gather3A_854, %gather3A_848 : vector<16xf32>
      %slice3A_856 = vector.extract_strided_slice %get3A_270 {offsets = [4], sizes = [1], strides = [1]} : vector<16xi32> to vector<1xi32>
      %squeeze3A_857 = vector.extract %slice3A_856[0] : i32 from vector<1xi32>
      %and3A_858 = arith.constant 127 : i32
      %and3A_859 = arith.andi %squeeze3A_857, %and3A_858 : i32
      %ge3A_860 = arith.constant 999936 : i32
      %ge3A_861 = arith.cmpi sge, %squeeze3A_857, %ge3A_860 : i32
      %sub3A_862 = arith.constant 999936 : i32
      %sub3A_863 = arith.subi %squeeze3A_857, %sub3A_862 : i32
      %jit3A_864 = arith.constant 0 : i32
      %select_n3A_865 = arith.select %ge3A_861, %sub3A_863, %jit3A_864 : i32
      %add3A_866 = arith.constant 0 : i32
      %add3A_867 = vector.broadcast %add3A_866 : i32 to vector<16xi32>
      %add3A_868 = arith.addi %iota3A, %add3A_867 : vector<16xi32>
      %mul3A_869 = arith.constant 0 : i32
      %mul3A_870 = vector.broadcast %mul3A_869 : i32 to vector<16xi32>
      %mul3A_871 = arith.muli %iota3A, %mul3A_870 : vector<16xi32>
      %add3A_872 = vector.broadcast %and3A_859 : i32 to vector<16xi32>
      %add3A_873 = arith.addi %add3A_872, %mul3A_871 : vector<16xi32>
      %gather3A_874 = tpu.vector_load_idx %arg21[%add3A_868, %add3A_873] : memref<32x128xf32, #tpu.memory_space<vmem>>[vector<16xi32>, vector<16xi32>], vector<16xf32>,
      %mul3A_875 = arith.constant 0 : i32
      %mul3A_876 = vector.broadcast %mul3A_875 : i32 to vector<16xi32>
      %mul3A_877 = arith.muli %iota3A, %mul3A_876 : vector<16xi32>
      %add3A_878 = vector.broadcast %select_n3A_865 : i32 to vector<16xi32>
      %add3A_879 = arith.addi %add3A_878, %mul3A_877 : vector<16xi32>
      %gather3A_880 = tpu.vector_load_idx %arg26[%add3A_868, %add3A_879] : memref<32x64xf32, #tpu.memory_space<vmem>>[vector<16xi32>, vector<16xi32>], vector<16xf32>,
      %select_n3A_881 = arith.select %ge3A_861, %gather3A_880, %gather3A_874 : vector<16xf32>
      %add3A_882 = arith.constant 16 : i32
      %add3A_883 = vector.broadcast %add3A_882 : i32 to vector<16xi32>
      %add3A_884 = arith.addi %iota3A, %add3A_883 : vector<16xi32>
      %mul3A_885 = arith.constant 0 : i32
      %mul3A_886 = vector.broadcast %mul3A_885 : i32 to vector<16xi32>
      %mul3A_887 = arith.muli %iota3A, %mul3A_886 : vector<16xi32>
      %add3A_888 = vector.broadcast %and3A_859 : i32 to vector<16xi32>
      %add3A_889 = arith.addi %add3A_888, %mul3A_887 : vector<16xi32>
      %gather3A_890 = tpu.vector_load_idx %arg21[%add3A_884, %add3A_889] : memref<32x128xf32, #tpu.memory_space<vmem>>[vector<16xi32>, vector<16xi32>], vector<16xf32>,
      %mul3A_891 = arith.constant 0 : i32
      %mul3A_892 = vector.broadcast %mul3A_891 : i32 to vector<16xi32>
      %mul3A_893 = arith.muli %iota3A, %mul3A_892 : vector<16xi32>
      %add3A_894 = vector.broadcast %select_n3A_865 : i32 to vector<16xi32>
      %add3A_895 = arith.addi %add3A_894, %mul3A_893 : vector<16xi32>
      %gather3A_896 = tpu.vector_load_idx %arg26[%add3A_884, %add3A_895] : memref<32x64xf32, #tpu.memory_space<vmem>>[vector<16xi32>, vector<16xi32>], vector<16xf32>,
      %select_n3A_897 = arith.select %ge3A_861, %gather3A_896, %gather3A_890 : vector<16xf32>
      %add3A_898 = arith.constant 0 : i32
      %add3A_899 = vector.broadcast %add3A_898 : i32 to vector<16xi32>
      %add3A_900 = arith.addi %iota3A, %add3A_899 : vector<16xi32>
      %mul3A_901 = arith.constant 0 : i32
      %mul3A_902 = vector.broadcast %mul3A_901 : i32 to vector<16xi32>
      %mul3A_903 = arith.muli %iota3A, %mul3A_902 : vector<16xi32>
      %add3A_904 = vector.broadcast %add3A_801 : i32 to vector<16xi32>
      %add3A_905 = arith.addi %add3A_904, %mul3A_903 : vector<16xi32>
      %mul3A_906 = arith.mulf %select_n3A_839, %select_n3A_881 : vector<16xf32>
      tpu.vector_store_idx %arg27[%add3A_900, %add3A_905], %mul3A_906 : memref<32x512xf32, #tpu.memory_space<vmem>>[vector<16xi32>, vector<16xi32>], vector<16xf32>,
      %add3A_907 = arith.constant 16 : i32
      %add3A_908 = vector.broadcast %add3A_907 : i32 to vector<16xi32>
      %add3A_909 = arith.addi %iota3A, %add3A_908 : vector<16xi32>
      %mul3A_910 = arith.constant 0 : i32
      %mul3A_911 = vector.broadcast %mul3A_910 : i32 to vector<16xi32>
      %mul3A_912 = arith.muli %iota3A, %mul3A_911 : vector<16xi32>
      %add3A_913 = vector.broadcast %add3A_801 : i32 to vector<16xi32>
      %add3A_914 = arith.addi %add3A_913, %mul3A_912 : vector<16xi32>
      %mul3A_915 = arith.mulf %select_n3A_855, %select_n3A_897 : vector<16xf32>
      tpu.vector_store_idx %arg27[%add3A_909, %add3A_914], %mul3A_915 : memref<32x512xf32, #tpu.memory_space<vmem>>[vector<16xi32>, vector<16xi32>], vector<16xf32>,
      %slice3A_916 = vector.extract_strided_slice %get3A_266 {offsets = [12], sizes = [1], strides = [1]} : vector<16xi32> to vector<1xi32>
      %squeeze3A_917 = vector.extract %slice3A_916[0] : i32 from vector<1xi32>
      %slice3A_918 = vector.extract_strided_slice %get3A_270 {offsets = [12], sizes = [1], strides = [1]} : vector<16xi32> to vector<1xi32>
      %squeeze3A_919 = vector.extract %slice3A_918[0] : i32 from vector<1xi32>
      %add3A_920 = arith.constant 8 : i32
      %add3A_921 = arith.addi %add3A_801, %add3A_920 : i32
      %lt3A_922 = arith.constant 512 : i32
      %lt3A_923 = arith.cmpi slt, %add3A_921, %lt3A_922 : i32
      %and3A_924 = arith.constant true
      %and3A_925 = arith.andi %lt3A_923, %and3A_924 : i1
      %convert_element_type3A_926 = arith.extui %and3A_925 : i1 to i32
      %cond3A_927 = arith.constant 0 : i32
      %cond3A_928 = arith.cmpi ne, %convert_element_type3A_926, %cond3A_927 : i32
      scf.if %cond3A_928 {
        %shift_right_arithmetic3A_2370 = arith.constant 7 : i32
        %shift_right_arithmetic3A_2371 = arith.shrsi %squeeze3A_917, %shift_right_arithmetic3A_2370 : i32
        %min3A_2372 = arith.constant 7811 : i32
        %min3A_2373 = arith.minsi %shift_right_arithmetic3A_2371, %min3A_2372 : i32
        %shift_left3A_2374 = arith.constant 7 : i32
        %shift_left3A_2375 = arith.shli %min3A_2373, %shift_left3A_2374 : i32
        %shift_right_arithmetic3A_2376 = arith.constant 7 : i32
        %shift_right_arithmetic3A_2377 = arith.shrsi %squeeze3A_919, %shift_right_arithmetic3A_2376 : i32
        %min3A_2378 = arith.constant 7811 : i32
        %min3A_2379 = arith.minsi %shift_right_arithmetic3A_2377, %min3A_2378 : i32
        %shift_left3A_2380 = arith.constant 7 : i32
        %shift_left3A_2381 = arith.shli %min3A_2379, %shift_left3A_2380 : i32
        %multiple_of3A_2382 = tpu.assume_multiple %shift_left3A_2375, 128 : i32
        %dma_start3A_2383 = arith.constant 0 : i32
        %dma_start3A_2384 = tpu.memref_slice %arg4[%dma_start3A_2383, %multiple_of3A_2382] : memref<32x1000000xf32, #tpu.memory_space<hbm>> -> memref<32x128xf32, #tpu.memory_space<hbm>>
        %dma_start3A_2385 = arith.constant 0 : i32
        %dma_start3A_2386 = tpu.memref_slice %arg4[%dma_start3A_2385, %multiple_of3A_2382] : memref<32x1000000xf32, #tpu.memory_space<hbm>> -> memref<32x128xf32, #tpu.memory_space<hbm>>
        tpu.enqueue_dma source(%dma_start3A_2386 : memref<32x128xf32, #tpu.memory_space<hbm>>) target(%arg13 : memref<32x128xf32, #tpu.memory_space<vmem>>) target_semaphore(%arg32 : memref<!tpu.dma_semaphore, #tpu.memory_space<semaphore_mem>>)
        %multiple_of3A_2387 = tpu.assume_multiple %shift_left3A_2381, 128 : i32
        %dma_start3A_2388 = arith.constant 0 : i32
        %dma_start3A_2389 = tpu.memref_slice %arg5[%dma_start3A_2388, %multiple_of3A_2387] : memref<32x1000000xf32, #tpu.memory_space<hbm>> -> memref<32x128xf32, #tpu.memory_space<hbm>>
        %dma_start3A_2390 = arith.constant 0 : i32
        %dma_start3A_2391 = tpu.memref_slice %arg5[%dma_start3A_2390, %multiple_of3A_2387] : memref<32x1000000xf32, #tpu.memory_space<hbm>> -> memref<32x128xf32, #tpu.memory_space<hbm>>
        tpu.enqueue_dma source(%dma_start3A_2391 : memref<32x128xf32, #tpu.memory_space<hbm>>) target(%arg21 : memref<32x128xf32, #tpu.memory_space<vmem>>) target_semaphore(%arg40 : memref<!tpu.dma_semaphore, #tpu.memory_space<semaphore_mem>>)
      } else {
      }
      %mul3A_929 = arith.constant 16 : i32
      %mul3A_930 = arith.muli %add3A_262, %mul3A_929 : i32
      %add3A_931 = arith.constant 5 : i32
      %add3A_932 = arith.addi %mul3A_930, %add3A_931 : i32
      %dma_wait3A_933 = arith.constant 0 : i32
      %dma_wait3A_934 = arith.constant 0 : i32
      %dma_wait3A_935 = tpu.memref_slice %arg4[%dma_wait3A_933, %dma_wait3A_934] : memref<32x1000000xf32, #tpu.memory_space<hbm>> -> memref<32x128xf32, #tpu.memory_space<hbm>>
      %dma_wait3A_936 = arith.constant 0 : i32
      %dma_wait3A_937 = arith.constant 0 : i32
      %dma_wait3A_938 = tpu.memref_slice %arg4[%dma_wait3A_936, %dma_wait3A_937] : memref<32x1000000xf32, #tpu.memory_space<hbm>> -> memref<32x128xf32, #tpu.memory_space<hbm>>
      tpu.wait_dma2 semaphore(%arg33 : memref<!tpu.dma_semaphore, #tpu.memory_space<semaphore_mem>>) src(%dma_wait3A_938 : memref<32x128xf32, #tpu.memory_space<hbm>>) dst(%arg14 : memref<32x128xf32, #tpu.memory_space<vmem>>)
      %dma_wait3A_939 = arith.constant 0 : i32
      %dma_wait3A_940 = arith.constant 0 : i32
      %dma_wait3A_941 = tpu.memref_slice %arg5[%dma_wait3A_939, %dma_wait3A_940] : memref<32x1000000xf32, #tpu.memory_space<hbm>> -> memref<32x128xf32, #tpu.memory_space<hbm>>
      %dma_wait3A_942 = arith.constant 0 : i32
      %dma_wait3A_943 = arith.constant 0 : i32
      %dma_wait3A_944 = tpu.memref_slice %arg5[%dma_wait3A_942, %dma_wait3A_943] : memref<32x1000000xf32, #tpu.memory_space<hbm>> -> memref<32x128xf32, #tpu.memory_space<hbm>>
      tpu.wait_dma2 semaphore(%arg41 : memref<!tpu.dma_semaphore, #tpu.memory_space<semaphore_mem>>) src(%dma_wait3A_944 : memref<32x128xf32, #tpu.memory_space<hbm>>) dst(%arg22 : memref<32x128xf32, #tpu.memory_space<vmem>>)
      %slice3A_945 = vector.extract_strided_slice %get3A_266 {offsets = [5], sizes = [1], strides = [1]} : vector<16xi32> to vector<1xi32>
      %squeeze3A_946 = vector.extract %slice3A_945[0] : i32 from vector<1xi32>
      %and3A_947 = arith.constant 127 : i32
      %and3A_948 = arith.andi %squeeze3A_946, %and3A_947 : i32
      %ge3A_949 = arith.constant 999936 : i32
      %ge3A_950 = arith.cmpi sge, %squeeze3A_946, %ge3A_949 : i32
      %sub3A_951 = arith.constant 999936 : i32
      %sub3A_952 = arith.subi %squeeze3A_946, %sub3A_951 : i32
      %jit3A_953 = arith.constant 0 : i32
      %select_n3A_954 = arith.select %ge3A_950, %sub3A_952, %jit3A_953 : i32
      %add3A_955 = arith.constant 0 : i32
      %add3A_956 = vector.broadcast %add3A_955 : i32 to vector<16xi32>
      %add3A_957 = arith.addi %iota3A, %add3A_956 : vector<16xi32>
      %mul3A_958 = arith.constant 0 : i32
      %mul3A_959 = vector.broadcast %mul3A_958 : i32 to vector<16xi32>
      %mul3A_960 = arith.muli %iota3A, %mul3A_959 : vector<16xi32>
      %add3A_961 = vector.broadcast %and3A_948 : i32 to vector<16xi32>
      %add3A_962 = arith.addi %add3A_961, %mul3A_960 : vector<16xi32>
      %gather3A_963 = tpu.vector_load_idx %arg14[%add3A_957, %add3A_962] : memref<32x128xf32, #tpu.memory_space<vmem>>[vector<16xi32>, vector<16xi32>], vector<16xf32>,
      %mul3A_964 = arith.constant 0 : i32
      %mul3A_965 = vector.broadcast %mul3A_964 : i32 to vector<16xi32>
      %mul3A_966 = arith.muli %iota3A, %mul3A_965 : vector<16xi32>
      %add3A_967 = vector.broadcast %select_n3A_954 : i32 to vector<16xi32>
      %add3A_968 = arith.addi %add3A_967, %mul3A_966 : vector<16xi32>
      %gather3A_969 = tpu.vector_load_idx %arg25[%add3A_957, %add3A_968] : memref<32x64xf32, #tpu.memory_space<vmem>>[vector<16xi32>, vector<16xi32>], vector<16xf32>,
      %select_n3A_970 = arith.select %ge3A_950, %gather3A_969, %gather3A_963 : vector<16xf32>
      %add3A_971 = arith.constant 16 : i32
      %add3A_972 = vector.broadcast %add3A_971 : i32 to vector<16xi32>
      %add3A_973 = arith.addi %iota3A, %add3A_972 : vector<16xi32>
      %mul3A_974 = arith.constant 0 : i32
      %mul3A_975 = vector.broadcast %mul3A_974 : i32 to vector<16xi32>
      %mul3A_976 = arith.muli %iota3A, %mul3A_975 : vector<16xi32>
      %add3A_977 = vector.broadcast %and3A_948 : i32 to vector<16xi32>
      %add3A_978 = arith.addi %add3A_977, %mul3A_976 : vector<16xi32>
      %gather3A_979 = tpu.vector_load_idx %arg14[%add3A_973, %add3A_978] : memref<32x128xf32, #tpu.memory_space<vmem>>[vector<16xi32>, vector<16xi32>], vector<16xf32>,
      %mul3A_980 = arith.constant 0 : i32
      %mul3A_981 = vector.broadcast %mul3A_980 : i32 to vector<16xi32>
      %mul3A_982 = arith.muli %iota3A, %mul3A_981 : vector<16xi32>
      %add3A_983 = vector.broadcast %select_n3A_954 : i32 to vector<16xi32>
      %add3A_984 = arith.addi %add3A_983, %mul3A_982 : vector<16xi32>
      %gather3A_985 = tpu.vector_load_idx %arg25[%add3A_973, %add3A_984] : memref<32x64xf32, #tpu.memory_space<vmem>>[vector<16xi32>, vector<16xi32>], vector<16xf32>,
      %select_n3A_986 = arith.select %ge3A_950, %gather3A_985, %gather3A_979 : vector<16xf32>
      %slice3A_987 = vector.extract_strided_slice %get3A_270 {offsets = [5], sizes = [1], strides = [1]} : vector<16xi32> to vector<1xi32>
      %squeeze3A_988 = vector.extract %slice3A_987[0] : i32 from vector<1xi32>
      %and3A_989 = arith.constant 127 : i32
      %and3A_990 = arith.andi %squeeze3A_988, %and3A_989 : i32
      %ge3A_991 = arith.constant 999936 : i32
      %ge3A_992 = arith.cmpi sge, %squeeze3A_988, %ge3A_991 : i32
      %sub3A_993 = arith.constant 999936 : i32
      %sub3A_994 = arith.subi %squeeze3A_988, %sub3A_993 : i32
      %jit3A_995 = arith.constant 0 : i32
      %select_n3A_996 = arith.select %ge3A_992, %sub3A_994, %jit3A_995 : i32
      %add3A_997 = arith.constant 0 : i32
      %add3A_998 = vector.broadcast %add3A_997 : i32 to vector<16xi32>
      %add3A_999 = arith.addi %iota3A, %add3A_998 : vector<16xi32>
      %mul3A_1000 = arith.constant 0 : i32
      %mul3A_1001 = vector.broadcast %mul3A_1000 : i32 to vector<16xi32>
      %mul3A_1002 = arith.muli %iota3A, %mul3A_1001 : vector<16xi32>
      %add3A_1003 = vector.broadcast %and3A_990 : i32 to vector<16xi32>
      %add3A_1004 = arith.addi %add3A_1003, %mul3A_1002 : vector<16xi32>
      %gather3A_1005 = tpu.vector_load_idx %arg22[%add3A_999, %add3A_1004] : memref<32x128xf32, #tpu.memory_space<vmem>>[vector<16xi32>, vector<16xi32>], vector<16xf32>,
      %mul3A_1006 = arith.constant 0 : i32
      %mul3A_1007 = vector.broadcast %mul3A_1006 : i32 to vector<16xi32>
      %mul3A_1008 = arith.muli %iota3A, %mul3A_1007 : vector<16xi32>
      %add3A_1009 = vector.broadcast %select_n3A_996 : i32 to vector<16xi32>
      %add3A_1010 = arith.addi %add3A_1009, %mul3A_1008 : vector<16xi32>
      %gather3A_1011 = tpu.vector_load_idx %arg26[%add3A_999, %add3A_1010] : memref<32x64xf32, #tpu.memory_space<vmem>>[vector<16xi32>, vector<16xi32>], vector<16xf32>,
      %select_n3A_1012 = arith.select %ge3A_992, %gather3A_1011, %gather3A_1005 : vector<16xf32>
      %add3A_1013 = arith.constant 16 : i32
      %add3A_1014 = vector.broadcast %add3A_1013 : i32 to vector<16xi32>
      %add3A_1015 = arith.addi %iota3A, %add3A_1014 : vector<16xi32>
      %mul3A_1016 = arith.constant 0 : i32
      %mul3A_1017 = vector.broadcast %mul3A_1016 : i32 to vector<16xi32>
      %mul3A_1018 = arith.muli %iota3A, %mul3A_1017 : vector<16xi32>
      %add3A_1019 = vector.broadcast %and3A_990 : i32 to vector<16xi32>
      %add3A_1020 = arith.addi %add3A_1019, %mul3A_1018 : vector<16xi32>
      %gather3A_1021 = tpu.vector_load_idx %arg22[%add3A_1015, %add3A_1020] : memref<32x128xf32, #tpu.memory_space<vmem>>[vector<16xi32>, vector<16xi32>], vector<16xf32>,
      %mul3A_1022 = arith.constant 0 : i32
      %mul3A_1023 = vector.broadcast %mul3A_1022 : i32 to vector<16xi32>
      %mul3A_1024 = arith.muli %iota3A, %mul3A_1023 : vector<16xi32>
      %add3A_1025 = vector.broadcast %select_n3A_996 : i32 to vector<16xi32>
      %add3A_1026 = arith.addi %add3A_1025, %mul3A_1024 : vector<16xi32>
      %gather3A_1027 = tpu.vector_load_idx %arg26[%add3A_1015, %add3A_1026] : memref<32x64xf32, #tpu.memory_space<vmem>>[vector<16xi32>, vector<16xi32>], vector<16xf32>,
      %select_n3A_1028 = arith.select %ge3A_992, %gather3A_1027, %gather3A_1021 : vector<16xf32>
      %add3A_1029 = arith.constant 0 : i32
      %add3A_1030 = vector.broadcast %add3A_1029 : i32 to vector<16xi32>
      %add3A_1031 = arith.addi %iota3A, %add3A_1030 : vector<16xi32>
      %mul3A_1032 = arith.constant 0 : i32
      %mul3A_1033 = vector.broadcast %mul3A_1032 : i32 to vector<16xi32>
      %mul3A_1034 = arith.muli %iota3A, %mul3A_1033 : vector<16xi32>
      %add3A_1035 = vector.broadcast %add3A_932 : i32 to vector<16xi32>
      %add3A_1036 = arith.addi %add3A_1035, %mul3A_1034 : vector<16xi32>
      %mul3A_1037 = arith.mulf %select_n3A_970, %select_n3A_1012 : vector<16xf32>
      tpu.vector_store_idx %arg27[%add3A_1031, %add3A_1036], %mul3A_1037 : memref<32x512xf32, #tpu.memory_space<vmem>>[vector<16xi32>, vector<16xi32>], vector<16xf32>,
      %add3A_1038 = arith.constant 16 : i32
      %add3A_1039 = vector.broadcast %add3A_1038 : i32 to vector<16xi32>
      %add3A_1040 = arith.addi %iota3A, %add3A_1039 : vector<16xi32>
      %mul3A_1041 = arith.constant 0 : i32
      %mul3A_1042 = vector.broadcast %mul3A_1041 : i32 to vector<16xi32>
      %mul3A_1043 = arith.muli %iota3A, %mul3A_1042 : vector<16xi32>
      %add3A_1044 = vector.broadcast %add3A_932 : i32 to vector<16xi32>
      %add3A_1045 = arith.addi %add3A_1044, %mul3A_1043 : vector<16xi32>
      %mul3A_1046 = arith.mulf %select_n3A_986, %select_n3A_1028 : vector<16xf32>
      tpu.vector_store_idx %arg27[%add3A_1040, %add3A_1045], %mul3A_1046 : memref<32x512xf32, #tpu.memory_space<vmem>>[vector<16xi32>, vector<16xi32>], vector<16xf32>,
      %slice3A_1047 = vector.extract_strided_slice %get3A_266 {offsets = [13], sizes = [1], strides = [1]} : vector<16xi32> to vector<1xi32>
      %squeeze3A_1048 = vector.extract %slice3A_1047[0] : i32 from vector<1xi32>
      %slice3A_1049 = vector.extract_strided_slice %get3A_270 {offsets = [13], sizes = [1], strides = [1]} : vector<16xi32> to vector<1xi32>
      %squeeze3A_1050 = vector.extract %slice3A_1049[0] : i32 from vector<1xi32>
      %add3A_1051 = arith.constant 8 : i32
      %add3A_1052 = arith.addi %add3A_932, %add3A_1051 : i32
      %lt3A_1053 = arith.constant 512 : i32
      %lt3A_1054 = arith.cmpi slt, %add3A_1052, %lt3A_1053 : i32
      %and3A_1055 = arith.constant true
      %and3A_1056 = arith.andi %lt3A_1054, %and3A_1055 : i1
      %convert_element_type3A_1057 = arith.extui %and3A_1056 : i1 to i32
      %cond3A_1058 = arith.constant 0 : i32
      %cond3A_1059 = arith.cmpi ne, %convert_element_type3A_1057, %cond3A_1058 : i32
      scf.if %cond3A_1059 {
        %shift_right_arithmetic3A_2370 = arith.constant 7 : i32
        %shift_right_arithmetic3A_2371 = arith.shrsi %squeeze3A_1048, %shift_right_arithmetic3A_2370 : i32
        %min3A_2372 = arith.constant 7811 : i32
        %min3A_2373 = arith.minsi %shift_right_arithmetic3A_2371, %min3A_2372 : i32
        %shift_left3A_2374 = arith.constant 7 : i32
        %shift_left3A_2375 = arith.shli %min3A_2373, %shift_left3A_2374 : i32
        %shift_right_arithmetic3A_2376 = arith.constant 7 : i32
        %shift_right_arithmetic3A_2377 = arith.shrsi %squeeze3A_1050, %shift_right_arithmetic3A_2376 : i32
        %min3A_2378 = arith.constant 7811 : i32
        %min3A_2379 = arith.minsi %shift_right_arithmetic3A_2377, %min3A_2378 : i32
        %shift_left3A_2380 = arith.constant 7 : i32
        %shift_left3A_2381 = arith.shli %min3A_2379, %shift_left3A_2380 : i32
        %multiple_of3A_2382 = tpu.assume_multiple %shift_left3A_2375, 128 : i32
        %dma_start3A_2383 = arith.constant 0 : i32
        %dma_start3A_2384 = tpu.memref_slice %arg4[%dma_start3A_2383, %multiple_of3A_2382] : memref<32x1000000xf32, #tpu.memory_space<hbm>> -> memref<32x128xf32, #tpu.memory_space<hbm>>
        %dma_start3A_2385 = arith.constant 0 : i32
        %dma_start3A_2386 = tpu.memref_slice %arg4[%dma_start3A_2385, %multiple_of3A_2382] : memref<32x1000000xf32, #tpu.memory_space<hbm>> -> memref<32x128xf32, #tpu.memory_space<hbm>>
        tpu.enqueue_dma source(%dma_start3A_2386 : memref<32x128xf32, #tpu.memory_space<hbm>>) target(%arg14 : memref<32x128xf32, #tpu.memory_space<vmem>>) target_semaphore(%arg33 : memref<!tpu.dma_semaphore, #tpu.memory_space<semaphore_mem>>)
        %multiple_of3A_2387 = tpu.assume_multiple %shift_left3A_2381, 128 : i32
        %dma_start3A_2388 = arith.constant 0 : i32
        %dma_start3A_2389 = tpu.memref_slice %arg5[%dma_start3A_2388, %multiple_of3A_2387] : memref<32x1000000xf32, #tpu.memory_space<hbm>> -> memref<32x128xf32, #tpu.memory_space<hbm>>
        %dma_start3A_2390 = arith.constant 0 : i32
        %dma_start3A_2391 = tpu.memref_slice %arg5[%dma_start3A_2390, %multiple_of3A_2387] : memref<32x1000000xf32, #tpu.memory_space<hbm>> -> memref<32x128xf32, #tpu.memory_space<hbm>>
        tpu.enqueue_dma source(%dma_start3A_2391 : memref<32x128xf32, #tpu.memory_space<hbm>>) target(%arg22 : memref<32x128xf32, #tpu.memory_space<vmem>>) target_semaphore(%arg41 : memref<!tpu.dma_semaphore, #tpu.memory_space<semaphore_mem>>)
      } else {
      }
      %mul3A_1060 = arith.constant 16 : i32
      %mul3A_1061 = arith.muli %add3A_262, %mul3A_1060 : i32
      %add3A_1062 = arith.constant 6 : i32
      %add3A_1063 = arith.addi %mul3A_1061, %add3A_1062 : i32
      %dma_wait3A_1064 = arith.constant 0 : i32
      %dma_wait3A_1065 = arith.constant 0 : i32
      %dma_wait3A_1066 = tpu.memref_slice %arg4[%dma_wait3A_1064, %dma_wait3A_1065] : memref<32x1000000xf32, #tpu.memory_space<hbm>> -> memref<32x128xf32, #tpu.memory_space<hbm>>
      %dma_wait3A_1067 = arith.constant 0 : i32
      %dma_wait3A_1068 = arith.constant 0 : i32
      %dma_wait3A_1069 = tpu.memref_slice %arg4[%dma_wait3A_1067, %dma_wait3A_1068] : memref<32x1000000xf32, #tpu.memory_space<hbm>> -> memref<32x128xf32, #tpu.memory_space<hbm>>
      tpu.wait_dma2 semaphore(%arg34 : memref<!tpu.dma_semaphore, #tpu.memory_space<semaphore_mem>>) src(%dma_wait3A_1069 : memref<32x128xf32, #tpu.memory_space<hbm>>) dst(%arg15 : memref<32x128xf32, #tpu.memory_space<vmem>>)
      %dma_wait3A_1070 = arith.constant 0 : i32
      %dma_wait3A_1071 = arith.constant 0 : i32
      %dma_wait3A_1072 = tpu.memref_slice %arg5[%dma_wait3A_1070, %dma_wait3A_1071] : memref<32x1000000xf32, #tpu.memory_space<hbm>> -> memref<32x128xf32, #tpu.memory_space<hbm>>
      %dma_wait3A_1073 = arith.constant 0 : i32
      %dma_wait3A_1074 = arith.constant 0 : i32
      %dma_wait3A_1075 = tpu.memref_slice %arg5[%dma_wait3A_1073, %dma_wait3A_1074] : memref<32x1000000xf32, #tpu.memory_space<hbm>> -> memref<32x128xf32, #tpu.memory_space<hbm>>
      tpu.wait_dma2 semaphore(%arg42 : memref<!tpu.dma_semaphore, #tpu.memory_space<semaphore_mem>>) src(%dma_wait3A_1075 : memref<32x128xf32, #tpu.memory_space<hbm>>) dst(%arg23 : memref<32x128xf32, #tpu.memory_space<vmem>>)
      %slice3A_1076 = vector.extract_strided_slice %get3A_266 {offsets = [6], sizes = [1], strides = [1]} : vector<16xi32> to vector<1xi32>
      %squeeze3A_1077 = vector.extract %slice3A_1076[0] : i32 from vector<1xi32>
      %and3A_1078 = arith.constant 127 : i32
      %and3A_1079 = arith.andi %squeeze3A_1077, %and3A_1078 : i32
      %ge3A_1080 = arith.constant 999936 : i32
      %ge3A_1081 = arith.cmpi sge, %squeeze3A_1077, %ge3A_1080 : i32
      %sub3A_1082 = arith.constant 999936 : i32
      %sub3A_1083 = arith.subi %squeeze3A_1077, %sub3A_1082 : i32
      %jit3A_1084 = arith.constant 0 : i32
      %select_n3A_1085 = arith.select %ge3A_1081, %sub3A_1083, %jit3A_1084 : i32
      %add3A_1086 = arith.constant 0 : i32
      %add3A_1087 = vector.broadcast %add3A_1086 : i32 to vector<16xi32>
      %add3A_1088 = arith.addi %iota3A, %add3A_1087 : vector<16xi32>
      %mul3A_1089 = arith.constant 0 : i32
      %mul3A_1090 = vector.broadcast %mul3A_1089 : i32 to vector<16xi32>
      %mul3A_1091 = arith.muli %iota3A, %mul3A_1090 : vector<16xi32>
      %add3A_1092 = vector.broadcast %and3A_1079 : i32 to vector<16xi32>
      %add3A_1093 = arith.addi %add3A_1092, %mul3A_1091 : vector<16xi32>
      %gather3A_1094 = tpu.vector_load_idx %arg15[%add3A_1088, %add3A_1093] : memref<32x128xf32, #tpu.memory_space<vmem>>[vector<16xi32>, vector<16xi32>], vector<16xf32>,
      %mul3A_1095 = arith.constant 0 : i32
      %mul3A_1096 = vector.broadcast %mul3A_1095 : i32 to vector<16xi32>
      %mul3A_1097 = arith.muli %iota3A, %mul3A_1096 : vector<16xi32>
      %add3A_1098 = vector.broadcast %select_n3A_1085 : i32 to vector<16xi32>
      %add3A_1099 = arith.addi %add3A_1098, %mul3A_1097 : vector<16xi32>
      %gather3A_1100 = tpu.vector_load_idx %arg25[%add3A_1088, %add3A_1099] : memref<32x64xf32, #tpu.memory_space<vmem>>[vector<16xi32>, vector<16xi32>], vector<16xf32>,
      %select_n3A_1101 = arith.select %ge3A_1081, %gather3A_1100, %gather3A_1094 : vector<16xf32>
      %add3A_1102 = arith.constant 16 : i32
      %add3A_1103 = vector.broadcast %add3A_1102 : i32 to vector<16xi32>
      %add3A_1104 = arith.addi %iota3A, %add3A_1103 : vector<16xi32>
      %mul3A_1105 = arith.constant 0 : i32
      %mul3A_1106 = vector.broadcast %mul3A_1105 : i32 to vector<16xi32>
      %mul3A_1107 = arith.muli %iota3A, %mul3A_1106 : vector<16xi32>
      %add3A_1108 = vector.broadcast %and3A_1079 : i32 to vector<16xi32>
      %add3A_1109 = arith.addi %add3A_1108, %mul3A_1107 : vector<16xi32>
      %gather3A_1110 = tpu.vector_load_idx %arg15[%add3A_1104, %add3A_1109] : memref<32x128xf32, #tpu.memory_space<vmem>>[vector<16xi32>, vector<16xi32>], vector<16xf32>,
      %mul3A_1111 = arith.constant 0 : i32
      %mul3A_1112 = vector.broadcast %mul3A_1111 : i32 to vector<16xi32>
      %mul3A_1113 = arith.muli %iota3A, %mul3A_1112 : vector<16xi32>
      %add3A_1114 = vector.broadcast %select_n3A_1085 : i32 to vector<16xi32>
      %add3A_1115 = arith.addi %add3A_1114, %mul3A_1113 : vector<16xi32>
      %gather3A_1116 = tpu.vector_load_idx %arg25[%add3A_1104, %add3A_1115] : memref<32x64xf32, #tpu.memory_space<vmem>>[vector<16xi32>, vector<16xi32>], vector<16xf32>,
      %select_n3A_1117 = arith.select %ge3A_1081, %gather3A_1116, %gather3A_1110 : vector<16xf32>
      %slice3A_1118 = vector.extract_strided_slice %get3A_270 {offsets = [6], sizes = [1], strides = [1]} : vector<16xi32> to vector<1xi32>
      %squeeze3A_1119 = vector.extract %slice3A_1118[0] : i32 from vector<1xi32>
      %and3A_1120 = arith.constant 127 : i32
      %and3A_1121 = arith.andi %squeeze3A_1119, %and3A_1120 : i32
      %ge3A_1122 = arith.constant 999936 : i32
      %ge3A_1123 = arith.cmpi sge, %squeeze3A_1119, %ge3A_1122 : i32
      %sub3A_1124 = arith.constant 999936 : i32
      %sub3A_1125 = arith.subi %squeeze3A_1119, %sub3A_1124 : i32
      %jit3A_1126 = arith.constant 0 : i32
      %select_n3A_1127 = arith.select %ge3A_1123, %sub3A_1125, %jit3A_1126 : i32
      %add3A_1128 = arith.constant 0 : i32
      %add3A_1129 = vector.broadcast %add3A_1128 : i32 to vector<16xi32>
      %add3A_1130 = arith.addi %iota3A, %add3A_1129 : vector<16xi32>
      %mul3A_1131 = arith.constant 0 : i32
      %mul3A_1132 = vector.broadcast %mul3A_1131 : i32 to vector<16xi32>
      %mul3A_1133 = arith.muli %iota3A, %mul3A_1132 : vector<16xi32>
      %add3A_1134 = vector.broadcast %and3A_1121 : i32 to vector<16xi32>
      %add3A_1135 = arith.addi %add3A_1134, %mul3A_1133 : vector<16xi32>
      %gather3A_1136 = tpu.vector_load_idx %arg23[%add3A_1130, %add3A_1135] : memref<32x128xf32, #tpu.memory_space<vmem>>[vector<16xi32>, vector<16xi32>], vector<16xf32>,
      %mul3A_1137 = arith.constant 0 : i32
      %mul3A_1138 = vector.broadcast %mul3A_1137 : i32 to vector<16xi32>
      %mul3A_1139 = arith.muli %iota3A, %mul3A_1138 : vector<16xi32>
      %add3A_1140 = vector.broadcast %select_n3A_1127 : i32 to vector<16xi32>
      %add3A_1141 = arith.addi %add3A_1140, %mul3A_1139 : vector<16xi32>
      %gather3A_1142 = tpu.vector_load_idx %arg26[%add3A_1130, %add3A_1141] : memref<32x64xf32, #tpu.memory_space<vmem>>[vector<16xi32>, vector<16xi32>], vector<16xf32>,
      %select_n3A_1143 = arith.select %ge3A_1123, %gather3A_1142, %gather3A_1136 : vector<16xf32>
      %add3A_1144 = arith.constant 16 : i32
      %add3A_1145 = vector.broadcast %add3A_1144 : i32 to vector<16xi32>
      %add3A_1146 = arith.addi %iota3A, %add3A_1145 : vector<16xi32>
      %mul3A_1147 = arith.constant 0 : i32
      %mul3A_1148 = vector.broadcast %mul3A_1147 : i32 to vector<16xi32>
      %mul3A_1149 = arith.muli %iota3A, %mul3A_1148 : vector<16xi32>
      %add3A_1150 = vector.broadcast %and3A_1121 : i32 to vector<16xi32>
      %add3A_1151 = arith.addi %add3A_1150, %mul3A_1149 : vector<16xi32>
      %gather3A_1152 = tpu.vector_load_idx %arg23[%add3A_1146, %add3A_1151] : memref<32x128xf32, #tpu.memory_space<vmem>>[vector<16xi32>, vector<16xi32>], vector<16xf32>,
      %mul3A_1153 = arith.constant 0 : i32
      %mul3A_1154 = vector.broadcast %mul3A_1153 : i32 to vector<16xi32>
      %mul3A_1155 = arith.muli %iota3A, %mul3A_1154 : vector<16xi32>
      %add3A_1156 = vector.broadcast %select_n3A_1127 : i32 to vector<16xi32>
      %add3A_1157 = arith.addi %add3A_1156, %mul3A_1155 : vector<16xi32>
      %gather3A_1158 = tpu.vector_load_idx %arg26[%add3A_1146, %add3A_1157] : memref<32x64xf32, #tpu.memory_space<vmem>>[vector<16xi32>, vector<16xi32>], vector<16xf32>,
      %select_n3A_1159 = arith.select %ge3A_1123, %gather3A_1158, %gather3A_1152 : vector<16xf32>
      %add3A_1160 = arith.constant 0 : i32
      %add3A_1161 = vector.broadcast %add3A_1160 : i32 to vector<16xi32>
      %add3A_1162 = arith.addi %iota3A, %add3A_1161 : vector<16xi32>
      %mul3A_1163 = arith.constant 0 : i32
      %mul3A_1164 = vector.broadcast %mul3A_1163 : i32 to vector<16xi32>
      %mul3A_1165 = arith.muli %iota3A, %mul3A_1164 : vector<16xi32>
      %add3A_1166 = vector.broadcast %add3A_1063 : i32 to vector<16xi32>
      %add3A_1167 = arith.addi %add3A_1166, %mul3A_1165 : vector<16xi32>
      %mul3A_1168 = arith.mulf %select_n3A_1101, %select_n3A_1143 : vector<16xf32>
      tpu.vector_store_idx %arg27[%add3A_1162, %add3A_1167], %mul3A_1168 : memref<32x512xf32, #tpu.memory_space<vmem>>[vector<16xi32>, vector<16xi32>], vector<16xf32>,
      %add3A_1169 = arith.constant 16 : i32
      %add3A_1170 = vector.broadcast %add3A_1169 : i32 to vector<16xi32>
      %add3A_1171 = arith.addi %iota3A, %add3A_1170 : vector<16xi32>
      %mul3A_1172 = arith.constant 0 : i32
      %mul3A_1173 = vector.broadcast %mul3A_1172 : i32 to vector<16xi32>
      %mul3A_1174 = arith.muli %iota3A, %mul3A_1173 : vector<16xi32>
      %add3A_1175 = vector.broadcast %add3A_1063 : i32 to vector<16xi32>
      %add3A_1176 = arith.addi %add3A_1175, %mul3A_1174 : vector<16xi32>
      %mul3A_1177 = arith.mulf %select_n3A_1117, %select_n3A_1159 : vector<16xf32>
      tpu.vector_store_idx %arg27[%add3A_1171, %add3A_1176], %mul3A_1177 : memref<32x512xf32, #tpu.memory_space<vmem>>[vector<16xi32>, vector<16xi32>], vector<16xf32>,
      %slice3A_1178 = vector.extract_strided_slice %get3A_266 {offsets = [14], sizes = [1], strides = [1]} : vector<16xi32> to vector<1xi32>
      %squeeze3A_1179 = vector.extract %slice3A_1178[0] : i32 from vector<1xi32>
      %slice3A_1180 = vector.extract_strided_slice %get3A_270 {offsets = [14], sizes = [1], strides = [1]} : vector<16xi32> to vector<1xi32>
      %squeeze3A_1181 = vector.extract %slice3A_1180[0] : i32 from vector<1xi32>
      %add3A_1182 = arith.constant 8 : i32
      %add3A_1183 = arith.addi %add3A_1063, %add3A_1182 : i32
      %lt3A_1184 = arith.constant 512 : i32
      %lt3A_1185 = arith.cmpi slt, %add3A_1183, %lt3A_1184 : i32
      %and3A_1186 = arith.constant true
      %and3A_1187 = arith.andi %lt3A_1185, %and3A_1186 : i1
      %convert_element_type3A_1188 = arith.extui %and3A_1187 : i1 to i32
      %cond3A_1189 = arith.constant 0 : i32
      %cond3A_1190 = arith.cmpi ne, %convert_element_type3A_1188, %cond3A_1189 : i32
      scf.if %cond3A_1190 {
        %shift_right_arithmetic3A_2370 = arith.constant 7 : i32
        %shift_right_arithmetic3A_2371 = arith.shrsi %squeeze3A_1179, %shift_right_arithmetic3A_2370 : i32
        %min3A_2372 = arith.constant 7811 : i32
        %min3A_2373 = arith.minsi %shift_right_arithmetic3A_2371, %min3A_2372 : i32
        %shift_left3A_2374 = arith.constant 7 : i32
        %shift_left3A_2375 = arith.shli %min3A_2373, %shift_left3A_2374 : i32
        %shift_right_arithmetic3A_2376 = arith.constant 7 : i32
        %shift_right_arithmetic3A_2377 = arith.shrsi %squeeze3A_1181, %shift_right_arithmetic3A_2376 : i32
        %min3A_2378 = arith.constant 7811 : i32
        %min3A_2379 = arith.minsi %shift_right_arithmetic3A_2377, %min3A_2378 : i32
        %shift_left3A_2380 = arith.constant 7 : i32
        %shift_left3A_2381 = arith.shli %min3A_2379, %shift_left3A_2380 : i32
        %multiple_of3A_2382 = tpu.assume_multiple %shift_left3A_2375, 128 : i32
        %dma_start3A_2383 = arith.constant 0 : i32
        %dma_start3A_2384 = tpu.memref_slice %arg4[%dma_start3A_2383, %multiple_of3A_2382] : memref<32x1000000xf32, #tpu.memory_space<hbm>> -> memref<32x128xf32, #tpu.memory_space<hbm>>
        %dma_start3A_2385 = arith.constant 0 : i32
        %dma_start3A_2386 = tpu.memref_slice %arg4[%dma_start3A_2385, %multiple_of3A_2382] : memref<32x1000000xf32, #tpu.memory_space<hbm>> -> memref<32x128xf32, #tpu.memory_space<hbm>>
        tpu.enqueue_dma source(%dma_start3A_2386 : memref<32x128xf32, #tpu.memory_space<hbm>>) target(%arg15 : memref<32x128xf32, #tpu.memory_space<vmem>>) target_semaphore(%arg34 : memref<!tpu.dma_semaphore, #tpu.memory_space<semaphore_mem>>)
        %multiple_of3A_2387 = tpu.assume_multiple %shift_left3A_2381, 128 : i32
        %dma_start3A_2388 = arith.constant 0 : i32
        %dma_start3A_2389 = tpu.memref_slice %arg5[%dma_start3A_2388, %multiple_of3A_2387] : memref<32x1000000xf32, #tpu.memory_space<hbm>> -> memref<32x128xf32, #tpu.memory_space<hbm>>
        %dma_start3A_2390 = arith.constant 0 : i32
        %dma_start3A_2391 = tpu.memref_slice %arg5[%dma_start3A_2390, %multiple_of3A_2387] : memref<32x1000000xf32, #tpu.memory_space<hbm>> -> memref<32x128xf32, #tpu.memory_space<hbm>>
        tpu.enqueue_dma source(%dma_start3A_2391 : memref<32x128xf32, #tpu.memory_space<hbm>>) target(%arg23 : memref<32x128xf32, #tpu.memory_space<vmem>>) target_semaphore(%arg42 : memref<!tpu.dma_semaphore, #tpu.memory_space<semaphore_mem>>)
      } else {
      }
      %mul3A_1191 = arith.constant 16 : i32
      %mul3A_1192 = arith.muli %add3A_262, %mul3A_1191 : i32
      %add3A_1193 = arith.constant 7 : i32
      %add3A_1194 = arith.addi %mul3A_1192, %add3A_1193 : i32
      %dma_wait3A_1195 = arith.constant 0 : i32
      %dma_wait3A_1196 = arith.constant 0 : i32
      %dma_wait3A_1197 = tpu.memref_slice %arg4[%dma_wait3A_1195, %dma_wait3A_1196] : memref<32x1000000xf32, #tpu.memory_space<hbm>> -> memref<32x128xf32, #tpu.memory_space<hbm>>
      %dma_wait3A_1198 = arith.constant 0 : i32
      %dma_wait3A_1199 = arith.constant 0 : i32
      %dma_wait3A_1200 = tpu.memref_slice %arg4[%dma_wait3A_1198, %dma_wait3A_1199] : memref<32x1000000xf32, #tpu.memory_space<hbm>> -> memref<32x128xf32, #tpu.memory_space<hbm>>
      tpu.wait_dma2 semaphore(%arg35 : memref<!tpu.dma_semaphore, #tpu.memory_space<semaphore_mem>>) src(%dma_wait3A_1200 : memref<32x128xf32, #tpu.memory_space<hbm>>) dst(%arg16 : memref<32x128xf32, #tpu.memory_space<vmem>>)
      %dma_wait3A_1201 = arith.constant 0 : i32
      %dma_wait3A_1202 = arith.constant 0 : i32
      %dma_wait3A_1203 = tpu.memref_slice %arg5[%dma_wait3A_1201, %dma_wait3A_1202] : memref<32x1000000xf32, #tpu.memory_space<hbm>> -> memref<32x128xf32, #tpu.memory_space<hbm>>
      %dma_wait3A_1204 = arith.constant 0 : i32
      %dma_wait3A_1205 = arith.constant 0 : i32
      %dma_wait3A_1206 = tpu.memref_slice %arg5[%dma_wait3A_1204, %dma_wait3A_1205] : memref<32x1000000xf32, #tpu.memory_space<hbm>> -> memref<32x128xf32, #tpu.memory_space<hbm>>
      tpu.wait_dma2 semaphore(%arg43 : memref<!tpu.dma_semaphore, #tpu.memory_space<semaphore_mem>>) src(%dma_wait3A_1206 : memref<32x128xf32, #tpu.memory_space<hbm>>) dst(%arg24 : memref<32x128xf32, #tpu.memory_space<vmem>>)
      %slice3A_1207 = vector.extract_strided_slice %get3A_266 {offsets = [7], sizes = [1], strides = [1]} : vector<16xi32> to vector<1xi32>
      %squeeze3A_1208 = vector.extract %slice3A_1207[0] : i32 from vector<1xi32>
      %and3A_1209 = arith.constant 127 : i32
      %and3A_1210 = arith.andi %squeeze3A_1208, %and3A_1209 : i32
      %ge3A_1211 = arith.constant 999936 : i32
      %ge3A_1212 = arith.cmpi sge, %squeeze3A_1208, %ge3A_1211 : i32
      %sub3A_1213 = arith.constant 999936 : i32
      %sub3A_1214 = arith.subi %squeeze3A_1208, %sub3A_1213 : i32
      %jit3A_1215 = arith.constant 0 : i32
      %select_n3A_1216 = arith.select %ge3A_1212, %sub3A_1214, %jit3A_1215 : i32
      %add3A_1217 = arith.constant 0 : i32
      %add3A_1218 = vector.broadcast %add3A_1217 : i32 to vector<16xi32>
      %add3A_1219 = arith.addi %iota3A, %add3A_1218 : vector<16xi32>
      %mul3A_1220 = arith.constant 0 : i32
      %mul3A_1221 = vector.broadcast %mul3A_1220 : i32 to vector<16xi32>
      %mul3A_1222 = arith.muli %iota3A, %mul3A_1221 : vector<16xi32>
      %add3A_1223 = vector.broadcast %and3A_1210 : i32 to vector<16xi32>
      %add3A_1224 = arith.addi %add3A_1223, %mul3A_1222 : vector<16xi32>
      %gather3A_1225 = tpu.vector_load_idx %arg16[%add3A_1219, %add3A_1224] : memref<32x128xf32, #tpu.memory_space<vmem>>[vector<16xi32>, vector<16xi32>], vector<16xf32>,
      %mul3A_1226 = arith.constant 0 : i32
      %mul3A_1227 = vector.broadcast %mul3A_1226 : i32 to vector<16xi32>
      %mul3A_1228 = arith.muli %iota3A, %mul3A_1227 : vector<16xi32>
      %add3A_1229 = vector.broadcast %select_n3A_1216 : i32 to vector<16xi32>
      %add3A_1230 = arith.addi %add3A_1229, %mul3A_1228 : vector<16xi32>
      %gather3A_1231 = tpu.vector_load_idx %arg25[%add3A_1219, %add3A_1230] : memref<32x64xf32, #tpu.memory_space<vmem>>[vector<16xi32>, vector<16xi32>], vector<16xf32>,
      %select_n3A_1232 = arith.select %ge3A_1212, %gather3A_1231, %gather3A_1225 : vector<16xf32>
      %add3A_1233 = arith.constant 16 : i32
      %add3A_1234 = vector.broadcast %add3A_1233 : i32 to vector<16xi32>
      %add3A_1235 = arith.addi %iota3A, %add3A_1234 : vector<16xi32>
      %mul3A_1236 = arith.constant 0 : i32
      %mul3A_1237 = vector.broadcast %mul3A_1236 : i32 to vector<16xi32>
      %mul3A_1238 = arith.muli %iota3A, %mul3A_1237 : vector<16xi32>
      %add3A_1239 = vector.broadcast %and3A_1210 : i32 to vector<16xi32>
      %add3A_1240 = arith.addi %add3A_1239, %mul3A_1238 : vector<16xi32>
      %gather3A_1241 = tpu.vector_load_idx %arg16[%add3A_1235, %add3A_1240] : memref<32x128xf32, #tpu.memory_space<vmem>>[vector<16xi32>, vector<16xi32>], vector<16xf32>,
      %mul3A_1242 = arith.constant 0 : i32
      %mul3A_1243 = vector.broadcast %mul3A_1242 : i32 to vector<16xi32>
      %mul3A_1244 = arith.muli %iota3A, %mul3A_1243 : vector<16xi32>
      %add3A_1245 = vector.broadcast %select_n3A_1216 : i32 to vector<16xi32>
      %add3A_1246 = arith.addi %add3A_1245, %mul3A_1244 : vector<16xi32>
      %gather3A_1247 = tpu.vector_load_idx %arg25[%add3A_1235, %add3A_1246] : memref<32x64xf32, #tpu.memory_space<vmem>>[vector<16xi32>, vector<16xi32>], vector<16xf32>,
      %select_n3A_1248 = arith.select %ge3A_1212, %gather3A_1247, %gather3A_1241 : vector<16xf32>
      %slice3A_1249 = vector.extract_strided_slice %get3A_270 {offsets = [7], sizes = [1], strides = [1]} : vector<16xi32> to vector<1xi32>
      %squeeze3A_1250 = vector.extract %slice3A_1249[0] : i32 from vector<1xi32>
      %and3A_1251 = arith.constant 127 : i32
      %and3A_1252 = arith.andi %squeeze3A_1250, %and3A_1251 : i32
      %ge3A_1253 = arith.constant 999936 : i32
      %ge3A_1254 = arith.cmpi sge, %squeeze3A_1250, %ge3A_1253 : i32
      %sub3A_1255 = arith.constant 999936 : i32
      %sub3A_1256 = arith.subi %squeeze3A_1250, %sub3A_1255 : i32
      %jit3A_1257 = arith.constant 0 : i32
      %select_n3A_1258 = arith.select %ge3A_1254, %sub3A_1256, %jit3A_1257 : i32
      %add3A_1259 = arith.constant 0 : i32
      %add3A_1260 = vector.broadcast %add3A_1259 : i32 to vector<16xi32>
      %add3A_1261 = arith.addi %iota3A, %add3A_1260 : vector<16xi32>
      %mul3A_1262 = arith.constant 0 : i32
      %mul3A_1263 = vector.broadcast %mul3A_1262 : i32 to vector<16xi32>
      %mul3A_1264 = arith.muli %iota3A, %mul3A_1263 : vector<16xi32>
      %add3A_1265 = vector.broadcast %and3A_1252 : i32 to vector<16xi32>
      %add3A_1266 = arith.addi %add3A_1265, %mul3A_1264 : vector<16xi32>
      %gather3A_1267 = tpu.vector_load_idx %arg24[%add3A_1261, %add3A_1266] : memref<32x128xf32, #tpu.memory_space<vmem>>[vector<16xi32>, vector<16xi32>], vector<16xf32>,
      %mul3A_1268 = arith.constant 0 : i32
      %mul3A_1269 = vector.broadcast %mul3A_1268 : i32 to vector<16xi32>
      %mul3A_1270 = arith.muli %iota3A, %mul3A_1269 : vector<16xi32>
      %add3A_1271 = vector.broadcast %select_n3A_1258 : i32 to vector<16xi32>
      %add3A_1272 = arith.addi %add3A_1271, %mul3A_1270 : vector<16xi32>
      %gather3A_1273 = tpu.vector_load_idx %arg26[%add3A_1261, %add3A_1272] : memref<32x64xf32, #tpu.memory_space<vmem>>[vector<16xi32>, vector<16xi32>], vector<16xf32>,
      %select_n3A_1274 = arith.select %ge3A_1254, %gather3A_1273, %gather3A_1267 : vector<16xf32>
      %add3A_1275 = arith.constant 16 : i32
      %add3A_1276 = vector.broadcast %add3A_1275 : i32 to vector<16xi32>
      %add3A_1277 = arith.addi %iota3A, %add3A_1276 : vector<16xi32>
      %mul3A_1278 = arith.constant 0 : i32
      %mul3A_1279 = vector.broadcast %mul3A_1278 : i32 to vector<16xi32>
      %mul3A_1280 = arith.muli %iota3A, %mul3A_1279 : vector<16xi32>
      %add3A_1281 = vector.broadcast %and3A_1252 : i32 to vector<16xi32>
      %add3A_1282 = arith.addi %add3A_1281, %mul3A_1280 : vector<16xi32>
      %gather3A_1283 = tpu.vector_load_idx %arg24[%add3A_1277, %add3A_1282] : memref<32x128xf32, #tpu.memory_space<vmem>>[vector<16xi32>, vector<16xi32>], vector<16xf32>,
      %mul3A_1284 = arith.constant 0 : i32
      %mul3A_1285 = vector.broadcast %mul3A_1284 : i32 to vector<16xi32>
      %mul3A_1286 = arith.muli %iota3A, %mul3A_1285 : vector<16xi32>
      %add3A_1287 = vector.broadcast %select_n3A_1258 : i32 to vector<16xi32>
      %add3A_1288 = arith.addi %add3A_1287, %mul3A_1286 : vector<16xi32>
      %gather3A_1289 = tpu.vector_load_idx %arg26[%add3A_1277, %add3A_1288] : memref<32x64xf32, #tpu.memory_space<vmem>>[vector<16xi32>, vector<16xi32>], vector<16xf32>,
      %select_n3A_1290 = arith.select %ge3A_1254, %gather3A_1289, %gather3A_1283 : vector<16xf32>
      %add3A_1291 = arith.constant 0 : i32
      %add3A_1292 = vector.broadcast %add3A_1291 : i32 to vector<16xi32>
      %add3A_1293 = arith.addi %iota3A, %add3A_1292 : vector<16xi32>
      %mul3A_1294 = arith.constant 0 : i32
      %mul3A_1295 = vector.broadcast %mul3A_1294 : i32 to vector<16xi32>
      %mul3A_1296 = arith.muli %iota3A, %mul3A_1295 : vector<16xi32>
      %add3A_1297 = vector.broadcast %add3A_1194 : i32 to vector<16xi32>
      %add3A_1298 = arith.addi %add3A_1297, %mul3A_1296 : vector<16xi32>
      %mul3A_1299 = arith.mulf %select_n3A_1232, %select_n3A_1274 : vector<16xf32>
      tpu.vector_store_idx %arg27[%add3A_1293, %add3A_1298], %mul3A_1299 : memref<32x512xf32, #tpu.memory_space<vmem>>[vector<16xi32>, vector<16xi32>], vector<16xf32>,
      %add3A_1300 = arith.constant 16 : i32
      %add3A_1301 = vector.broadcast %add3A_1300 : i32 to vector<16xi32>
      %add3A_1302 = arith.addi %iota3A, %add3A_1301 : vector<16xi32>
      %mul3A_1303 = arith.constant 0 : i32
      %mul3A_1304 = vector.broadcast %mul3A_1303 : i32 to vector<16xi32>
      %mul3A_1305 = arith.muli %iota3A, %mul3A_1304 : vector<16xi32>
      %add3A_1306 = vector.broadcast %add3A_1194 : i32 to vector<16xi32>
      %add3A_1307 = arith.addi %add3A_1306, %mul3A_1305 : vector<16xi32>
      %mul3A_1308 = arith.mulf %select_n3A_1248, %select_n3A_1290 : vector<16xf32>
      tpu.vector_store_idx %arg27[%add3A_1302, %add3A_1307], %mul3A_1308 : memref<32x512xf32, #tpu.memory_space<vmem>>[vector<16xi32>, vector<16xi32>], vector<16xf32>,
      %slice3A_1309 = vector.extract_strided_slice %get3A_266 {offsets = [15], sizes = [1], strides = [1]} : vector<16xi32> to vector<1xi32>
      %squeeze3A_1310 = vector.extract %slice3A_1309[0] : i32 from vector<1xi32>
      %slice3A_1311 = vector.extract_strided_slice %get3A_270 {offsets = [15], sizes = [1], strides = [1]} : vector<16xi32> to vector<1xi32>
      %squeeze3A_1312 = vector.extract %slice3A_1311[0] : i32 from vector<1xi32>
      %add3A_1313 = arith.constant 8 : i32
      %add3A_1314 = arith.addi %add3A_1194, %add3A_1313 : i32
      %lt3A_1315 = arith.constant 512 : i32
      %lt3A_1316 = arith.cmpi slt, %add3A_1314, %lt3A_1315 : i32
      %and3A_1317 = arith.constant true
      %and3A_1318 = arith.andi %lt3A_1316, %and3A_1317 : i1
      %convert_element_type3A_1319 = arith.extui %and3A_1318 : i1 to i32
      %cond3A_1320 = arith.constant 0 : i32
      %cond3A_1321 = arith.cmpi ne, %convert_element_type3A_1319, %cond3A_1320 : i32
      scf.if %cond3A_1321 {
        %shift_right_arithmetic3A_2370 = arith.constant 7 : i32
        %shift_right_arithmetic3A_2371 = arith.shrsi %squeeze3A_1310, %shift_right_arithmetic3A_2370 : i32
        %min3A_2372 = arith.constant 7811 : i32
        %min3A_2373 = arith.minsi %shift_right_arithmetic3A_2371, %min3A_2372 : i32
        %shift_left3A_2374 = arith.constant 7 : i32
        %shift_left3A_2375 = arith.shli %min3A_2373, %shift_left3A_2374 : i32
        %shift_right_arithmetic3A_2376 = arith.constant 7 : i32
        %shift_right_arithmetic3A_2377 = arith.shrsi %squeeze3A_1312, %shift_right_arithmetic3A_2376 : i32
        %min3A_2378 = arith.constant 7811 : i32
        %min3A_2379 = arith.minsi %shift_right_arithmetic3A_2377, %min3A_2378 : i32
        %shift_left3A_2380 = arith.constant 7 : i32
        %shift_left3A_2381 = arith.shli %min3A_2379, %shift_left3A_2380 : i32
        %multiple_of3A_2382 = tpu.assume_multiple %shift_left3A_2375, 128 : i32
        %dma_start3A_2383 = arith.constant 0 : i32
        %dma_start3A_2384 = tpu.memref_slice %arg4[%dma_start3A_2383, %multiple_of3A_2382] : memref<32x1000000xf32, #tpu.memory_space<hbm>> -> memref<32x128xf32, #tpu.memory_space<hbm>>
        %dma_start3A_2385 = arith.constant 0 : i32
        %dma_start3A_2386 = tpu.memref_slice %arg4[%dma_start3A_2385, %multiple_of3A_2382] : memref<32x1000000xf32, #tpu.memory_space<hbm>> -> memref<32x128xf32, #tpu.memory_space<hbm>>
        tpu.enqueue_dma source(%dma_start3A_2386 : memref<32x128xf32, #tpu.memory_space<hbm>>) target(%arg16 : memref<32x128xf32, #tpu.memory_space<vmem>>) target_semaphore(%arg35 : memref<!tpu.dma_semaphore, #tpu.memory_space<semaphore_mem>>)
        %multiple_of3A_2387 = tpu.assume_multiple %shift_left3A_2381, 128 : i32
        %dma_start3A_2388 = arith.constant 0 : i32
        %dma_start3A_2389 = tpu.memref_slice %arg5[%dma_start3A_2388, %multiple_of3A_2387] : memref<32x1000000xf32, #tpu.memory_space<hbm>> -> memref<32x128xf32, #tpu.memory_space<hbm>>
        %dma_start3A_2390 = arith.constant 0 : i32
        %dma_start3A_2391 = tpu.memref_slice %arg5[%dma_start3A_2390, %multiple_of3A_2387] : memref<32x1000000xf32, #tpu.memory_space<hbm>> -> memref<32x128xf32, #tpu.memory_space<hbm>>
        tpu.enqueue_dma source(%dma_start3A_2391 : memref<32x128xf32, #tpu.memory_space<hbm>>) target(%arg24 : memref<32x128xf32, #tpu.memory_space<vmem>>) target_semaphore(%arg43 : memref<!tpu.dma_semaphore, #tpu.memory_space<semaphore_mem>>)
      } else {
      }
      %mul3A_1322 = arith.constant 16 : i32
      %mul3A_1323 = arith.muli %add3A_262, %mul3A_1322 : i32
      %add3A_1324 = arith.constant 8 : i32
      %add3A_1325 = arith.addi %mul3A_1323, %add3A_1324 : i32
      %dma_wait3A_1326 = arith.constant 0 : i32
      %dma_wait3A_1327 = arith.constant 0 : i32
      %dma_wait3A_1328 = tpu.memref_slice %arg4[%dma_wait3A_1326, %dma_wait3A_1327] : memref<32x1000000xf32, #tpu.memory_space<hbm>> -> memref<32x128xf32, #tpu.memory_space<hbm>>
      %dma_wait3A_1329 = arith.constant 0 : i32
      %dma_wait3A_1330 = arith.constant 0 : i32
      %dma_wait3A_1331 = tpu.memref_slice %arg4[%dma_wait3A_1329, %dma_wait3A_1330] : memref<32x1000000xf32, #tpu.memory_space<hbm>> -> memref<32x128xf32, #tpu.memory_space<hbm>>
      tpu.wait_dma2 semaphore(%arg28 : memref<!tpu.dma_semaphore, #tpu.memory_space<semaphore_mem>>) src(%dma_wait3A_1331 : memref<32x128xf32, #tpu.memory_space<hbm>>) dst(%arg9 : memref<32x128xf32, #tpu.memory_space<vmem>>)
      %dma_wait3A_1332 = arith.constant 0 : i32
      %dma_wait3A_1333 = arith.constant 0 : i32
      %dma_wait3A_1334 = tpu.memref_slice %arg5[%dma_wait3A_1332, %dma_wait3A_1333] : memref<32x1000000xf32, #tpu.memory_space<hbm>> -> memref<32x128xf32, #tpu.memory_space<hbm>>
      %dma_wait3A_1335 = arith.constant 0 : i32
      %dma_wait3A_1336 = arith.constant 0 : i32
      %dma_wait3A_1337 = tpu.memref_slice %arg5[%dma_wait3A_1335, %dma_wait3A_1336] : memref<32x1000000xf32, #tpu.memory_space<hbm>> -> memref<32x128xf32, #tpu.memory_space<hbm>>
      tpu.wait_dma2 semaphore(%arg36 : memref<!tpu.dma_semaphore, #tpu.memory_space<semaphore_mem>>) src(%dma_wait3A_1337 : memref<32x128xf32, #tpu.memory_space<hbm>>) dst(%arg17 : memref<32x128xf32, #tpu.memory_space<vmem>>)
      %slice3A_1338 = vector.extract_strided_slice %get3A_266 {offsets = [8], sizes = [1], strides = [1]} : vector<16xi32> to vector<1xi32>
      %squeeze3A_1339 = vector.extract %slice3A_1338[0] : i32 from vector<1xi32>
      %and3A_1340 = arith.constant 127 : i32
      %and3A_1341 = arith.andi %squeeze3A_1339, %and3A_1340 : i32
      %ge3A_1342 = arith.constant 999936 : i32
      %ge3A_1343 = arith.cmpi sge, %squeeze3A_1339, %ge3A_1342 : i32
      %sub3A_1344 = arith.constant 999936 : i32
      %sub3A_1345 = arith.subi %squeeze3A_1339, %sub3A_1344 : i32
      %jit3A_1346 = arith.constant 0 : i32
      %select_n3A_1347 = arith.select %ge3A_1343, %sub3A_1345, %jit3A_1346 : i32
      %add3A_1348 = arith.constant 0 : i32
      %add3A_1349 = vector.broadcast %add3A_1348 : i32 to vector<16xi32>
      %add3A_1350 = arith.addi %iota3A, %add3A_1349 : vector<16xi32>
      %mul3A_1351 = arith.constant 0 : i32
      %mul3A_1352 = vector.broadcast %mul3A_1351 : i32 to vector<16xi32>
      %mul3A_1353 = arith.muli %iota3A, %mul3A_1352 : vector<16xi32>
      %add3A_1354 = vector.broadcast %and3A_1341 : i32 to vector<16xi32>
      %add3A_1355 = arith.addi %add3A_1354, %mul3A_1353 : vector<16xi32>
      %gather3A_1356 = tpu.vector_load_idx %arg9[%add3A_1350, %add3A_1355] : memref<32x128xf32, #tpu.memory_space<vmem>>[vector<16xi32>, vector<16xi32>], vector<16xf32>,
      %mul3A_1357 = arith.constant 0 : i32
      %mul3A_1358 = vector.broadcast %mul3A_1357 : i32 to vector<16xi32>
      %mul3A_1359 = arith.muli %iota3A, %mul3A_1358 : vector<16xi32>
      %add3A_1360 = vector.broadcast %select_n3A_1347 : i32 to vector<16xi32>
      %add3A_1361 = arith.addi %add3A_1360, %mul3A_1359 : vector<16xi32>
      %gather3A_1362 = tpu.vector_load_idx %arg25[%add3A_1350, %add3A_1361] : memref<32x64xf32, #tpu.memory_space<vmem>>[vector<16xi32>, vector<16xi32>], vector<16xf32>,
      %select_n3A_1363 = arith.select %ge3A_1343, %gather3A_1362, %gather3A_1356 : vector<16xf32>
      %add3A_1364 = arith.constant 16 : i32
      %add3A_1365 = vector.broadcast %add3A_1364 : i32 to vector<16xi32>
      %add3A_1366 = arith.addi %iota3A, %add3A_1365 : vector<16xi32>
      %mul3A_1367 = arith.constant 0 : i32
      %mul3A_1368 = vector.broadcast %mul3A_1367 : i32 to vector<16xi32>
      %mul3A_1369 = arith.muli %iota3A, %mul3A_1368 : vector<16xi32>
      %add3A_1370 = vector.broadcast %and3A_1341 : i32 to vector<16xi32>
      %add3A_1371 = arith.addi %add3A_1370, %mul3A_1369 : vector<16xi32>
      %gather3A_1372 = tpu.vector_load_idx %arg9[%add3A_1366, %add3A_1371] : memref<32x128xf32, #tpu.memory_space<vmem>>[vector<16xi32>, vector<16xi32>], vector<16xf32>,
      %mul3A_1373 = arith.constant 0 : i32
      %mul3A_1374 = vector.broadcast %mul3A_1373 : i32 to vector<16xi32>
      %mul3A_1375 = arith.muli %iota3A, %mul3A_1374 : vector<16xi32>
      %add3A_1376 = vector.broadcast %select_n3A_1347 : i32 to vector<16xi32>
      %add3A_1377 = arith.addi %add3A_1376, %mul3A_1375 : vector<16xi32>
      %gather3A_1378 = tpu.vector_load_idx %arg25[%add3A_1366, %add3A_1377] : memref<32x64xf32, #tpu.memory_space<vmem>>[vector<16xi32>, vector<16xi32>], vector<16xf32>,
      %select_n3A_1379 = arith.select %ge3A_1343, %gather3A_1378, %gather3A_1372 : vector<16xf32>
      %slice3A_1380 = vector.extract_strided_slice %get3A_270 {offsets = [8], sizes = [1], strides = [1]} : vector<16xi32> to vector<1xi32>
      %squeeze3A_1381 = vector.extract %slice3A_1380[0] : i32 from vector<1xi32>
      %and3A_1382 = arith.constant 127 : i32
      %and3A_1383 = arith.andi %squeeze3A_1381, %and3A_1382 : i32
      %ge3A_1384 = arith.constant 999936 : i32
      %ge3A_1385 = arith.cmpi sge, %squeeze3A_1381, %ge3A_1384 : i32
      %sub3A_1386 = arith.constant 999936 : i32
      %sub3A_1387 = arith.subi %squeeze3A_1381, %sub3A_1386 : i32
      %jit3A_1388 = arith.constant 0 : i32
      %select_n3A_1389 = arith.select %ge3A_1385, %sub3A_1387, %jit3A_1388 : i32
      %add3A_1390 = arith.constant 0 : i32
      %add3A_1391 = vector.broadcast %add3A_1390 : i32 to vector<16xi32>
      %add3A_1392 = arith.addi %iota3A, %add3A_1391 : vector<16xi32>
      %mul3A_1393 = arith.constant 0 : i32
      %mul3A_1394 = vector.broadcast %mul3A_1393 : i32 to vector<16xi32>
      %mul3A_1395 = arith.muli %iota3A, %mul3A_1394 : vector<16xi32>
      %add3A_1396 = vector.broadcast %and3A_1383 : i32 to vector<16xi32>
      %add3A_1397 = arith.addi %add3A_1396, %mul3A_1395 : vector<16xi32>
      %gather3A_1398 = tpu.vector_load_idx %arg17[%add3A_1392, %add3A_1397] : memref<32x128xf32, #tpu.memory_space<vmem>>[vector<16xi32>, vector<16xi32>], vector<16xf32>,
      %mul3A_1399 = arith.constant 0 : i32
      %mul3A_1400 = vector.broadcast %mul3A_1399 : i32 to vector<16xi32>
      %mul3A_1401 = arith.muli %iota3A, %mul3A_1400 : vector<16xi32>
      %add3A_1402 = vector.broadcast %select_n3A_1389 : i32 to vector<16xi32>
      %add3A_1403 = arith.addi %add3A_1402, %mul3A_1401 : vector<16xi32>
      %gather3A_1404 = tpu.vector_load_idx %arg26[%add3A_1392, %add3A_1403] : memref<32x64xf32, #tpu.memory_space<vmem>>[vector<16xi32>, vector<16xi32>], vector<16xf32>,
      %select_n3A_1405 = arith.select %ge3A_1385, %gather3A_1404, %gather3A_1398 : vector<16xf32>
      %add3A_1406 = arith.constant 16 : i32
      %add3A_1407 = vector.broadcast %add3A_1406 : i32 to vector<16xi32>
      %add3A_1408 = arith.addi %iota3A, %add3A_1407 : vector<16xi32>
      %mul3A_1409 = arith.constant 0 : i32
      %mul3A_1410 = vector.broadcast %mul3A_1409 : i32 to vector<16xi32>
      %mul3A_1411 = arith.muli %iota3A, %mul3A_1410 : vector<16xi32>
      %add3A_1412 = vector.broadcast %and3A_1383 : i32 to vector<16xi32>
      %add3A_1413 = arith.addi %add3A_1412, %mul3A_1411 : vector<16xi32>
      %gather3A_1414 = tpu.vector_load_idx %arg17[%add3A_1408, %add3A_1413] : memref<32x128xf32, #tpu.memory_space<vmem>>[vector<16xi32>, vector<16xi32>], vector<16xf32>,
      %mul3A_1415 = arith.constant 0 : i32
      %mul3A_1416 = vector.broadcast %mul3A_1415 : i32 to vector<16xi32>
      %mul3A_1417 = arith.muli %iota3A, %mul3A_1416 : vector<16xi32>
      %add3A_1418 = vector.broadcast %select_n3A_1389 : i32 to vector<16xi32>
      %add3A_1419 = arith.addi %add3A_1418, %mul3A_1417 : vector<16xi32>
      %gather3A_1420 = tpu.vector_load_idx %arg26[%add3A_1408, %add3A_1419] : memref<32x64xf32, #tpu.memory_space<vmem>>[vector<16xi32>, vector<16xi32>], vector<16xf32>,
      %select_n3A_1421 = arith.select %ge3A_1385, %gather3A_1420, %gather3A_1414 : vector<16xf32>
      %add3A_1422 = arith.constant 0 : i32
      %add3A_1423 = vector.broadcast %add3A_1422 : i32 to vector<16xi32>
      %add3A_1424 = arith.addi %iota3A, %add3A_1423 : vector<16xi32>
      %mul3A_1425 = arith.constant 0 : i32
      %mul3A_1426 = vector.broadcast %mul3A_1425 : i32 to vector<16xi32>
      %mul3A_1427 = arith.muli %iota3A, %mul3A_1426 : vector<16xi32>
      %add3A_1428 = vector.broadcast %add3A_1325 : i32 to vector<16xi32>
      %add3A_1429 = arith.addi %add3A_1428, %mul3A_1427 : vector<16xi32>
      %mul3A_1430 = arith.mulf %select_n3A_1363, %select_n3A_1405 : vector<16xf32>
      tpu.vector_store_idx %arg27[%add3A_1424, %add3A_1429], %mul3A_1430 : memref<32x512xf32, #tpu.memory_space<vmem>>[vector<16xi32>, vector<16xi32>], vector<16xf32>,
      %add3A_1431 = arith.constant 16 : i32
      %add3A_1432 = vector.broadcast %add3A_1431 : i32 to vector<16xi32>
      %add3A_1433 = arith.addi %iota3A, %add3A_1432 : vector<16xi32>
      %mul3A_1434 = arith.constant 0 : i32
      %mul3A_1435 = vector.broadcast %mul3A_1434 : i32 to vector<16xi32>
      %mul3A_1436 = arith.muli %iota3A, %mul3A_1435 : vector<16xi32>
      %add3A_1437 = vector.broadcast %add3A_1325 : i32 to vector<16xi32>
      %add3A_1438 = arith.addi %add3A_1437, %mul3A_1436 : vector<16xi32>
      %mul3A_1439 = arith.mulf %select_n3A_1379, %select_n3A_1421 : vector<16xf32>
      tpu.vector_store_idx %arg27[%add3A_1433, %add3A_1438], %mul3A_1439 : memref<32x512xf32, #tpu.memory_space<vmem>>[vector<16xi32>, vector<16xi32>], vector<16xf32>,
      %slice3A_1440 = vector.extract_strided_slice %get3A_276 {offsets = [0], sizes = [1], strides = [1]} : vector<16xi32> to vector<1xi32>
      %squeeze3A_1441 = vector.extract %slice3A_1440[0] : i32 from vector<1xi32>
      %slice3A_1442 = vector.extract_strided_slice %get3A_282 {offsets = [0], sizes = [1], strides = [1]} : vector<16xi32> to vector<1xi32>
      %squeeze3A_1443 = vector.extract %slice3A_1442[0] : i32 from vector<1xi32>
      %add3A_1444 = arith.constant 8 : i32
      %add3A_1445 = arith.addi %add3A_1325, %add3A_1444 : i32
      %lt3A_1446 = arith.constant 512 : i32
      %lt3A_1447 = arith.cmpi slt, %add3A_1445, %lt3A_1446 : i32
      %and3A_1448 = arith.constant true
      %and3A_1449 = arith.andi %lt3A_1447, %and3A_1448 : i1
      %convert_element_type3A_1450 = arith.extui %and3A_1449 : i1 to i32
      %cond3A_1451 = arith.constant 0 : i32
      %cond3A_1452 = arith.cmpi ne, %convert_element_type3A_1450, %cond3A_1451 : i32
      scf.if %cond3A_1452 {
        %shift_right_arithmetic3A_2370 = arith.constant 7 : i32
        %shift_right_arithmetic3A_2371 = arith.shrsi %squeeze3A_1441, %shift_right_arithmetic3A_2370 : i32
        %min3A_2372 = arith.constant 7811 : i32
        %min3A_2373 = arith.minsi %shift_right_arithmetic3A_2371, %min3A_2372 : i32
        %shift_left3A_2374 = arith.constant 7 : i32
        %shift_left3A_2375 = arith.shli %min3A_2373, %shift_left3A_2374 : i32
        %shift_right_arithmetic3A_2376 = arith.constant 7 : i32
        %shift_right_arithmetic3A_2377 = arith.shrsi %squeeze3A_1443, %shift_right_arithmetic3A_2376 : i32
        %min3A_2378 = arith.constant 7811 : i32
        %min3A_2379 = arith.minsi %shift_right_arithmetic3A_2377, %min3A_2378 : i32
        %shift_left3A_2380 = arith.constant 7 : i32
        %shift_left3A_2381 = arith.shli %min3A_2379, %shift_left3A_2380 : i32
        %multiple_of3A_2382 = tpu.assume_multiple %shift_left3A_2375, 128 : i32
        %dma_start3A_2383 = arith.constant 0 : i32
        %dma_start3A_2384 = tpu.memref_slice %arg4[%dma_start3A_2383, %multiple_of3A_2382] : memref<32x1000000xf32, #tpu.memory_space<hbm>> -> memref<32x128xf32, #tpu.memory_space<hbm>>
        %dma_start3A_2385 = arith.constant 0 : i32
        %dma_start3A_2386 = tpu.memref_slice %arg4[%dma_start3A_2385, %multiple_of3A_2382] : memref<32x1000000xf32, #tpu.memory_space<hbm>> -> memref<32x128xf32, #tpu.memory_space<hbm>>
        tpu.enqueue_dma source(%dma_start3A_2386 : memref<32x128xf32, #tpu.memory_space<hbm>>) target(%arg9 : memref<32x128xf32, #tpu.memory_space<vmem>>) target_semaphore(%arg28 : memref<!tpu.dma_semaphore, #tpu.memory_space<semaphore_mem>>)
        %multiple_of3A_2387 = tpu.assume_multiple %shift_left3A_2381, 128 : i32
        %dma_start3A_2388 = arith.constant 0 : i32
        %dma_start3A_2389 = tpu.memref_slice %arg5[%dma_start3A_2388, %multiple_of3A_2387] : memref<32x1000000xf32, #tpu.memory_space<hbm>> -> memref<32x128xf32, #tpu.memory_space<hbm>>
        %dma_start3A_2390 = arith.constant 0 : i32
        %dma_start3A_2391 = tpu.memref_slice %arg5[%dma_start3A_2390, %multiple_of3A_2387] : memref<32x1000000xf32, #tpu.memory_space<hbm>> -> memref<32x128xf32, #tpu.memory_space<hbm>>
        tpu.enqueue_dma source(%dma_start3A_2391 : memref<32x128xf32, #tpu.memory_space<hbm>>) target(%arg17 : memref<32x128xf32, #tpu.memory_space<vmem>>) target_semaphore(%arg36 : memref<!tpu.dma_semaphore, #tpu.memory_space<semaphore_mem>>)
      } else {
      }
      %mul3A_1453 = arith.constant 16 : i32
      %mul3A_1454 = arith.muli %add3A_262, %mul3A_1453 : i32
      %add3A_1455 = arith.constant 9 : i32
      %add3A_1456 = arith.addi %mul3A_1454, %add3A_1455 : i32
      %dma_wait3A_1457 = arith.constant 0 : i32
      %dma_wait3A_1458 = arith.constant 0 : i32
      %dma_wait3A_1459 = tpu.memref_slice %arg4[%dma_wait3A_1457, %dma_wait3A_1458] : memref<32x1000000xf32, #tpu.memory_space<hbm>> -> memref<32x128xf32, #tpu.memory_space<hbm>>
      %dma_wait3A_1460 = arith.constant 0 : i32
      %dma_wait3A_1461 = arith.constant 0 : i32
      %dma_wait3A_1462 = tpu.memref_slice %arg4[%dma_wait3A_1460, %dma_wait3A_1461] : memref<32x1000000xf32, #tpu.memory_space<hbm>> -> memref<32x128xf32, #tpu.memory_space<hbm>>
      tpu.wait_dma2 semaphore(%arg29 : memref<!tpu.dma_semaphore, #tpu.memory_space<semaphore_mem>>) src(%dma_wait3A_1462 : memref<32x128xf32, #tpu.memory_space<hbm>>) dst(%arg10 : memref<32x128xf32, #tpu.memory_space<vmem>>)
      %dma_wait3A_1463 = arith.constant 0 : i32
      %dma_wait3A_1464 = arith.constant 0 : i32
      %dma_wait3A_1465 = tpu.memref_slice %arg5[%dma_wait3A_1463, %dma_wait3A_1464] : memref<32x1000000xf32, #tpu.memory_space<hbm>> -> memref<32x128xf32, #tpu.memory_space<hbm>>
      %dma_wait3A_1466 = arith.constant 0 : i32
      %dma_wait3A_1467 = arith.constant 0 : i32
      %dma_wait3A_1468 = tpu.memref_slice %arg5[%dma_wait3A_1466, %dma_wait3A_1467] : memref<32x1000000xf32, #tpu.memory_space<hbm>> -> memref<32x128xf32, #tpu.memory_space<hbm>>
      tpu.wait_dma2 semaphore(%arg37 : memref<!tpu.dma_semaphore, #tpu.memory_space<semaphore_mem>>) src(%dma_wait3A_1468 : memref<32x128xf32, #tpu.memory_space<hbm>>) dst(%arg18 : memref<32x128xf32, #tpu.memory_space<vmem>>)
      %slice3A_1469 = vector.extract_strided_slice %get3A_266 {offsets = [9], sizes = [1], strides = [1]} : vector<16xi32> to vector<1xi32>
      %squeeze3A_1470 = vector.extract %slice3A_1469[0] : i32 from vector<1xi32>
      %and3A_1471 = arith.constant 127 : i32
      %and3A_1472 = arith.andi %squeeze3A_1470, %and3A_1471 : i32
      %ge3A_1473 = arith.constant 999936 : i32
      %ge3A_1474 = arith.cmpi sge, %squeeze3A_1470, %ge3A_1473 : i32
      %sub3A_1475 = arith.constant 999936 : i32
      %sub3A_1476 = arith.subi %squeeze3A_1470, %sub3A_1475 : i32
      %jit3A_1477 = arith.constant 0 : i32
      %select_n3A_1478 = arith.select %ge3A_1474, %sub3A_1476, %jit3A_1477 : i32
      %add3A_1479 = arith.constant 0 : i32
      %add3A_1480 = vector.broadcast %add3A_1479 : i32 to vector<16xi32>
      %add3A_1481 = arith.addi %iota3A, %add3A_1480 : vector<16xi32>
      %mul3A_1482 = arith.constant 0 : i32
      %mul3A_1483 = vector.broadcast %mul3A_1482 : i32 to vector<16xi32>
      %mul3A_1484 = arith.muli %iota3A, %mul3A_1483 : vector<16xi32>
      %add3A_1485 = vector.broadcast %and3A_1472 : i32 to vector<16xi32>
      %add3A_1486 = arith.addi %add3A_1485, %mul3A_1484 : vector<16xi32>
      %gather3A_1487 = tpu.vector_load_idx %arg10[%add3A_1481, %add3A_1486] : memref<32x128xf32, #tpu.memory_space<vmem>>[vector<16xi32>, vector<16xi32>], vector<16xf32>,
      %mul3A_1488 = arith.constant 0 : i32
      %mul3A_1489 = vector.broadcast %mul3A_1488 : i32 to vector<16xi32>
      %mul3A_1490 = arith.muli %iota3A, %mul3A_1489 : vector<16xi32>
      %add3A_1491 = vector.broadcast %select_n3A_1478 : i32 to vector<16xi32>
      %add3A_1492 = arith.addi %add3A_1491, %mul3A_1490 : vector<16xi32>
      %gather3A_1493 = tpu.vector_load_idx %arg25[%add3A_1481, %add3A_1492] : memref<32x64xf32, #tpu.memory_space<vmem>>[vector<16xi32>, vector<16xi32>], vector<16xf32>,
      %select_n3A_1494 = arith.select %ge3A_1474, %gather3A_1493, %gather3A_1487 : vector<16xf32>
      %add3A_1495 = arith.constant 16 : i32
      %add3A_1496 = vector.broadcast %add3A_1495 : i32 to vector<16xi32>
      %add3A_1497 = arith.addi %iota3A, %add3A_1496 : vector<16xi32>
      %mul3A_1498 = arith.constant 0 : i32
      %mul3A_1499 = vector.broadcast %mul3A_1498 : i32 to vector<16xi32>
      %mul3A_1500 = arith.muli %iota3A, %mul3A_1499 : vector<16xi32>
      %add3A_1501 = vector.broadcast %and3A_1472 : i32 to vector<16xi32>
      %add3A_1502 = arith.addi %add3A_1501, %mul3A_1500 : vector<16xi32>
      %gather3A_1503 = tpu.vector_load_idx %arg10[%add3A_1497, %add3A_1502] : memref<32x128xf32, #tpu.memory_space<vmem>>[vector<16xi32>, vector<16xi32>], vector<16xf32>,
      %mul3A_1504 = arith.constant 0 : i32
      %mul3A_1505 = vector.broadcast %mul3A_1504 : i32 to vector<16xi32>
      %mul3A_1506 = arith.muli %iota3A, %mul3A_1505 : vector<16xi32>
      %add3A_1507 = vector.broadcast %select_n3A_1478 : i32 to vector<16xi32>
      %add3A_1508 = arith.addi %add3A_1507, %mul3A_1506 : vector<16xi32>
      %gather3A_1509 = tpu.vector_load_idx %arg25[%add3A_1497, %add3A_1508] : memref<32x64xf32, #tpu.memory_space<vmem>>[vector<16xi32>, vector<16xi32>], vector<16xf32>,
      %select_n3A_1510 = arith.select %ge3A_1474, %gather3A_1509, %gather3A_1503 : vector<16xf32>
      %slice3A_1511 = vector.extract_strided_slice %get3A_270 {offsets = [9], sizes = [1], strides = [1]} : vector<16xi32> to vector<1xi32>
      %squeeze3A_1512 = vector.extract %slice3A_1511[0] : i32 from vector<1xi32>
      %and3A_1513 = arith.constant 127 : i32
      %and3A_1514 = arith.andi %squeeze3A_1512, %and3A_1513 : i32
      %ge3A_1515 = arith.constant 999936 : i32
      %ge3A_1516 = arith.cmpi sge, %squeeze3A_1512, %ge3A_1515 : i32
      %sub3A_1517 = arith.constant 999936 : i32
      %sub3A_1518 = arith.subi %squeeze3A_1512, %sub3A_1517 : i32
      %jit3A_1519 = arith.constant 0 : i32
      %select_n3A_1520 = arith.select %ge3A_1516, %sub3A_1518, %jit3A_1519 : i32
      %add3A_1521 = arith.constant 0 : i32
      %add3A_1522 = vector.broadcast %add3A_1521 : i32 to vector<16xi32>
      %add3A_1523 = arith.addi %iota3A, %add3A_1522 : vector<16xi32>
      %mul3A_1524 = arith.constant 0 : i32
      %mul3A_1525 = vector.broadcast %mul3A_1524 : i32 to vector<16xi32>
      %mul3A_1526 = arith.muli %iota3A, %mul3A_1525 : vector<16xi32>
      %add3A_1527 = vector.broadcast %and3A_1514 : i32 to vector<16xi32>
      %add3A_1528 = arith.addi %add3A_1527, %mul3A_1526 : vector<16xi32>
      %gather3A_1529 = tpu.vector_load_idx %arg18[%add3A_1523, %add3A_1528] : memref<32x128xf32, #tpu.memory_space<vmem>>[vector<16xi32>, vector<16xi32>], vector<16xf32>,
      %mul3A_1530 = arith.constant 0 : i32
      %mul3A_1531 = vector.broadcast %mul3A_1530 : i32 to vector<16xi32>
      %mul3A_1532 = arith.muli %iota3A, %mul3A_1531 : vector<16xi32>
      %add3A_1533 = vector.broadcast %select_n3A_1520 : i32 to vector<16xi32>
      %add3A_1534 = arith.addi %add3A_1533, %mul3A_1532 : vector<16xi32>
      %gather3A_1535 = tpu.vector_load_idx %arg26[%add3A_1523, %add3A_1534] : memref<32x64xf32, #tpu.memory_space<vmem>>[vector<16xi32>, vector<16xi32>], vector<16xf32>,
      %select_n3A_1536 = arith.select %ge3A_1516, %gather3A_1535, %gather3A_1529 : vector<16xf32>
      %add3A_1537 = arith.constant 16 : i32
      %add3A_1538 = vector.broadcast %add3A_1537 : i32 to vector<16xi32>
      %add3A_1539 = arith.addi %iota3A, %add3A_1538 : vector<16xi32>
      %mul3A_1540 = arith.constant 0 : i32
      %mul3A_1541 = vector.broadcast %mul3A_1540 : i32 to vector<16xi32>
      %mul3A_1542 = arith.muli %iota3A, %mul3A_1541 : vector<16xi32>
      %add3A_1543 = vector.broadcast %and3A_1514 : i32 to vector<16xi32>
      %add3A_1544 = arith.addi %add3A_1543, %mul3A_1542 : vector<16xi32>
      %gather3A_1545 = tpu.vector_load_idx %arg18[%add3A_1539, %add3A_1544] : memref<32x128xf32, #tpu.memory_space<vmem>>[vector<16xi32>, vector<16xi32>], vector<16xf32>,
      %mul3A_1546 = arith.constant 0 : i32
      %mul3A_1547 = vector.broadcast %mul3A_1546 : i32 to vector<16xi32>
      %mul3A_1548 = arith.muli %iota3A, %mul3A_1547 : vector<16xi32>
      %add3A_1549 = vector.broadcast %select_n3A_1520 : i32 to vector<16xi32>
      %add3A_1550 = arith.addi %add3A_1549, %mul3A_1548 : vector<16xi32>
      %gather3A_1551 = tpu.vector_load_idx %arg26[%add3A_1539, %add3A_1550] : memref<32x64xf32, #tpu.memory_space<vmem>>[vector<16xi32>, vector<16xi32>], vector<16xf32>,
      %select_n3A_1552 = arith.select %ge3A_1516, %gather3A_1551, %gather3A_1545 : vector<16xf32>
      %add3A_1553 = arith.constant 0 : i32
      %add3A_1554 = vector.broadcast %add3A_1553 : i32 to vector<16xi32>
      %add3A_1555 = arith.addi %iota3A, %add3A_1554 : vector<16xi32>
      %mul3A_1556 = arith.constant 0 : i32
      %mul3A_1557 = vector.broadcast %mul3A_1556 : i32 to vector<16xi32>
      %mul3A_1558 = arith.muli %iota3A, %mul3A_1557 : vector<16xi32>
      %add3A_1559 = vector.broadcast %add3A_1456 : i32 to vector<16xi32>
      %add3A_1560 = arith.addi %add3A_1559, %mul3A_1558 : vector<16xi32>
      %mul3A_1561 = arith.mulf %select_n3A_1494, %select_n3A_1536 : vector<16xf32>
      tpu.vector_store_idx %arg27[%add3A_1555, %add3A_1560], %mul3A_1561 : memref<32x512xf32, #tpu.memory_space<vmem>>[vector<16xi32>, vector<16xi32>], vector<16xf32>,
      %add3A_1562 = arith.constant 16 : i32
      %add3A_1563 = vector.broadcast %add3A_1562 : i32 to vector<16xi32>
      %add3A_1564 = arith.addi %iota3A, %add3A_1563 : vector<16xi32>
      %mul3A_1565 = arith.constant 0 : i32
      %mul3A_1566 = vector.broadcast %mul3A_1565 : i32 to vector<16xi32>
      %mul3A_1567 = arith.muli %iota3A, %mul3A_1566 : vector<16xi32>
      %add3A_1568 = vector.broadcast %add3A_1456 : i32 to vector<16xi32>
      %add3A_1569 = arith.addi %add3A_1568, %mul3A_1567 : vector<16xi32>
      %mul3A_1570 = arith.mulf %select_n3A_1510, %select_n3A_1552 : vector<16xf32>
      tpu.vector_store_idx %arg27[%add3A_1564, %add3A_1569], %mul3A_1570 : memref<32x512xf32, #tpu.memory_space<vmem>>[vector<16xi32>, vector<16xi32>], vector<16xf32>,
      %slice3A_1571 = vector.extract_strided_slice %get3A_276 {offsets = [1], sizes = [1], strides = [1]} : vector<16xi32> to vector<1xi32>
      %squeeze3A_1572 = vector.extract %slice3A_1571[0] : i32 from vector<1xi32>
      %slice3A_1573 = vector.extract_strided_slice %get3A_282 {offsets = [1], sizes = [1], strides = [1]} : vector<16xi32> to vector<1xi32>
      %squeeze3A_1574 = vector.extract %slice3A_1573[0] : i32 from vector<1xi32>
      %add3A_1575 = arith.constant 8 : i32
      %add3A_1576 = arith.addi %add3A_1456, %add3A_1575 : i32
      %lt3A_1577 = arith.constant 512 : i32
      %lt3A_1578 = arith.cmpi slt, %add3A_1576, %lt3A_1577 : i32
      %and3A_1579 = arith.constant true
      %and3A_1580 = arith.andi %lt3A_1578, %and3A_1579 : i1
      %convert_element_type3A_1581 = arith.extui %and3A_1580 : i1 to i32
      %cond3A_1582 = arith.constant 0 : i32
      %cond3A_1583 = arith.cmpi ne, %convert_element_type3A_1581, %cond3A_1582 : i32
      scf.if %cond3A_1583 {
        %shift_right_arithmetic3A_2370 = arith.constant 7 : i32
        %shift_right_arithmetic3A_2371 = arith.shrsi %squeeze3A_1572, %shift_right_arithmetic3A_2370 : i32
        %min3A_2372 = arith.constant 7811 : i32
        %min3A_2373 = arith.minsi %shift_right_arithmetic3A_2371, %min3A_2372 : i32
        %shift_left3A_2374 = arith.constant 7 : i32
        %shift_left3A_2375 = arith.shli %min3A_2373, %shift_left3A_2374 : i32
        %shift_right_arithmetic3A_2376 = arith.constant 7 : i32
        %shift_right_arithmetic3A_2377 = arith.shrsi %squeeze3A_1574, %shift_right_arithmetic3A_2376 : i32
        %min3A_2378 = arith.constant 7811 : i32
        %min3A_2379 = arith.minsi %shift_right_arithmetic3A_2377, %min3A_2378 : i32
        %shift_left3A_2380 = arith.constant 7 : i32
        %shift_left3A_2381 = arith.shli %min3A_2379, %shift_left3A_2380 : i32
        %multiple_of3A_2382 = tpu.assume_multiple %shift_left3A_2375, 128 : i32
        %dma_start3A_2383 = arith.constant 0 : i32
        %dma_start3A_2384 = tpu.memref_slice %arg4[%dma_start3A_2383, %multiple_of3A_2382] : memref<32x1000000xf32, #tpu.memory_space<hbm>> -> memref<32x128xf32, #tpu.memory_space<hbm>>
        %dma_start3A_2385 = arith.constant 0 : i32
        %dma_start3A_2386 = tpu.memref_slice %arg4[%dma_start3A_2385, %multiple_of3A_2382] : memref<32x1000000xf32, #tpu.memory_space<hbm>> -> memref<32x128xf32, #tpu.memory_space<hbm>>
        tpu.enqueue_dma source(%dma_start3A_2386 : memref<32x128xf32, #tpu.memory_space<hbm>>) target(%arg10 : memref<32x128xf32, #tpu.memory_space<vmem>>) target_semaphore(%arg29 : memref<!tpu.dma_semaphore, #tpu.memory_space<semaphore_mem>>)
        %multiple_of3A_2387 = tpu.assume_multiple %shift_left3A_2381, 128 : i32
        %dma_start3A_2388 = arith.constant 0 : i32
        %dma_start3A_2389 = tpu.memref_slice %arg5[%dma_start3A_2388, %multiple_of3A_2387] : memref<32x1000000xf32, #tpu.memory_space<hbm>> -> memref<32x128xf32, #tpu.memory_space<hbm>>
        %dma_start3A_2390 = arith.constant 0 : i32
        %dma_start3A_2391 = tpu.memref_slice %arg5[%dma_start3A_2390, %multiple_of3A_2387] : memref<32x1000000xf32, #tpu.memory_space<hbm>> -> memref<32x128xf32, #tpu.memory_space<hbm>>
        tpu.enqueue_dma source(%dma_start3A_2391 : memref<32x128xf32, #tpu.memory_space<hbm>>) target(%arg18 : memref<32x128xf32, #tpu.memory_space<vmem>>) target_semaphore(%arg37 : memref<!tpu.dma_semaphore, #tpu.memory_space<semaphore_mem>>)
      } else {
      }
      %mul3A_1584 = arith.constant 16 : i32
      %mul3A_1585 = arith.muli %add3A_262, %mul3A_1584 : i32
      %add3A_1586 = arith.constant 10 : i32
      %add3A_1587 = arith.addi %mul3A_1585, %add3A_1586 : i32
      %dma_wait3A_1588 = arith.constant 0 : i32
      %dma_wait3A_1589 = arith.constant 0 : i32
      %dma_wait3A_1590 = tpu.memref_slice %arg4[%dma_wait3A_1588, %dma_wait3A_1589] : memref<32x1000000xf32, #tpu.memory_space<hbm>> -> memref<32x128xf32, #tpu.memory_space<hbm>>
      %dma_wait3A_1591 = arith.constant 0 : i32
      %dma_wait3A_1592 = arith.constant 0 : i32
      %dma_wait3A_1593 = tpu.memref_slice %arg4[%dma_wait3A_1591, %dma_wait3A_1592] : memref<32x1000000xf32, #tpu.memory_space<hbm>> -> memref<32x128xf32, #tpu.memory_space<hbm>>
      tpu.wait_dma2 semaphore(%arg30 : memref<!tpu.dma_semaphore, #tpu.memory_space<semaphore_mem>>) src(%dma_wait3A_1593 : memref<32x128xf32, #tpu.memory_space<hbm>>) dst(%arg11 : memref<32x128xf32, #tpu.memory_space<vmem>>)
      %dma_wait3A_1594 = arith.constant 0 : i32
      %dma_wait3A_1595 = arith.constant 0 : i32
      %dma_wait3A_1596 = tpu.memref_slice %arg5[%dma_wait3A_1594, %dma_wait3A_1595] : memref<32x1000000xf32, #tpu.memory_space<hbm>> -> memref<32x128xf32, #tpu.memory_space<hbm>>
      %dma_wait3A_1597 = arith.constant 0 : i32
      %dma_wait3A_1598 = arith.constant 0 : i32
      %dma_wait3A_1599 = tpu.memref_slice %arg5[%dma_wait3A_1597, %dma_wait3A_1598] : memref<32x1000000xf32, #tpu.memory_space<hbm>> -> memref<32x128xf32, #tpu.memory_space<hbm>>
      tpu.wait_dma2 semaphore(%arg38 : memref<!tpu.dma_semaphore, #tpu.memory_space<semaphore_mem>>) src(%dma_wait3A_1599 : memref<32x128xf32, #tpu.memory_space<hbm>>) dst(%arg19 : memref<32x128xf32, #tpu.memory_space<vmem>>)
      %slice3A_1600 = vector.extract_strided_slice %get3A_266 {offsets = [10], sizes = [1], strides = [1]} : vector<16xi32> to vector<1xi32>
      %squeeze3A_1601 = vector.extract %slice3A_1600[0] : i32 from vector<1xi32>
      %and3A_1602 = arith.constant 127 : i32
      %and3A_1603 = arith.andi %squeeze3A_1601, %and3A_1602 : i32
      %ge3A_1604 = arith.constant 999936 : i32
      %ge3A_1605 = arith.cmpi sge, %squeeze3A_1601, %ge3A_1604 : i32
      %sub3A_1606 = arith.constant 999936 : i32
      %sub3A_1607 = arith.subi %squeeze3A_1601, %sub3A_1606 : i32
      %jit3A_1608 = arith.constant 0 : i32
      %select_n3A_1609 = arith.select %ge3A_1605, %sub3A_1607, %jit3A_1608 : i32
      %add3A_1610 = arith.constant 0 : i32
      %add3A_1611 = vector.broadcast %add3A_1610 : i32 to vector<16xi32>
      %add3A_1612 = arith.addi %iota3A, %add3A_1611 : vector<16xi32>
      %mul3A_1613 = arith.constant 0 : i32
      %mul3A_1614 = vector.broadcast %mul3A_1613 : i32 to vector<16xi32>
      %mul3A_1615 = arith.muli %iota3A, %mul3A_1614 : vector<16xi32>
      %add3A_1616 = vector.broadcast %and3A_1603 : i32 to vector<16xi32>
      %add3A_1617 = arith.addi %add3A_1616, %mul3A_1615 : vector<16xi32>
      %gather3A_1618 = tpu.vector_load_idx %arg11[%add3A_1612, %add3A_1617] : memref<32x128xf32, #tpu.memory_space<vmem>>[vector<16xi32>, vector<16xi32>], vector<16xf32>,
      %mul3A_1619 = arith.constant 0 : i32
      %mul3A_1620 = vector.broadcast %mul3A_1619 : i32 to vector<16xi32>
      %mul3A_1621 = arith.muli %iota3A, %mul3A_1620 : vector<16xi32>
      %add3A_1622 = vector.broadcast %select_n3A_1609 : i32 to vector<16xi32>
      %add3A_1623 = arith.addi %add3A_1622, %mul3A_1621 : vector<16xi32>
      %gather3A_1624 = tpu.vector_load_idx %arg25[%add3A_1612, %add3A_1623] : memref<32x64xf32, #tpu.memory_space<vmem>>[vector<16xi32>, vector<16xi32>], vector<16xf32>,
      %select_n3A_1625 = arith.select %ge3A_1605, %gather3A_1624, %gather3A_1618 : vector<16xf32>
      %add3A_1626 = arith.constant 16 : i32
      %add3A_1627 = vector.broadcast %add3A_1626 : i32 to vector<16xi32>
      %add3A_1628 = arith.addi %iota3A, %add3A_1627 : vector<16xi32>
      %mul3A_1629 = arith.constant 0 : i32
      %mul3A_1630 = vector.broadcast %mul3A_1629 : i32 to vector<16xi32>
      %mul3A_1631 = arith.muli %iota3A, %mul3A_1630 : vector<16xi32>
      %add3A_1632 = vector.broadcast %and3A_1603 : i32 to vector<16xi32>
      %add3A_1633 = arith.addi %add3A_1632, %mul3A_1631 : vector<16xi32>
      %gather3A_1634 = tpu.vector_load_idx %arg11[%add3A_1628, %add3A_1633] : memref<32x128xf32, #tpu.memory_space<vmem>>[vector<16xi32>, vector<16xi32>], vector<16xf32>,
      %mul3A_1635 = arith.constant 0 : i32
      %mul3A_1636 = vector.broadcast %mul3A_1635 : i32 to vector<16xi32>
      %mul3A_1637 = arith.muli %iota3A, %mul3A_1636 : vector<16xi32>
      %add3A_1638 = vector.broadcast %select_n3A_1609 : i32 to vector<16xi32>
      %add3A_1639 = arith.addi %add3A_1638, %mul3A_1637 : vector<16xi32>
      %gather3A_1640 = tpu.vector_load_idx %arg25[%add3A_1628, %add3A_1639] : memref<32x64xf32, #tpu.memory_space<vmem>>[vector<16xi32>, vector<16xi32>], vector<16xf32>,
      %select_n3A_1641 = arith.select %ge3A_1605, %gather3A_1640, %gather3A_1634 : vector<16xf32>
      %slice3A_1642 = vector.extract_strided_slice %get3A_270 {offsets = [10], sizes = [1], strides = [1]} : vector<16xi32> to vector<1xi32>
      %squeeze3A_1643 = vector.extract %slice3A_1642[0] : i32 from vector<1xi32>
      %and3A_1644 = arith.constant 127 : i32
      %and3A_1645 = arith.andi %squeeze3A_1643, %and3A_1644 : i32
      %ge3A_1646 = arith.constant 999936 : i32
      %ge3A_1647 = arith.cmpi sge, %squeeze3A_1643, %ge3A_1646 : i32
      %sub3A_1648 = arith.constant 999936 : i32
      %sub3A_1649 = arith.subi %squeeze3A_1643, %sub3A_1648 : i32
      %jit3A_1650 = arith.constant 0 : i32
      %select_n3A_1651 = arith.select %ge3A_1647, %sub3A_1649, %jit3A_1650 : i32
      %add3A_1652 = arith.constant 0 : i32
      %add3A_1653 = vector.broadcast %add3A_1652 : i32 to vector<16xi32>
      %add3A_1654 = arith.addi %iota3A, %add3A_1653 : vector<16xi32>
      %mul3A_1655 = arith.constant 0 : i32
      %mul3A_1656 = vector.broadcast %mul3A_1655 : i32 to vector<16xi32>
      %mul3A_1657 = arith.muli %iota3A, %mul3A_1656 : vector<16xi32>
      %add3A_1658 = vector.broadcast %and3A_1645 : i32 to vector<16xi32>
      %add3A_1659 = arith.addi %add3A_1658, %mul3A_1657 : vector<16xi32>
      %gather3A_1660 = tpu.vector_load_idx %arg19[%add3A_1654, %add3A_1659] : memref<32x128xf32, #tpu.memory_space<vmem>>[vector<16xi32>, vector<16xi32>], vector<16xf32>,
      %mul3A_1661 = arith.constant 0 : i32
      %mul3A_1662 = vector.broadcast %mul3A_1661 : i32 to vector<16xi32>
      %mul3A_1663 = arith.muli %iota3A, %mul3A_1662 : vector<16xi32>
      %add3A_1664 = vector.broadcast %select_n3A_1651 : i32 to vector<16xi32>
      %add3A_1665 = arith.addi %add3A_1664, %mul3A_1663 : vector<16xi32>
      %gather3A_1666 = tpu.vector_load_idx %arg26[%add3A_1654, %add3A_1665] : memref<32x64xf32, #tpu.memory_space<vmem>>[vector<16xi32>, vector<16xi32>], vector<16xf32>,
      %select_n3A_1667 = arith.select %ge3A_1647, %gather3A_1666, %gather3A_1660 : vector<16xf32>
      %add3A_1668 = arith.constant 16 : i32
      %add3A_1669 = vector.broadcast %add3A_1668 : i32 to vector<16xi32>
      %add3A_1670 = arith.addi %iota3A, %add3A_1669 : vector<16xi32>
      %mul3A_1671 = arith.constant 0 : i32
      %mul3A_1672 = vector.broadcast %mul3A_1671 : i32 to vector<16xi32>
      %mul3A_1673 = arith.muli %iota3A, %mul3A_1672 : vector<16xi32>
      %add3A_1674 = vector.broadcast %and3A_1645 : i32 to vector<16xi32>
      %add3A_1675 = arith.addi %add3A_1674, %mul3A_1673 : vector<16xi32>
      %gather3A_1676 = tpu.vector_load_idx %arg19[%add3A_1670, %add3A_1675] : memref<32x128xf32, #tpu.memory_space<vmem>>[vector<16xi32>, vector<16xi32>], vector<16xf32>,
      %mul3A_1677 = arith.constant 0 : i32
      %mul3A_1678 = vector.broadcast %mul3A_1677 : i32 to vector<16xi32>
      %mul3A_1679 = arith.muli %iota3A, %mul3A_1678 : vector<16xi32>
      %add3A_1680 = vector.broadcast %select_n3A_1651 : i32 to vector<16xi32>
      %add3A_1681 = arith.addi %add3A_1680, %mul3A_1679 : vector<16xi32>
      %gather3A_1682 = tpu.vector_load_idx %arg26[%add3A_1670, %add3A_1681] : memref<32x64xf32, #tpu.memory_space<vmem>>[vector<16xi32>, vector<16xi32>], vector<16xf32>,
      %select_n3A_1683 = arith.select %ge3A_1647, %gather3A_1682, %gather3A_1676 : vector<16xf32>
      %add3A_1684 = arith.constant 0 : i32
      %add3A_1685 = vector.broadcast %add3A_1684 : i32 to vector<16xi32>
      %add3A_1686 = arith.addi %iota3A, %add3A_1685 : vector<16xi32>
      %mul3A_1687 = arith.constant 0 : i32
      %mul3A_1688 = vector.broadcast %mul3A_1687 : i32 to vector<16xi32>
      %mul3A_1689 = arith.muli %iota3A, %mul3A_1688 : vector<16xi32>
      %add3A_1690 = vector.broadcast %add3A_1587 : i32 to vector<16xi32>
      %add3A_1691 = arith.addi %add3A_1690, %mul3A_1689 : vector<16xi32>
      %mul3A_1692 = arith.mulf %select_n3A_1625, %select_n3A_1667 : vector<16xf32>
      tpu.vector_store_idx %arg27[%add3A_1686, %add3A_1691], %mul3A_1692 : memref<32x512xf32, #tpu.memory_space<vmem>>[vector<16xi32>, vector<16xi32>], vector<16xf32>,
      %add3A_1693 = arith.constant 16 : i32
      %add3A_1694 = vector.broadcast %add3A_1693 : i32 to vector<16xi32>
      %add3A_1695 = arith.addi %iota3A, %add3A_1694 : vector<16xi32>
      %mul3A_1696 = arith.constant 0 : i32
      %mul3A_1697 = vector.broadcast %mul3A_1696 : i32 to vector<16xi32>
      %mul3A_1698 = arith.muli %iota3A, %mul3A_1697 : vector<16xi32>
      %add3A_1699 = vector.broadcast %add3A_1587 : i32 to vector<16xi32>
      %add3A_1700 = arith.addi %add3A_1699, %mul3A_1698 : vector<16xi32>
      %mul3A_1701 = arith.mulf %select_n3A_1641, %select_n3A_1683 : vector<16xf32>
      tpu.vector_store_idx %arg27[%add3A_1695, %add3A_1700], %mul3A_1701 : memref<32x512xf32, #tpu.memory_space<vmem>>[vector<16xi32>, vector<16xi32>], vector<16xf32>,
      %slice3A_1702 = vector.extract_strided_slice %get3A_276 {offsets = [2], sizes = [1], strides = [1]} : vector<16xi32> to vector<1xi32>
      %squeeze3A_1703 = vector.extract %slice3A_1702[0] : i32 from vector<1xi32>
      %slice3A_1704 = vector.extract_strided_slice %get3A_282 {offsets = [2], sizes = [1], strides = [1]} : vector<16xi32> to vector<1xi32>
      %squeeze3A_1705 = vector.extract %slice3A_1704[0] : i32 from vector<1xi32>
      %add3A_1706 = arith.constant 8 : i32
      %add3A_1707 = arith.addi %add3A_1587, %add3A_1706 : i32
      %lt3A_1708 = arith.constant 512 : i32
      %lt3A_1709 = arith.cmpi slt, %add3A_1707, %lt3A_1708 : i32
      %and3A_1710 = arith.constant true
      %and3A_1711 = arith.andi %lt3A_1709, %and3A_1710 : i1
      %convert_element_type3A_1712 = arith.extui %and3A_1711 : i1 to i32
      %cond3A_1713 = arith.constant 0 : i32
      %cond3A_1714 = arith.cmpi ne, %convert_element_type3A_1712, %cond3A_1713 : i32
      scf.if %cond3A_1714 {
        %shift_right_arithmetic3A_2370 = arith.constant 7 : i32
        %shift_right_arithmetic3A_2371 = arith.shrsi %squeeze3A_1703, %shift_right_arithmetic3A_2370 : i32
        %min3A_2372 = arith.constant 7811 : i32
        %min3A_2373 = arith.minsi %shift_right_arithmetic3A_2371, %min3A_2372 : i32
        %shift_left3A_2374 = arith.constant 7 : i32
        %shift_left3A_2375 = arith.shli %min3A_2373, %shift_left3A_2374 : i32
        %shift_right_arithmetic3A_2376 = arith.constant 7 : i32
        %shift_right_arithmetic3A_2377 = arith.shrsi %squeeze3A_1705, %shift_right_arithmetic3A_2376 : i32
        %min3A_2378 = arith.constant 7811 : i32
        %min3A_2379 = arith.minsi %shift_right_arithmetic3A_2377, %min3A_2378 : i32
        %shift_left3A_2380 = arith.constant 7 : i32
        %shift_left3A_2381 = arith.shli %min3A_2379, %shift_left3A_2380 : i32
        %multiple_of3A_2382 = tpu.assume_multiple %shift_left3A_2375, 128 : i32
        %dma_start3A_2383 = arith.constant 0 : i32
        %dma_start3A_2384 = tpu.memref_slice %arg4[%dma_start3A_2383, %multiple_of3A_2382] : memref<32x1000000xf32, #tpu.memory_space<hbm>> -> memref<32x128xf32, #tpu.memory_space<hbm>>
        %dma_start3A_2385 = arith.constant 0 : i32
        %dma_start3A_2386 = tpu.memref_slice %arg4[%dma_start3A_2385, %multiple_of3A_2382] : memref<32x1000000xf32, #tpu.memory_space<hbm>> -> memref<32x128xf32, #tpu.memory_space<hbm>>
        tpu.enqueue_dma source(%dma_start3A_2386 : memref<32x128xf32, #tpu.memory_space<hbm>>) target(%arg11 : memref<32x128xf32, #tpu.memory_space<vmem>>) target_semaphore(%arg30 : memref<!tpu.dma_semaphore, #tpu.memory_space<semaphore_mem>>)
        %multiple_of3A_2387 = tpu.assume_multiple %shift_left3A_2381, 128 : i32
        %dma_start3A_2388 = arith.constant 0 : i32
        %dma_start3A_2389 = tpu.memref_slice %arg5[%dma_start3A_2388, %multiple_of3A_2387] : memref<32x1000000xf32, #tpu.memory_space<hbm>> -> memref<32x128xf32, #tpu.memory_space<hbm>>
        %dma_start3A_2390 = arith.constant 0 : i32
        %dma_start3A_2391 = tpu.memref_slice %arg5[%dma_start3A_2390, %multiple_of3A_2387] : memref<32x1000000xf32, #tpu.memory_space<hbm>> -> memref<32x128xf32, #tpu.memory_space<hbm>>
        tpu.enqueue_dma source(%dma_start3A_2391 : memref<32x128xf32, #tpu.memory_space<hbm>>) target(%arg19 : memref<32x128xf32, #tpu.memory_space<vmem>>) target_semaphore(%arg38 : memref<!tpu.dma_semaphore, #tpu.memory_space<semaphore_mem>>)
      } else {
      }
      %mul3A_1715 = arith.constant 16 : i32
      %mul3A_1716 = arith.muli %add3A_262, %mul3A_1715 : i32
      %add3A_1717 = arith.constant 11 : i32
      %add3A_1718 = arith.addi %mul3A_1716, %add3A_1717 : i32
      %dma_wait3A_1719 = arith.constant 0 : i32
      %dma_wait3A_1720 = arith.constant 0 : i32
      %dma_wait3A_1721 = tpu.memref_slice %arg4[%dma_wait3A_1719, %dma_wait3A_1720] : memref<32x1000000xf32, #tpu.memory_space<hbm>> -> memref<32x128xf32, #tpu.memory_space<hbm>>
      %dma_wait3A_1722 = arith.constant 0 : i32
      %dma_wait3A_1723 = arith.constant 0 : i32
      %dma_wait3A_1724 = tpu.memref_slice %arg4[%dma_wait3A_1722, %dma_wait3A_1723] : memref<32x1000000xf32, #tpu.memory_space<hbm>> -> memref<32x128xf32, #tpu.memory_space<hbm>>
      tpu.wait_dma2 semaphore(%arg31 : memref<!tpu.dma_semaphore, #tpu.memory_space<semaphore_mem>>) src(%dma_wait3A_1724 : memref<32x128xf32, #tpu.memory_space<hbm>>) dst(%arg12 : memref<32x128xf32, #tpu.memory_space<vmem>>)
      %dma_wait3A_1725 = arith.constant 0 : i32
      %dma_wait3A_1726 = arith.constant 0 : i32
      %dma_wait3A_1727 = tpu.memref_slice %arg5[%dma_wait3A_1725, %dma_wait3A_1726] : memref<32x1000000xf32, #tpu.memory_space<hbm>> -> memref<32x128xf32, #tpu.memory_space<hbm>>
      %dma_wait3A_1728 = arith.constant 0 : i32
      %dma_wait3A_1729 = arith.constant 0 : i32
      %dma_wait3A_1730 = tpu.memref_slice %arg5[%dma_wait3A_1728, %dma_wait3A_1729] : memref<32x1000000xf32, #tpu.memory_space<hbm>> -> memref<32x128xf32, #tpu.memory_space<hbm>>
      tpu.wait_dma2 semaphore(%arg39 : memref<!tpu.dma_semaphore, #tpu.memory_space<semaphore_mem>>) src(%dma_wait3A_1730 : memref<32x128xf32, #tpu.memory_space<hbm>>) dst(%arg20 : memref<32x128xf32, #tpu.memory_space<vmem>>)
      %slice3A_1731 = vector.extract_strided_slice %get3A_266 {offsets = [11], sizes = [1], strides = [1]} : vector<16xi32> to vector<1xi32>
      %squeeze3A_1732 = vector.extract %slice3A_1731[0] : i32 from vector<1xi32>
      %and3A_1733 = arith.constant 127 : i32
      %and3A_1734 = arith.andi %squeeze3A_1732, %and3A_1733 : i32
      %ge3A_1735 = arith.constant 999936 : i32
      %ge3A_1736 = arith.cmpi sge, %squeeze3A_1732, %ge3A_1735 : i32
      %sub3A_1737 = arith.constant 999936 : i32
      %sub3A_1738 = arith.subi %squeeze3A_1732, %sub3A_1737 : i32
      %jit3A_1739 = arith.constant 0 : i32
      %select_n3A_1740 = arith.select %ge3A_1736, %sub3A_1738, %jit3A_1739 : i32
      %add3A_1741 = arith.constant 0 : i32
      %add3A_1742 = vector.broadcast %add3A_1741 : i32 to vector<16xi32>
      %add3A_1743 = arith.addi %iota3A, %add3A_1742 : vector<16xi32>
      %mul3A_1744 = arith.constant 0 : i32
      %mul3A_1745 = vector.broadcast %mul3A_1744 : i32 to vector<16xi32>
      %mul3A_1746 = arith.muli %iota3A, %mul3A_1745 : vector<16xi32>
      %add3A_1747 = vector.broadcast %and3A_1734 : i32 to vector<16xi32>
      %add3A_1748 = arith.addi %add3A_1747, %mul3A_1746 : vector<16xi32>
      %gather3A_1749 = tpu.vector_load_idx %arg12[%add3A_1743, %add3A_1748] : memref<32x128xf32, #tpu.memory_space<vmem>>[vector<16xi32>, vector<16xi32>], vector<16xf32>,
      %mul3A_1750 = arith.constant 0 : i32
      %mul3A_1751 = vector.broadcast %mul3A_1750 : i32 to vector<16xi32>
      %mul3A_1752 = arith.muli %iota3A, %mul3A_1751 : vector<16xi32>
      %add3A_1753 = vector.broadcast %select_n3A_1740 : i32 to vector<16xi32>
      %add3A_1754 = arith.addi %add3A_1753, %mul3A_1752 : vector<16xi32>
      %gather3A_1755 = tpu.vector_load_idx %arg25[%add3A_1743, %add3A_1754] : memref<32x64xf32, #tpu.memory_space<vmem>>[vector<16xi32>, vector<16xi32>], vector<16xf32>,
      %select_n3A_1756 = arith.select %ge3A_1736, %gather3A_1755, %gather3A_1749 : vector<16xf32>
      %add3A_1757 = arith.constant 16 : i32
      %add3A_1758 = vector.broadcast %add3A_1757 : i32 to vector<16xi32>
      %add3A_1759 = arith.addi %iota3A, %add3A_1758 : vector<16xi32>
      %mul3A_1760 = arith.constant 0 : i32
      %mul3A_1761 = vector.broadcast %mul3A_1760 : i32 to vector<16xi32>
      %mul3A_1762 = arith.muli %iota3A, %mul3A_1761 : vector<16xi32>
      %add3A_1763 = vector.broadcast %and3A_1734 : i32 to vector<16xi32>
      %add3A_1764 = arith.addi %add3A_1763, %mul3A_1762 : vector<16xi32>
      %gather3A_1765 = tpu.vector_load_idx %arg12[%add3A_1759, %add3A_1764] : memref<32x128xf32, #tpu.memory_space<vmem>>[vector<16xi32>, vector<16xi32>], vector<16xf32>,
      %mul3A_1766 = arith.constant 0 : i32
      %mul3A_1767 = vector.broadcast %mul3A_1766 : i32 to vector<16xi32>
      %mul3A_1768 = arith.muli %iota3A, %mul3A_1767 : vector<16xi32>
      %add3A_1769 = vector.broadcast %select_n3A_1740 : i32 to vector<16xi32>
      %add3A_1770 = arith.addi %add3A_1769, %mul3A_1768 : vector<16xi32>
      %gather3A_1771 = tpu.vector_load_idx %arg25[%add3A_1759, %add3A_1770] : memref<32x64xf32, #tpu.memory_space<vmem>>[vector<16xi32>, vector<16xi32>], vector<16xf32>,
      %select_n3A_1772 = arith.select %ge3A_1736, %gather3A_1771, %gather3A_1765 : vector<16xf32>
      %slice3A_1773 = vector.extract_strided_slice %get3A_270 {offsets = [11], sizes = [1], strides = [1]} : vector<16xi32> to vector<1xi32>
      %squeeze3A_1774 = vector.extract %slice3A_1773[0] : i32 from vector<1xi32>
      %and3A_1775 = arith.constant 127 : i32
      %and3A_1776 = arith.andi %squeeze3A_1774, %and3A_1775 : i32
      %ge3A_1777 = arith.constant 999936 : i32
      %ge3A_1778 = arith.cmpi sge, %squeeze3A_1774, %ge3A_1777 : i32
      %sub3A_1779 = arith.constant 999936 : i32
      %sub3A_1780 = arith.subi %squeeze3A_1774, %sub3A_1779 : i32
      %jit3A_1781 = arith.constant 0 : i32
      %select_n3A_1782 = arith.select %ge3A_1778, %sub3A_1780, %jit3A_1781 : i32
      %add3A_1783 = arith.constant 0 : i32
      %add3A_1784 = vector.broadcast %add3A_1783 : i32 to vector<16xi32>
      %add3A_1785 = arith.addi %iota3A, %add3A_1784 : vector<16xi32>
      %mul3A_1786 = arith.constant 0 : i32
      %mul3A_1787 = vector.broadcast %mul3A_1786 : i32 to vector<16xi32>
      %mul3A_1788 = arith.muli %iota3A, %mul3A_1787 : vector<16xi32>
      %add3A_1789 = vector.broadcast %and3A_1776 : i32 to vector<16xi32>
      %add3A_1790 = arith.addi %add3A_1789, %mul3A_1788 : vector<16xi32>
      %gather3A_1791 = tpu.vector_load_idx %arg20[%add3A_1785, %add3A_1790] : memref<32x128xf32, #tpu.memory_space<vmem>>[vector<16xi32>, vector<16xi32>], vector<16xf32>,
      %mul3A_1792 = arith.constant 0 : i32
      %mul3A_1793 = vector.broadcast %mul3A_1792 : i32 to vector<16xi32>
      %mul3A_1794 = arith.muli %iota3A, %mul3A_1793 : vector<16xi32>
      %add3A_1795 = vector.broadcast %select_n3A_1782 : i32 to vector<16xi32>
      %add3A_1796 = arith.addi %add3A_1795, %mul3A_1794 : vector<16xi32>
      %gather3A_1797 = tpu.vector_load_idx %arg26[%add3A_1785, %add3A_1796] : memref<32x64xf32, #tpu.memory_space<vmem>>[vector<16xi32>, vector<16xi32>], vector<16xf32>,
      %select_n3A_1798 = arith.select %ge3A_1778, %gather3A_1797, %gather3A_1791 : vector<16xf32>
      %add3A_1799 = arith.constant 16 : i32
      %add3A_1800 = vector.broadcast %add3A_1799 : i32 to vector<16xi32>
      %add3A_1801 = arith.addi %iota3A, %add3A_1800 : vector<16xi32>
      %mul3A_1802 = arith.constant 0 : i32
      %mul3A_1803 = vector.broadcast %mul3A_1802 : i32 to vector<16xi32>
      %mul3A_1804 = arith.muli %iota3A, %mul3A_1803 : vector<16xi32>
      %add3A_1805 = vector.broadcast %and3A_1776 : i32 to vector<16xi32>
      %add3A_1806 = arith.addi %add3A_1805, %mul3A_1804 : vector<16xi32>
      %gather3A_1807 = tpu.vector_load_idx %arg20[%add3A_1801, %add3A_1806] : memref<32x128xf32, #tpu.memory_space<vmem>>[vector<16xi32>, vector<16xi32>], vector<16xf32>,
      %mul3A_1808 = arith.constant 0 : i32
      %mul3A_1809 = vector.broadcast %mul3A_1808 : i32 to vector<16xi32>
      %mul3A_1810 = arith.muli %iota3A, %mul3A_1809 : vector<16xi32>
      %add3A_1811 = vector.broadcast %select_n3A_1782 : i32 to vector<16xi32>
      %add3A_1812 = arith.addi %add3A_1811, %mul3A_1810 : vector<16xi32>
      %gather3A_1813 = tpu.vector_load_idx %arg26[%add3A_1801, %add3A_1812] : memref<32x64xf32, #tpu.memory_space<vmem>>[vector<16xi32>, vector<16xi32>], vector<16xf32>,
      %select_n3A_1814 = arith.select %ge3A_1778, %gather3A_1813, %gather3A_1807 : vector<16xf32>
      %add3A_1815 = arith.constant 0 : i32
      %add3A_1816 = vector.broadcast %add3A_1815 : i32 to vector<16xi32>
      %add3A_1817 = arith.addi %iota3A, %add3A_1816 : vector<16xi32>
      %mul3A_1818 = arith.constant 0 : i32
      %mul3A_1819 = vector.broadcast %mul3A_1818 : i32 to vector<16xi32>
      %mul3A_1820 = arith.muli %iota3A, %mul3A_1819 : vector<16xi32>
      %add3A_1821 = vector.broadcast %add3A_1718 : i32 to vector<16xi32>
      %add3A_1822 = arith.addi %add3A_1821, %mul3A_1820 : vector<16xi32>
      %mul3A_1823 = arith.mulf %select_n3A_1756, %select_n3A_1798 : vector<16xf32>
      tpu.vector_store_idx %arg27[%add3A_1817, %add3A_1822], %mul3A_1823 : memref<32x512xf32, #tpu.memory_space<vmem>>[vector<16xi32>, vector<16xi32>], vector<16xf32>,
      %add3A_1824 = arith.constant 16 : i32
      %add3A_1825 = vector.broadcast %add3A_1824 : i32 to vector<16xi32>
      %add3A_1826 = arith.addi %iota3A, %add3A_1825 : vector<16xi32>
      %mul3A_1827 = arith.constant 0 : i32
      %mul3A_1828 = vector.broadcast %mul3A_1827 : i32 to vector<16xi32>
      %mul3A_1829 = arith.muli %iota3A, %mul3A_1828 : vector<16xi32>
      %add3A_1830 = vector.broadcast %add3A_1718 : i32 to vector<16xi32>
      %add3A_1831 = arith.addi %add3A_1830, %mul3A_1829 : vector<16xi32>
      %mul3A_1832 = arith.mulf %select_n3A_1772, %select_n3A_1814 : vector<16xf32>
      tpu.vector_store_idx %arg27[%add3A_1826, %add3A_1831], %mul3A_1832 : memref<32x512xf32, #tpu.memory_space<vmem>>[vector<16xi32>, vector<16xi32>], vector<16xf32>,
      %slice3A_1833 = vector.extract_strided_slice %get3A_276 {offsets = [3], sizes = [1], strides = [1]} : vector<16xi32> to vector<1xi32>
      %squeeze3A_1834 = vector.extract %slice3A_1833[0] : i32 from vector<1xi32>
      %slice3A_1835 = vector.extract_strided_slice %get3A_282 {offsets = [3], sizes = [1], strides = [1]} : vector<16xi32> to vector<1xi32>
      %squeeze3A_1836 = vector.extract %slice3A_1835[0] : i32 from vector<1xi32>
      %add3A_1837 = arith.constant 8 : i32
      %add3A_1838 = arith.addi %add3A_1718, %add3A_1837 : i32
      %lt3A_1839 = arith.constant 512 : i32
      %lt3A_1840 = arith.cmpi slt, %add3A_1838, %lt3A_1839 : i32
      %and3A_1841 = arith.constant true
      %and3A_1842 = arith.andi %lt3A_1840, %and3A_1841 : i1
      %convert_element_type3A_1843 = arith.extui %and3A_1842 : i1 to i32
      %cond3A_1844 = arith.constant 0 : i32
      %cond3A_1845 = arith.cmpi ne, %convert_element_type3A_1843, %cond3A_1844 : i32
      scf.if %cond3A_1845 {
        %shift_right_arithmetic3A_2370 = arith.constant 7 : i32
        %shift_right_arithmetic3A_2371 = arith.shrsi %squeeze3A_1834, %shift_right_arithmetic3A_2370 : i32
        %min3A_2372 = arith.constant 7811 : i32
        %min3A_2373 = arith.minsi %shift_right_arithmetic3A_2371, %min3A_2372 : i32
        %shift_left3A_2374 = arith.constant 7 : i32
        %shift_left3A_2375 = arith.shli %min3A_2373, %shift_left3A_2374 : i32
        %shift_right_arithmetic3A_2376 = arith.constant 7 : i32
        %shift_right_arithmetic3A_2377 = arith.shrsi %squeeze3A_1836, %shift_right_arithmetic3A_2376 : i32
        %min3A_2378 = arith.constant 7811 : i32
        %min3A_2379 = arith.minsi %shift_right_arithmetic3A_2377, %min3A_2378 : i32
        %shift_left3A_2380 = arith.constant 7 : i32
        %shift_left3A_2381 = arith.shli %min3A_2379, %shift_left3A_2380 : i32
        %multiple_of3A_2382 = tpu.assume_multiple %shift_left3A_2375, 128 : i32
        %dma_start3A_2383 = arith.constant 0 : i32
        %dma_start3A_2384 = tpu.memref_slice %arg4[%dma_start3A_2383, %multiple_of3A_2382] : memref<32x1000000xf32, #tpu.memory_space<hbm>> -> memref<32x128xf32, #tpu.memory_space<hbm>>
        %dma_start3A_2385 = arith.constant 0 : i32
        %dma_start3A_2386 = tpu.memref_slice %arg4[%dma_start3A_2385, %multiple_of3A_2382] : memref<32x1000000xf32, #tpu.memory_space<hbm>> -> memref<32x128xf32, #tpu.memory_space<hbm>>
        tpu.enqueue_dma source(%dma_start3A_2386 : memref<32x128xf32, #tpu.memory_space<hbm>>) target(%arg12 : memref<32x128xf32, #tpu.memory_space<vmem>>) target_semaphore(%arg31 : memref<!tpu.dma_semaphore, #tpu.memory_space<semaphore_mem>>)
        %multiple_of3A_2387 = tpu.assume_multiple %shift_left3A_2381, 128 : i32
        %dma_start3A_2388 = arith.constant 0 : i32
        %dma_start3A_2389 = tpu.memref_slice %arg5[%dma_start3A_2388, %multiple_of3A_2387] : memref<32x1000000xf32, #tpu.memory_space<hbm>> -> memref<32x128xf32, #tpu.memory_space<hbm>>
        %dma_start3A_2390 = arith.constant 0 : i32
        %dma_start3A_2391 = tpu.memref_slice %arg5[%dma_start3A_2390, %multiple_of3A_2387] : memref<32x1000000xf32, #tpu.memory_space<hbm>> -> memref<32x128xf32, #tpu.memory_space<hbm>>
        tpu.enqueue_dma source(%dma_start3A_2391 : memref<32x128xf32, #tpu.memory_space<hbm>>) target(%arg20 : memref<32x128xf32, #tpu.memory_space<vmem>>) target_semaphore(%arg39 : memref<!tpu.dma_semaphore, #tpu.memory_space<semaphore_mem>>)
      } else {
      }
      %mul3A_1846 = arith.constant 16 : i32
      %mul3A_1847 = arith.muli %add3A_262, %mul3A_1846 : i32
      %add3A_1848 = arith.constant 12 : i32
      %add3A_1849 = arith.addi %mul3A_1847, %add3A_1848 : i32
      %dma_wait3A_1850 = arith.constant 0 : i32
      %dma_wait3A_1851 = arith.constant 0 : i32
      %dma_wait3A_1852 = tpu.memref_slice %arg4[%dma_wait3A_1850, %dma_wait3A_1851] : memref<32x1000000xf32, #tpu.memory_space<hbm>> -> memref<32x128xf32, #tpu.memory_space<hbm>>
      %dma_wait3A_1853 = arith.constant 0 : i32
      %dma_wait3A_1854 = arith.constant 0 : i32
      %dma_wait3A_1855 = tpu.memref_slice %arg4[%dma_wait3A_1853, %dma_wait3A_1854] : memref<32x1000000xf32, #tpu.memory_space<hbm>> -> memref<32x128xf32, #tpu.memory_space<hbm>>
      tpu.wait_dma2 semaphore(%arg32 : memref<!tpu.dma_semaphore, #tpu.memory_space<semaphore_mem>>) src(%dma_wait3A_1855 : memref<32x128xf32, #tpu.memory_space<hbm>>) dst(%arg13 : memref<32x128xf32, #tpu.memory_space<vmem>>)
      %dma_wait3A_1856 = arith.constant 0 : i32
      %dma_wait3A_1857 = arith.constant 0 : i32
      %dma_wait3A_1858 = tpu.memref_slice %arg5[%dma_wait3A_1856, %dma_wait3A_1857] : memref<32x1000000xf32, #tpu.memory_space<hbm>> -> memref<32x128xf32, #tpu.memory_space<hbm>>
      %dma_wait3A_1859 = arith.constant 0 : i32
      %dma_wait3A_1860 = arith.constant 0 : i32
      %dma_wait3A_1861 = tpu.memref_slice %arg5[%dma_wait3A_1859, %dma_wait3A_1860] : memref<32x1000000xf32, #tpu.memory_space<hbm>> -> memref<32x128xf32, #tpu.memory_space<hbm>>
      tpu.wait_dma2 semaphore(%arg40 : memref<!tpu.dma_semaphore, #tpu.memory_space<semaphore_mem>>) src(%dma_wait3A_1861 : memref<32x128xf32, #tpu.memory_space<hbm>>) dst(%arg21 : memref<32x128xf32, #tpu.memory_space<vmem>>)
      %slice3A_1862 = vector.extract_strided_slice %get3A_266 {offsets = [12], sizes = [1], strides = [1]} : vector<16xi32> to vector<1xi32>
      %squeeze3A_1863 = vector.extract %slice3A_1862[0] : i32 from vector<1xi32>
      %and3A_1864 = arith.constant 127 : i32
      %and3A_1865 = arith.andi %squeeze3A_1863, %and3A_1864 : i32
      %ge3A_1866 = arith.constant 999936 : i32
      %ge3A_1867 = arith.cmpi sge, %squeeze3A_1863, %ge3A_1866 : i32
      %sub3A_1868 = arith.constant 999936 : i32
      %sub3A_1869 = arith.subi %squeeze3A_1863, %sub3A_1868 : i32
      %jit3A_1870 = arith.constant 0 : i32
      %select_n3A_1871 = arith.select %ge3A_1867, %sub3A_1869, %jit3A_1870 : i32
      %add3A_1872 = arith.constant 0 : i32
      %add3A_1873 = vector.broadcast %add3A_1872 : i32 to vector<16xi32>
      %add3A_1874 = arith.addi %iota3A, %add3A_1873 : vector<16xi32>
      %mul3A_1875 = arith.constant 0 : i32
      %mul3A_1876 = vector.broadcast %mul3A_1875 : i32 to vector<16xi32>
      %mul3A_1877 = arith.muli %iota3A, %mul3A_1876 : vector<16xi32>
      %add3A_1878 = vector.broadcast %and3A_1865 : i32 to vector<16xi32>
      %add3A_1879 = arith.addi %add3A_1878, %mul3A_1877 : vector<16xi32>
      %gather3A_1880 = tpu.vector_load_idx %arg13[%add3A_1874, %add3A_1879] : memref<32x128xf32, #tpu.memory_space<vmem>>[vector<16xi32>, vector<16xi32>], vector<16xf32>,
      %mul3A_1881 = arith.constant 0 : i32
      %mul3A_1882 = vector.broadcast %mul3A_1881 : i32 to vector<16xi32>
      %mul3A_1883 = arith.muli %iota3A, %mul3A_1882 : vector<16xi32>
      %add3A_1884 = vector.broadcast %select_n3A_1871 : i32 to vector<16xi32>
      %add3A_1885 = arith.addi %add3A_1884, %mul3A_1883 : vector<16xi32>
      %gather3A_1886 = tpu.vector_load_idx %arg25[%add3A_1874, %add3A_1885] : memref<32x64xf32, #tpu.memory_space<vmem>>[vector<16xi32>, vector<16xi32>], vector<16xf32>,
      %select_n3A_1887 = arith.select %ge3A_1867, %gather3A_1886, %gather3A_1880 : vector<16xf32>
      %add3A_1888 = arith.constant 16 : i32
      %add3A_1889 = vector.broadcast %add3A_1888 : i32 to vector<16xi32>
      %add3A_1890 = arith.addi %iota3A, %add3A_1889 : vector<16xi32>
      %mul3A_1891 = arith.constant 0 : i32
      %mul3A_1892 = vector.broadcast %mul3A_1891 : i32 to vector<16xi32>
      %mul3A_1893 = arith.muli %iota3A, %mul3A_1892 : vector<16xi32>
      %add3A_1894 = vector.broadcast %and3A_1865 : i32 to vector<16xi32>
      %add3A_1895 = arith.addi %add3A_1894, %mul3A_1893 : vector<16xi32>
      %gather3A_1896 = tpu.vector_load_idx %arg13[%add3A_1890, %add3A_1895] : memref<32x128xf32, #tpu.memory_space<vmem>>[vector<16xi32>, vector<16xi32>], vector<16xf32>,
      %mul3A_1897 = arith.constant 0 : i32
      %mul3A_1898 = vector.broadcast %mul3A_1897 : i32 to vector<16xi32>
      %mul3A_1899 = arith.muli %iota3A, %mul3A_1898 : vector<16xi32>
      %add3A_1900 = vector.broadcast %select_n3A_1871 : i32 to vector<16xi32>
      %add3A_1901 = arith.addi %add3A_1900, %mul3A_1899 : vector<16xi32>
      %gather3A_1902 = tpu.vector_load_idx %arg25[%add3A_1890, %add3A_1901] : memref<32x64xf32, #tpu.memory_space<vmem>>[vector<16xi32>, vector<16xi32>], vector<16xf32>,
      %select_n3A_1903 = arith.select %ge3A_1867, %gather3A_1902, %gather3A_1896 : vector<16xf32>
      %slice3A_1904 = vector.extract_strided_slice %get3A_270 {offsets = [12], sizes = [1], strides = [1]} : vector<16xi32> to vector<1xi32>
      %squeeze3A_1905 = vector.extract %slice3A_1904[0] : i32 from vector<1xi32>
      %and3A_1906 = arith.constant 127 : i32
      %and3A_1907 = arith.andi %squeeze3A_1905, %and3A_1906 : i32
      %ge3A_1908 = arith.constant 999936 : i32
      %ge3A_1909 = arith.cmpi sge, %squeeze3A_1905, %ge3A_1908 : i32
      %sub3A_1910 = arith.constant 999936 : i32
      %sub3A_1911 = arith.subi %squeeze3A_1905, %sub3A_1910 : i32
      %jit3A_1912 = arith.constant 0 : i32
      %select_n3A_1913 = arith.select %ge3A_1909, %sub3A_1911, %jit3A_1912 : i32
      %add3A_1914 = arith.constant 0 : i32
      %add3A_1915 = vector.broadcast %add3A_1914 : i32 to vector<16xi32>
      %add3A_1916 = arith.addi %iota3A, %add3A_1915 : vector<16xi32>
      %mul3A_1917 = arith.constant 0 : i32
      %mul3A_1918 = vector.broadcast %mul3A_1917 : i32 to vector<16xi32>
      %mul3A_1919 = arith.muli %iota3A, %mul3A_1918 : vector<16xi32>
      %add3A_1920 = vector.broadcast %and3A_1907 : i32 to vector<16xi32>
      %add3A_1921 = arith.addi %add3A_1920, %mul3A_1919 : vector<16xi32>
      %gather3A_1922 = tpu.vector_load_idx %arg21[%add3A_1916, %add3A_1921] : memref<32x128xf32, #tpu.memory_space<vmem>>[vector<16xi32>, vector<16xi32>], vector<16xf32>,
      %mul3A_1923 = arith.constant 0 : i32
      %mul3A_1924 = vector.broadcast %mul3A_1923 : i32 to vector<16xi32>
      %mul3A_1925 = arith.muli %iota3A, %mul3A_1924 : vector<16xi32>
      %add3A_1926 = vector.broadcast %select_n3A_1913 : i32 to vector<16xi32>
      %add3A_1927 = arith.addi %add3A_1926, %mul3A_1925 : vector<16xi32>
      %gather3A_1928 = tpu.vector_load_idx %arg26[%add3A_1916, %add3A_1927] : memref<32x64xf32, #tpu.memory_space<vmem>>[vector<16xi32>, vector<16xi32>], vector<16xf32>,
      %select_n3A_1929 = arith.select %ge3A_1909, %gather3A_1928, %gather3A_1922 : vector<16xf32>
      %add3A_1930 = arith.constant 16 : i32
      %add3A_1931 = vector.broadcast %add3A_1930 : i32 to vector<16xi32>
      %add3A_1932 = arith.addi %iota3A, %add3A_1931 : vector<16xi32>
      %mul3A_1933 = arith.constant 0 : i32
      %mul3A_1934 = vector.broadcast %mul3A_1933 : i32 to vector<16xi32>
      %mul3A_1935 = arith.muli %iota3A, %mul3A_1934 : vector<16xi32>
      %add3A_1936 = vector.broadcast %and3A_1907 : i32 to vector<16xi32>
      %add3A_1937 = arith.addi %add3A_1936, %mul3A_1935 : vector<16xi32>
      %gather3A_1938 = tpu.vector_load_idx %arg21[%add3A_1932, %add3A_1937] : memref<32x128xf32, #tpu.memory_space<vmem>>[vector<16xi32>, vector<16xi32>], vector<16xf32>,
      %mul3A_1939 = arith.constant 0 : i32
      %mul3A_1940 = vector.broadcast %mul3A_1939 : i32 to vector<16xi32>
      %mul3A_1941 = arith.muli %iota3A, %mul3A_1940 : vector<16xi32>
      %add3A_1942 = vector.broadcast %select_n3A_1913 : i32 to vector<16xi32>
      %add3A_1943 = arith.addi %add3A_1942, %mul3A_1941 : vector<16xi32>
      %gather3A_1944 = tpu.vector_load_idx %arg26[%add3A_1932, %add3A_1943] : memref<32x64xf32, #tpu.memory_space<vmem>>[vector<16xi32>, vector<16xi32>], vector<16xf32>,
      %select_n3A_1945 = arith.select %ge3A_1909, %gather3A_1944, %gather3A_1938 : vector<16xf32>
      %add3A_1946 = arith.constant 0 : i32
      %add3A_1947 = vector.broadcast %add3A_1946 : i32 to vector<16xi32>
      %add3A_1948 = arith.addi %iota3A, %add3A_1947 : vector<16xi32>
      %mul3A_1949 = arith.constant 0 : i32
      %mul3A_1950 = vector.broadcast %mul3A_1949 : i32 to vector<16xi32>
      %mul3A_1951 = arith.muli %iota3A, %mul3A_1950 : vector<16xi32>
      %add3A_1952 = vector.broadcast %add3A_1849 : i32 to vector<16xi32>
      %add3A_1953 = arith.addi %add3A_1952, %mul3A_1951 : vector<16xi32>
      %mul3A_1954 = arith.mulf %select_n3A_1887, %select_n3A_1929 : vector<16xf32>
      tpu.vector_store_idx %arg27[%add3A_1948, %add3A_1953], %mul3A_1954 : memref<32x512xf32, #tpu.memory_space<vmem>>[vector<16xi32>, vector<16xi32>], vector<16xf32>,
      %add3A_1955 = arith.constant 16 : i32
      %add3A_1956 = vector.broadcast %add3A_1955 : i32 to vector<16xi32>
      %add3A_1957 = arith.addi %iota3A, %add3A_1956 : vector<16xi32>
      %mul3A_1958 = arith.constant 0 : i32
      %mul3A_1959 = vector.broadcast %mul3A_1958 : i32 to vector<16xi32>
      %mul3A_1960 = arith.muli %iota3A, %mul3A_1959 : vector<16xi32>
      %add3A_1961 = vector.broadcast %add3A_1849 : i32 to vector<16xi32>
      %add3A_1962 = arith.addi %add3A_1961, %mul3A_1960 : vector<16xi32>
      %mul3A_1963 = arith.mulf %select_n3A_1903, %select_n3A_1945 : vector<16xf32>
      tpu.vector_store_idx %arg27[%add3A_1957, %add3A_1962], %mul3A_1963 : memref<32x512xf32, #tpu.memory_space<vmem>>[vector<16xi32>, vector<16xi32>], vector<16xf32>,
      %slice3A_1964 = vector.extract_strided_slice %get3A_276 {offsets = [4], sizes = [1], strides = [1]} : vector<16xi32> to vector<1xi32>
      %squeeze3A_1965 = vector.extract %slice3A_1964[0] : i32 from vector<1xi32>
      %slice3A_1966 = vector.extract_strided_slice %get3A_282 {offsets = [4], sizes = [1], strides = [1]} : vector<16xi32> to vector<1xi32>
      %squeeze3A_1967 = vector.extract %slice3A_1966[0] : i32 from vector<1xi32>
      %add3A_1968 = arith.constant 8 : i32
      %add3A_1969 = arith.addi %add3A_1849, %add3A_1968 : i32
      %lt3A_1970 = arith.constant 512 : i32
      %lt3A_1971 = arith.cmpi slt, %add3A_1969, %lt3A_1970 : i32
      %and3A_1972 = arith.constant true
      %and3A_1973 = arith.andi %lt3A_1971, %and3A_1972 : i1
      %convert_element_type3A_1974 = arith.extui %and3A_1973 : i1 to i32
      %cond3A_1975 = arith.constant 0 : i32
      %cond3A_1976 = arith.cmpi ne, %convert_element_type3A_1974, %cond3A_1975 : i32
      scf.if %cond3A_1976 {
        %shift_right_arithmetic3A_2370 = arith.constant 7 : i32
        %shift_right_arithmetic3A_2371 = arith.shrsi %squeeze3A_1965, %shift_right_arithmetic3A_2370 : i32
        %min3A_2372 = arith.constant 7811 : i32
        %min3A_2373 = arith.minsi %shift_right_arithmetic3A_2371, %min3A_2372 : i32
        %shift_left3A_2374 = arith.constant 7 : i32
        %shift_left3A_2375 = arith.shli %min3A_2373, %shift_left3A_2374 : i32
        %shift_right_arithmetic3A_2376 = arith.constant 7 : i32
        %shift_right_arithmetic3A_2377 = arith.shrsi %squeeze3A_1967, %shift_right_arithmetic3A_2376 : i32
        %min3A_2378 = arith.constant 7811 : i32
        %min3A_2379 = arith.minsi %shift_right_arithmetic3A_2377, %min3A_2378 : i32
        %shift_left3A_2380 = arith.constant 7 : i32
        %shift_left3A_2381 = arith.shli %min3A_2379, %shift_left3A_2380 : i32
        %multiple_of3A_2382 = tpu.assume_multiple %shift_left3A_2375, 128 : i32
        %dma_start3A_2383 = arith.constant 0 : i32
        %dma_start3A_2384 = tpu.memref_slice %arg4[%dma_start3A_2383, %multiple_of3A_2382] : memref<32x1000000xf32, #tpu.memory_space<hbm>> -> memref<32x128xf32, #tpu.memory_space<hbm>>
        %dma_start3A_2385 = arith.constant 0 : i32
        %dma_start3A_2386 = tpu.memref_slice %arg4[%dma_start3A_2385, %multiple_of3A_2382] : memref<32x1000000xf32, #tpu.memory_space<hbm>> -> memref<32x128xf32, #tpu.memory_space<hbm>>
        tpu.enqueue_dma source(%dma_start3A_2386 : memref<32x128xf32, #tpu.memory_space<hbm>>) target(%arg13 : memref<32x128xf32, #tpu.memory_space<vmem>>) target_semaphore(%arg32 : memref<!tpu.dma_semaphore, #tpu.memory_space<semaphore_mem>>)
        %multiple_of3A_2387 = tpu.assume_multiple %shift_left3A_2381, 128 : i32
        %dma_start3A_2388 = arith.constant 0 : i32
        %dma_start3A_2389 = tpu.memref_slice %arg5[%dma_start3A_2388, %multiple_of3A_2387] : memref<32x1000000xf32, #tpu.memory_space<hbm>> -> memref<32x128xf32, #tpu.memory_space<hbm>>
        %dma_start3A_2390 = arith.constant 0 : i32
        %dma_start3A_2391 = tpu.memref_slice %arg5[%dma_start3A_2390, %multiple_of3A_2387] : memref<32x1000000xf32, #tpu.memory_space<hbm>> -> memref<32x128xf32, #tpu.memory_space<hbm>>
        tpu.enqueue_dma source(%dma_start3A_2391 : memref<32x128xf32, #tpu.memory_space<hbm>>) target(%arg21 : memref<32x128xf32, #tpu.memory_space<vmem>>) target_semaphore(%arg40 : memref<!tpu.dma_semaphore, #tpu.memory_space<semaphore_mem>>)
      } else {
      }
      %mul3A_1977 = arith.constant 16 : i32
      %mul3A_1978 = arith.muli %add3A_262, %mul3A_1977 : i32
      %add3A_1979 = arith.constant 13 : i32
      %add3A_1980 = arith.addi %mul3A_1978, %add3A_1979 : i32
      %dma_wait3A_1981 = arith.constant 0 : i32
      %dma_wait3A_1982 = arith.constant 0 : i32
      %dma_wait3A_1983 = tpu.memref_slice %arg4[%dma_wait3A_1981, %dma_wait3A_1982] : memref<32x1000000xf32, #tpu.memory_space<hbm>> -> memref<32x128xf32, #tpu.memory_space<hbm>>
      %dma_wait3A_1984 = arith.constant 0 : i32
      %dma_wait3A_1985 = arith.constant 0 : i32
      %dma_wait3A_1986 = tpu.memref_slice %arg4[%dma_wait3A_1984, %dma_wait3A_1985] : memref<32x1000000xf32, #tpu.memory_space<hbm>> -> memref<32x128xf32, #tpu.memory_space<hbm>>
      tpu.wait_dma2 semaphore(%arg33 : memref<!tpu.dma_semaphore, #tpu.memory_space<semaphore_mem>>) src(%dma_wait3A_1986 : memref<32x128xf32, #tpu.memory_space<hbm>>) dst(%arg14 : memref<32x128xf32, #tpu.memory_space<vmem>>)
      %dma_wait3A_1987 = arith.constant 0 : i32
      %dma_wait3A_1988 = arith.constant 0 : i32
      %dma_wait3A_1989 = tpu.memref_slice %arg5[%dma_wait3A_1987, %dma_wait3A_1988] : memref<32x1000000xf32, #tpu.memory_space<hbm>> -> memref<32x128xf32, #tpu.memory_space<hbm>>
      %dma_wait3A_1990 = arith.constant 0 : i32
      %dma_wait3A_1991 = arith.constant 0 : i32
      %dma_wait3A_1992 = tpu.memref_slice %arg5[%dma_wait3A_1990, %dma_wait3A_1991] : memref<32x1000000xf32, #tpu.memory_space<hbm>> -> memref<32x128xf32, #tpu.memory_space<hbm>>
      tpu.wait_dma2 semaphore(%arg41 : memref<!tpu.dma_semaphore, #tpu.memory_space<semaphore_mem>>) src(%dma_wait3A_1992 : memref<32x128xf32, #tpu.memory_space<hbm>>) dst(%arg22 : memref<32x128xf32, #tpu.memory_space<vmem>>)
      %slice3A_1993 = vector.extract_strided_slice %get3A_266 {offsets = [13], sizes = [1], strides = [1]} : vector<16xi32> to vector<1xi32>
      %squeeze3A_1994 = vector.extract %slice3A_1993[0] : i32 from vector<1xi32>
      %and3A_1995 = arith.constant 127 : i32
      %and3A_1996 = arith.andi %squeeze3A_1994, %and3A_1995 : i32
      %ge3A_1997 = arith.constant 999936 : i32
      %ge3A_1998 = arith.cmpi sge, %squeeze3A_1994, %ge3A_1997 : i32
      %sub3A_1999 = arith.constant 999936 : i32
      %sub3A_2000 = arith.subi %squeeze3A_1994, %sub3A_1999 : i32
      %jit3A_2001 = arith.constant 0 : i32
      %select_n3A_2002 = arith.select %ge3A_1998, %sub3A_2000, %jit3A_2001 : i32
      %add3A_2003 = arith.constant 0 : i32
      %add3A_2004 = vector.broadcast %add3A_2003 : i32 to vector<16xi32>
      %add3A_2005 = arith.addi %iota3A, %add3A_2004 : vector<16xi32>
      %mul3A_2006 = arith.constant 0 : i32
      %mul3A_2007 = vector.broadcast %mul3A_2006 : i32 to vector<16xi32>
      %mul3A_2008 = arith.muli %iota3A, %mul3A_2007 : vector<16xi32>
      %add3A_2009 = vector.broadcast %and3A_1996 : i32 to vector<16xi32>
      %add3A_2010 = arith.addi %add3A_2009, %mul3A_2008 : vector<16xi32>
      %gather3A_2011 = tpu.vector_load_idx %arg14[%add3A_2005, %add3A_2010] : memref<32x128xf32, #tpu.memory_space<vmem>>[vector<16xi32>, vector<16xi32>], vector<16xf32>,
      %mul3A_2012 = arith.constant 0 : i32
      %mul3A_2013 = vector.broadcast %mul3A_2012 : i32 to vector<16xi32>
      %mul3A_2014 = arith.muli %iota3A, %mul3A_2013 : vector<16xi32>
      %add3A_2015 = vector.broadcast %select_n3A_2002 : i32 to vector<16xi32>
      %add3A_2016 = arith.addi %add3A_2015, %mul3A_2014 : vector<16xi32>
      %gather3A_2017 = tpu.vector_load_idx %arg25[%add3A_2005, %add3A_2016] : memref<32x64xf32, #tpu.memory_space<vmem>>[vector<16xi32>, vector<16xi32>], vector<16xf32>,
      %select_n3A_2018 = arith.select %ge3A_1998, %gather3A_2017, %gather3A_2011 : vector<16xf32>
      %add3A_2019 = arith.constant 16 : i32
      %add3A_2020 = vector.broadcast %add3A_2019 : i32 to vector<16xi32>
      %add3A_2021 = arith.addi %iota3A, %add3A_2020 : vector<16xi32>
      %mul3A_2022 = arith.constant 0 : i32
      %mul3A_2023 = vector.broadcast %mul3A_2022 : i32 to vector<16xi32>
      %mul3A_2024 = arith.muli %iota3A, %mul3A_2023 : vector<16xi32>
      %add3A_2025 = vector.broadcast %and3A_1996 : i32 to vector<16xi32>
      %add3A_2026 = arith.addi %add3A_2025, %mul3A_2024 : vector<16xi32>
      %gather3A_2027 = tpu.vector_load_idx %arg14[%add3A_2021, %add3A_2026] : memref<32x128xf32, #tpu.memory_space<vmem>>[vector<16xi32>, vector<16xi32>], vector<16xf32>,
      %mul3A_2028 = arith.constant 0 : i32
      %mul3A_2029 = vector.broadcast %mul3A_2028 : i32 to vector<16xi32>
      %mul3A_2030 = arith.muli %iota3A, %mul3A_2029 : vector<16xi32>
      %add3A_2031 = vector.broadcast %select_n3A_2002 : i32 to vector<16xi32>
      %add3A_2032 = arith.addi %add3A_2031, %mul3A_2030 : vector<16xi32>
      %gather3A_2033 = tpu.vector_load_idx %arg25[%add3A_2021, %add3A_2032] : memref<32x64xf32, #tpu.memory_space<vmem>>[vector<16xi32>, vector<16xi32>], vector<16xf32>,
      %select_n3A_2034 = arith.select %ge3A_1998, %gather3A_2033, %gather3A_2027 : vector<16xf32>
      %slice3A_2035 = vector.extract_strided_slice %get3A_270 {offsets = [13], sizes = [1], strides = [1]} : vector<16xi32> to vector<1xi32>
      %squeeze3A_2036 = vector.extract %slice3A_2035[0] : i32 from vector<1xi32>
      %and3A_2037 = arith.constant 127 : i32
      %and3A_2038 = arith.andi %squeeze3A_2036, %and3A_2037 : i32
      %ge3A_2039 = arith.constant 999936 : i32
      %ge3A_2040 = arith.cmpi sge, %squeeze3A_2036, %ge3A_2039 : i32
      %sub3A_2041 = arith.constant 999936 : i32
      %sub3A_2042 = arith.subi %squeeze3A_2036, %sub3A_2041 : i32
      %jit3A_2043 = arith.constant 0 : i32
      %select_n3A_2044 = arith.select %ge3A_2040, %sub3A_2042, %jit3A_2043 : i32
      %add3A_2045 = arith.constant 0 : i32
      %add3A_2046 = vector.broadcast %add3A_2045 : i32 to vector<16xi32>
      %add3A_2047 = arith.addi %iota3A, %add3A_2046 : vector<16xi32>
      %mul3A_2048 = arith.constant 0 : i32
      %mul3A_2049 = vector.broadcast %mul3A_2048 : i32 to vector<16xi32>
      %mul3A_2050 = arith.muli %iota3A, %mul3A_2049 : vector<16xi32>
      %add3A_2051 = vector.broadcast %and3A_2038 : i32 to vector<16xi32>
      %add3A_2052 = arith.addi %add3A_2051, %mul3A_2050 : vector<16xi32>
      %gather3A_2053 = tpu.vector_load_idx %arg22[%add3A_2047, %add3A_2052] : memref<32x128xf32, #tpu.memory_space<vmem>>[vector<16xi32>, vector<16xi32>], vector<16xf32>,
      %mul3A_2054 = arith.constant 0 : i32
      %mul3A_2055 = vector.broadcast %mul3A_2054 : i32 to vector<16xi32>
      %mul3A_2056 = arith.muli %iota3A, %mul3A_2055 : vector<16xi32>
      %add3A_2057 = vector.broadcast %select_n3A_2044 : i32 to vector<16xi32>
      %add3A_2058 = arith.addi %add3A_2057, %mul3A_2056 : vector<16xi32>
      %gather3A_2059 = tpu.vector_load_idx %arg26[%add3A_2047, %add3A_2058] : memref<32x64xf32, #tpu.memory_space<vmem>>[vector<16xi32>, vector<16xi32>], vector<16xf32>,
      %select_n3A_2060 = arith.select %ge3A_2040, %gather3A_2059, %gather3A_2053 : vector<16xf32>
      %add3A_2061 = arith.constant 16 : i32
      %add3A_2062 = vector.broadcast %add3A_2061 : i32 to vector<16xi32>
      %add3A_2063 = arith.addi %iota3A, %add3A_2062 : vector<16xi32>
      %mul3A_2064 = arith.constant 0 : i32
      %mul3A_2065 = vector.broadcast %mul3A_2064 : i32 to vector<16xi32>
      %mul3A_2066 = arith.muli %iota3A, %mul3A_2065 : vector<16xi32>
      %add3A_2067 = vector.broadcast %and3A_2038 : i32 to vector<16xi32>
      %add3A_2068 = arith.addi %add3A_2067, %mul3A_2066 : vector<16xi32>
      %gather3A_2069 = tpu.vector_load_idx %arg22[%add3A_2063, %add3A_2068] : memref<32x128xf32, #tpu.memory_space<vmem>>[vector<16xi32>, vector<16xi32>], vector<16xf32>,
      %mul3A_2070 = arith.constant 0 : i32
      %mul3A_2071 = vector.broadcast %mul3A_2070 : i32 to vector<16xi32>
      %mul3A_2072 = arith.muli %iota3A, %mul3A_2071 : vector<16xi32>
      %add3A_2073 = vector.broadcast %select_n3A_2044 : i32 to vector<16xi32>
      %add3A_2074 = arith.addi %add3A_2073, %mul3A_2072 : vector<16xi32>
      %gather3A_2075 = tpu.vector_load_idx %arg26[%add3A_2063, %add3A_2074] : memref<32x64xf32, #tpu.memory_space<vmem>>[vector<16xi32>, vector<16xi32>], vector<16xf32>,
      %select_n3A_2076 = arith.select %ge3A_2040, %gather3A_2075, %gather3A_2069 : vector<16xf32>
      %add3A_2077 = arith.constant 0 : i32
      %add3A_2078 = vector.broadcast %add3A_2077 : i32 to vector<16xi32>
      %add3A_2079 = arith.addi %iota3A, %add3A_2078 : vector<16xi32>
      %mul3A_2080 = arith.constant 0 : i32
      %mul3A_2081 = vector.broadcast %mul3A_2080 : i32 to vector<16xi32>
      %mul3A_2082 = arith.muli %iota3A, %mul3A_2081 : vector<16xi32>
      %add3A_2083 = vector.broadcast %add3A_1980 : i32 to vector<16xi32>
      %add3A_2084 = arith.addi %add3A_2083, %mul3A_2082 : vector<16xi32>
      %mul3A_2085 = arith.mulf %select_n3A_2018, %select_n3A_2060 : vector<16xf32>
      tpu.vector_store_idx %arg27[%add3A_2079, %add3A_2084], %mul3A_2085 : memref<32x512xf32, #tpu.memory_space<vmem>>[vector<16xi32>, vector<16xi32>], vector<16xf32>,
      %add3A_2086 = arith.constant 16 : i32
      %add3A_2087 = vector.broadcast %add3A_2086 : i32 to vector<16xi32>
      %add3A_2088 = arith.addi %iota3A, %add3A_2087 : vector<16xi32>
      %mul3A_2089 = arith.constant 0 : i32
      %mul3A_2090 = vector.broadcast %mul3A_2089 : i32 to vector<16xi32>
      %mul3A_2091 = arith.muli %iota3A, %mul3A_2090 : vector<16xi32>
      %add3A_2092 = vector.broadcast %add3A_1980 : i32 to vector<16xi32>
      %add3A_2093 = arith.addi %add3A_2092, %mul3A_2091 : vector<16xi32>
      %mul3A_2094 = arith.mulf %select_n3A_2034, %select_n3A_2076 : vector<16xf32>
      tpu.vector_store_idx %arg27[%add3A_2088, %add3A_2093], %mul3A_2094 : memref<32x512xf32, #tpu.memory_space<vmem>>[vector<16xi32>, vector<16xi32>], vector<16xf32>,
      %slice3A_2095 = vector.extract_strided_slice %get3A_276 {offsets = [5], sizes = [1], strides = [1]} : vector<16xi32> to vector<1xi32>
      %squeeze3A_2096 = vector.extract %slice3A_2095[0] : i32 from vector<1xi32>
      %slice3A_2097 = vector.extract_strided_slice %get3A_282 {offsets = [5], sizes = [1], strides = [1]} : vector<16xi32> to vector<1xi32>
      %squeeze3A_2098 = vector.extract %slice3A_2097[0] : i32 from vector<1xi32>
      %add3A_2099 = arith.constant 8 : i32
      %add3A_2100 = arith.addi %add3A_1980, %add3A_2099 : i32
      %lt3A_2101 = arith.constant 512 : i32
      %lt3A_2102 = arith.cmpi slt, %add3A_2100, %lt3A_2101 : i32
      %and3A_2103 = arith.constant true
      %and3A_2104 = arith.andi %lt3A_2102, %and3A_2103 : i1
      %convert_element_type3A_2105 = arith.extui %and3A_2104 : i1 to i32
      %cond3A_2106 = arith.constant 0 : i32
      %cond3A_2107 = arith.cmpi ne, %convert_element_type3A_2105, %cond3A_2106 : i32
      scf.if %cond3A_2107 {
        %shift_right_arithmetic3A_2370 = arith.constant 7 : i32
        %shift_right_arithmetic3A_2371 = arith.shrsi %squeeze3A_2096, %shift_right_arithmetic3A_2370 : i32
        %min3A_2372 = arith.constant 7811 : i32
        %min3A_2373 = arith.minsi %shift_right_arithmetic3A_2371, %min3A_2372 : i32
        %shift_left3A_2374 = arith.constant 7 : i32
        %shift_left3A_2375 = arith.shli %min3A_2373, %shift_left3A_2374 : i32
        %shift_right_arithmetic3A_2376 = arith.constant 7 : i32
        %shift_right_arithmetic3A_2377 = arith.shrsi %squeeze3A_2098, %shift_right_arithmetic3A_2376 : i32
        %min3A_2378 = arith.constant 7811 : i32
        %min3A_2379 = arith.minsi %shift_right_arithmetic3A_2377, %min3A_2378 : i32
        %shift_left3A_2380 = arith.constant 7 : i32
        %shift_left3A_2381 = arith.shli %min3A_2379, %shift_left3A_2380 : i32
        %multiple_of3A_2382 = tpu.assume_multiple %shift_left3A_2375, 128 : i32
        %dma_start3A_2383 = arith.constant 0 : i32
        %dma_start3A_2384 = tpu.memref_slice %arg4[%dma_start3A_2383, %multiple_of3A_2382] : memref<32x1000000xf32, #tpu.memory_space<hbm>> -> memref<32x128xf32, #tpu.memory_space<hbm>>
        %dma_start3A_2385 = arith.constant 0 : i32
        %dma_start3A_2386 = tpu.memref_slice %arg4[%dma_start3A_2385, %multiple_of3A_2382] : memref<32x1000000xf32, #tpu.memory_space<hbm>> -> memref<32x128xf32, #tpu.memory_space<hbm>>
        tpu.enqueue_dma source(%dma_start3A_2386 : memref<32x128xf32, #tpu.memory_space<hbm>>) target(%arg14 : memref<32x128xf32, #tpu.memory_space<vmem>>) target_semaphore(%arg33 : memref<!tpu.dma_semaphore, #tpu.memory_space<semaphore_mem>>)
        %multiple_of3A_2387 = tpu.assume_multiple %shift_left3A_2381, 128 : i32
        %dma_start3A_2388 = arith.constant 0 : i32
        %dma_start3A_2389 = tpu.memref_slice %arg5[%dma_start3A_2388, %multiple_of3A_2387] : memref<32x1000000xf32, #tpu.memory_space<hbm>> -> memref<32x128xf32, #tpu.memory_space<hbm>>
        %dma_start3A_2390 = arith.constant 0 : i32
        %dma_start3A_2391 = tpu.memref_slice %arg5[%dma_start3A_2390, %multiple_of3A_2387] : memref<32x1000000xf32, #tpu.memory_space<hbm>> -> memref<32x128xf32, #tpu.memory_space<hbm>>
        tpu.enqueue_dma source(%dma_start3A_2391 : memref<32x128xf32, #tpu.memory_space<hbm>>) target(%arg22 : memref<32x128xf32, #tpu.memory_space<vmem>>) target_semaphore(%arg41 : memref<!tpu.dma_semaphore, #tpu.memory_space<semaphore_mem>>)
      } else {
      }
      %mul3A_2108 = arith.constant 16 : i32
      %mul3A_2109 = arith.muli %add3A_262, %mul3A_2108 : i32
      %add3A_2110 = arith.constant 14 : i32
      %add3A_2111 = arith.addi %mul3A_2109, %add3A_2110 : i32
      %dma_wait3A_2112 = arith.constant 0 : i32
      %dma_wait3A_2113 = arith.constant 0 : i32
      %dma_wait3A_2114 = tpu.memref_slice %arg4[%dma_wait3A_2112, %dma_wait3A_2113] : memref<32x1000000xf32, #tpu.memory_space<hbm>> -> memref<32x128xf32, #tpu.memory_space<hbm>>
      %dma_wait3A_2115 = arith.constant 0 : i32
      %dma_wait3A_2116 = arith.constant 0 : i32
      %dma_wait3A_2117 = tpu.memref_slice %arg4[%dma_wait3A_2115, %dma_wait3A_2116] : memref<32x1000000xf32, #tpu.memory_space<hbm>> -> memref<32x128xf32, #tpu.memory_space<hbm>>
      tpu.wait_dma2 semaphore(%arg34 : memref<!tpu.dma_semaphore, #tpu.memory_space<semaphore_mem>>) src(%dma_wait3A_2117 : memref<32x128xf32, #tpu.memory_space<hbm>>) dst(%arg15 : memref<32x128xf32, #tpu.memory_space<vmem>>)
      %dma_wait3A_2118 = arith.constant 0 : i32
      %dma_wait3A_2119 = arith.constant 0 : i32
      %dma_wait3A_2120 = tpu.memref_slice %arg5[%dma_wait3A_2118, %dma_wait3A_2119] : memref<32x1000000xf32, #tpu.memory_space<hbm>> -> memref<32x128xf32, #tpu.memory_space<hbm>>
      %dma_wait3A_2121 = arith.constant 0 : i32
      %dma_wait3A_2122 = arith.constant 0 : i32
      %dma_wait3A_2123 = tpu.memref_slice %arg5[%dma_wait3A_2121, %dma_wait3A_2122] : memref<32x1000000xf32, #tpu.memory_space<hbm>> -> memref<32x128xf32, #tpu.memory_space<hbm>>
      tpu.wait_dma2 semaphore(%arg42 : memref<!tpu.dma_semaphore, #tpu.memory_space<semaphore_mem>>) src(%dma_wait3A_2123 : memref<32x128xf32, #tpu.memory_space<hbm>>) dst(%arg23 : memref<32x128xf32, #tpu.memory_space<vmem>>)
      %slice3A_2124 = vector.extract_strided_slice %get3A_266 {offsets = [14], sizes = [1], strides = [1]} : vector<16xi32> to vector<1xi32>
      %squeeze3A_2125 = vector.extract %slice3A_2124[0] : i32 from vector<1xi32>
      %and3A_2126 = arith.constant 127 : i32
      %and3A_2127 = arith.andi %squeeze3A_2125, %and3A_2126 : i32
      %ge3A_2128 = arith.constant 999936 : i32
      %ge3A_2129 = arith.cmpi sge, %squeeze3A_2125, %ge3A_2128 : i32
      %sub3A_2130 = arith.constant 999936 : i32
      %sub3A_2131 = arith.subi %squeeze3A_2125, %sub3A_2130 : i32
      %jit3A_2132 = arith.constant 0 : i32
      %select_n3A_2133 = arith.select %ge3A_2129, %sub3A_2131, %jit3A_2132 : i32
      %add3A_2134 = arith.constant 0 : i32
      %add3A_2135 = vector.broadcast %add3A_2134 : i32 to vector<16xi32>
      %add3A_2136 = arith.addi %iota3A, %add3A_2135 : vector<16xi32>
      %mul3A_2137 = arith.constant 0 : i32
      %mul3A_2138 = vector.broadcast %mul3A_2137 : i32 to vector<16xi32>
      %mul3A_2139 = arith.muli %iota3A, %mul3A_2138 : vector<16xi32>
      %add3A_2140 = vector.broadcast %and3A_2127 : i32 to vector<16xi32>
      %add3A_2141 = arith.addi %add3A_2140, %mul3A_2139 : vector<16xi32>
      %gather3A_2142 = tpu.vector_load_idx %arg15[%add3A_2136, %add3A_2141] : memref<32x128xf32, #tpu.memory_space<vmem>>[vector<16xi32>, vector<16xi32>], vector<16xf32>,
      %mul3A_2143 = arith.constant 0 : i32
      %mul3A_2144 = vector.broadcast %mul3A_2143 : i32 to vector<16xi32>
      %mul3A_2145 = arith.muli %iota3A, %mul3A_2144 : vector<16xi32>
      %add3A_2146 = vector.broadcast %select_n3A_2133 : i32 to vector<16xi32>
      %add3A_2147 = arith.addi %add3A_2146, %mul3A_2145 : vector<16xi32>
      %gather3A_2148 = tpu.vector_load_idx %arg25[%add3A_2136, %add3A_2147] : memref<32x64xf32, #tpu.memory_space<vmem>>[vector<16xi32>, vector<16xi32>], vector<16xf32>,
      %select_n3A_2149 = arith.select %ge3A_2129, %gather3A_2148, %gather3A_2142 : vector<16xf32>
      %add3A_2150 = arith.constant 16 : i32
      %add3A_2151 = vector.broadcast %add3A_2150 : i32 to vector<16xi32>
      %add3A_2152 = arith.addi %iota3A, %add3A_2151 : vector<16xi32>
      %mul3A_2153 = arith.constant 0 : i32
      %mul3A_2154 = vector.broadcast %mul3A_2153 : i32 to vector<16xi32>
      %mul3A_2155 = arith.muli %iota3A, %mul3A_2154 : vector<16xi32>
      %add3A_2156 = vector.broadcast %and3A_2127 : i32 to vector<16xi32>
      %add3A_2157 = arith.addi %add3A_2156, %mul3A_2155 : vector<16xi32>
      %gather3A_2158 = tpu.vector_load_idx %arg15[%add3A_2152, %add3A_2157] : memref<32x128xf32, #tpu.memory_space<vmem>>[vector<16xi32>, vector<16xi32>], vector<16xf32>,
      %mul3A_2159 = arith.constant 0 : i32
      %mul3A_2160 = vector.broadcast %mul3A_2159 : i32 to vector<16xi32>
      %mul3A_2161 = arith.muli %iota3A, %mul3A_2160 : vector<16xi32>
      %add3A_2162 = vector.broadcast %select_n3A_2133 : i32 to vector<16xi32>
      %add3A_2163 = arith.addi %add3A_2162, %mul3A_2161 : vector<16xi32>
      %gather3A_2164 = tpu.vector_load_idx %arg25[%add3A_2152, %add3A_2163] : memref<32x64xf32, #tpu.memory_space<vmem>>[vector<16xi32>, vector<16xi32>], vector<16xf32>,
      %select_n3A_2165 = arith.select %ge3A_2129, %gather3A_2164, %gather3A_2158 : vector<16xf32>
      %slice3A_2166 = vector.extract_strided_slice %get3A_270 {offsets = [14], sizes = [1], strides = [1]} : vector<16xi32> to vector<1xi32>
      %squeeze3A_2167 = vector.extract %slice3A_2166[0] : i32 from vector<1xi32>
      %and3A_2168 = arith.constant 127 : i32
      %and3A_2169 = arith.andi %squeeze3A_2167, %and3A_2168 : i32
      %ge3A_2170 = arith.constant 999936 : i32
      %ge3A_2171 = arith.cmpi sge, %squeeze3A_2167, %ge3A_2170 : i32
      %sub3A_2172 = arith.constant 999936 : i32
      %sub3A_2173 = arith.subi %squeeze3A_2167, %sub3A_2172 : i32
      %jit3A_2174 = arith.constant 0 : i32
      %select_n3A_2175 = arith.select %ge3A_2171, %sub3A_2173, %jit3A_2174 : i32
      %add3A_2176 = arith.constant 0 : i32
      %add3A_2177 = vector.broadcast %add3A_2176 : i32 to vector<16xi32>
      %add3A_2178 = arith.addi %iota3A, %add3A_2177 : vector<16xi32>
      %mul3A_2179 = arith.constant 0 : i32
      %mul3A_2180 = vector.broadcast %mul3A_2179 : i32 to vector<16xi32>
      %mul3A_2181 = arith.muli %iota3A, %mul3A_2180 : vector<16xi32>
      %add3A_2182 = vector.broadcast %and3A_2169 : i32 to vector<16xi32>
      %add3A_2183 = arith.addi %add3A_2182, %mul3A_2181 : vector<16xi32>
      %gather3A_2184 = tpu.vector_load_idx %arg23[%add3A_2178, %add3A_2183] : memref<32x128xf32, #tpu.memory_space<vmem>>[vector<16xi32>, vector<16xi32>], vector<16xf32>,
      %mul3A_2185 = arith.constant 0 : i32
      %mul3A_2186 = vector.broadcast %mul3A_2185 : i32 to vector<16xi32>
      %mul3A_2187 = arith.muli %iota3A, %mul3A_2186 : vector<16xi32>
      %add3A_2188 = vector.broadcast %select_n3A_2175 : i32 to vector<16xi32>
      %add3A_2189 = arith.addi %add3A_2188, %mul3A_2187 : vector<16xi32>
      %gather3A_2190 = tpu.vector_load_idx %arg26[%add3A_2178, %add3A_2189] : memref<32x64xf32, #tpu.memory_space<vmem>>[vector<16xi32>, vector<16xi32>], vector<16xf32>,
      %select_n3A_2191 = arith.select %ge3A_2171, %gather3A_2190, %gather3A_2184 : vector<16xf32>
      %add3A_2192 = arith.constant 16 : i32
      %add3A_2193 = vector.broadcast %add3A_2192 : i32 to vector<16xi32>
      %add3A_2194 = arith.addi %iota3A, %add3A_2193 : vector<16xi32>
      %mul3A_2195 = arith.constant 0 : i32
      %mul3A_2196 = vector.broadcast %mul3A_2195 : i32 to vector<16xi32>
      %mul3A_2197 = arith.muli %iota3A, %mul3A_2196 : vector<16xi32>
      %add3A_2198 = vector.broadcast %and3A_2169 : i32 to vector<16xi32>
      %add3A_2199 = arith.addi %add3A_2198, %mul3A_2197 : vector<16xi32>
      %gather3A_2200 = tpu.vector_load_idx %arg23[%add3A_2194, %add3A_2199] : memref<32x128xf32, #tpu.memory_space<vmem>>[vector<16xi32>, vector<16xi32>], vector<16xf32>,
      %mul3A_2201 = arith.constant 0 : i32
      %mul3A_2202 = vector.broadcast %mul3A_2201 : i32 to vector<16xi32>
      %mul3A_2203 = arith.muli %iota3A, %mul3A_2202 : vector<16xi32>
      %add3A_2204 = vector.broadcast %select_n3A_2175 : i32 to vector<16xi32>
      %add3A_2205 = arith.addi %add3A_2204, %mul3A_2203 : vector<16xi32>
      %gather3A_2206 = tpu.vector_load_idx %arg26[%add3A_2194, %add3A_2205] : memref<32x64xf32, #tpu.memory_space<vmem>>[vector<16xi32>, vector<16xi32>], vector<16xf32>,
      %select_n3A_2207 = arith.select %ge3A_2171, %gather3A_2206, %gather3A_2200 : vector<16xf32>
      %add3A_2208 = arith.constant 0 : i32
      %add3A_2209 = vector.broadcast %add3A_2208 : i32 to vector<16xi32>
      %add3A_2210 = arith.addi %iota3A, %add3A_2209 : vector<16xi32>
      %mul3A_2211 = arith.constant 0 : i32
      %mul3A_2212 = vector.broadcast %mul3A_2211 : i32 to vector<16xi32>
      %mul3A_2213 = arith.muli %iota3A, %mul3A_2212 : vector<16xi32>
      %add3A_2214 = vector.broadcast %add3A_2111 : i32 to vector<16xi32>
      %add3A_2215 = arith.addi %add3A_2214, %mul3A_2213 : vector<16xi32>
      %mul3A_2216 = arith.mulf %select_n3A_2149, %select_n3A_2191 : vector<16xf32>
      tpu.vector_store_idx %arg27[%add3A_2210, %add3A_2215], %mul3A_2216 : memref<32x512xf32, #tpu.memory_space<vmem>>[vector<16xi32>, vector<16xi32>], vector<16xf32>,
      %add3A_2217 = arith.constant 16 : i32
      %add3A_2218 = vector.broadcast %add3A_2217 : i32 to vector<16xi32>
      %add3A_2219 = arith.addi %iota3A, %add3A_2218 : vector<16xi32>
      %mul3A_2220 = arith.constant 0 : i32
      %mul3A_2221 = vector.broadcast %mul3A_2220 : i32 to vector<16xi32>
      %mul3A_2222 = arith.muli %iota3A, %mul3A_2221 : vector<16xi32>
      %add3A_2223 = vector.broadcast %add3A_2111 : i32 to vector<16xi32>
      %add3A_2224 = arith.addi %add3A_2223, %mul3A_2222 : vector<16xi32>
      %mul3A_2225 = arith.mulf %select_n3A_2165, %select_n3A_2207 : vector<16xf32>
      tpu.vector_store_idx %arg27[%add3A_2219, %add3A_2224], %mul3A_2225 : memref<32x512xf32, #tpu.memory_space<vmem>>[vector<16xi32>, vector<16xi32>], vector<16xf32>,
      %slice3A_2226 = vector.extract_strided_slice %get3A_276 {offsets = [6], sizes = [1], strides = [1]} : vector<16xi32> to vector<1xi32>
      %squeeze3A_2227 = vector.extract %slice3A_2226[0] : i32 from vector<1xi32>
      %slice3A_2228 = vector.extract_strided_slice %get3A_282 {offsets = [6], sizes = [1], strides = [1]} : vector<16xi32> to vector<1xi32>
      %squeeze3A_2229 = vector.extract %slice3A_2228[0] : i32 from vector<1xi32>
      %add3A_2230 = arith.constant 8 : i32
      %add3A_2231 = arith.addi %add3A_2111, %add3A_2230 : i32
      %lt3A_2232 = arith.constant 512 : i32
      %lt3A_2233 = arith.cmpi slt, %add3A_2231, %lt3A_2232 : i32
      %and3A_2234 = arith.constant true
      %and3A_2235 = arith.andi %lt3A_2233, %and3A_2234 : i1
      %convert_element_type3A_2236 = arith.extui %and3A_2235 : i1 to i32
      %cond3A_2237 = arith.constant 0 : i32
      %cond3A_2238 = arith.cmpi ne, %convert_element_type3A_2236, %cond3A_2237 : i32
      scf.if %cond3A_2238 {
        %shift_right_arithmetic3A_2370 = arith.constant 7 : i32
        %shift_right_arithmetic3A_2371 = arith.shrsi %squeeze3A_2227, %shift_right_arithmetic3A_2370 : i32
        %min3A_2372 = arith.constant 7811 : i32
        %min3A_2373 = arith.minsi %shift_right_arithmetic3A_2371, %min3A_2372 : i32
        %shift_left3A_2374 = arith.constant 7 : i32
        %shift_left3A_2375 = arith.shli %min3A_2373, %shift_left3A_2374 : i32
        %shift_right_arithmetic3A_2376 = arith.constant 7 : i32
        %shift_right_arithmetic3A_2377 = arith.shrsi %squeeze3A_2229, %shift_right_arithmetic3A_2376 : i32
        %min3A_2378 = arith.constant 7811 : i32
        %min3A_2379 = arith.minsi %shift_right_arithmetic3A_2377, %min3A_2378 : i32
        %shift_left3A_2380 = arith.constant 7 : i32
        %shift_left3A_2381 = arith.shli %min3A_2379, %shift_left3A_2380 : i32
        %multiple_of3A_2382 = tpu.assume_multiple %shift_left3A_2375, 128 : i32
        %dma_start3A_2383 = arith.constant 0 : i32
        %dma_start3A_2384 = tpu.memref_slice %arg4[%dma_start3A_2383, %multiple_of3A_2382] : memref<32x1000000xf32, #tpu.memory_space<hbm>> -> memref<32x128xf32, #tpu.memory_space<hbm>>
        %dma_start3A_2385 = arith.constant 0 : i32
        %dma_start3A_2386 = tpu.memref_slice %arg4[%dma_start3A_2385, %multiple_of3A_2382] : memref<32x1000000xf32, #tpu.memory_space<hbm>> -> memref<32x128xf32, #tpu.memory_space<hbm>>
        tpu.enqueue_dma source(%dma_start3A_2386 : memref<32x128xf32, #tpu.memory_space<hbm>>) target(%arg15 : memref<32x128xf32, #tpu.memory_space<vmem>>) target_semaphore(%arg34 : memref<!tpu.dma_semaphore, #tpu.memory_space<semaphore_mem>>)
        %multiple_of3A_2387 = tpu.assume_multiple %shift_left3A_2381, 128 : i32
        %dma_start3A_2388 = arith.constant 0 : i32
        %dma_start3A_2389 = tpu.memref_slice %arg5[%dma_start3A_2388, %multiple_of3A_2387] : memref<32x1000000xf32, #tpu.memory_space<hbm>> -> memref<32x128xf32, #tpu.memory_space<hbm>>
        %dma_start3A_2390 = arith.constant 0 : i32
        %dma_start3A_2391 = tpu.memref_slice %arg5[%dma_start3A_2390, %multiple_of3A_2387] : memref<32x1000000xf32, #tpu.memory_space<hbm>> -> memref<32x128xf32, #tpu.memory_space<hbm>>
        tpu.enqueue_dma source(%dma_start3A_2391 : memref<32x128xf32, #tpu.memory_space<hbm>>) target(%arg23 : memref<32x128xf32, #tpu.memory_space<vmem>>) target_semaphore(%arg42 : memref<!tpu.dma_semaphore, #tpu.memory_space<semaphore_mem>>)
      } else {
      }
      %mul3A_2239 = arith.constant 16 : i32
      %mul3A_2240 = arith.muli %add3A_262, %mul3A_2239 : i32
      %add3A_2241 = arith.constant 15 : i32
      %add3A_2242 = arith.addi %mul3A_2240, %add3A_2241 : i32
      %dma_wait3A_2243 = arith.constant 0 : i32
      %dma_wait3A_2244 = arith.constant 0 : i32
      %dma_wait3A_2245 = tpu.memref_slice %arg4[%dma_wait3A_2243, %dma_wait3A_2244] : memref<32x1000000xf32, #tpu.memory_space<hbm>> -> memref<32x128xf32, #tpu.memory_space<hbm>>
      %dma_wait3A_2246 = arith.constant 0 : i32
      %dma_wait3A_2247 = arith.constant 0 : i32
      %dma_wait3A_2248 = tpu.memref_slice %arg4[%dma_wait3A_2246, %dma_wait3A_2247] : memref<32x1000000xf32, #tpu.memory_space<hbm>> -> memref<32x128xf32, #tpu.memory_space<hbm>>
      tpu.wait_dma2 semaphore(%arg35 : memref<!tpu.dma_semaphore, #tpu.memory_space<semaphore_mem>>) src(%dma_wait3A_2248 : memref<32x128xf32, #tpu.memory_space<hbm>>) dst(%arg16 : memref<32x128xf32, #tpu.memory_space<vmem>>)
      %dma_wait3A_2249 = arith.constant 0 : i32
      %dma_wait3A_2250 = arith.constant 0 : i32
      %dma_wait3A_2251 = tpu.memref_slice %arg5[%dma_wait3A_2249, %dma_wait3A_2250] : memref<32x1000000xf32, #tpu.memory_space<hbm>> -> memref<32x128xf32, #tpu.memory_space<hbm>>
      %dma_wait3A_2252 = arith.constant 0 : i32
      %dma_wait3A_2253 = arith.constant 0 : i32
      %dma_wait3A_2254 = tpu.memref_slice %arg5[%dma_wait3A_2252, %dma_wait3A_2253] : memref<32x1000000xf32, #tpu.memory_space<hbm>> -> memref<32x128xf32, #tpu.memory_space<hbm>>
      tpu.wait_dma2 semaphore(%arg43 : memref<!tpu.dma_semaphore, #tpu.memory_space<semaphore_mem>>) src(%dma_wait3A_2254 : memref<32x128xf32, #tpu.memory_space<hbm>>) dst(%arg24 : memref<32x128xf32, #tpu.memory_space<vmem>>)
      %slice3A_2255 = vector.extract_strided_slice %get3A_266 {offsets = [15], sizes = [1], strides = [1]} : vector<16xi32> to vector<1xi32>
      %squeeze3A_2256 = vector.extract %slice3A_2255[0] : i32 from vector<1xi32>
      %and3A_2257 = arith.constant 127 : i32
      %and3A_2258 = arith.andi %squeeze3A_2256, %and3A_2257 : i32
      %ge3A_2259 = arith.constant 999936 : i32
      %ge3A_2260 = arith.cmpi sge, %squeeze3A_2256, %ge3A_2259 : i32
      %sub3A_2261 = arith.constant 999936 : i32
      %sub3A_2262 = arith.subi %squeeze3A_2256, %sub3A_2261 : i32
      %jit3A_2263 = arith.constant 0 : i32
      %select_n3A_2264 = arith.select %ge3A_2260, %sub3A_2262, %jit3A_2263 : i32
      %add3A_2265 = arith.constant 0 : i32
      %add3A_2266 = vector.broadcast %add3A_2265 : i32 to vector<16xi32>
      %add3A_2267 = arith.addi %iota3A, %add3A_2266 : vector<16xi32>
      %mul3A_2268 = arith.constant 0 : i32
      %mul3A_2269 = vector.broadcast %mul3A_2268 : i32 to vector<16xi32>
      %mul3A_2270 = arith.muli %iota3A, %mul3A_2269 : vector<16xi32>
      %add3A_2271 = vector.broadcast %and3A_2258 : i32 to vector<16xi32>
      %add3A_2272 = arith.addi %add3A_2271, %mul3A_2270 : vector<16xi32>
      %gather3A_2273 = tpu.vector_load_idx %arg16[%add3A_2267, %add3A_2272] : memref<32x128xf32, #tpu.memory_space<vmem>>[vector<16xi32>, vector<16xi32>], vector<16xf32>,
      %mul3A_2274 = arith.constant 0 : i32
      %mul3A_2275 = vector.broadcast %mul3A_2274 : i32 to vector<16xi32>
      %mul3A_2276 = arith.muli %iota3A, %mul3A_2275 : vector<16xi32>
      %add3A_2277 = vector.broadcast %select_n3A_2264 : i32 to vector<16xi32>
      %add3A_2278 = arith.addi %add3A_2277, %mul3A_2276 : vector<16xi32>
      %gather3A_2279 = tpu.vector_load_idx %arg25[%add3A_2267, %add3A_2278] : memref<32x64xf32, #tpu.memory_space<vmem>>[vector<16xi32>, vector<16xi32>], vector<16xf32>,
      %select_n3A_2280 = arith.select %ge3A_2260, %gather3A_2279, %gather3A_2273 : vector<16xf32>
      %add3A_2281 = arith.constant 16 : i32
      %add3A_2282 = vector.broadcast %add3A_2281 : i32 to vector<16xi32>
      %add3A_2283 = arith.addi %iota3A, %add3A_2282 : vector<16xi32>
      %mul3A_2284 = arith.constant 0 : i32
      %mul3A_2285 = vector.broadcast %mul3A_2284 : i32 to vector<16xi32>
      %mul3A_2286 = arith.muli %iota3A, %mul3A_2285 : vector<16xi32>
      %add3A_2287 = vector.broadcast %and3A_2258 : i32 to vector<16xi32>
      %add3A_2288 = arith.addi %add3A_2287, %mul3A_2286 : vector<16xi32>
      %gather3A_2289 = tpu.vector_load_idx %arg16[%add3A_2283, %add3A_2288] : memref<32x128xf32, #tpu.memory_space<vmem>>[vector<16xi32>, vector<16xi32>], vector<16xf32>,
      %mul3A_2290 = arith.constant 0 : i32
      %mul3A_2291 = vector.broadcast %mul3A_2290 : i32 to vector<16xi32>
      %mul3A_2292 = arith.muli %iota3A, %mul3A_2291 : vector<16xi32>
      %add3A_2293 = vector.broadcast %select_n3A_2264 : i32 to vector<16xi32>
      %add3A_2294 = arith.addi %add3A_2293, %mul3A_2292 : vector<16xi32>
      %gather3A_2295 = tpu.vector_load_idx %arg25[%add3A_2283, %add3A_2294] : memref<32x64xf32, #tpu.memory_space<vmem>>[vector<16xi32>, vector<16xi32>], vector<16xf32>,
      %select_n3A_2296 = arith.select %ge3A_2260, %gather3A_2295, %gather3A_2289 : vector<16xf32>
      %slice3A_2297 = vector.extract_strided_slice %get3A_270 {offsets = [15], sizes = [1], strides = [1]} : vector<16xi32> to vector<1xi32>
      %squeeze3A_2298 = vector.extract %slice3A_2297[0] : i32 from vector<1xi32>
      %and3A_2299 = arith.constant 127 : i32
      %and3A_2300 = arith.andi %squeeze3A_2298, %and3A_2299 : i32
      %ge3A_2301 = arith.constant 999936 : i32
      %ge3A_2302 = arith.cmpi sge, %squeeze3A_2298, %ge3A_2301 : i32
      %sub3A_2303 = arith.constant 999936 : i32
      %sub3A_2304 = arith.subi %squeeze3A_2298, %sub3A_2303 : i32
      %jit3A_2305 = arith.constant 0 : i32
      %select_n3A_2306 = arith.select %ge3A_2302, %sub3A_2304, %jit3A_2305 : i32
      %add3A_2307 = arith.constant 0 : i32
      %add3A_2308 = vector.broadcast %add3A_2307 : i32 to vector<16xi32>
      %add3A_2309 = arith.addi %iota3A, %add3A_2308 : vector<16xi32>
      %mul3A_2310 = arith.constant 0 : i32
      %mul3A_2311 = vector.broadcast %mul3A_2310 : i32 to vector<16xi32>
      %mul3A_2312 = arith.muli %iota3A, %mul3A_2311 : vector<16xi32>
      %add3A_2313 = vector.broadcast %and3A_2300 : i32 to vector<16xi32>
      %add3A_2314 = arith.addi %add3A_2313, %mul3A_2312 : vector<16xi32>
      %gather3A_2315 = tpu.vector_load_idx %arg24[%add3A_2309, %add3A_2314] : memref<32x128xf32, #tpu.memory_space<vmem>>[vector<16xi32>, vector<16xi32>], vector<16xf32>,
      %mul3A_2316 = arith.constant 0 : i32
      %mul3A_2317 = vector.broadcast %mul3A_2316 : i32 to vector<16xi32>
      %mul3A_2318 = arith.muli %iota3A, %mul3A_2317 : vector<16xi32>
      %add3A_2319 = vector.broadcast %select_n3A_2306 : i32 to vector<16xi32>
      %add3A_2320 = arith.addi %add3A_2319, %mul3A_2318 : vector<16xi32>
      %gather3A_2321 = tpu.vector_load_idx %arg26[%add3A_2309, %add3A_2320] : memref<32x64xf32, #tpu.memory_space<vmem>>[vector<16xi32>, vector<16xi32>], vector<16xf32>,
      %select_n3A_2322 = arith.select %ge3A_2302, %gather3A_2321, %gather3A_2315 : vector<16xf32>
      %add3A_2323 = arith.constant 16 : i32
      %add3A_2324 = vector.broadcast %add3A_2323 : i32 to vector<16xi32>
      %add3A_2325 = arith.addi %iota3A, %add3A_2324 : vector<16xi32>
      %mul3A_2326 = arith.constant 0 : i32
      %mul3A_2327 = vector.broadcast %mul3A_2326 : i32 to vector<16xi32>
      %mul3A_2328 = arith.muli %iota3A, %mul3A_2327 : vector<16xi32>
      %add3A_2329 = vector.broadcast %and3A_2300 : i32 to vector<16xi32>
      %add3A_2330 = arith.addi %add3A_2329, %mul3A_2328 : vector<16xi32>
      %gather3A_2331 = tpu.vector_load_idx %arg24[%add3A_2325, %add3A_2330] : memref<32x128xf32, #tpu.memory_space<vmem>>[vector<16xi32>, vector<16xi32>], vector<16xf32>,
      %mul3A_2332 = arith.constant 0 : i32
      %mul3A_2333 = vector.broadcast %mul3A_2332 : i32 to vector<16xi32>
      %mul3A_2334 = arith.muli %iota3A, %mul3A_2333 : vector<16xi32>
      %add3A_2335 = vector.broadcast %select_n3A_2306 : i32 to vector<16xi32>
      %add3A_2336 = arith.addi %add3A_2335, %mul3A_2334 : vector<16xi32>
      %gather3A_2337 = tpu.vector_load_idx %arg26[%add3A_2325, %add3A_2336] : memref<32x64xf32, #tpu.memory_space<vmem>>[vector<16xi32>, vector<16xi32>], vector<16xf32>,
      %select_n3A_2338 = arith.select %ge3A_2302, %gather3A_2337, %gather3A_2331 : vector<16xf32>
      %add3A_2339 = arith.constant 0 : i32
      %add3A_2340 = vector.broadcast %add3A_2339 : i32 to vector<16xi32>
      %add3A_2341 = arith.addi %iota3A, %add3A_2340 : vector<16xi32>
      %mul3A_2342 = arith.constant 0 : i32
      %mul3A_2343 = vector.broadcast %mul3A_2342 : i32 to vector<16xi32>
      %mul3A_2344 = arith.muli %iota3A, %mul3A_2343 : vector<16xi32>
      %add3A_2345 = vector.broadcast %add3A_2242 : i32 to vector<16xi32>
      %add3A_2346 = arith.addi %add3A_2345, %mul3A_2344 : vector<16xi32>
      %mul3A_2347 = arith.mulf %select_n3A_2280, %select_n3A_2322 : vector<16xf32>
      tpu.vector_store_idx %arg27[%add3A_2341, %add3A_2346], %mul3A_2347 : memref<32x512xf32, #tpu.memory_space<vmem>>[vector<16xi32>, vector<16xi32>], vector<16xf32>,
      %add3A_2348 = arith.constant 16 : i32
      %add3A_2349 = vector.broadcast %add3A_2348 : i32 to vector<16xi32>
      %add3A_2350 = arith.addi %iota3A, %add3A_2349 : vector<16xi32>
      %mul3A_2351 = arith.constant 0 : i32
      %mul3A_2352 = vector.broadcast %mul3A_2351 : i32 to vector<16xi32>
      %mul3A_2353 = arith.muli %iota3A, %mul3A_2352 : vector<16xi32>
      %add3A_2354 = vector.broadcast %add3A_2242 : i32 to vector<16xi32>
      %add3A_2355 = arith.addi %add3A_2354, %mul3A_2353 : vector<16xi32>
      %mul3A_2356 = arith.mulf %select_n3A_2296, %select_n3A_2338 : vector<16xf32>
      tpu.vector_store_idx %arg27[%add3A_2350, %add3A_2355], %mul3A_2356 : memref<32x512xf32, #tpu.memory_space<vmem>>[vector<16xi32>, vector<16xi32>], vector<16xf32>,
      %slice3A_2357 = vector.extract_strided_slice %get3A_276 {offsets = [7], sizes = [1], strides = [1]} : vector<16xi32> to vector<1xi32>
      %squeeze3A_2358 = vector.extract %slice3A_2357[0] : i32 from vector<1xi32>
      %slice3A_2359 = vector.extract_strided_slice %get3A_282 {offsets = [7], sizes = [1], strides = [1]} : vector<16xi32> to vector<1xi32>
      %squeeze3A_2360 = vector.extract %slice3A_2359[0] : i32 from vector<1xi32>
      %add3A_2361 = arith.constant 8 : i32
      %add3A_2362 = arith.addi %add3A_2242, %add3A_2361 : i32
      %lt3A_2363 = arith.constant 512 : i32
      %lt3A_2364 = arith.cmpi slt, %add3A_2362, %lt3A_2363 : i32
      %and3A_2365 = arith.constant true
      %and3A_2366 = arith.andi %lt3A_2364, %and3A_2365 : i1
      %convert_element_type3A_2367 = arith.extui %and3A_2366 : i1 to i32
      %cond3A_2368 = arith.constant 0 : i32
      %cond3A_2369 = arith.cmpi ne, %convert_element_type3A_2367, %cond3A_2368 : i32
      scf.if %cond3A_2369 {
        %shift_right_arithmetic3A_2370 = arith.constant 7 : i32
        %shift_right_arithmetic3A_2371 = arith.shrsi %squeeze3A_2358, %shift_right_arithmetic3A_2370 : i32
        %min3A_2372 = arith.constant 7811 : i32
        %min3A_2373 = arith.minsi %shift_right_arithmetic3A_2371, %min3A_2372 : i32
        %shift_left3A_2374 = arith.constant 7 : i32
        %shift_left3A_2375 = arith.shli %min3A_2373, %shift_left3A_2374 : i32
        %shift_right_arithmetic3A_2376 = arith.constant 7 : i32
        %shift_right_arithmetic3A_2377 = arith.shrsi %squeeze3A_2360, %shift_right_arithmetic3A_2376 : i32
        %min3A_2378 = arith.constant 7811 : i32
        %min3A_2379 = arith.minsi %shift_right_arithmetic3A_2377, %min3A_2378 : i32
        %shift_left3A_2380 = arith.constant 7 : i32
        %shift_left3A_2381 = arith.shli %min3A_2379, %shift_left3A_2380 : i32
        %multiple_of3A_2382 = tpu.assume_multiple %shift_left3A_2375, 128 : i32
        %dma_start3A_2383 = arith.constant 0 : i32
        %dma_start3A_2384 = tpu.memref_slice %arg4[%dma_start3A_2383, %multiple_of3A_2382] : memref<32x1000000xf32, #tpu.memory_space<hbm>> -> memref<32x128xf32, #tpu.memory_space<hbm>>
        %dma_start3A_2385 = arith.constant 0 : i32
        %dma_start3A_2386 = tpu.memref_slice %arg4[%dma_start3A_2385, %multiple_of3A_2382] : memref<32x1000000xf32, #tpu.memory_space<hbm>> -> memref<32x128xf32, #tpu.memory_space<hbm>>
        tpu.enqueue_dma source(%dma_start3A_2386 : memref<32x128xf32, #tpu.memory_space<hbm>>) target(%arg16 : memref<32x128xf32, #tpu.memory_space<vmem>>) target_semaphore(%arg35 : memref<!tpu.dma_semaphore, #tpu.memory_space<semaphore_mem>>)
        %multiple_of3A_2387 = tpu.assume_multiple %shift_left3A_2381, 128 : i32
        %dma_start3A_2388 = arith.constant 0 : i32
        %dma_start3A_2389 = tpu.memref_slice %arg5[%dma_start3A_2388, %multiple_of3A_2387] : memref<32x1000000xf32, #tpu.memory_space<hbm>> -> memref<32x128xf32, #tpu.memory_space<hbm>>
        %dma_start3A_2390 = arith.constant 0 : i32
        %dma_start3A_2391 = tpu.memref_slice %arg5[%dma_start3A_2390, %multiple_of3A_2387] : memref<32x1000000xf32, #tpu.memory_space<hbm>> -> memref<32x128xf32, #tpu.memory_space<hbm>>
        tpu.enqueue_dma source(%dma_start3A_2391 : memref<32x128xf32, #tpu.memory_space<hbm>>) target(%arg24 : memref<32x128xf32, #tpu.memory_space<vmem>>) target_semaphore(%arg43 : memref<!tpu.dma_semaphore, #tpu.memory_space<semaphore_mem>>)
      } else {
      }
    }
    %scan3A_257 = arith.constant 32 : i32
    "tpu.region"() ({
      %run_scoped3A = tpu.sem_alloc : memref<!tpu.dma_semaphore, #tpu.memory_space<semaphore_mem>>
      %dma_start3A_258 = arith.constant 0 : i32
      %dma_start3A_259 = tpu.memref_slice %arg6[%dma_start3A_258, %mul3A_2] : memref<32x16384xf32, #tpu.memory_space<hbm>> -> memref<32x512xf32, #tpu.memory_space<hbm>>
      %dma_start3A_260 = arith.constant 0 : i32
      %dma_start3A_261 = tpu.memref_slice %arg6[%dma_start3A_260, %mul3A_2] : memref<32x16384xf32, #tpu.memory_space<hbm>> -> memref<32x512xf32, #tpu.memory_space<hbm>>
      tpu.enqueue_dma source(%arg27 : memref<32x512xf32, #tpu.memory_space<vmem>>) target(%dma_start3A_261 : memref<32x512xf32, #tpu.memory_space<hbm>>) target_semaphore(%run_scoped3A : memref<!tpu.dma_semaphore, #tpu.memory_space<semaphore_mem>>)
      %dma_wait3A_262 = arith.constant 0 : i32
      %dma_wait3A_263 = tpu.memref_slice %arg6[%dma_wait3A_262, %mul3A_2] : memref<32x16384xf32, #tpu.memory_space<hbm>> -> memref<32x512xf32, #tpu.memory_space<hbm>>
      %dma_wait3A_264 = arith.constant 0 : i32
      %dma_wait3A_265 = tpu.memref_slice %arg6[%dma_wait3A_264, %mul3A_2] : memref<32x16384xf32, #tpu.memory_space<hbm>> -> memref<32x512xf32, #tpu.memory_space<hbm>>
      tpu.wait_dma2 semaphore(%run_scoped3A : memref<!tpu.dma_semaphore, #tpu.memory_space<semaphore_mem>>) src(%arg27 : memref<32x512xf32, #tpu.memory_space<vmem>>) dst(%dma_wait3A_265 : memref<32x512xf32, #tpu.memory_space<hbm>>)
      tpu.yield
    }) : () -> ()
    return
  }
}

</mosaic_0001>

<sc_bundles>
// kernel: kernel.3.cloned.1.call-start
scs
__scs_entry_jumppad:
0x0: {  	(pc) =	sbr.rel $0x88, $3  }
0x1: {  	(tag) =	ssettag $0x0;
	lr =	simm.s32 $0x1  }
0x2: {  	[smem:$0x3F9D] =	sst lr;
	_ =	strace $0xD0000000  }
0x3: {  	_ = 	snop  }
0x4: {  	_ = 	snop  }
0x5: {  	_ = 	snop  }
0x6: {  	_ = 	snop  }
0x7: {  	_ = 	snop  }
__scs_overlays_trampoline_lowered:
0x8: {  	[smem:$0x3FAC] =	sst s0  }
0x9: {  	[smem:$0x3FAD] =	sst s1  }
0xa: {  	[smem:$0x3FAE] =	sst s2  }
0xb: {  	[smem:$0x3FAF] =	sst s3  }
0xc: {  	[smem:$0x3FB0] =	sst s4  }
0xd: {  	[smem:$0x3FB1] =	sst s5  }
0xe: {  	[smem:$0x3FB2] =	sst s6  }
0xf: {  	[smem:$0x3FB3] =	sst s7  }
0x10: {  	[smem:$0x3FB4] =	sst s8  }
0x11: {  	[smem:$0x3FB5] =	sst s9;
	s0 =	simm.s32 @!p0 $0x0  }
0x12: {  	s1 =	sld [smem:$0x3F9B];
	s0 =	simm.s32 @p0 $0x1  }
0x13: {  	[smem:$0x3FB6] =	sst s0;
	s0 =	simm.s32 @!p1 $0x0  }
0x14: {  	s2 =	sld [smem:$0x3F9A];
	s0 =	simm.s32 @p1 $0x1  }
0x15: {  	[smem:$0x3FB7] =	sst s0;
	s0 =	simm.s32 @!p2 $0x0  }
0x16: {  	s3 =	sld [smem:$0x3FDB];
	s0 =	simm.s32 @p2 $0x1  }
0x17: {  	s4 =	simm.s32 $0x1BF5;
	[smem:$0x3FB9] =	sst s0  }
0x18: {  	s0 =	sld [smem:$0x3F9C];
	_ =	swait.ge [sflag:s4], $0x0  }
0x19: {  	s7 =	sld [smem:$0x3F9D]  }
0x1a: {  	s8 =	sadd.s32 $0xFFFFE003, lr  }
0x1b: {  	s9 =	sadd.s32 $0xFFFFFEF7, lr;
	s5 =	simm.s32 $0xFFFFFFFF;
	p2 =	slt.u32 s8, $0xFFFFF086  }
0x1c: {  	p1 =	slt.u32 s9, $0xF7A;
	s5 =	simm.s32 @!p2 $0x0  }
0x1d: {  	s5 =	simm.s32 @p1 $0x1;
	p0 =	seq.s32 s7, s2  }
0x1e: {  	s7 =	smul.u32 @!p0 $0xF7A, s2;
	p2 =	seq.s32 @!p0 s5, $0x0  }
0x1f: {  	s9 =	smul.u32 $0xF7A, s1;
	s8 =	simm.s32 @!p0 $0x1BF5;
	p2 =	por !p2, p0  }
0x20: {  	[sflag:s8] =	ssyncset.s32 @!p0 $0xFFFFF086;
	s6 =	sadd.s32 @!p0 s3, s7;
	s7 =	simm.s32 @!p0 $0x108  }
0x21: {  	s3 =	sadd.s32 s3, s9;
	s6 =	sadd.s32 @!p0 $0x88, s6;
	s7 =	simm.s32 @p2 $0x1082  }
0x22: {  	[simem:s7], [sflag:s8] =	dma.local @!p0 [hbm:s6], $0xF7A  }
0x23: {  	s9 =	sor.u32 $0xD0000000, s2;
	s6 =	simm.s32 $0x108;
	_ =	swait.ge @!p0 [sflag:s8], $0x0  }
0x24: {  	s3 =	sadd.s32 $0x88, s3;
	s6 =	simm.s32 @!p1 $0x1082;
	[sflag:s4] =	ssyncset.s32 $0xFFFFF086  }
0x25: {  	[simem:s6], [sflag:s4] =	dma.local [hbm:s3], $0xF7A  }
0x26: {  	[smem:$0x3F9D] =	sst s1;
	(tag) =	ssettag s2;
	_ =	strace s9  }
0x27: {  	s1 =	sld [smem:$0x3FAD]  }
0x28: {  	s2 =	sld [smem:$0x3FAE]  }
0x29: {  	s4 =	sld [smem:$0x3FB0]  }
0x2a: {  	p0 =	seq.s32 s5, $0x0;
	s5 =	sld [smem:$0x3FB1]  }
0x2b: {  	s6 =	sld [smem:$0x3FB2]  }
0x2c: {  	s7 =	sld [smem:$0x3FB3]  }
0x2d: {  	s3 =	simm.s32 $0x108;
	s8 =	sld [smem:$0x3FB4]  }
0x2e: {  	s3 =	simm.s32 @!p0 $0x1082;
	s9 =	sld [smem:$0x3FB5]  }
0x2f: {  	lr =	sadd.s32 s0, s3;
	s0 =	sld [smem:$0x3FAC]  }
0x30: {  	s3 =	sld [smem:$0x3FAF]  }
0x31: {  	[smem:$0x3FB8] =	sst s10  }
0x32: {  	s10 =	sld [smem:$0x3FB6];
	_ =	sdelay $0x3  }
0x33: {  	p0 =	seq.s32 s10, $0x1;
	s10 =	sld [smem:$0x3FB8];
	_ =	sdelay $0x3  }
0x34: {  	[smem:$0x3FB8] =	sst s10  }
0x35: {  	s10 =	sld [smem:$0x3FB7];
	_ =	sdelay $0x3  }
0x36: {  	p1 =	seq.s32 s10, $0x1;
	s10 =	sld [smem:$0x3FB8];
	_ =	sdelay $0x3  }
0x37: {  	[smem:$0x3FB8] =	sst s10  }
0x38: {  	s10 =	sld [smem:$0x3FB9]  }
0x39: {  	_ = 	snop;
	(pc) =	sbr.ind lr, $3  }
0x3a: {  	_ = 	snop  }
0x3b: {  	_ = 	snop  }
0x3c: {  	p2 =	seq.s32 s10, $0x1;
	s10 =	sld [smem:$0x3FB8]  }
0x3d: {  	_ =	shalt  }
0x3e: {  	_ =	shalt  }
0x3f: {  	_ =	shalt  }
0x40: {  	_ =	shalt  }
0x41: {  	_ =	shalt  }
0x42: {  	_ =	shalt  }
0x43: {  	_ =	shalt  }
0x44: {  	_ =	shalt  }
0x45: {  	_ =	shalt  }
0x46: {  	_ =	shalt  }
0x47: {  	_ =	shalt  }
0x48: {  	_ =	shalt  }
0x49: {  	_ =	shalt  }
0x4a: {  	_ =	shalt  }
0x4b: {  	_ =	shalt  }
0x4c: {  	_ =	shalt  }
0x4d: {  	_ =	shalt  }
0x4e: {  	_ =	shalt  }
0x4f: {  	_ =	shalt  }
0x50: {  	_ =	shalt  }
0x51: {  	_ =	shalt  }
0x52: {  	_ =	shalt  }
0x53: {  	_ =	shalt  }
0x54: {  	_ =	shalt  }
0x55: {  	_ =	shalt  }
0x56: {  	_ =	shalt  }
0x57: {  	_ =	shalt  }
0x58: {  	_ =	shalt  }
0x59: {  	_ =	shalt  }
0x5a: {  	_ =	shalt  }
0x5b: {  	_ =	shalt  }
0x5c: {  	_ =	shalt  }
0x5d: {  	_ =	shalt  }
0x5e: {  	_ =	shalt  }
0x5f: {  	_ =	shalt  }
0x60: {  	_ =	shalt  }
0x61: {  	_ =	shalt  }
0x62: {  	_ =	shalt  }
0x63: {  	_ =	shalt  }
0x64: {  	_ =	shalt  }
0x65: {  	_ =	shalt  }
0x66: {  	_ =	shalt  }
0x67: {  	_ =	shalt  }
0x68: {  	_ =	shalt  }
0x69: {  	_ =	shalt  }
0x6a: {  	_ =	shalt  }
0x6b: {  	_ =	shalt  }
0x6c: {  	_ =	shalt  }
0x6d: {  	_ =	shalt  }
0x6e: {  	_ =	shalt  }
0x6f: {  	_ =	shalt  }
0x70: {  	_ =	shalt  }
0x71: {  	_ =	shalt  }
0x72: {  	_ =	shalt  }
0x73: {  	_ =	shalt  }
0x74: {  	_ =	shalt  }
0x75: {  	_ =	shalt  }
0x76: {  	_ =	shalt  }
0x77: {  	_ =	shalt  }
0x78: {  	_ =	shalt  }
0x79: {  	_ =	shalt  }
0x7a: {  	_ =	shalt  }
0x7b: {  	_ =	shalt  }
0x7c: {  	_ =	shalt  }
0x7d: {  	_ =	shalt  }
0x7e: {  	_ =	shalt  }
0x7f: {  	_ =	shalt  }
0x80: {  	_ =	shalt  }
0x81: {  	_ =	shalt  }
0x82: {  	_ =	shalt  }
0x83: {  	_ =	shalt  }
0x84: {  	_ =	shalt  }
0x85: {  	_ =	shalt  }
0x86: {  	_ =	shalt  }
0x87: {  	_ =	shalt  }
.Lfunc_end0:
.L_simem_size_0:
called_computation_lowered:
.L_overlay_start_0:
0x88: {  	s2 =	sld [smem:$0x3FD9]  }
0x89: {  	s3 =	sld [smem:$0x3FFE];
	_ =	sdelay $0x1  }
0x8a: {  	s1 =	srdreg.scid  }
0x8b: {  	s0 =	sand.u32 $0x1, s1  }
0x8c: {  	s18 =	sshll.u32 s0, $0xA;
	s2 =	sadd.s32 s3, s2  }
0x8d: {  	s2 =	sadd.s32 s2, s18  }
0x8e: {  	[smem:$0x3FC4] =	sst s2  }
0x8f: {  	_ = 	snop  }
0x90: {  	s2 =	sld [smem:$0x3FC9]  }
0x91: {  	s19 =	sld [smem:$0x3FC8]  }
0x92: {  	s4 =	sld [smem:$0x3FC7]  }
0x93: {  	s5 =	sld [smem:$0x3FC6]  }
0x94: {  	s6 =	sld [smem:$0x3FD0];
	(tm) =	ssettm $0x1  }
0x95: {  	s7 =	sld [smem:$0x3FFB];
	_ =	sdelay $0x3  }
0x96: {  	_ =	strace s7  }
0x97: {  	s7 =	sld [smem:$0x3FFC];
	_ =	sdelay $0x3  }
0x98: {  	_ =	strace s7  }
0x99: {  	s7 =	sld [smem:$0x3FFD];
	_ =	sdelay $0x3  }
0x9a: {  	_ =	strace s7  }
0x9b: {  	_ =	strace $0x8FFFFFFF  }
0x9c: {  	s20 =	sld [smem:$0x3FDB];
	_ =	sdelay $0x1  }
0x9d: {  	s8 =	simm.s32 $_scs_section_size  }
0x9e: {  	s9 =	simm.s32 $_size__tile_overlayer_lowered;
	s10 =	simm.s32 $_tile_overlayer_lowered  }
0x9f: {  	s23 =	simm.s32 $0x1BFF;
	s22 =	sshll.u32 s10, $0x1;
	s7 =	sadd.s32 s8, s20  }
0xa0: {  	s11 =	simm.s32 $0x0;
	s21 =	sshll.u32 s9, $0x1;
	s9 =	sadd.s32 s22, s7  }
0xa1: {  	[timem:s11], [sflag:s23] =	dma.local [hbm:s9], s21  }
0xa2: {  	_ =	swait.ge [sflag:s23], s21  }
0xa3: {  	s8 =	ssub.s32 $0x0, s21;
	[sflag:s23] =	ssyncset.done $0x0  }
0xa4: {  	[sflag:s23] =	ssyncadd.s32 s8;
	_ =	sdelay $0x1  }
0xa5: {  	s24 =	simm.s32 $0x1B8B  }
0xa6: {  	_ =	swait.ge [sflag:s24], $0x1  }
0xa7: {  	[sflag:s24] =	ssyncset.done $0x0  }
0xa8: {  	s25 =	simm.s32 $0x1B8E;
	[sflag:s24] =	ssyncadd.s32 $0xFFFFFFFF  }
0xa9: {  	s26 =	simm.s32 $execute0_lowered;
	[smem:$0x3FD2] =	sst s25  }
0xaa: {  	s8 =	sshll.u32 s26, $0x1;
	_ =	strace $0x80000046;
	[dreg:$0x1] =	wrdreg $0xFFFFFFFF  }
0xab: {  	s28 =	simm.s32 $_size_execute0_lowered;
	s7 =	sadd.s32 s7, s8;
	[dreg:$0x0] =	wrdreg $0x0  }
0xac: {  	s8 =	sshll.u32 s28, $0x1;
	[dreg:$0x2] =	wrdreg s7  }
0xad: {  	[dreg:$0x3] =	wrdreg s8  }
0xae: {  	[dreg:$0x4] =	wrdreg $0xC0  }
0xaf: {  	_ =	task [dreg:s11], $0x5FFFF  }
0xb0: {  	[dreg:$0x1] =	wrdreg $0xFFFFFFFF  }
0xb1: {  	[dreg:$0x0] =	wrdreg $0x60  }
0xb2: {  	[dreg:$0x2] =	wrdreg s2  }
0xb3: {  	[dreg:$0x3] =	wrdreg s19  }
0xb4: {  	[dreg:$0x4] =	wrdreg s4  }
0xb5: {  	[dreg:$0x5] =	wrdreg s5  }
0xb6: {  	[dreg:$0x6] =	wrdreg s6  }
0xb7: {  	[dreg:$0x7] =	wrdreg $0x9  }
0xb8: {  	_ =	task.clear_ibuf [dreg:s11], $0x8FFFF;
	_ =	strace $0x90000046  }
0xb9: {  	s29 =	simm.s32 $0x9;
	_ =	strace $0x80000048  }
0xba: {  	_ =	swait.ge [sflag:s29], $0x1  }
0xbb: {  	[sflag:s29] =	ssyncadd.s32 $0xFFFFFFFF  }
0xbc: {  	_ =	strace $0x90000048  }
0xbd: {  	_ =	sfence  }
0xbe: {  	s30 =	sld [smem:$0x0];
	_ =	sdelay $0x2  }
0xbf: {  	s31 =	sshll.u32 s1, $0xD;
	s1 =	sshrl.u32 s1, $0x2  }
0xc0: {  	s3 =	sand.u32 $0x4000, s31;
	s1 =	sadd.s32 s1, s30  }
0xc1: {  	s0 =	sor.u32 s3, s0;
	s1 =	sshll.u32 s1, $0x11  }
0xc2: {  	s0 =	sor.u32 s1, s0  }
0xc3: {  	s0 =	sadd.s32 $0x8F2B, s0  }
0xc4: {  	[sflag:s0] =	ssyncadd.remote.s32 $0x1  }
0xc5: {  	_ =	sfence.sel $0xFFFF  }
0xc6: {  	[dreg:$0x0] =	wrdreg $0xFFFFFFFF;
	(pc) =	sbr.abs _section_cstart, $3  }
0xc7: {  	[dreg:$0x1] =	wrdreg $0xFFFFFFFF  }
0xc8: {  	_ =	task.clear_ibuf [dreg:s11], $0x2FFFF;
	_ =	strace $0x9FFFFFFF  }
0xc9: {  	(tm) =	ssettm $0x7FFFFFFF  }
tec
execute0_lowered:
.L_overlay_start_1:
0x0: {  	(tag) =	ssettag $0x1  }
0x1: {  	s0 =	rddreg [dreg:$0x0]  }
0x2: {  	s1 =	rddreg [dreg:$0x1]  }
0x3: {  	s23 =	rddreg [dreg:$0x2]  }
0x4: {  	s3 =	rddreg [dreg:$0x3];
	s4 =	srdreg.scid;
	v0 =	vlaneseq.u32;
	v1 =	vimm.s32 $0x1380  }
0x5: {  	s5 =	rddreg [dreg:$0x4];
	s6 =	stileid.u32;
	vm0 =	vcmask $0x300;
	v2 =	vimm.s32 $0x3380;
	vm1 =	vcmask $0x704  }
0x6: {  	s8 =	simm.s32 $0x0;
	s13 =	simm.s32 $0x7A1400;
	s14 =	simm.s32 $0x10500;
	vm15 =	vcmask $0xB08;
	v1 =	vsel vm0, $0x0, v1;
	v2 =	vsel vm0, $0x2000, v2  }
0x7: {  	s15 =	simm.s32 $0x11500;
	vm4 =	vcmask $0xF0C;
	s29 =	simm.s32 $0x9500;
	s21 =	simm.s32 $0x2500;
	v1 =	vsel vm1, $0x80, v1;
	v2 =	vsel vm1, $0x2080, v2  }
0x8: {  	vm5 =	vcmask $0x1310;
	s2 =	simm.s32 $0xA500;
	s20 =	simm.s32 $0x3500;
	s9 =	simm.s32 $0xC500;
	v1 =	vsel vm15, $0x100, v1;
	v2 =	vsel vm15, $0x2100, v2  }
0x9: {  	vm6 =	vcmask $0x1714;
	s12 =	simm.s32 $0xD500;
	s10 =	simm.s32 $0x6500;
	s16 =	simm.s32 $0xE500;
	v1 =	vsel vm4, $0x180, v1;
	v2 =	vsel vm4, $0x2180, v2  }
0xa: {  	vm7 =	vcmask $0x1B18;
	s17 =	simm.s32 $0xF500;
	s4 =	sand.u32 $0x1, s4;
	s6 =	sshll.u32 s6, $0xA;
	v1 =	vsel vm5, $0x200, v1;
	v2 =	vsel vm5, $0x2200, v2  }
0xb: {  	vm8 =	vcmask $0x1F1C;
	[smem:$0x7FF] =	sst s8;
	s26 =	sadd.s32 $0xF4200, s23;
	s28 =	sadd.s32 $0xF4200, s3;
	v1 =	vsel vm6, $0x280, v1;
	v2 =	vsel vm6, $0x2280, v2  }
0xc: {  	vm9 =	vcmask $0x2320;
	s8 =	simm.s32 $0x4500;
	_ =	strace $0x80000047;
	[dreg:$0x8] =	wrdreg s26;
	v1 =	vsel vm7, $0x300, v1;
	v2 =	vsel vm7, $0x2300, v2  }
0xd: {  	vm10 =	vcmask $0x2724;
	s7 =	sshll.u32 s4, $0x9;
	s4 =	ssub.s32 $0x2, s4;
	[dreg:$0x9] =	wrdreg s28;
	v1 =	vsel vm8, $0x380, v1;
	v2 =	vsel vm8, $0x2380, v2  }
0xe: {  	vm11 =	vcmask $0x2B28;
	s26 =	simm.s32 $0xF500;
	s6 =	sor.u32 s7, s6;
	s22 =	sshrl.u32 s4, $0x1;
	v1 =	vsel vm9, $0x1000, v1;
	v2 =	vsel vm9, $0x3000, v2  }
0xf: {  	vm12 =	vcmask $0x2F2C;
	s7 =	simm.s32 $0x5500;
	s24 =	sshrl.u32 s6, $0x3;
	s4 =	ssub.s32 s4, s22;
	v1 =	vsel vm10, $0x1080, v1;
	v2 =	vsel vm10, $0x3080, v2  }
.Ltmp0:
0x10: {  	vm13 =	vcmask $0x3330;
	s30 =	sadd.s32 s5, s6;
	s22 =	simm.s32 $0x1500;
	v1 =	vsel vm11, $0x1100, v1;
	v2 =	vsel vm11, $0x3100, v2;
	(pc) =	sbr.rel .LBB2_1-.Ltmp0, $4  }
0x11: {  	vm14 =	vcmask $0x3734;
	s6 =	simm.s32 $0x7500;
	s0 =	sadd.s32 s0, s24;
	[dreg:$0xa] =	wrdreg s30;
	v1 =	vsel vm12, $0x1180, v1;
	v2 =	vsel vm12, $0x3180, v2  }
0x12: {  	v0 =	vmul.u32 $0x80, v0;
	s5 =	simm.s32 $0x12500;
	s25 =	sadd.s32 s1, s24;
	[dreg:$0x6] =	wrdreg s0;
	v1 =	vsel vm13, $0x1200, v1;
	v2 =	vsel vm13, $0x3200, v2  }
0x13: {  	vm15 =	vcmask $0x3B38;
	s31 =	smax.u32 s4, $0x1;
	s24 =	simm.s32 $0xB500;
	[dreg:$0x7] =	wrdreg s25;
	v3 =	vsel vm14, $0x1280, v1;
	v4 =	vsel vm14, $0x3280, v2  }
0x14: {  	s4 =	simm.s32 $0x0;
	s25 =	simm.s32 $0x400;
	[dreg:$0xb] =	wrdreg s31;
	v1 =	vor.u32 $0x800, v0;
	v2 =	vsel vm15, $0x1300, v3;
	v3 =	vsel vm15, $0x3300, v4  }
.LBB2_4:
0x15: {  	s0 =	rddreg [dreg:$0xa]  }
0x16: {  	s1 =	simm.s32 $0x1000;
	s4 =	simm.s32 $0x20000;
	s28 =	simm.s32 $0x12  }
0x17: {  	[hbm4b:s0+s1] =	stream.strided.scatter [tilespmem:s5], [sflag:$0x12], $0x4000, s4, s1, $0x38;
	[tilespmem:$0x16500] =	vst v63  }
0x18: {  	_ =	swait.ge [sflag:s28], $0x4000  }
0x19: {  	s30 =	rddreg [dreg:$0xc]  }
0x1a: {  	s31 =	rddreg [dreg:$0xb];
	s4 =	sadd.s32 $0x1, s30  }
0x1b: {  	p0 =	sne.s32 s4, s31  }
.Ltmp1:
0x1c: {  	_ = 	snop;
	(pc) =	sbr.rel @!p0 .LBB2_5-.Ltmp1, $3  }
0x1d: {  	_ =	sdelay $0x1  }
0x1e: {  	[sflag:s28] =	ssyncset.done $0x0  }
0x1f: {  	[sflag:s28] =	ssyncadd.s32 $0xFFFFC000  }
.LBB2_1:
0x20: {  	[dreg:$0xc] =	wrdreg s4  }
0x21: {  	s0 =	simm.s32 $0x0;
	s1 =	rddreg [dreg:$0x6]  }
0x22: {  	[tilespmem:s0], [sflag:$0x11] =	stream.linear.gather [hbm4b:s1+s0], $0x200, $0x38;
	[tilespmem:$0x16500] =	vst v63  }
0x23: {  	s30 =	rddreg [dreg:$0x7];
	s31 =	simm.s32 $0x280  }
0x24: {  	[tilespmem:s31], [sflag:$0x11] =	stream.linear.gather [hbm4b:s30+s0], $0x200, $0x38;
	[tilespmem:$0x16500] =	vst v63  }
0x25: {  	s1 =	rddreg [dreg:$0x8]  }
0x26: {  	[tilespmem:s14], [sflag:$0x11] =	stream.strided.gather [hbm4b:s1+s25], $0x1000, s13, s25, $0x38;
	[tilespmem:$0x16500] =	vst v63  }
0x27: {  	s4 =	rddreg [dreg:$0x9];
	s11 =	simm.s32 $0x11  }
0x28: {  	[tilespmem:s15], [sflag:$0x11] =	stream.strided.gather [hbm4b:s4+s25], $0x1000, s13, s25, $0x38;
	[tilespmem:$0x16500] =	vst v63  }
0x29: {  	_ =	swait.ge [sflag:s11], $0x200  }
0x2a: {  	[sflag:s11] =	ssyncset.done $0x0  }
0x2b: {  	[sflag:s11] =	ssyncadd.s32 $0xFFFFFE00  }
0x2c: {  	_ =	swait.ge [sflag:s11], $0x200  }
0x2d: {  	[sflag:s11] =	ssyncset.done $0x0  }
0x2e: {  	[sflag:s11] =	ssyncadd.s32 $0xFFFFFE00  }
0x2f: {  	_ =	swait.ge [sflag:s11], $0x1000  }
0x30: {  	[sflag:s11] =	ssyncset.done $0x0  }
0x31: {  	[sflag:s11] =	ssyncadd.s32 $0xFFFFF000  }
0x32: {  	_ =	swait.ge [sflag:s11], $0x1000  }
0x33: {  	[sflag:s11] =	ssyncset.done $0x0  }
0x34: {  	[sflag:s11] =	ssyncadd.s32 $0xFFFFF000  }
0x35: {  	v4 =	vld [tilespmem:$0x280]  }
0x36: {  	v5 =	vld [tilespmem:$0x0];
	_ =	sdelay $0x3  }
0x37: {  	v4 =	vshra.s32 v4, $0x7  }
0x38: {  	v5 =	vshra.s32 v5, $0x7;
	(v2sf) =	vpush v4, $0x0  }
0x39: {  	(v2sf) =	vpush v5, $0x0;
	_ =	sdelay $0x8  }
0x3a: {  	(v2sf) =	vpush v4, $0x1  }
0x3b: {  	(v2sf) =	vpush v5, $0x1;
	_ =	sdelay $0x3  }
0x3c: {  	s0 =	spop (v2sf)  }
0x3d: {  	s1 =	spop (v2sf)  }
0x3e: {  	p0 =	slt.s32 s1, $0x1E83  }
0x3f: {  	s1 =	simm.s32 @!p0 $0x1E83;
	p0 =	slt.s32 s0, $0x1E83  }
0x40: {  	s1 =	sshll.u32 s1, $0x7;
	s0 =	simm.s32 @!p0 $0x1E83  }
0x41: {  	(v2sf) =	vpush v4, $0x2;
	s1 =	sand.u32 $0x1FFFFF80, s1;
	s0 =	sshll.u32 s0, $0x7  }
0x42: {  	s18 =	simm.s32 $0x500;
	(v2sf) =	vpush v5, $0x2;
	s1 =	sadd.s32 s23, s1;
	s0 =	sand.u32 $0x1FFFFF80, s0  }
0x43: {  	[tilespmem:s18], [sflag:$0x1] =	stream.strided.gather [hbm4b:s1+s25], $0x1000, s13, s25, $0x38;
	[tilespmem:$0x16500] =	vst v63  }
0x44: {  	s19 =	simm.s32 $0x8500;
	s0 =	sadd.s32 s3, s0  }
0x45: {  	[tilespmem:s19], [sflag:$0x9] =	stream.strided.gather [hbm4b:s0+s25], $0x1000, s13, s25, $0x38;
	[tilespmem:$0x16500] =	vst v63  }
0x46: {  	s0 =	spop (v2sf)  }
0x47: {  	s1 =	spop (v2sf)  }
0x48: {  	p0 =	slt.s32 s1, $0x1E83  }
0x49: {  	s1 =	simm.s32 @!p0 $0x1E83;
	p0 =	slt.s32 s0, $0x1E83  }
0x4a: {  	s1 =	sshll.u32 s1, $0x7;
	s0 =	simm.s32 @!p0 $0x1E83  }
0x4b: {  	(v2sf) =	vpush v4, $0x3;
	s1 =	sand.u32 $0x1FFFFF80, s1;
	s0 =	sshll.u32 s0, $0x7  }
0x4c: {  	(v2sf) =	vpush v5, $0x3;
	s1 =	sadd.s32 s23, s1;
	s0 =	sand.u32 $0x1FFFFF80, s0  }
0x4d: {  	[tilespmem:s22], [sflag:$0x2] =	stream.strided.gather [hbm4b:s1+s25], $0x1000, s13, s25, $0x38;
	[tilespmem:$0x16500] =	vst v63  }
0x4e: {  	s0 =	sadd.s32 s3, s0  }
0x4f: {  	[tilespmem:s29], [sflag:$0xA] =	stream.strided.gather [hbm4b:s0+s25], $0x1000, s13, s25, $0x38;
	[tilespmem:$0x16500] =	vst v63  }
0x50: {  	s0 =	spop (v2sf)  }
0x51: {  	s1 =	spop (v2sf)  }
0x52: {  	p0 =	slt.s32 s1, $0x1E83  }
0x53: {  	s1 =	simm.s32 @!p0 $0x1E83;
	p0 =	slt.s32 s0, $0x1E83  }
0x54: {  	s1 =	sshll.u32 s1, $0x7;
	s0 =	simm.s32 @!p0 $0x1E83  }
0x55: {  	(v2sf) =	vpush v4, $0x4;
	s1 =	sand.u32 $0x1FFFFF80, s1;
	s0 =	sshll.u32 s0, $0x7  }
0x56: {  	(v2sf) =	vpush v5, $0x4;
	s1 =	sadd.s32 s23, s1;
	s0 =	sand.u32 $0x1FFFFF80, s0  }
0x57: {  	[tilespmem:s21], [sflag:$0x3] =	stream.strided.gather [hbm4b:s1+s25], $0x1000, s13, s25, $0x38;
	[tilespmem:$0x16500] =	vst v63  }
0x58: {  	s0 =	sadd.s32 s3, s0  }
0x59: {  	[tilespmem:s2], [sflag:$0xB] =	stream.strided.gather [hbm4b:s0+s25], $0x1000, s13, s25, $0x38;
	[tilespmem:$0x16500] =	vst v63  }
0x5a: {  	s0 =	spop (v2sf)  }
0x5b: {  	s1 =	spop (v2sf)  }
0x5c: {  	p0 =	slt.s32 s1, $0x1E83  }
0x5d: {  	s1 =	simm.s32 @!p0 $0x1E83;
	p0 =	slt.s32 s0, $0x1E83  }
0x5e: {  	s1 =	sshll.u32 s1, $0x7;
	s0 =	simm.s32 @!p0 $0x1E83  }
0x5f: {  	(v2sf) =	vpush v4, $0x5;
	s1 =	sand.u32 $0x1FFFFF80, s1;
	s0 =	sshll.u32 s0, $0x7  }
0x60: {  	(v2sf) =	vpush v5, $0x5;
	s1 =	sadd.s32 s23, s1;
	s0 =	sand.u32 $0x1FFFFF80, s0  }
0x61: {  	[tilespmem:s20], [sflag:$0x4] =	stream.strided.gather [hbm4b:s1+s25], $0x1000, s13, s25, $0x38;
	[tilespmem:$0x16500] =	vst v63  }
0x62: {  	s0 =	sadd.s32 s3, s0  }
0x63: {  	[tilespmem:s24], [sflag:$0xC] =	stream.strided.gather [hbm4b:s0+s25], $0x1000, s13, s25, $0x38;
	[tilespmem:$0x16500] =	vst v63  }
0x64: {  	s0 =	spop (v2sf)  }
0x65: {  	s1 =	spop (v2sf)  }
0x66: {  	p0 =	slt.s32 s1, $0x1E83  }
0x67: {  	(v2sf) =	vpush v4, $0x6;
	s1 =	simm.s32 @!p0 $0x1E83;
	p0 =	slt.s32 s0, $0x1E83  }
0x68: {  	(v2sf) =	vpush v5, $0x6;
	s1 =	sshll.u32 s1, $0x7;
	s0 =	simm.s32 @!p0 $0x1E83  }
0x69: {  	s1 =	sand.u32 $0x1FFFFF80, s1;
	s0 =	sshll.u32 s0, $0x7  }
0x6a: {  	s1 =	sadd.s32 s23, s1;
	s0 =	sand.u32 $0x1FFFFF80, s0  }
0x6b: {  	[tilespmem:s8], [sflag:$0x5] =	stream.strided.gather [hbm4b:s1+s25], $0x1000, s13, s25, $0x38;
	[tilespmem:$0x16500] =	vst v63  }
0x6c: {  	s0 =	sadd.s32 s3, s0  }
0x6d: {  	[tilespmem:s9], [sflag:$0xD] =	stream.strided.gather [hbm4b:s0+s25], $0x1000, s13, s25, $0x38;
	[tilespmem:$0x16500] =	vst v63  }
0x6e: {  	s0 =	spop (v2sf)  }
0x6f: {  	s1 =	spop (v2sf)  }
0x70: {  	p0 =	slt.s32 s1, $0x1E83  }
0x71: {  	(v2sf) =	vpush v4, $0x7;
	s1 =	simm.s32 @!p0 $0x1E83  }
0x72: {  	p0 =	slt.s32 s0, $0x1E83;
	s1 =	sshll.u32 s1, $0x7  }
0x73: {  	(v2sf) =	vpush v5, $0x7;
	s0 =	simm.s32 @!p0 $0x1E83;
	s1 =	sand.u32 $0x1FFFFF80, s1  }
0x74: {  	s0 =	sshll.u32 s0, $0x7;
	s1 =	sadd.s32 s23, s1  }
0x75: {  	[tilespmem:s7], [sflag:$0x6] =	stream.strided.gather [hbm4b:s1+s25], $0x1000, s13, s25, $0x38;
	[tilespmem:$0x16500] =	vst v63  }
0x76: {  	s0 =	sand.u32 $0x1FFFFF80, s0;
	s1 =	spop (v2sf)  }
0x77: {  	s0 =	sadd.s32 s3, s0;
	s4 =	spop (v2sf)  }
0x78: {  	[tilespmem:s12], [sflag:$0xE] =	stream.strided.gather [hbm4b:s0+s25], $0x1000, s13, s25, $0x38;
	[tilespmem:$0x16500] =	vst v63  }
0x79: {  	p0 =	slt.s32 s4, $0x1E83  }
0x7a: {  	s4 =	simm.s32 @!p0 $0x1E83  }
0x7b: {  	p0 =	slt.s32 s1, $0x1E83;
	s29 =	sshll.u32 s4, $0x7  }
0x7c: {  	s1 =	simm.s32 @!p0 $0x1E83;
	s0 =	sand.u32 $0x1FFFFF80, s29  }
0x7d: {  	s30 =	sshll.u32 s1, $0x7;
	s0 =	sadd.s32 s23, s0  }
0x7e: {  	[tilespmem:s10], [sflag:$0x7] =	stream.strided.gather [hbm4b:s0+s25], $0x1000, s13, s25, $0x38;
	[tilespmem:$0x16500] =	vst v63  }
0x7f: {  	s0 =	sand.u32 $0x1FFFFF80, s30  }
0x80: {  	s1 =	spop (v2sf);
	s0 =	sadd.s32 s3, s0  }
0x81: {  	[tilespmem:s16], [sflag:$0xF] =	stream.strided.gather [hbm4b:s0+s25], $0x1000, s13, s25, $0x38;
	[tilespmem:$0x16500] =	vst v63  }
0x82: {  	s0 =	spop (v2sf)  }
0x83: {  	p0 =	slt.s32 s0, $0x1E83  }
0x84: {  	s0 =	simm.s32 @!p0 $0x1E83  }
0x85: {  	p0 =	slt.s32 s1, $0x1E83;
	s0 =	sshll.u32 s0, $0x7  }
0x86: {  	s1 =	simm.s32 @!p0 $0x1E83;
	s0 =	sand.u32 $0x1FFFFF80, s0  }
0x87: {  	s31 =	sshll.u32 s1, $0x7;
	s0 =	sadd.s32 s23, s0  }
0x88: {  	[tilespmem:s6], [sflag:$0x8] =	stream.strided.gather [hbm4b:s0+s25], $0x1000, s13, s25, $0x38;
	[tilespmem:$0x16500] =	vst v63  }
0x89: {  	s0 =	sand.u32 $0x1FFFFF80, s31  }
0x8a: {  	s0 =	sadd.s32 s3, s0  }
0x8b: {  	[tilespmem:s17], [sflag:$0x10] =	stream.strided.gather [hbm4b:s0+s25], $0x1000, s13, s25, $0x38;
	[tilespmem:$0x16500] =	vst v63  }
0x8c: {  	s28 =	simm.s32 $0xF;
	s1 =	simm.s32 $0x10;
	s0 =	simm.s32 $0x290  }
.LBB2_2:
0x8d: {  	v7 =	vld [tilespmem:s1+$0xFFFFFFF0]  }
0x8e: {  	v6 =	vld [tilespmem:s0+$0xFFFFFFF0];
	[dreg:$0xe] =	wrdreg s1  }
0x8f: {  	v4 =	vld [tilespmem:s1+$0x0];
	[dreg:$0xd] =	wrdreg s0;
	s22 =	simm.s32 $0x1  }
0x90: {  	v5 =	vld [tilespmem:s0+$0x0];
	_ =	swait.ge [sflag:s22], $0x1000  }
0x91: {  	[sflag:s22] =	ssyncset.done $0x0  }
0x92: {  	s9 =	simm.s32 $0x9;
	[sflag:s22] =	ssyncadd.s32 $0xFFFFF000  }
0x93: {  	_ =	swait.ge [sflag:s9], $0x1000  }
0x94: {  	(v2sf) =	vpush v7, $0x0;
	_ =	sdelay $0x1  }
0x95: {  	(v2sf) =	vpush v6, $0x0;
	_ =	sdelay $0xc  }
0x96: {  	s0 =	spop (v2sf)  }
0x97: {  	(v2sf) =	vpush v7, $0x8;
	s10 =	sand.u32 $0x7F, s0  }
0x98: {  	s4 =	spop (v2sf);
	v8 =	vor.u32 s10, v0  }
0x99: {  	s2 =	simm.s32 $0x9;
	p1 =	sgt.s32 s0, $0xF4200;
	(v2sf) =	vpush v6, $0x8;
	v10 =	vor.u32 s10, v1;
	s11 =	sand.u32 $0x7F, s4  }
0x9a: {  	s16 =	simm.s32 $0x500;
	p0 =	sgt.s32 s0, $0xF41FF;
	s0 =	simm.s32 @!p1 $0xF4200;
	v12 =	vor.u32 s11, v0  }
0x9b: {  	[sflag:s2] =	ssyncset.done $0x0;
	p2 =	sgt.s32 s4, $0xF4200;
	s0 =	sadd.s32 $0xFFF0BE00, s0;
	v14 =	vor.u32 s11, v1  }
0x9c: {  	[sflag:s2] =	ssyncadd.s32 $0xFFFFF000;
	p3 =	sgt.s32 s4, $0xF41FF;
	s4 =	simm.s32 @!p2 $0xF4200;
	v9 =	vadd.s32 s0, v0  }
0x9d: {  	v11 =	vadd.s32 s0, v1;
	s12 =	sadd.s32 $0xFFF0BE00, s4;
	v8 =	vld.idx.msk [tilespmem:v8+s16+$0x0], $0xffff  }
0x9e: {  	s20 =	simm.s32 $0x8500;
	v13 =	vadd.s32 s12, v0;
	v10 =	vld.idx.msk [tilespmem:v10+s16+$0x0], $0xffff  }
0x9f: {  	v15 =	vadd.s32 s12, v1;
	v12 =	vld.idx.msk [tilespmem:v12+s20+$0x0], $0xffff  }
0xa0: {  	v14 =	vld.idx.msk [tilespmem:v14+s20+$0x0], $0xffff  }
0xa1: {  	s19 =	sadd.s32 $0xFFFFFFF1, s28;
	v9 =	vld.idx.msk [tilespmem:v9+s14+$0x0], $0xffff  }
0xa2: {  	v16 =	vmov s19;
	v11 =	vld.idx.msk [tilespmem:v11+s14+$0x0], $0xffff  }
0xa3: {  	v17 =	vshll.u32 v16, $0x3;
	v13 =	vld.idx.msk [tilespmem:v13+s15+$0x0], $0xffff  }
0xa4: {  	v16 =	vand.u32 $0x70, v16;
	v17 =	vand.u32 $0xC00, v17;
	v15 =	vld.idx.msk [tilespmem:v15+s15+$0x0], $0xffff  }
0xa5: {  	v16 =	vor.u32 v16, v17  }
0xa6: {  	v17 =	vor.u32 v2, v16;
	s18 =	spop (v2sf)  }
0xa7: {  	v16 =	vor.u32 v3, v16;
	s0 =	sshra.s32 s18, $0x7  }
0xa8: {  	v8 =	vpsel p0, v9, v8;
	v39 =	vpsel p3, v13, v12;
	s4 =	spop (v2sf);
	p2 =	slt.s32 s0, $0x1E83  }
0xa9: {  	v10 =	vpsel p0, v11, v10;
	v40 =	vpsel p3, v15, v14;
	v8 =	vmul.f32 v39, v8;
	s1 =	sshra.s32 s4, $0x7;
	s0 =	simm.s32 @!p2 $0x1E83  }
0xaa: {  	v41 =	vmul.f32 v40, v10;
	p0 =	slt.s32 s1, $0x1E83;
	s0 =	sshll.u32 s0, $0x7  }
0xab: {  	[tilespmem:v17+s5+$0x0] =	vst.idx.msk $0xffff, v8;
	s1 =	simm.s32 @!p0 $0x1E83;
	s0 =	sand.u32 $0x1FFFFF80, s0  }
0xac: {  	s17 =	simm.s32 $0x500;
	[tilespmem:v16+s5+$0x0] =	vst.idx.msk $0xffff, v41;
	s21 =	sshll.u32 s1, $0x7;
	s0 =	sadd.s32 s23, s0  }
0xad: {  	[tilespmem:s17], [sflag:$0x1] =	stream.strided.gather [hbm4b:s0+s25], $0x1000, s13, s25, $0x38;
	[tilespmem:$0x16500] =	vst v63  }
0xae: {  	s0 =	sand.u32 $0x1FFFFF80, s21  }
0xaf: {  	s6 =	simm.s32 $0x8500;
	s2 =	simm.s32 $0x2;
	s0 =	sadd.s32 s3, s0  }
0xb0: {  	[tilespmem:s6], [sflag:$0x9] =	stream.strided.gather [hbm4b:s0+s25], $0x1000, s13, s25, $0x38;
	[tilespmem:$0x16500] =	vst v63  }
0xb1: {  	_ =	swait.ge [sflag:s2], $0x1000  }
0xb2: {  	[sflag:s2] =	ssyncset.done $0x0  }
0xb3: {  	s24 =	simm.s32 $0xA;
	[sflag:s2] =	ssyncadd.s32 $0xFFFFF000  }
0xb4: {  	_ =	swait.ge [sflag:s24], $0x1000  }
0xb5: {  	(v2sf) =	vpush v7, $0x1;
	_ =	sdelay $0x1  }
0xb6: {  	(v2sf) =	vpush v6, $0x1;
	_ =	sdelay $0xc  }
0xb7: {  	s0 =	spop (v2sf)  }
0xb8: {  	(v2sf) =	vpush v7, $0x9;
	s30 =	sand.u32 $0x7F, s0  }
0xb9: {  	s6 =	spop (v2sf);
	v42 =	vor.u32 s30, v0  }
0xba: {  	s7 =	simm.s32 $0xA;
	p1 =	sgt.s32 s0, $0xF4200;
	(v2sf) =	vpush v6, $0x9;
	v44 =	vor.u32 s30, v1;
	s31 =	sand.u32 $0x7F, s6  }
0xbb: {  	s8 =	simm.s32 $0x1500;
	p4 =	sgt.s32 s0, $0xF41FF;
	s0 =	simm.s32 @!p1 $0xF4200;
	v46 =	vor.u32 s31, v0  }
0xbc: {  	[sflag:s7] =	ssyncset.done $0x0;
	p2 =	sgt.s32 s6, $0xF4200;
	s0 =	sadd.s32 $0xFFF0BE00, s0;
	v48 =	vor.u32 s31, v1  }
0xbd: {  	[sflag:s7] =	ssyncadd.s32 $0xFFFFF000;
	p5 =	sgt.s32 s6, $0xF41FF;
	s6 =	simm.s32 @!p2 $0xF4200;
	v43 =	vadd.s32 s0, v0  }
0xbe: {  	v45 =	vadd.s32 s0, v1;
	s7 =	sadd.s32 $0xFFF0BE00, s6;
	v8 =	vld.idx.msk [tilespmem:v42+s8+$0x0], $0xffff  }
0xbf: {  	s11 =	simm.s32 $0x9500;
	v47 =	vadd.s32 s7, v0;
	v10 =	vld.idx.msk [tilespmem:v44+s8+$0x0], $0xffff  }
0xc0: {  	v49 =	vadd.s32 s7, v1;
	v12 =	vld.idx.msk [tilespmem:v46+s11+$0x0], $0xffff  }
0xc1: {  	v14 =	vld.idx.msk [tilespmem:v48+s11+$0x0], $0xffff  }
0xc2: {  	s10 =	sadd.s32 $0xFFFFFFF2, s28;
	v9 =	vld.idx.msk [tilespmem:v43+s14+$0x0], $0xffff  }
0xc3: {  	v50 =	vmov s10;
	v11 =	vld.idx.msk [tilespmem:v45+s14+$0x0], $0xffff  }
0xc4: {  	v51 =	vshll.u32 v50, $0x3;
	v13 =	vld.idx.msk [tilespmem:v47+s15+$0x0], $0xffff  }
0xc5: {  	v17 =	vand.u32 $0xC00, v51;
	v16 =	vand.u32 $0x71, v50;
	v15 =	vld.idx.msk [tilespmem:v49+s15+$0x0], $0xffff  }
0xc6: {  	v16 =	vor.u32 v16, v17  }
0xc7: {  	v17 =	vor.u32 v2, v16;
	s6 =	spop (v2sf)  }
0xc8: {  	v16 =	vor.u32 v3, v16;
	s0 =	sshra.s32 s6, $0x7  }
0xc9: {  	v8 =	vpsel p4, v9, v8;
	v52 =	vpsel p5, v13, v12;
	s29 =	spop (v2sf);
	p2 =	slt.s32 s0, $0x1E83  }
0xca: {  	v10 =	vpsel p4, v11, v10;
	v53 =	vpsel p5, v15, v14;
	v8 =	vmul.f32 v52, v8;
	s1 =	sshra.s32 s29, $0x7;
	s0 =	simm.s32 @!p2 $0x1E83  }
0xcb: {  	v54 =	vmul.f32 v53, v10;
	p0 =	slt.s32 s1, $0x1E83;
	s0 =	sshll.u32 s0, $0x7  }
0xcc: {  	[tilespmem:v17+s5+$0x0] =	vst.idx.msk $0xffff, v8;
	s1 =	simm.s32 @!p0 $0x1E83;
	s0 =	sand.u32 $0x1FFFFF80, s0  }
0xcd: {  	s9 =	simm.s32 $0x1500;
	[tilespmem:v16+s5+$0x0] =	vst.idx.msk $0xffff, v54;
	s12 =	sshll.u32 s1, $0x7;
	s0 =	sadd.s32 s23, s0  }
0xce: {  	[tilespmem:s9], [sflag:$0x2] =	stream.strided.gather [hbm4b:s0+s25], $0x1000, s13, s25, $0x38;
	[tilespmem:$0x16500] =	vst v63  }
0xcf: {  	s0 =	sand.u32 $0x1FFFFF80, s12  }
0xd0: {  	s24 =	simm.s32 $0x3;
	s8 =	simm.s32 $0x9500;
	s0 =	sadd.s32 s3, s0  }
0xd1: {  	[tilespmem:s8], [sflag:$0xA] =	stream.strided.gather [hbm4b:s0+s25], $0x1000, s13, s25, $0x38;
	[tilespmem:$0x16500] =	vst v63  }
0xd2: {  	_ =	swait.ge [sflag:s24], $0x1000  }
0xd3: {  	[sflag:s24] =	ssyncset.done $0x0  }
0xd4: {  	s16 =	simm.s32 $0xB;
	[sflag:s24] =	ssyncadd.s32 $0xFFFFF000  }
0xd5: {  	_ =	swait.ge [sflag:s16], $0x1000  }
0xd6: {  	(v2sf) =	vpush v7, $0x2;
	_ =	sdelay $0x1  }
0xd7: {  	(v2sf) =	vpush v6, $0x2;
	_ =	sdelay $0xc  }
0xd8: {  	s0 =	spop (v2sf)  }
0xd9: {  	(v2sf) =	vpush v7, $0xA;
	s19 =	sand.u32 $0x7F, s0  }
0xda: {  	s7 =	spop (v2sf);
	v55 =	vor.u32 s19, v0  }
0xdb: {  	s17 =	simm.s32 $0xB;
	p1 =	sgt.s32 s0, $0xF4200;
	(v2sf) =	vpush v6, $0xA;
	v57 =	vor.u32 s19, v1;
	s20 =	sand.u32 $0x7F, s7  }
0xdc: {  	s30 =	simm.s32 $0x2500;
	p6 =	sgt.s32 s0, $0xF41FF;
	s0 =	simm.s32 @!p1 $0xF4200;
	v59 =	vor.u32 s20, v0  }
0xdd: {  	[sflag:s17] =	ssyncset.done $0x0;
	p2 =	sgt.s32 s7, $0xF4200;
	s0 =	sadd.s32 $0xFFF0BE00, s0;
	v61 =	vor.u32 s20, v1  }
0xde: {  	[sflag:s17] =	ssyncadd.s32 $0xFFFFF000;
	p3 =	sgt.s32 s7, $0xF41FF;
	s7 =	simm.s32 @!p2 $0xF4200;
	v56 =	vadd.s32 s0, v0  }
0xdf: {  	v58 =	vadd.s32 s0, v1;
	s21 =	sadd.s32 $0xFFF0BE00, s7;
	v8 =	vld.idx.msk [tilespmem:v55+s30+$0x0], $0xffff  }
0xe0: {  	s7 =	simm.s32 $0xA500;
	v60 =	vadd.s32 s21, v0;
	v10 =	vld.idx.msk [tilespmem:v57+s30+$0x0], $0xffff  }
0xe1: {  	v62 =	vadd.s32 s21, v1;
	v12 =	vld.idx.msk [tilespmem:v59+s7+$0x0], $0xffff  }
0xe2: {  	v14 =	vld.idx.msk [tilespmem:v61+s7+$0x0], $0xffff  }
0xe3: {  	s1 =	sadd.s32 $0xFFFFFFF3, s28;
	v9 =	vld.idx.msk [tilespmem:v56+s14+$0x0], $0xffff  }
0xe4: {  	v63 =	vmov s1;
	v11 =	vld.idx.msk [tilespmem:v58+s14+$0x0], $0xffff  }
0xe5: {  	v20 =	vshll.u32 v63, $0x3;
	v13 =	vld.idx.msk [tilespmem:v60+s15+$0x0], $0xffff  }
0xe6: {  	v16 =	vand.u32 $0x72, v63;
	v17 =	vand.u32 $0xC00, v20;
	v15 =	vld.idx.msk [tilespmem:v62+s15+$0x0], $0xffff  }
0xe7: {  	v16 =	vor.u32 v16, v17  }
0xe8: {  	v17 =	vor.u32 v2, v16;
	s7 =	spop (v2sf)  }
0xe9: {  	v16 =	vor.u32 v3, v16;
	s0 =	sshra.s32 s7, $0x7  }
0xea: {  	v8 =	vpsel p6, v9, v8;
	v21 =	vpsel p3, v13, v12;
	s30 =	spop (v2sf);
	p2 =	slt.s32 s0, $0x1E83  }
0xeb: {  	v10 =	vpsel p6, v11, v10;
	v22 =	vpsel p3, v15, v14;
	v8 =	vmul.f32 v21, v8;
	s1 =	sshra.s32 s30, $0x7;
	s0 =	simm.s32 @!p2 $0x1E83  }
0xec: {  	v23 =	vmul.f32 v22, v10;
	p0 =	slt.s32 s1, $0x1E83;
	s0 =	sshll.u32 s0, $0x7  }
0xed: {  	[tilespmem:v17+s5+$0x0] =	vst.idx.msk $0xffff, v8;
	s1 =	simm.s32 @!p0 $0x1E83;
	s0 =	sand.u32 $0x1FFFFF80, s0  }
0xee: {  	s31 =	simm.s32 $0x2500;
	[tilespmem:v16+s5+$0x0] =	vst.idx.msk $0xffff, v23;
	s8 =	sshll.u32 s1, $0x7;
	s0 =	sadd.s32 s23, s0  }
0xef: {  	[tilespmem:s31], [sflag:$0x3] =	stream.strided.gather [hbm4b:s0+s25], $0x1000, s13, s25, $0x38;
	[tilespmem:$0x16500] =	vst v63  }
0xf0: {  	s0 =	sand.u32 $0x1FFFFF80, s8  }
0xf1: {  	s10 =	simm.s32 $0x4;
	s9 =	simm.s32 $0xA500;
	s0 =	sadd.s32 s3, s0  }
0xf2: {  	[tilespmem:s9], [sflag:$0xB] =	stream.strided.gather [hbm4b:s0+s25], $0x1000, s13, s25, $0x38;
	[tilespmem:$0x16500] =	vst v63  }
0xf3: {  	_ =	swait.ge [sflag:s10], $0x1000  }
0xf4: {  	[sflag:s10] =	ssyncset.done $0x0  }
0xf5: {  	s11 =	simm.s32 $0xC;
	[sflag:s10] =	ssyncadd.s32 $0xFFFFF000  }
0xf6: {  	_ =	swait.ge [sflag:s11], $0x1000  }
0xf7: {  	(v2sf) =	vpush v7, $0x3;
	_ =	sdelay $0x1  }
0xf8: {  	(v2sf) =	vpush v6, $0x3;
	_ =	sdelay $0xc  }
0xf9: {  	s0 =	spop (v2sf)  }
0xfa: {  	(v2sf) =	vpush v7, $0xB;
	s16 =	sand.u32 $0x7F, s0  }
0xfb: {  	s8 =	spop (v2sf);
	v24 =	vor.u32 s16, v0  }
0xfc: {  	s12 =	simm.s32 $0xC;
	p1 =	sgt.s32 s0, $0xF4200;
	(v2sf) =	vpush v6, $0xB;
	v26 =	vor.u32 s16, v1;
	s17 =	sand.u32 $0x7F, s8  }
0xfd: {  	s20 =	simm.s32 $0x3500;
	p4 =	sgt.s32 s0, $0xF41FF;
	s0 =	simm.s32 @!p1 $0xF4200;
	v28 =	vor.u32 s17, v0  }
0xfe: {  	[sflag:s12] =	ssyncset.done $0x0;
	p2 =	sgt.s32 s8, $0xF4200;
	s0 =	sadd.s32 $0xFFF0BE00, s0;
	v30 =	vor.u32 s17, v1  }
0xff: {  	[sflag:s12] =	ssyncadd.s32 $0xFFFFF000;
	p5 =	sgt.s32 s8, $0xF41FF;
	s8 =	simm.s32 @!p2 $0xF4200;
	v25 =	vadd.s32 s0, v0  }
0x100: {  	v27 =	vadd.s32 s0, v1;
	s19 =	sadd.s32 $0xFFF0BE00, s8;
	v8 =	vld.idx.msk [tilespmem:v24+s20+$0x0], $0xffff  }
0x101: {  	s8 =	simm.s32 $0xB500;
	v29 =	vadd.s32 s19, v0;
	v10 =	vld.idx.msk [tilespmem:v26+s20+$0x0], $0xffff  }
0x102: {  	v31 =	vadd.s32 s19, v1;
	v12 =	vld.idx.msk [tilespmem:v28+s8+$0x0], $0xffff  }
0x103: {  	v14 =	vld.idx.msk [tilespmem:v30+s8+$0x0], $0xffff  }
0x104: {  	s1 =	sadd.s32 $0xFFFFFFF4, s28;
	v9 =	vld.idx.msk [tilespmem:v25+s14+$0x0], $0xffff  }
0x105: {  	v32 =	vmov s1;
	v11 =	vld.idx.msk [tilespmem:v27+s14+$0x0], $0xffff  }
0x106: {  	v33 =	vshll.u32 v32, $0x3;
	v13 =	vld.idx.msk [tilespmem:v29+s15+$0x0], $0xffff  }
0x107: {  	v16 =	vand.u32 $0x73, v32;
	v17 =	vand.u32 $0xC00, v33;
	v15 =	vld.idx.msk [tilespmem:v31+s15+$0x0], $0xffff  }
0x108: {  	v16 =	vor.u32 v16, v17  }
0x109: {  	v17 =	vor.u32 v2, v16;
	s8 =	spop (v2sf)  }
0x10a: {  	v16 =	vor.u32 v3, v16;
	s0 =	sshra.s32 s8, $0x7  }
0x10b: {  	v8 =	vpsel p4, v9, v8;
	v34 =	vpsel p5, v13, v12;
	s31 =	spop (v2sf);
	p2 =	slt.s32 s0, $0x1E83  }
0x10c: {  	v10 =	vpsel p4, v11, v10;
	v35 =	vpsel p5, v15, v14;
	v8 =	vmul.f32 v34, v8;
	s1 =	sshra.s32 s31, $0x7;
	s0 =	simm.s32 @!p2 $0x1E83  }
0x10d: {  	v36 =	vmul.f32 v35, v10;
	p0 =	slt.s32 s1, $0x1E83;
	s0 =	sshll.u32 s0, $0x7  }
0x10e: {  	[tilespmem:v17+s5+$0x0] =	vst.idx.msk $0xffff, v8;
	s1 =	simm.s32 @!p0 $0x1E83;
	s0 =	sand.u32 $0x1FFFFF80, s0  }
0x10f: {  	s21 =	simm.s32 $0x3500;
	[tilespmem:v16+s5+$0x0] =	vst.idx.msk $0xffff, v36;
	s9 =	sshll.u32 s1, $0x7;
	s0 =	sadd.s32 s23, s0  }
0x110: {  	[tilespmem:s21], [sflag:$0x4] =	stream.strided.gather [hbm4b:s0+s25], $0x1000, s13, s25, $0x38;
	[tilespmem:$0x16500] =	vst v63  }
0x111: {  	s0 =	sand.u32 $0x1FFFFF80, s9  }
0x112: {  	s10 =	simm.s32 $0xB500;
	s11 =	simm.s32 $0x5;
	s0 =	sadd.s32 s3, s0  }
0x113: {  	[tilespmem:s10], [sflag:$0xC] =	stream.strided.gather [hbm4b:s0+s25], $0x1000, s13, s25, $0x38;
	[tilespmem:$0x16500] =	vst v63  }
0x114: {  	_ =	swait.ge [sflag:s11], $0x1000  }
0x115: {  	[sflag:s11] =	ssyncset.done $0x0  }
0x116: {  	s12 =	simm.s32 $0xD;
	[sflag:s11] =	ssyncadd.s32 $0xFFFFF000  }
0x117: {  	_ =	swait.ge [sflag:s12], $0x1000  }
0x118: {  	(v2sf) =	vpush v7, $0x4;
	_ =	sdelay $0x1  }
0x119: {  	(v2sf) =	vpush v6, $0x4;
	_ =	sdelay $0xc  }
0x11a: {  	s0 =	spop (v2sf)  }
0x11b: {  	(v2sf) =	vpush v7, $0xC;
	s17 =	sand.u32 $0x7F, s0  }
0x11c: {  	s9 =	spop (v2sf);
	v37 =	vor.u32 s17, v0  }
0x11d: {  	s16 =	simm.s32 $0xD;
	p1 =	sgt.s32 s0, $0xF4200;
	(v2sf) =	vpush v6, $0xC;
	v39 =	vor.u32 s17, v1;
	s19 =	sand.u32 $0x7F, s9  }
0x11e: {  	s21 =	simm.s32 $0x4500;
	p6 =	sgt.s32 s0, $0xF41FF;
	s0 =	simm.s32 @!p1 $0xF4200;
	v41 =	vor.u32 s19, v0  }
0x11f: {  	[sflag:s16] =	ssyncset.done $0x0;
	p2 =	sgt.s32 s9, $0xF4200;
	s0 =	sadd.s32 $0xFFF0BE00, s0;
	v43 =	vor.u32 s19, v1  }
0x120: {  	[sflag:s16] =	ssyncadd.s32 $0xFFFFF000;
	p3 =	sgt.s32 s9, $0xF41FF;
	s9 =	simm.s32 @!p2 $0xF4200;
	v38 =	vadd.s32 s0, v0  }
0x121: {  	v40 =	vadd.s32 s0, v1;
	s20 =	sadd.s32 $0xFFF0BE00, s9;
	v8 =	vld.idx.msk [tilespmem:v37+s21+$0x0], $0xffff  }
0x122: {  	s10 =	simm.s32 $0xC500;
	v42 =	vadd.s32 s20, v0;
	v10 =	vld.idx.msk [tilespmem:v39+s21+$0x0], $0xffff  }
0x123: {  	v44 =	vadd.s32 s20, v1;
	v12 =	vld.idx.msk [tilespmem:v41+s10+$0x0], $0xffff  }
0x124: {  	v14 =	vld.idx.msk [tilespmem:v43+s10+$0x0], $0xffff  }
0x125: {  	s9 =	sadd.s32 $0xFFFFFFF5, s28;
	v9 =	vld.idx.msk [tilespmem:v38+s14+$0x0], $0xffff  }
0x126: {  	v45 =	vmov s9;
	v11 =	vld.idx.msk [tilespmem:v40+s14+$0x0], $0xffff  }
0x127: {  	v46 =	vshll.u32 v45, $0x3;
	v13 =	vld.idx.msk [tilespmem:v42+s15+$0x0], $0xffff  }
0x128: {  	v16 =	vand.u32 $0x74, v45;
	v17 =	vand.u32 $0xC00, v46;
	v15 =	vld.idx.msk [tilespmem:v44+s15+$0x0], $0xffff  }
0x129: {  	v16 =	vor.u32 v16, v17  }
0x12a: {  	v17 =	vor.u32 v2, v16;
	s9 =	spop (v2sf)  }
0x12b: {  	v16 =	vor.u32 v3, v16;
	s1 =	sshra.s32 s9, $0x7  }
0x12c: {  	v8 =	vpsel p6, v9, v8;
	v47 =	vpsel p3, v13, v12;
	s0 =	spop (v2sf);
	p2 =	slt.s32 s1, $0x1E83  }
0x12d: {  	v10 =	vpsel p6, v11, v10;
	v48 =	vpsel p3, v15, v14;
	v8 =	vmul.f32 v47, v8;
	s10 =	sshra.s32 s0, $0x7;
	s1 =	simm.s32 @!p2 $0x1E83  }
0x12e: {  	v49 =	vmul.f32 v48, v10;
	p0 =	slt.s32 s10, $0x1E83;
	s1 =	sshll.u32 s1, $0x7  }
0x12f: {  	[tilespmem:v17+s5+$0x0] =	vst.idx.msk $0xffff, v8;
	s10 =	simm.s32 @!p0 $0x1E83;
	s1 =	sand.u32 $0x1FFFFF80, s1  }
0x130: {  	s12 =	simm.s32 $0x4500;
	[tilespmem:v16+s5+$0x0] =	vst.idx.msk $0xffff, v49;
	s11 =	sshll.u32 s10, $0x7;
	s1 =	sadd.s32 s23, s1  }
0x131: {  	[tilespmem:s12], [sflag:$0x5] =	stream.strided.gather [hbm4b:s1+s25], $0x1000, s13, s25, $0x38;
	[tilespmem:$0x16500] =	vst v63  }
0x132: {  	s1 =	sand.u32 $0x1FFFFF80, s11  }
0x133: {  	s16 =	simm.s32 $0xC500;
	s12 =	simm.s32 $0x6;
	s1 =	sadd.s32 s3, s1  }
0x134: {  	[tilespmem:s16], [sflag:$0xD] =	stream.strided.gather [hbm4b:s1+s25], $0x1000, s13, s25, $0x38;
	[tilespmem:$0x16500] =	vst v63  }
0x135: {  	_ =	swait.ge [sflag:s12], $0x1000  }
0x136: {  	[sflag:s12] =	ssyncset.done $0x0  }
0x137: {  	s16 =	simm.s32 $0xE;
	[sflag:s12] =	ssyncadd.s32 $0xFFFFF000  }
0x138: {  	_ =	swait.ge [sflag:s16], $0x1000  }
0x139: {  	(v2sf) =	vpush v7, $0x5;
	_ =	sdelay $0x1  }
0x13a: {  	(v2sf) =	vpush v6, $0x5;
	_ =	sdelay $0xc  }
0x13b: {  	s1 =	spop (v2sf)  }
0x13c: {  	(v2sf) =	vpush v7, $0xD;
	s19 =	sand.u32 $0x7F, s1  }
0x13d: {  	s12 =	spop (v2sf);
	v50 =	vor.u32 s19, v0  }
0x13e: {  	s17 =	simm.s32 $0xE;
	p1 =	sgt.s32 s1, $0xF4200;
	v52 =	vor.u32 s19, v1;
	s20 =	sand.u32 $0x7F, s12  }
0x13f: {  	s11 =	simm.s32 $0x5500;
	p4 =	sgt.s32 s1, $0xF41FF;
	(v2sf) =	vpush v6, $0xD;
	s1 =	simm.s32 @!p1 $0xF4200;
	v54 =	vor.u32 s20, v0  }
0x140: {  	[sflag:s17] =	ssyncset.done $0x0;
	p2 =	sgt.s32 s12, $0xF4200;
	s1 =	sadd.s32 $0xFFF0BE00, s1;
	v56 =	vor.u32 s20, v1  }
0x141: {  	[sflag:s17] =	ssyncadd.s32 $0xFFFFF000;
	p5 =	sgt.s32 s12, $0xF41FF;
	s12 =	simm.s32 @!p2 $0xF4200;
	v51 =	vadd.s32 s1, v0  }
0x142: {  	v53 =	vadd.s32 s1, v1;
	s21 =	sadd.s32 $0xFFF0BE00, s12;
	v8 =	vld.idx.msk [tilespmem:v50+s11+$0x0], $0xffff  }
0x143: {  	s16 =	simm.s32 $0xD500;
	v55 =	vadd.s32 s21, v0;
	v10 =	vld.idx.msk [tilespmem:v52+s11+$0x0], $0xffff  }
0x144: {  	v57 =	vadd.s32 s21, v1;
	v12 =	vld.idx.msk [tilespmem:v54+s16+$0x0], $0xffff  }
0x145: {  	v14 =	vld.idx.msk [tilespmem:v56+s16+$0x0], $0xffff  }
0x146: {  	s12 =	sadd.s32 $0xFFFFFFF6, s28;
	v9 =	vld.idx.msk [tilespmem:v51+s14+$0x0], $0xffff  }
0x147: {  	v58 =	vmov s12;
	v11 =	vld.idx.msk [tilespmem:v53+s14+$0x0], $0xffff  }
0x148: {  	v59 =	vshll.u32 v58, $0x3;
	v13 =	vld.idx.msk [tilespmem:v55+s15+$0x0], $0xffff  }
0x149: {  	v16 =	vand.u32 $0x75, v58;
	v17 =	vand.u32 $0xC00, v59;
	v15 =	vld.idx.msk [tilespmem:v57+s15+$0x0], $0xffff  }
0x14a: {  	v16 =	vor.u32 v16, v17  }
0x14b: {  	v17 =	vor.u32 v2, v16;
	s12 =	spop (v2sf)  }
0x14c: {  	v16 =	vor.u32 v3, v16;
	s10 =	sshra.s32 s12, $0x7  }
0x14d: {  	v8 =	vpsel p4, v9, v8;
	v60 =	vpsel p5, v13, v12;
	p2 =	slt.s32 s10, $0x1E83  }
0x14e: {  	v10 =	vpsel p4, v11, v10;
	v61 =	vpsel p5, v15, v14;
	v8 =	vmul.f32 v60, v8;
	s1 =	spop (v2sf);
	s10 =	simm.s32 @!p2 $0x1E83  }
0x14f: {  	v62 =	vmul.f32 v61, v10;
	s16 =	sshra.s32 s1, $0x7;
	s10 =	sshll.u32 s10, $0x7  }
0x150: {  	[tilespmem:v17+s5+$0x0] =	vst.idx.msk $0xffff, v8;
	p0 =	slt.s32 s16, $0x1E83;
	s10 =	sand.u32 $0x1FFFFF80, s10  }
0x151: {  	s17 =	simm.s32 $0x5500;
	[tilespmem:v16+s5+$0x0] =	vst.idx.msk $0xffff, v62;
	s16 =	simm.s32 @!p0 $0x1E83;
	s10 =	sadd.s32 s23, s10  }
0x152: {  	[tilespmem:s17], [sflag:$0x6] =	stream.strided.gather [hbm4b:s10+s25], $0x1000, s13, s25, $0x38;
	[tilespmem:$0x16500] =	vst v63  }
0x153: {  	s17 =	sshll.u32 s16, $0x7  }
0x154: {  	s10 =	sand.u32 $0x1FFFFF80, s17  }
0x155: {  	s19 =	simm.s32 $0xD500;
	s10 =	sadd.s32 s3, s10  }
0x156: {  	[tilespmem:s19], [sflag:$0xE] =	stream.strided.gather [hbm4b:s10+s25], $0x1000, s13, s25, $0x38;
	[tilespmem:$0x16500] =	vst v63  }
0x157: {  	s19 =	simm.s32 $0x7  }
0x158: {  	_ =	swait.ge [sflag:s19], $0x1000  }
0x159: {  	[sflag:s19] =	ssyncset.done $0x0  }
0x15a: {  	s20 =	simm.s32 $0xF;
	[sflag:s19] =	ssyncadd.s32 $0xFFFFF000  }
0x15b: {  	_ =	swait.ge [sflag:s20], $0x1000  }
0x15c: {  	(v2sf) =	vpush v7, $0x6;
	_ =	sdelay $0x1  }
0x15d: {  	(v2sf) =	vpush v6, $0x6;
	_ =	sdelay $0xc  }
0x15e: {  	s10 =	spop (v2sf)  }
0x15f: {  	(v2sf) =	vpush v7, $0xE;
	s11 =	sand.u32 $0x7F, s10  }
0x160: {  	s17 =	spop (v2sf);
	v63 =	vor.u32 s11, v0  }
0x161: {  	s21 =	simm.s32 $0xF;
	p1 =	sgt.s32 s10, $0xF4200;
	v17 =	vor.u32 s11, v1;
	s20 =	sand.u32 $0x7F, s17  }
0x162: {  	[sflag:s21] =	ssyncset.done $0x0;
	p6 =	sgt.s32 s10, $0xF41FF;
	(v2sf) =	vpush v6, $0xE;
	s10 =	simm.s32 @!p1 $0xF4200;
	v19 =	vor.u32 s20, v0  }
0x163: {  	[sflag:s21] =	ssyncadd.s32 $0xFFFFF000;
	p2 =	sgt.s32 s17, $0xF4200;
	s10 =	sadd.s32 $0xFFF0BE00, s10;
	v21 =	vor.u32 s20, v1  }
0x164: {  	p3 =	sgt.s32 s17, $0xF41FF;
	s11 =	simm.s32 $0x6500;
	s17 =	simm.s32 @!p2 $0xF4200;
	v16 =	vadd.s32 s10, v0  }
0x165: {  	v18 =	vadd.s32 s10, v1;
	s21 =	sadd.s32 $0xFFF0BE00, s17;
	v8 =	vld.idx.msk [tilespmem:v63+s11+$0x0], $0xffff  }
0x166: {  	s19 =	simm.s32 $0xE500;
	v20 =	vadd.s32 s21, v0;
	v10 =	vld.idx.msk [tilespmem:v17+s11+$0x0], $0xffff  }
0x167: {  	v22 =	vadd.s32 s21, v1;
	v12 =	vld.idx.msk [tilespmem:v19+s19+$0x0], $0xffff  }
0x168: {  	v14 =	vld.idx.msk [tilespmem:v21+s19+$0x0], $0xffff  }
0x169: {  	s17 =	sadd.s32 $0xFFFFFFF7, s28;
	v9 =	vld.idx.msk [tilespmem:v16+s14+$0x0], $0xffff  }
0x16a: {  	v23 =	vmov s17;
	v11 =	vld.idx.msk [tilespmem:v18+s14+$0x0], $0xffff  }
0x16b: {  	v24 =	vshll.u32 v23, $0x3;
	v13 =	vld.idx.msk [tilespmem:v20+s15+$0x0], $0xffff  }
0x16c: {  	v17 =	vand.u32 $0xC00, v24;
	v16 =	vand.u32 $0x76, v23;
	v15 =	vld.idx.msk [tilespmem:v22+s15+$0x0], $0xffff  }
0x16d: {  	v16 =	vor.u32 v16, v17  }
0x16e: {  	v17 =	vor.u32 v2, v16;
	s16 =	spop (v2sf)  }
0x16f: {  	v16 =	vor.u32 v3, v16;
	s17 =	sshra.s32 s16, $0x7  }
0x170: {  	v8 =	vpsel p6, v9, v8;
	v25 =	vpsel p3, v13, v12;
	p2 =	slt.s32 s17, $0x1E83  }
0x171: {  	v10 =	vpsel p6, v11, v10;
	v26 =	vpsel p3, v15, v14;
	v8 =	vmul.f32 v25, v8;
	s10 =	spop (v2sf);
	s17 =	simm.s32 @!p2 $0x1E83  }
0x172: {  	v27 =	vmul.f32 v26, v10;
	s19 =	sshra.s32 s10, $0x7;
	s17 =	sshll.u32 s17, $0x7  }
0x173: {  	[tilespmem:v17+s5+$0x0] =	vst.idx.msk $0xffff, v8;
	p0 =	slt.s32 s19, $0x1E83;
	s17 =	sand.u32 $0x1FFFFF80, s17  }
0x174: {  	s20 =	simm.s32 $0x6500;
	[tilespmem:v16+s5+$0x0] =	vst.idx.msk $0xffff, v27;
	s19 =	simm.s32 @!p0 $0x1E83;
	s17 =	sadd.s32 s23, s17  }
0x175: {  	[tilespmem:s20], [sflag:$0x7] =	stream.strided.gather [hbm4b:s17+s25], $0x1000, s13, s25, $0x38;
	[tilespmem:$0x16500] =	vst v63  }
0x176: {  	s20 =	sshll.u32 s19, $0x7  }
0x177: {  	s17 =	sand.u32 $0x1FFFFF80, s20  }
0x178: {  	s21 =	simm.s32 $0xE500;
	s17 =	sadd.s32 s3, s17  }
0x179: {  	[tilespmem:s21], [sflag:$0xF] =	stream.strided.gather [hbm4b:s17+s25], $0x1000, s13, s25, $0x38;
	[tilespmem:$0x16500] =	vst v63  }
0x17a: {  	s21 =	simm.s32 $0x8  }
0x17b: {  	_ =	swait.ge [sflag:s21], $0x1000  }
0x17c: {  	[sflag:s21] =	ssyncset.done $0x0  }
0x17d: {  	[sflag:s21] =	ssyncadd.s32 $0xFFFFF000;
	s21 =	simm.s32 $0x10  }
0x17e: {  	_ =	swait.ge [sflag:s21], $0x1000  }
0x17f: {  	(v2sf) =	vpush v7, $0x7;
	_ =	sdelay $0x1  }
0x180: {  	(v2sf) =	vpush v6, $0x7;
	_ =	sdelay $0xc  }
0x181: {  	s17 =	spop (v2sf)  }
0x182: {  	(v2sf) =	vpush v7, $0xF;
	s11 =	sand.u32 $0x7F, s17  }
0x183: {  	s20 =	spop (v2sf);
	v7 =	vor.u32 s11, v0  }
0x184: {  	p1 =	sgt.s32 s17, $0xF4200;
	(v2sf) =	vpush v6, $0xF;
	v29 =	vor.u32 s11, v1;
	s19 =	sand.u32 $0x7F, s20  }
0x185: {  	[sflag:s21] =	ssyncset.done $0x0;
	p4 =	sgt.s32 s17, $0xF41FF;
	s17 =	simm.s32 @!p1 $0xF4200;
	v30 =	vor.u32 s19, v0  }
0x186: {  	[sflag:s21] =	ssyncadd.s32 $0xFFFFF000;
	p2 =	sgt.s32 s20, $0xF4200;
	s17 =	sadd.s32 $0xFFF0BE00, s17;
	v32 =	vor.u32 s19, v1  }
0x187: {  	p5 =	sgt.s32 s20, $0xF41FF;
	s11 =	simm.s32 $0x7500;
	s20 =	simm.s32 @!p2 $0xF4200;
	v28 =	vadd.s32 s17, v0  }
0x188: {  	v6 =	vadd.s32 s17, v1;
	s21 =	sadd.s32 $0xFFF0BE00, s20;
	v7 =	vld.idx.msk [tilespmem:v7+s11+$0x0], $0xffff  }
0x189: {  	s20 =	simm.s32 $0xF500;
	v31 =	vadd.s32 s21, v0;
	v9 =	vld.idx.msk [tilespmem:v29+s11+$0x0], $0xffff  }
0x18a: {  	v33 =	vadd.s32 s21, v1;
	v10 =	vld.idx.msk [tilespmem:v30+s20+$0x0], $0xffff  }
0x18b: {  	v12 =	vld.idx.msk [tilespmem:v32+s20+$0x0], $0xffff  }
0x18c: {  	s19 =	sadd.s32 $0xFFFFFFF8, s28;
	v8 =	vld.idx.msk [tilespmem:v28+s14+$0x0], $0xffff  }
0x18d: {  	v34 =	vmov s19;
	v6 =	vld.idx.msk [tilespmem:v6+s14+$0x0], $0xffff  }
0x18e: {  	v35 =	vshll.u32 v34, $0x3;
	v11 =	vld.idx.msk [tilespmem:v31+s15+$0x0], $0xffff  }
0x18f: {  	v14 =	vand.u32 $0x77, v34;
	v15 =	vand.u32 $0xC00, v35;
	v13 =	vld.idx.msk [tilespmem:v33+s15+$0x0], $0xffff  }
0x190: {  	v14 =	vor.u32 v14, v15  }
0x191: {  	v15 =	vor.u32 v2, v14;
	s19 =	spop (v2sf)  }
0x192: {  	v14 =	vor.u32 v3, v14;
	s20 =	sshra.s32 s19, $0x7  }
0x193: {  	v7 =	vpsel p4, v8, v7;
	v36 =	vpsel p5, v11, v10;
	s17 =	spop (v2sf);
	p2 =	slt.s32 s20, $0x1E83  }
0x194: {  	v6 =	vpsel p4, v6, v9;
	v37 =	vpsel p5, v13, v12;
	v7 =	vmul.f32 v36, v7;
	s21 =	sshra.s32 s17, $0x7;
	s20 =	simm.s32 @!p2 $0x1E83  }
0x195: {  	v6 =	vmul.f32 v37, v6;
	p0 =	slt.s32 s21, $0x1E83;
	s20 =	sshll.u32 s20, $0x7  }
0x196: {  	[tilespmem:v15+s5+$0x0] =	vst.idx.msk $0xffff, v7;
	s21 =	simm.s32 @!p0 $0x1E83;
	s20 =	sand.u32 $0x1FFFFF80, s20  }
0x197: {  	s11 =	simm.s32 $0x7500;
	[tilespmem:v14+s5+$0x0] =	vst.idx.msk $0xffff, v6;
	s21 =	sshll.u32 s21, $0x7;
	s20 =	sadd.s32 s23, s20  }
0x198: {  	[tilespmem:s11], [sflag:$0x8] =	stream.strided.gather [hbm4b:s20+s25], $0x1000, s13, s25, $0x38;
	[tilespmem:$0x16500] =	vst v63  }
0x199: {  	s20 =	sand.u32 $0x1FFFFF80, s21  }
0x19a: {  	s20 =	sadd.s32 s3, s20  }
0x19b: {  	[tilespmem:s26], [sflag:$0x10] =	stream.strided.gather [hbm4b:s20+s25], $0x1000, s13, s25, $0x38;
	[tilespmem:$0x16500] =	vst v63  }
0x19c: {  	_ =	swait.ge [sflag:s22], $0x1000  }
0x19d: {  	[sflag:s22] =	ssyncset.done $0x0  }
0x19e: {  	s11 =	simm.s32 $0x9;
	[sflag:s22] =	ssyncadd.s32 $0xFFFFF000  }
0x19f: {  	p0 =	seq.s32 s28, $0x1FF;
	_ =	swait.ge [sflag:s11], $0x1000  }
0x1a0: {  	(v2sf) =	vpush @!p0 v5, $0x0  }
0x1a1: {  	p3 =	sgt.s32 s4, $0xF4200;
	(v2sf) =	vpush @!p0 v4, $0x0  }
0x1a2: {  	p4 =	sgt.s32 s4, $0xF41FF;
	s21 =	sand.u32 $0x7F, s4;
	s4 =	simm.s32 @!p3 $0xF4200  }
0x1a3: {  	s4 =	sadd.s32 $0xFFF0BE00, s4;
	v40 =	vor.u32 s21, v0  }
0x1a4: {  	v41 =	vadd.s32 s4, v0  }
0x1a5: {  	p6 =	sgt.s32 s18, $0xF41FF;
	v42 =	vor.u32 s21, v1;
	s22 =	sand.u32 $0x7F, s18  }
0x1a6: {  	p2 =	sgt.s32 s18, $0xF4200;
	v43 =	vadd.s32 s4, v1;
	v6 =	vor.u32 s22, v0;
	v38 =	vor.u32 s22, v1;
	s22 =	simm.s32 $0x9;
	[sflag:s11] =	ssyncset.done $0x0  }
0x1a7: {  	s18 =	simm.s32 @!p2 $0xF4200;
	[sflag:s22] =	ssyncadd.s32 $0xFFFFF000;
	s22 =	simm.s32 $0x8500  }
0x1a8: {  	s18 =	sadd.s32 $0xFFF0BE00, s18;
	v10 =	vld.idx.msk [tilespmem:v40+s22+$0x0], $0xffff  }
0x1a9: {  	v7 =	vadd.s32 s18, v0;
	v11 =	vld.idx.msk [tilespmem:v41+s15+$0x0], $0xffff  }
0x1aa: {  	v39 =	vadd.s32 s18, v1;
	v12 =	vld.idx.msk [tilespmem:v42+s22+$0x0], $0xffff  }
0x1ab: {  	s18 =	simm.s32 $0x500;
	v13 =	vld.idx.msk [tilespmem:v43+s15+$0x0], $0xffff  }
0x1ac: {  	s21 =	sadd.s32 $0xFFFFFFF9, s28;
	v6 =	vld.idx.msk [tilespmem:v6+s18+$0x0], $0xffff  }
0x1ad: {  	v44 =	vmov s21;
	v8 =	vld.idx.msk [tilespmem:v38+s18+$0x0], $0xffff  }
0x1ae: {  	v45 =	vshll.u32 v44, $0x3;
	v7 =	vld.idx.msk [tilespmem:v7+s14+$0x0], $0xffff  }
0x1af: {  	v14 =	vand.u32 $0x78, v44;
	v15 =	vand.u32 $0xC00, v45;
	v9 =	vld.idx.msk [tilespmem:v39+s14+$0x0], $0xffff;
	s20 =	spop @!p0 (v2sf)  }
0x1b0: {  	v14 =	vor.u32 v14, v15;
	s4 =	spop @!p0 (v2sf)  }
0x1b1: {  	v15 =	vor.u32 v2, v14;
	s4 =	sshra.s32 @!p0 s4, $0x7  }
0x1b2: {  	v14 =	vor.u32 v3, v14;
	s20 =	sshra.s32 @!p0 s20, $0x7;
	p3 =	slt.s32 @!p0 s4, $0x1E83  }
0x1b3: {  	v6 =	vpsel p6, v7, v6;
	v7 =	vpsel p4, v11, v10;
	p1 =	slt.s32 @!p0 s20, $0x1E83;
	p3 =	por !p3, p0  }
0x1b4: {  	v46 =	vpsel p4, v13, v12;
	v8 =	vpsel p6, v9, v8;
	v6 =	vmul.f32 v7, v6;
	p1 =	por !p1, p0;
	s4 =	simm.s32 @p3 $0x1E83  }
0x1b5: {  	s22 =	simm.s32 @!p0 $0x500;
	v7 =	vmul.f32 v46, v8;
	s20 =	simm.s32 @p1 $0x1E83;
	s4 =	sshll.u32 @!p0 s4, $0x7  }
0x1b6: {  	s18 =	simm.s32 @!p0 $0x7A1400;
	[tilespmem:v15+s5+$0x0] =	vst.idx.msk $0xffff, v6;
	s20 =	sshll.u32 @!p0 s20, $0x7;
	s4 =	sand.u32 @!p0 $0x1FFFFF80, s4  }
0x1b7: {  	[tilespmem:v14+s5+$0x0] =	vst.idx.msk $0xffff, v7;
	s20 =	sand.u32 @!p0 $0x1FFFFF80, s20;
	s21 =	sadd.s32 @!p0 s23, s4;
	s4 =	simm.s32 @!p0 $0x400  }
0x1b8: {  	[tilespmem:s22], [sflag:$0x1] =	stream.strided.gather @!p0 [hbm4b:s21+s4], $0x1000, s18, s4, $0x38;
	[tilespmem:$0x16500] =	vst v63  }
0x1b9: {  	s20 =	sadd.s32 @!p0 s3, s20;
	s21 =	simm.s32 @!p0 $0x8500  }
0x1ba: {  	[tilespmem:s21], [sflag:$0x9] =	stream.strided.gather @!p0 [hbm4b:s20+s4], $0x1000, s18, s4, $0x38;
	[tilespmem:$0x16500] =	vst v63  }
0x1bb: {  	_ =	swait.ge [sflag:s2], $0x1000  }
0x1bc: {  	[sflag:s2] =	ssyncset.done $0x0  }
0x1bd: {  	s11 =	simm.s32 $0xA;
	[sflag:s2] =	ssyncadd.s32 $0xFFFFF000  }
0x1be: {  	_ =	swait.ge [sflag:s11], $0x1000  }
0x1bf: {  	(v2sf) =	vpush @!p0 v5, $0x1  }
0x1c0: {  	p2 =	sgt.s32 s6, $0xF4200;
	(v2sf) =	vpush @!p0 v4, $0x1  }
0x1c1: {  	p5 =	sgt.s32 s6, $0xF41FF;
	s21 =	sand.u32 $0x7F, s6;
	s6 =	simm.s32 @!p2 $0xF4200  }
0x1c2: {  	s6 =	sadd.s32 $0xFFF0BE00, s6;
	v6 =	vor.u32 s21, v0  }
0x1c3: {  	v7 =	vadd.s32 s6, v0  }
0x1c4: {  	p6 =	sgt.s32 s29, $0xF41FF;
	p3 =	sgt.s32 s29, $0xF4200;
	s22 =	sand.u32 $0x7F, s29;
	v47 =	vor.u32 s21, v1  }
0x1c5: {  	s29 =	simm.s32 @!p3 $0xF4200;
	v48 =	vadd.s32 s6, v1;
	[sflag:s11] =	ssyncset.done $0x0;
	s11 =	simm.s32 $0xA  }
0x1c6: {  	v49 =	vor.u32 s22, v0;
	s21 =	sadd.s32 $0xFFF0BE00, s29;
	[sflag:s11] =	ssyncadd.s32 $0xFFFFF000;
	s11 =	simm.s32 $0x1500  }
0x1c7: {  	v50 =	vadd.s32 s21, v0;
	v6 =	vld.idx.msk [tilespmem:v6+s11+$0x0], $0xffff  }
0x1c8: {  	v51 =	vor.u32 s22, v1;
	v7 =	vld.idx.msk [tilespmem:v7+s14+$0x0], $0xffff  }
0x1c9: {  	v52 =	vadd.s32 s21, v1;
	v8 =	vld.idx.msk [tilespmem:v47+s11+$0x0], $0xffff  }
0x1ca: {  	s21 =	simm.s32 $0x9500;
	v9 =	vld.idx.msk [tilespmem:v48+s14+$0x0], $0xffff  }
0x1cb: {  	s20 =	sadd.s32 $0xFFFFFFFA, s28;
	v10 =	vld.idx.msk [tilespmem:v49+s21+$0x0], $0xffff  }
0x1cc: {  	v53 =	vmov s20;
	v11 =	vld.idx.msk [tilespmem:v50+s15+$0x0], $0xffff  }
0x1cd: {  	v54 =	vshll.u32 v53, $0x3;
	v12 =	vld.idx.msk [tilespmem:v51+s21+$0x0], $0xffff  }
0x1ce: {  	v14 =	vand.u32 $0x79, v53;
	v15 =	vand.u32 $0xC00, v54;
	v13 =	vld.idx.msk [tilespmem:v52+s15+$0x0], $0xffff;
	s6 =	spop @!p0 (v2sf)  }
0x1cf: {  	v14 =	vor.u32 v14, v15;
	s20 =	spop @!p0 (v2sf)  }
0x1d0: {  	v15 =	vor.u32 v2, v14;
	s20 =	sshra.s32 @!p0 s20, $0x7  }
0x1d1: {  	v14 =	vor.u32 v3, v14;
	s6 =	sshra.s32 @!p0 s6, $0x7;
	p3 =	slt.s32 @!p0 s20, $0x1E83  }
0x1d2: {  	v6 =	vpsel p5, v7, v6;
	v7 =	vpsel p6, v11, v10;
	p1 =	slt.s32 @!p0 s6, $0x1E83;
	p3 =	por !p3, p0  }
0x1d3: {  	v8 =	vpsel p5, v9, v8;
	v55 =	vpsel p6, v13, v12;
	v6 =	vmul.f32 v7, v6;
	p1 =	por !p1, p0;
	s20 =	simm.s32 @p3 $0x1E83  }
0x1d4: {  	v7 =	vmul.f32 v55, v8;
	s6 =	simm.s32 @p1 $0x1E83;
	s20 =	sshll.u32 @!p0 s20, $0x7  }
0x1d5: {  	[tilespmem:v15+s5+$0x0] =	vst.idx.msk $0xffff, v6;
	s6 =	sshll.u32 @!p0 s6, $0x7;
	s20 =	sand.u32 @!p0 $0x1FFFFF80, s20  }
0x1d6: {  	s21 =	simm.s32 @!p0 $0x1500;
	[tilespmem:v14+s5+$0x0] =	vst.idx.msk $0xffff, v7;
	s6 =	sand.u32 @!p0 $0x1FFFFF80, s6;
	s20 =	sadd.s32 @!p0 s23, s20  }
0x1d7: {  	[tilespmem:s21], [sflag:$0x2] =	stream.strided.gather @!p0 [hbm4b:s20+s4], $0x1000, s18, s4, $0x38;
	[tilespmem:$0x16500] =	vst v63  }
0x1d8: {  	s6 =	sadd.s32 @!p0 s3, s6;
	s20 =	simm.s32 @!p0 $0x9500  }
0x1d9: {  	[tilespmem:s20], [sflag:$0xA] =	stream.strided.gather @!p0 [hbm4b:s6+s4], $0x1000, s18, s4, $0x38;
	[tilespmem:$0x16500] =	vst v63  }
0x1da: {  	_ =	swait.ge [sflag:s24], $0x1000  }
0x1db: {  	[sflag:s24] =	ssyncset.done $0x0  }
0x1dc: {  	[sflag:s24] =	ssyncadd.s32 $0xFFFFF000;
	s24 =	simm.s32 $0xB  }
0x1dd: {  	_ =	swait.ge [sflag:s24], $0x1000  }
0x1de: {  	(v2sf) =	vpush @!p0 v5, $0x2  }
0x1df: {  	p2 =	sgt.s32 s7, $0xF4200;
	(v2sf) =	vpush @!p0 v4, $0x2  }
0x1e0: {  	p4 =	sgt.s32 s7, $0xF41FF;
	s11 =	sand.u32 $0x7F, s7;
	s7 =	simm.s32 @!p2 $0xF4200  }
0x1e1: {  	s7 =	sadd.s32 $0xFFF0BE00, s7;
	v6 =	vor.u32 s11, v0  }
0x1e2: {  	v7 =	vadd.s32 s7, v0  }
0x1e3: {  	v56 =	vor.u32 s11, v1;
	p5 =	sgt.s32 s30, $0xF41FF;
	p3 =	sgt.s32 s30, $0xF4200;
	s21 =	simm.s32 $0xB  }
0x1e4: {  	v57 =	vadd.s32 s7, v1;
	s20 =	sand.u32 $0x7F, s30;
	s30 =	simm.s32 @!p3 $0xF4200;
	[sflag:s24] =	ssyncset.done $0x0  }
0x1e5: {  	v58 =	vor.u32 s20, v0;
	s24 =	sadd.s32 $0xFFF0BE00, s30;
	s30 =	simm.s32 $0x2500;
	[sflag:s21] =	ssyncadd.s32 $0xFFFFF000  }
0x1e6: {  	v60 =	vor.u32 s20, v1;
	v6 =	vld.idx.msk [tilespmem:v6+s30+$0x0], $0xffff  }
0x1e7: {  	v59 =	vadd.s32 s24, v0;
	v7 =	vld.idx.msk [tilespmem:v7+s14+$0x0], $0xffff  }
0x1e8: {  	v61 =	vadd.s32 s24, v1;
	v8 =	vld.idx.msk [tilespmem:v56+s30+$0x0], $0xffff  }
0x1e9: {  	s20 =	simm.s32 $0xA500;
	v9 =	vld.idx.msk [tilespmem:v57+s14+$0x0], $0xffff  }
0x1ea: {  	s11 =	sadd.s32 $0xFFFFFFFB, s28;
	v10 =	vld.idx.msk [tilespmem:v58+s20+$0x0], $0xffff  }
0x1eb: {  	v62 =	vmov s11;
	v12 =	vld.idx.msk [tilespmem:v60+s20+$0x0], $0xffff  }
0x1ec: {  	v63 =	vshll.u32 v62, $0x3;
	v11 =	vld.idx.msk [tilespmem:v59+s15+$0x0], $0xffff  }
0x1ed: {  	v14 =	vand.u32 $0x7A, v62;
	v15 =	vand.u32 $0xC00, v63;
	v13 =	vld.idx.msk [tilespmem:v61+s15+$0x0], $0xffff;
	s6 =	spop @!p0 (v2sf)  }
0x1ee: {  	v14 =	vor.u32 v14, v15;
	s7 =	spop @!p0 (v2sf)  }
0x1ef: {  	v15 =	vor.u32 v2, v14;
	s7 =	sshra.s32 @!p0 s7, $0x7  }
0x1f0: {  	v14 =	vor.u32 v3, v14;
	s6 =	sshra.s32 @!p0 s6, $0x7;
	p3 =	slt.s32 @!p0 s7, $0x1E83  }
0x1f1: {  	v6 =	vpsel p4, v7, v6;
	v7 =	vpsel p5, v11, v10;
	p1 =	slt.s32 @!p0 s6, $0x1E83;
	p3 =	por !p3, p0  }
0x1f2: {  	v8 =	vpsel p4, v9, v8;
	v18 =	vpsel p5, v13, v12;
	v6 =	vmul.f32 v7, v6;
	p1 =	por !p1, p0;
	s7 =	simm.s32 @p3 $0x1E83  }
0x1f3: {  	v7 =	vmul.f32 v18, v8;
	s6 =	simm.s32 @p1 $0x1E83;
	s7 =	sshll.u32 @!p0 s7, $0x7  }
0x1f4: {  	[tilespmem:v15+s5+$0x0] =	vst.idx.msk $0xffff, v6;
	s6 =	sshll.u32 @!p0 s6, $0x7;
	s7 =	sand.u32 @!p0 $0x1FFFFF80, s7  }
0x1f5: {  	s20 =	simm.s32 @!p0 $0x2500;
	[tilespmem:v14+s5+$0x0] =	vst.idx.msk $0xffff, v7;
	s6 =	sand.u32 @!p0 $0x1FFFFF80, s6;
	s7 =	sadd.s32 @!p0 s23, s7  }
0x1f6: {  	[tilespmem:s20], [sflag:$0x3] =	stream.strided.gather @!p0 [hbm4b:s7+s4], $0x1000, s18, s4, $0x38;
	[tilespmem:$0x16500] =	vst v63  }
0x1f7: {  	s24 =	simm.s32 $0x4;
	s6 =	sadd.s32 @!p0 s3, s6;
	s7 =	simm.s32 @!p0 $0xA500  }
0x1f8: {  	[tilespmem:s7], [sflag:$0xB] =	stream.strided.gather @!p0 [hbm4b:s6+s4], $0x1000, s18, s4, $0x38;
	[tilespmem:$0x16500] =	vst v63  }
0x1f9: {  	_ =	swait.ge [sflag:s24], $0x1000  }
0x1fa: {  	[sflag:s24] =	ssyncset.done $0x0  }
0x1fb: {  	s30 =	simm.s32 $0xC;
	[sflag:s24] =	ssyncadd.s32 $0xFFFFF000  }
0x1fc: {  	_ =	swait.ge [sflag:s30], $0x1000  }
0x1fd: {  	(v2sf) =	vpush @!p0 v5, $0x3  }
0x1fe: {  	p2 =	sgt.s32 s8, $0xF4200;
	(v2sf) =	vpush @!p0 v4, $0x3  }
0x1ff: {  	p6 =	sgt.s32 s8, $0xF41FF;
	s7 =	sand.u32 $0x7F, s8;
	s8 =	simm.s32 @!p2 $0xF4200  }
0x200: {  	s8 =	sadd.s32 $0xFFF0BE00, s8;
	v6 =	vor.u32 s7, v0  }
0x201: {  	v7 =	vadd.s32 s8, v0  }
0x202: {  	s11 =	sand.u32 $0x7F, s31;
	p4 =	sgt.s32 s31, $0xF41FF;
	p3 =	sgt.s32 s31, $0xF4200;
	v19 =	vor.u32 s7, v1  }
0x203: {  	s31 =	simm.s32 @!p3 $0xF4200;
	v20 =	vadd.s32 s8, v1;
	s24 =	simm.s32 $0xC;
	[sflag:s30] =	ssyncset.done $0x0  }
0x204: {  	v21 =	vor.u32 s11, v0;
	s30 =	sadd.s32 $0xFFF0BE00, s31;
	s31 =	simm.s32 $0x3500;
	[sflag:s24] =	ssyncadd.s32 $0xFFFFF000  }
0x205: {  	v23 =	vor.u32 s11, v1;
	v6 =	vld.idx.msk [tilespmem:v6+s31+$0x0], $0xffff  }
0x206: {  	v22 =	vadd.s32 s30, v0;
	v7 =	vld.idx.msk [tilespmem:v7+s14+$0x0], $0xffff  }
0x207: {  	v24 =	vadd.s32 s30, v1;
	v8 =	vld.idx.msk [tilespmem:v19+s31+$0x0], $0xffff  }
0x208: {  	s11 =	simm.s32 $0xB500;
	v9 =	vld.idx.msk [tilespmem:v20+s14+$0x0], $0xffff  }
0x209: {  	s8 =	sadd.s32 $0xFFFFFFFC, s28;
	v10 =	vld.idx.msk [tilespmem:v21+s11+$0x0], $0xffff  }
0x20a: {  	v25 =	vmov s8;
	v12 =	vld.idx.msk [tilespmem:v23+s11+$0x0], $0xffff  }
0x20b: {  	v26 =	vshll.u32 v25, $0x3;
	v11 =	vld.idx.msk [tilespmem:v22+s15+$0x0], $0xffff  }
0x20c: {  	v14 =	vand.u32 $0x7B, v25;
	v15 =	vand.u32 $0xC00, v26;
	v13 =	vld.idx.msk [tilespmem:v24+s15+$0x0], $0xffff;
	s6 =	spop @!p0 (v2sf)  }
0x20d: {  	v14 =	vor.u32 v14, v15;
	s7 =	spop @!p0 (v2sf)  }
0x20e: {  	v15 =	vor.u32 v2, v14;
	s7 =	sshra.s32 @!p0 s7, $0x7  }
0x20f: {  	v14 =	vor.u32 v3, v14;
	s6 =	sshra.s32 @!p0 s6, $0x7;
	p3 =	slt.s32 @!p0 s7, $0x1E83  }
0x210: {  	v6 =	vpsel p6, v7, v6;
	v7 =	vpsel p4, v11, v10;
	p1 =	slt.s32 @!p0 s6, $0x1E83;
	p3 =	por !p3, p0  }
0x211: {  	v8 =	vpsel p6, v9, v8;
	v27 =	vpsel p4, v13, v12;
	v6 =	vmul.f32 v7, v6;
	p1 =	por !p1, p0;
	s7 =	simm.s32 @p3 $0x1E83  }
0x212: {  	v7 =	vmul.f32 v27, v8;
	s6 =	simm.s32 @p1 $0x1E83;
	s7 =	sshll.u32 @!p0 s7, $0x7  }
0x213: {  	[tilespmem:v15+s5+$0x0] =	vst.idx.msk $0xffff, v6;
	s6 =	sshll.u32 @!p0 s6, $0x7;
	s7 =	sand.u32 @!p0 $0x1FFFFF80, s7  }
0x214: {  	s8 =	simm.s32 @!p0 $0x3500;
	[tilespmem:v14+s5+$0x0] =	vst.idx.msk $0xffff, v7;
	s6 =	sand.u32 @!p0 $0x1FFFFF80, s6;
	s7 =	sadd.s32 @!p0 s23, s7  }
0x215: {  	[tilespmem:s8], [sflag:$0x4] =	stream.strided.gather @!p0 [hbm4b:s7+s4], $0x1000, s18, s4, $0x38;
	[tilespmem:$0x16500] =	vst v63  }
0x216: {  	s30 =	simm.s32 $0x5;
	s6 =	sadd.s32 @!p0 s3, s6;
	s7 =	simm.s32 @!p0 $0xB500  }
0x217: {  	[tilespmem:s7], [sflag:$0xC] =	stream.strided.gather @!p0 [hbm4b:s6+s4], $0x1000, s18, s4, $0x38;
	[tilespmem:$0x16500] =	vst v63  }
0x218: {  	_ =	swait.ge [sflag:s30], $0x1000  }
0x219: {  	[sflag:s30] =	ssyncset.done $0x0  }
0x21a: {  	s31 =	simm.s32 $0xD;
	[sflag:s30] =	ssyncadd.s32 $0xFFFFF000  }
0x21b: {  	_ =	swait.ge [sflag:s31], $0x1000  }
0x21c: {  	(v2sf) =	vpush @!p0 v5, $0x4  }
0x21d: {  	p2 =	sgt.s32 s9, $0xF4200;
	(v2sf) =	vpush @!p0 v4, $0x4  }
0x21e: {  	p5 =	sgt.s32 s9, $0xF41FF;
	s7 =	sand.u32 $0x7F, s9;
	s9 =	simm.s32 @!p2 $0xF4200  }
0x21f: {  	s11 =	sadd.s32 $0xFFF0BE00, s9;
	v6 =	vor.u32 s7, v0  }
0x220: {  	v7 =	vadd.s32 s11, v0  }
0x221: {  	p6 =	sgt.s32 s0, $0xF41FF;
	p3 =	sgt.s32 s0, $0xF4200;
	v28 =	vor.u32 s7, v1  }
0x222: {  	v29 =	vadd.s32 s11, v1;
	s30 =	sand.u32 $0x7F, s0;
	[sflag:s31] =	ssyncset.done $0x0;
	s31 =	simm.s32 $0xD  }
0x223: {  	s9 =	simm.s32 $0x4500;
	s0 =	simm.s32 @!p3 $0xF4200;
	v30 =	vor.u32 s30, v0;
	[sflag:s31] =	ssyncadd.s32 $0xFFFFF000  }
0x224: {  	s0 =	sadd.s32 $0xFFF0BE00, s0;
	v32 =	vor.u32 s30, v1;
	v6 =	vld.idx.msk [tilespmem:v6+s9+$0x0], $0xffff  }
0x225: {  	v31 =	vadd.s32 s0, v0;
	v7 =	vld.idx.msk [tilespmem:v7+s14+$0x0], $0xffff  }
0x226: {  	v33 =	vadd.s32 s0, v1;
	v8 =	vld.idx.msk [tilespmem:v28+s9+$0x0], $0xffff  }
0x227: {  	s30 =	simm.s32 $0xC500;
	v9 =	vld.idx.msk [tilespmem:v29+s14+$0x0], $0xffff  }
0x228: {  	s11 =	sadd.s32 $0xFFFFFFFD, s28;
	v10 =	vld.idx.msk [tilespmem:v30+s30+$0x0], $0xffff  }
0x229: {  	v34 =	vmov s11;
	v12 =	vld.idx.msk [tilespmem:v32+s30+$0x0], $0xffff  }
0x22a: {  	v35 =	vshll.u32 v34, $0x3;
	v11 =	vld.idx.msk [tilespmem:v31+s15+$0x0], $0xffff  }
0x22b: {  	v14 =	vand.u32 $0x7C, v34;
	v15 =	vand.u32 $0xC00, v35;
	v13 =	vld.idx.msk [tilespmem:v33+s15+$0x0], $0xffff;
	s0 =	spop @!p0 (v2sf)  }
0x22c: {  	v14 =	vor.u32 v14, v15;
	s6 =	spop @!p0 (v2sf)  }
0x22d: {  	v15 =	vor.u32 v2, v14;
	s6 =	sshra.s32 @!p0 s6, $0x7  }
0x22e: {  	v14 =	vor.u32 v3, v14;
	s0 =	sshra.s32 @!p0 s0, $0x7;
	p3 =	slt.s32 @!p0 s6, $0x1E83  }
0x22f: {  	v6 =	vpsel p5, v7, v6;
	v7 =	vpsel p6, v11, v10;
	p1 =	slt.s32 @!p0 s0, $0x1E83;
	p3 =	por !p3, p0  }
0x230: {  	v8 =	vpsel p5, v9, v8;
	v36 =	vpsel p6, v13, v12;
	v6 =	vmul.f32 v7, v6;
	p1 =	por !p1, p0;
	s6 =	simm.s32 @p3 $0x1E83  }
0x231: {  	v7 =	vmul.f32 v36, v8;
	s0 =	simm.s32 @p1 $0x1E83;
	s6 =	sshll.u32 @!p0 s6, $0x7  }
0x232: {  	[tilespmem:v15+s5+$0x0] =	vst.idx.msk $0xffff, v6;
	s0 =	sshll.u32 @!p0 s0, $0x7;
	s6 =	sand.u32 @!p0 $0x1FFFFF80, s6  }
0x233: {  	s7 =	simm.s32 @!p0 $0x4500;
	[tilespmem:v14+s5+$0x0] =	vst.idx.msk $0xffff, v7;
	s0 =	sand.u32 @!p0 $0x1FFFFF80, s0;
	s6 =	sadd.s32 @!p0 s23, s6  }
0x234: {  	[tilespmem:s7], [sflag:$0x5] =	stream.strided.gather @!p0 [hbm4b:s6+s4], $0x1000, s18, s4, $0x38;
	[tilespmem:$0x16500] =	vst v63  }
0x235: {  	s31 =	simm.s32 $0x6;
	s0 =	sadd.s32 @!p0 s3, s0;
	s6 =	simm.s32 @!p0 $0xC500  }
0x236: {  	[tilespmem:s6], [sflag:$0xD] =	stream.strided.gather @!p0 [hbm4b:s0+s4], $0x1000, s18, s4, $0x38;
	[tilespmem:$0x16500] =	vst v63  }
0x237: {  	_ =	swait.ge [sflag:s31], $0x1000  }
0x238: {  	[sflag:s31] =	ssyncset.done $0x0  }
0x239: {  	s6 =	simm.s32 $0xE;
	[sflag:s31] =	ssyncadd.s32 $0xFFFFF000  }
0x23a: {  	_ =	swait.ge [sflag:s6], $0x1000  }
0x23b: {  	(v2sf) =	vpush @!p0 v5, $0x5  }
0x23c: {  	p2 =	sgt.s32 s12, $0xF4200;
	(v2sf) =	vpush @!p0 v4, $0x5  }
0x23d: {  	p4 =	sgt.s32 s12, $0xF41FF;
	s11 =	sand.u32 $0x7F, s12;
	s12 =	simm.s32 @!p2 $0xF4200  }
0x23e: {  	s12 =	sadd.s32 $0xFFF0BE00, s12;
	v6 =	vor.u32 s11, v0  }
0x23f: {  	v7 =	vadd.s32 s12, v0  }
0x240: {  	v37 =	vor.u32 s11, v1;
	s30 =	sand.u32 $0x7F, s1;
	p5 =	sgt.s32 s1, $0xF41FF;
	p3 =	sgt.s32 s1, $0xF4200  }
0x241: {  	v38 =	vadd.s32 s12, v1;
	s1 =	simm.s32 @!p3 $0xF4200;
	s31 =	simm.s32 $0xE;
	[sflag:s6] =	ssyncset.done $0x0  }
0x242: {  	v39 =	vor.u32 s30, v0;
	s11 =	simm.s32 $0x5500;
	s1 =	sadd.s32 $0xFFF0BE00, s1;
	[sflag:s31] =	ssyncadd.s32 $0xFFFFF000  }
0x243: {  	v40 =	vadd.s32 s1, v0;
	v6 =	vld.idx.msk [tilespmem:v6+s11+$0x0], $0xffff  }
0x244: {  	v41 =	vor.u32 s30, v1;
	v7 =	vld.idx.msk [tilespmem:v7+s14+$0x0], $0xffff  }
0x245: {  	v42 =	vadd.s32 s1, v1;
	v8 =	vld.idx.msk [tilespmem:v37+s11+$0x0], $0xffff  }
0x246: {  	s30 =	simm.s32 $0xD500;
	v9 =	vld.idx.msk [tilespmem:v38+s14+$0x0], $0xffff  }
0x247: {  	s12 =	sadd.s32 $0xFFFFFFFE, s28;
	v10 =	vld.idx.msk [tilespmem:v39+s30+$0x0], $0xffff  }
0x248: {  	v43 =	vmov s12;
	v11 =	vld.idx.msk [tilespmem:v40+s15+$0x0], $0xffff  }
0x249: {  	v44 =	vshll.u32 v43, $0x3;
	v12 =	vld.idx.msk [tilespmem:v41+s30+$0x0], $0xffff  }
0x24a: {  	v14 =	vand.u32 $0x7D, v43;
	v15 =	vand.u32 $0xC00, v44;
	v13 =	vld.idx.msk [tilespmem:v42+s15+$0x0], $0xffff;
	s0 =	spop @!p0 (v2sf)  }
0x24b: {  	v14 =	vor.u32 v14, v15;
	s1 =	spop @!p0 (v2sf)  }
0x24c: {  	v15 =	vor.u32 v2, v14;
	s1 =	sshra.s32 @!p0 s1, $0x7  }
0x24d: {  	v14 =	vor.u32 v3, v14;
	s0 =	sshra.s32 @!p0 s0, $0x7;
	p3 =	slt.s32 @!p0 s1, $0x1E83  }
0x24e: {  	v6 =	vpsel p4, v7, v6;
	v7 =	vpsel p5, v11, v10;
	p1 =	slt.s32 @!p0 s0, $0x1E83;
	p3 =	por !p3, p0  }
0x24f: {  	v8 =	vpsel p4, v9, v8;
	v45 =	vpsel p5, v13, v12;
	v6 =	vmul.f32 v7, v6;
	p1 =	por !p1, p0;
	s1 =	simm.s32 @p3 $0x1E83  }
0x250: {  	v7 =	vmul.f32 v45, v8;
	s0 =	simm.s32 @p1 $0x1E83;
	s1 =	sshll.u32 @!p0 s1, $0x7  }
0x251: {  	[tilespmem:v15+s5+$0x0] =	vst.idx.msk $0xffff, v6;
	s0 =	sshll.u32 @!p0 s0, $0x7;
	s1 =	sand.u32 @!p0 $0x1FFFFF80, s1  }
0x252: {  	s6 =	simm.s32 @!p0 $0x5500;
	[tilespmem:v14+s5+$0x0] =	vst.idx.msk $0xffff, v7;
	s0 =	sand.u32 @!p0 $0x1FFFFF80, s0;
	s1 =	sadd.s32 @!p0 s23, s1  }
0x253: {  	[tilespmem:s6], [sflag:$0x6] =	stream.strided.gather @!p0 [hbm4b:s1+s4], $0x1000, s18, s4, $0x38;
	[tilespmem:$0x16500] =	vst v63  }
0x254: {  	s31 =	simm.s32 $0x7;
	s0 =	sadd.s32 @!p0 s3, s0;
	s1 =	simm.s32 @!p0 $0xD500  }
0x255: {  	[tilespmem:s1], [sflag:$0xE] =	stream.strided.gather @!p0 [hbm4b:s0+s4], $0x1000, s18, s4, $0x38;
	[tilespmem:$0x16500] =	vst v63  }
0x256: {  	_ =	swait.ge [sflag:s31], $0x1000  }
0x257: {  	[sflag:s31] =	ssyncset.done $0x0  }
0x258: {  	s1 =	simm.s32 $0xF;
	[sflag:s31] =	ssyncadd.s32 $0xFFFFF000  }
0x259: {  	_ =	swait.ge [sflag:s1], $0x1000  }
0x25a: {  	(v2sf) =	vpush @!p0 v5, $0x6  }
0x25b: {  	(v2sf) =	vpush @!p0 v4, $0x6  }
0x25c: {  	s30 =	sand.u32 $0x7F, s16  }
0x25d: {  	p2 =	sgt.s32 s16, $0xF4200;
	v6 =	vor.u32 s30, v0;
	p3 =	sgt.s32 s10, $0xF4200  }
0x25e: {  	s11 =	sand.u32 $0x7F, s10;
	v46 =	vor.u32 s30, v1;
	p4 =	sgt.s32 s10, $0xF41FF;
	s10 =	simm.s32 @!p3 $0xF4200  }
0x25f: {  	p6 =	sgt.s32 s16, $0xF41FF;
	s16 =	simm.s32 @!p2 $0xF4200;
	v48 =	vor.u32 s11, v0;
	s30 =	sadd.s32 $0xFFF0BE00, s10  }
0x260: {  	v49 =	vadd.s32 s30, v0;
	s31 =	sadd.s32 $0xFFF0BE00, s16;
	s16 =	simm.s32 $0xF;
	[sflag:s1] =	ssyncset.done $0x0  }
0x261: {  	v50 =	vor.u32 s11, v1;
	v7 =	vadd.s32 s31, v0;
	v47 =	vadd.s32 s31, v1;
	s31 =	simm.s32 $0x6500;
	[sflag:s16] =	ssyncadd.s32 $0xFFFFF000  }
0x262: {  	v51 =	vadd.s32 s30, v1;
	v6 =	vld.idx.msk [tilespmem:v6+s31+$0x0], $0xffff  }
0x263: {  	s11 =	simm.s32 $0xE500;
	v8 =	vld.idx.msk [tilespmem:v46+s31+$0x0], $0xffff  }
0x264: {  	v10 =	vld.idx.msk [tilespmem:v48+s11+$0x0], $0xffff  }
0x265: {  	v11 =	vld.idx.msk [tilespmem:v49+s15+$0x0], $0xffff  }
0x266: {  	s6 =	sadd.s32 $0xFFFFFFFF, s28;
	v12 =	vld.idx.msk [tilespmem:v50+s11+$0x0], $0xffff  }
0x267: {  	v52 =	vmov s6;
	v13 =	vld.idx.msk [tilespmem:v51+s15+$0x0], $0xffff  }
0x268: {  	v53 =	vshll.u32 v52, $0x3;
	v7 =	vld.idx.msk [tilespmem:v7+s14+$0x0], $0xffff  }
0x269: {  	v14 =	vand.u32 $0x7E, v52;
	v15 =	vand.u32 $0xC00, v53;
	v9 =	vld.idx.msk [tilespmem:v47+s14+$0x0], $0xffff;
	s0 =	spop @!p0 (v2sf)  }
0x26a: {  	v14 =	vor.u32 v14, v15;
	s1 =	spop @!p0 (v2sf)  }
0x26b: {  	v15 =	vor.u32 v2, v14;
	s1 =	sshra.s32 @!p0 s1, $0x7  }
0x26c: {  	v14 =	vor.u32 v3, v14;
	s0 =	sshra.s32 @!p0 s0, $0x7;
	p3 =	slt.s32 @!p0 s1, $0x1E83  }
0x26d: {  	v6 =	vpsel p6, v7, v6;
	v7 =	vpsel p4, v11, v10;
	p1 =	slt.s32 @!p0 s0, $0x1E83;
	p3 =	por !p3, p0  }
0x26e: {  	v54 =	vpsel p4, v13, v12;
	v8 =	vpsel p6, v9, v8;
	v6 =	vmul.f32 v7, v6;
	p1 =	por !p1, p0;
	s1 =	simm.s32 @p3 $0x1E83  }
0x26f: {  	p2 =	sgt.s32 s19, $0xF4200;
	v7 =	vmul.f32 v54, v8;
	s0 =	simm.s32 @p1 $0x1E83;
	s1 =	sshll.u32 @!p0 s1, $0x7  }
0x270: {  	p5 =	sgt.s32 s19, $0xF41FF;
	[tilespmem:v15+s5+$0x0] =	vst.idx.msk $0xffff, v6;
	s0 =	sshll.u32 @!p0 s0, $0x7;
	s1 =	sand.u32 @!p0 $0x1FFFFF80, s1  }
0x271: {  	s6 =	simm.s32 @!p0 $0x6500;
	[tilespmem:v14+s5+$0x0] =	vst.idx.msk $0xffff, v7;
	s0 =	sand.u32 @!p0 $0x1FFFFF80, s0;
	s1 =	sadd.s32 @!p0 s23, s1  }
0x272: {  	[tilespmem:s6], [sflag:$0x7] =	stream.strided.gather @!p0 [hbm4b:s1+s4], $0x1000, s18, s4, $0x38;
	[tilespmem:$0x16500] =	vst v63  }
0x273: {  	s30 =	simm.s32 $0x8;
	s0 =	sadd.s32 @!p0 s3, s0;
	s1 =	simm.s32 @!p0 $0xE500  }
0x274: {  	[tilespmem:s1], [sflag:$0xF] =	stream.strided.gather @!p0 [hbm4b:s0+s4], $0x1000, s18, s4, $0x38;
	[tilespmem:$0x16500] =	vst v63  }
0x275: {  	s31 =	sand.u32 $0x7F, s19;
	s19 =	simm.s32 @!p2 $0xF4200;
	_ =	swait.ge [sflag:s30], $0x1000  }
0x276: {  	v6 =	vor.u32 s31, v0;
	s6 =	sadd.s32 $0xFFF0BE00, s19;
	s4 =	simm.s32 $0x8;
	[sflag:s30] =	ssyncset.done $0x0  }
0x277: {  	s11 =	simm.s32 $0x10;
	v7 =	vadd.s32 s6, v0;
	[sflag:s4] =	ssyncadd.s32 $0xFFFFF000  }
0x278: {  	v55 =	vor.u32 s31, v1;
	p6 =	sgt.s32 s17, $0xF41FF;
	p3 =	sgt.s32 s17, $0xF4200;
	_ =	swait.ge [sflag:s11], $0x1000  }
0x279: {  	v56 =	vadd.s32 s6, v1;
	s18 =	sand.u32 $0x7F, s17;
	s17 =	simm.s32 @!p3 $0xF4200;
	[sflag:s11] =	ssyncset.done $0x0  }
0x27a: {  	s19 =	sadd.s32 $0xFFF0BE00, s17;
	v57 =	vor.u32 s18, v0;
	s30 =	simm.s32 $0x7500;
	[sflag:s11] =	ssyncadd.s32 $0xFFFFF000  }
0x27b: {  	v58 =	vadd.s32 s19, v0;
	v6 =	vld.idx.msk [tilespmem:v6+s30+$0x0], $0xffff  }
0x27c: {  	v59 =	vor.u32 s18, v1;
	v7 =	vld.idx.msk [tilespmem:v7+s14+$0x0], $0xffff  }
0x27d: {  	v60 =	vadd.s32 s19, v1;
	v8 =	vld.idx.msk [tilespmem:v55+s30+$0x0], $0xffff  }
0x27e: {  	s31 =	simm.s32 $0xF500;
	v9 =	vld.idx.msk [tilespmem:v56+s14+$0x0], $0xffff  }
0x27f: {  	v10 =	vld.idx.msk [tilespmem:v57+s31+$0x0], $0xffff  }
0x280: {  	v61 =	vmov s28;
	v11 =	vld.idx.msk [tilespmem:v58+s15+$0x0], $0xffff  }
0x281: {  	v62 =	vshll.u32 v61, $0x3;
	v12 =	vld.idx.msk [tilespmem:v59+s31+$0x0], $0xffff  }
0x282: {  	v15 =	vand.u32 $0xC00, v62;
	v14 =	vand.u32 $0x7F, v61;
	v13 =	vld.idx.msk [tilespmem:v60+s15+$0x0], $0xffff  }
0x283: {  	v14 =	vor.u32 v14, v15  }
0x284: {  	v15 =	vor.u32 v2, v14  }
0x285: {  	v14 =	vor.u32 v3, v14  }
.Ltmp2:
0x286: {  	s22 =	simm.s32 $0x1500;
	s29 =	simm.s32 $0x9500;
	v6 =	vpsel p5, v7, v6;
	v7 =	vpsel p6, v11, v10;
	(pc) =	sbr.rel @p0 .LBB2_4-.Ltmp2, $4  }
0x287: {  	s2 =	simm.s32 $0xA500;
	s21 =	simm.s32 $0x2500;
	s20 =	simm.s32 $0x3500;
	v8 =	vpsel p5, v9, v8;
	v63 =	vpsel p6, v13, v12;
	v6 =	vmul.f32 v7, v6  }
0x288: {  	s24 =	simm.s32 $0xB500;
	s8 =	simm.s32 $0x4500;
	s9 =	simm.s32 $0xC500;
	v7 =	vmul.f32 v63, v8  }
0x289: {  	s12 =	simm.s32 $0xD500;
	s7 =	simm.s32 $0x5500;
	s10 =	simm.s32 $0x6500;
	[tilespmem:v15+s5+$0x0] =	vst.idx.msk $0xffff, v6  }
0x28a: {  	s16 =	simm.s32 $0xE500;
	s6 =	simm.s32 $0x7500;
	s17 =	simm.s32 $0xF500;
	[tilespmem:v14+s5+$0x0] =	vst.idx.msk $0xffff, v7  }
0x28b: {  	(v2sf) =	vpush v5, $0x7  }
0x28c: {  	(v2sf) =	vpush v4, $0x7;
	_ =	sdelay $0xd  }
0x28d: {  	s0 =	spop (v2sf)  }
0x28e: {  	s1 =	spop (v2sf)  }
0x28f: {  	s1 =	sshra.s32 s1, $0x7  }
0x290: {  	s0 =	sshra.s32 s0, $0x7;
	p0 =	slt.s32 s1, $0x1E83  }
0x291: {  	s1 =	simm.s32 @!p0 $0x1E83;
	p0 =	slt.s32 s0, $0x1E83  }
0x292: {  	s1 =	sshll.u32 s1, $0x7;
	s0 =	simm.s32 @!p0 $0x1E83  }
0x293: {  	s30 =	rddreg [dreg:$0xe];
	s1 =	sand.u32 $0x1FFFFF80, s1;
	s0 =	sshll.u32 s0, $0x7  }
.Ltmp3:
0x294: {  	s1 =	sadd.s32 s23, s1;
	s0 =	sand.u32 $0x1FFFFF80, s0;
	(pc) =	sbr.rel .LBB2_2-.Ltmp3, $4  }
0x295: {  	[tilespmem:s6], [sflag:$0x8] =	stream.strided.gather [hbm4b:s1+s25], $0x1000, s13, s25, $0x38;
	[tilespmem:$0x16500] =	vst v63  }
0x296: {  	s31 =	rddreg [dreg:$0xd];
	s0 =	sadd.s32 s3, s0  }
0x297: {  	[tilespmem:s17], [sflag:$0x10] =	stream.strided.gather [hbm4b:s0+s25], $0x1000, s13, s25, $0x38;
	[tilespmem:$0x16500] =	vst v63  }
0x298: {  	s28 =	sadd.s32 $0x10, s28;
	s1 =	sadd.s32 $0x10, s30;
	s0 =	sadd.s32 $0x10, s31  }
.LBB2_5:
0x299: {  	_ =	sfence.sel $0x180000  }
0x29a: {  	[bflag:$0x0] =	sbarrier.arrive $0xFFFF  }
0x29b: {  	_ =	strace $0x90000047  }
0x29c: {  	s0 =	stileid.u32;
	[bflag:$0x2] =	sbarrier.arrive $0xFFFF  }
0x29d: {  	p0 =	sne.s32 s0, $0x0;
	s0 =	rddreg [dreg:$0x5]  }
0x29e: {  	s0 =	sadd.s32 @!p0 $0x100000, s0  }
0x29f: {  	[sflag:s0] =	ssyncadd.tile.s32 @!p0 $0x1;
	_ =	shalt  }
.Lfunc_end2:
_tile_overlayer_lowered:
.L_overlay_start_2:
0x2a0: {  	(tag) =	ssettag $0x2  }
0x2a1: {  	s0 =	rddreg [dreg:$0x0];
	s2 =	stileid.u32  }
0x2a2: {  	s1 =	rddreg [dreg:$0x1];
	p0 =	sne.s32 s2, $0x0  }
0x2a3: {  	s3 =	rddreg [dreg:$0x2];
	[bflag:$0x3] =	sbarrier.arrive $0xFFFF;
	s2 =	simm.s32 @!p0 $0x1C12  }
0x2a4: {  	[timem:s3], [sflag:s2] =	dma.local @!p0 [hbm:s0], s1  }
0x2a5: {  	s0 =	simm.s32 @!p0 $0x12  }
0x2a6: {  	_ =	swait.ge @!p0 [sflag:s0], s1  }
0x2a7: {  	s1 =	ssub.s32 @!p0 $0x0, s1;
	[sflag:s0] =	ssyncset.done @!p0 $0x0  }
0x2a8: {  	[sflag:s0] =	ssyncadd.s32 @!p0 s1  }
0x2a9: {  	[bflag:$0x3] =	sbarrier.arrive $0xFFFF  }
0x2aa: {  	_ =	shalt  }

</sc_bundles>
